<compile_context>
chip_gen: v7x
topology: tpu7x:2x2x1
jax: 0.10.2.dev20260603
libtpu: 0.0.44.dev20260713+nightly
codegen_flags: <defaults>
</compile_context>

<pallas_src>
import functools

import numpy as np
import jax
import jax.numpy as jnp
from jax import lax
from jax.experimental import pallas as pl
from jax.experimental.pallas import tpu as pltpu
from jax.experimental.pallas import tpu_sc as plsc

_N = 10000
_NP = 10240
_E = 320000
_H = 8
_DH = 8
_HID = 64
_C = 128
_NW = 32
_CHW = 79
_CH0 = 120
_EPAD = _NW * _CHW * _C
_NCH = _NW * _CHW
_BLK = 1024
_GRID = _NP // _BLK

_P_NP = np.zeros((_HID, _HID), np.float32)
for _h in range(_H):
    for _d in range(_DH):
        _P_NP[_h * _DH + _d, _d * _H + _h] = 1.0


def _att_cols(a):
    return (a[:, :, None] * jnp.eye(_H, dtype=jnp.float32)[:, None, :]).reshape(
        _HID, _H)


def _layer_mats(W_eff, b, a_src_sp, a_dst_sp, a_src_si, a_dst_si):
    P = jnp.asarray(_P_NP)
    cols = []
    for a_s, a_d in ((a_src_sp, a_dst_sp), (a_src_si, a_dst_si)):
        As, Ad = _att_cols(a_s), _att_cols(a_d)
        cols.append(jnp.concatenate([P, As, As], axis=1))
        cols.append(jnp.concatenate([Ad, Ad], axis=1))
    cols = jnp.concatenate([cols[0], cols[1], cols[2], cols[3]], axis=1)
    return W_eff @ cols, (b @ cols).reshape(1, 192)


def _pack_edges(ei):
    src = jnp.concatenate(
        [ei[0], jnp.zeros((_EPAD - _E,), jnp.int32)])
    dst = jnp.concatenate(
        [ei[1], jnp.full((_EPAD - _E,), _N, jnp.int32)])
    return jnp.stack([src.reshape(_NCH, _C), dst.reshape(_NCH, _C)], axis=1)



def _tables_body(x_ref, m_ref, b_ref, xa_sp, ad_sp, xa_si, ad_si):
    r = jnp.dot(x_ref[...], m_ref[...],
                preferred_element_type=jnp.float32) + b_ref[...]
    xa_sp[...] = r[:, 0:80]
    ad_sp[...] = r[:, 80:96]
    xa_si[...] = r[:, 96:176]
    ad_si[...] = r[:, 176:192]


def _combine_tables_body(osp_ref, osi_ref, at_ref, m_ref, b_ref,
                         xa_sp, ad_sp, xa_si, ad_si):
    a = at_ref[...]
    h = jnp.maximum(a[0:1, 0:1] * osp_ref[...] + a[0:1, 1:2] * osi_ref[...],
                    0.0)
    r = jnp.dot(h, m_ref[...], preferred_element_type=jnp.float32) + b_ref[...]
    xa_sp[...] = r[:, 0:80]
    ad_sp[...] = r[:, 80:96]
    xa_si[...] = r[:, 96:176]
    ad_si[...] = r[:, 176:192]


def _final_body(osp_ref, osi_ref, at_ref, m_ref, b_ref, out_ref):
    a = at_ref[...]
    h = jnp.maximum(a[0:1, 0:1] * osp_ref[...] + a[0:1, 1:2] * osi_ref[...],
                    0.0)
    out_ref[...] = jnp.dot(h, m_ref[...],
                           preferred_element_type=jnp.float32) + b_ref[...]


def _table_specs():
    return [
        pl.BlockSpec((_BLK, 80), lambda i: (i, 0)),
        pl.BlockSpec((_BLK, 16), lambda i: (i, 0)),
        pl.BlockSpec((_BLK, 80), lambda i: (i, 0)),
        pl.BlockSpec((_BLK, 16), lambda i: (i, 0)),
    ]


def _table_shapes():
    return [
        jax.ShapeDtypeStruct((_NP, 80), jnp.float32),
        jax.ShapeDtypeStruct((_NP, 16), jnp.float32),
        jax.ShapeDtypeStruct((_NP, 80), jnp.float32),
        jax.ShapeDtypeStruct((_NP, 16), jnp.float32),
    ]


def _tables_from_x(xp, M, brow):
    din = xp.shape[1]
    return pl.pallas_call(
        _tables_body,
        grid=(_GRID,),
        in_specs=[
            pl.BlockSpec((_BLK, din), lambda i: (i, 0)),
            pl.BlockSpec((din, 192), lambda i: (0, 0)),
            pl.BlockSpec((1, 192), lambda i: (0, 0)),
        ],
        out_specs=_table_specs(),
        out_shape=_table_shapes(),
    )(xp, M, brow)


def _tables_from_combine(o_sp, o_si, attn, M, brow):
    return pl.pallas_call(
        _combine_tables_body,
        grid=(_GRID,),
        in_specs=[
            pl.BlockSpec((_BLK, _HID), lambda i: (i, 0)),
            pl.BlockSpec((_BLK, _HID), lambda i: (i, 0)),
            pl.BlockSpec((1, 2), lambda i: (0, 0)),
            pl.BlockSpec((_HID, 192), lambda i: (0, 0)),
            pl.BlockSpec((1, 192), lambda i: (0, 0)),
        ],
        out_specs=_table_specs(),
        out_shape=_table_shapes(),
    )(o_sp, o_si, attn, M, brow)


def _final_linear(o_sp, o_si, attn, M, brow):
    nout = M.shape[1]
    return pl.pallas_call(
        _final_body,
        grid=(_GRID,),
        in_specs=[
            pl.BlockSpec((_BLK, _HID), lambda i: (i, 0)),
            pl.BlockSpec((_BLK, _HID), lambda i: (i, 0)),
            pl.BlockSpec((1, 2), lambda i: (0, 0)),
            pl.BlockSpec((_HID, nout), lambda i: (0, 0)),
            pl.BlockSpec((1, nout), lambda i: (0, 0)),
        ],
        out_specs=pl.BlockSpec((_BLK, nout), lambda i: (i, 0)),
        out_shape=jax.ShapeDtypeStruct((_NP, nout), jnp.float32),
    )(o_sp, o_si, attn, M, brow)


def _epilogue_body(acc_ref, kw_ref, kb_ref, q_ref,
                   osp_ref, osi_ref, attn_ref, ssum_ref):
    i = pl.program_id(0)
    nb = pl.num_programs(0)
    rid = lax.broadcasted_iota(jnp.int32, (_BLK, 1), 0) + i * _BLK
    mask = (rid < _N).astype(jnp.float32)
    for t in range(2):
        num = acc_ref[0, t, :, 0:64] + acc_ref[1, t, :, 0:64]
        den = acc_ref[0, t, :, 64:72] + acc_ref[1, t, :, 64:72]
        denb = jnp.tile(den, (1, _DH))
        o = jnp.maximum(num / (denb + 1e-16), 0.0)
        if t == 0:
            osp_ref[...] = o
        else:
            osi_ref[...] = o
        s = jnp.tanh(jnp.dot(o, kw_ref[...],
                             preferred_element_type=jnp.float32) + kb_ref[...])
        part = jnp.sum(s * mask, axis=0, keepdims=True)

        @pl.when(i == 0)
        def _():
            ssum_ref[pl.ds(t, 1), :] = part

        @pl.when(i > 0)
        def _():
            ssum_ref[pl.ds(t, 1), :] = ssum_ref[pl.ds(t, 1), :] + part

    @pl.when(i == nb - 1)
    def _():
        sv = jnp.sum(ssum_ref[...] * q_ref[...], axis=1) / _N
        e = jnp.exp(sv - jnp.max(sv))
        attn_ref[...] = (e / jnp.sum(e)).reshape(1, 2)


def _epilogue(acc, kWd, kb, q):
    return pl.pallas_call(
        _epilogue_body,
        grid=(_GRID,),
        in_specs=[
            pl.BlockSpec((2, 2, _BLK, 80), lambda i: (0, 0, i, 0)),
            pl.BlockSpec((_HID, _HID), lambda i: (0, 0)),
            pl.BlockSpec((1, _HID), lambda i: (0, 0)),
            pl.BlockSpec((1, _HID), lambda i: (0, 0)),
        ],
        out_specs=[
            pl.BlockSpec((_BLK, _HID), lambda i: (i, 0)),
            pl.BlockSpec((_BLK, _HID), lambda i: (i, 0)),
            pl.BlockSpec((1, 2), lambda i: (0, 0)),
        ],
        out_shape=[
            jax.ShapeDtypeStruct((_NP, _HID), jnp.float32),
            jax.ShapeDtypeStruct((_NP, _HID), jnp.float32),
            jax.ShapeDtypeStruct((1, 2), jnp.float32),
        ],
        scratch_shapes=[pltpu.VMEM((2, _HID), jnp.float32)],
    )(acc, kWd, kb, q)



def _sc_edge_body(xa_sp, ad_sp, xa_si, ad_si, eip_sp, eip_si, out,
                  acc_sp, acc_si, idx, rs, rd, sem_i, sem_g, sem_s):
    c = lax.axis_index("c")
    s = lax.axis_index("s")
    w = s * 2 + c
    rows_per_sub = _NP // 16

    @pl.loop(0, _C)
    def _(e):
        for k in range(5):
            rs[0, e, pl.ds(16 * k, 16)] = jnp.zeros((16,), jnp.float32)

    @pl.loop(0, rows_per_sub // _C)
    def _(j):
        base = s * rows_per_sub + j * _C
        pltpu.sync_copy(rs.at[0], acc_sp.at[pl.ds(base, _C)])
        pltpu.sync_copy(rs.at[0], acc_si.at[pl.ds(base, _C)])

    plsc.subcore_barrier()

    for t in range(2):
        xa = xa_sp if t == 0 else xa_si
        ad = ad_sp if t == 0 else ad_si
        eip = eip_sp if t == 0 else eip_si
        acc = acc_sp if t == 0 else acc_si
        n_c = jnp.where(c == 0, _CH0, 2 * _CHW - _CH0)
        base = s * (2 * _CHW) + jnp.where(c == 0, 0, _CH0)

        def start_idx(j):
            pltpu.async_copy(eip.at[base + j], idx.at[j % 3], sem_i)

        def wait_idx(j):
            pltpu.make_async_copy(eip.at[base + j], idx.at[j % 3],
                                  sem_i).wait()

        def start_g(j):
            b, i3 = j & 1, j % 3
            pltpu.async_copy(xa.at[idx.at[i3, 0]], rs.at[b], sem_g)
            pltpu.async_copy(ad.at[idx.at[i3, 1]], rd.at[b], sem_g)

        def wait_g(j):
            b, i3 = j & 1, j % 3
            pltpu.make_async_copy(xa.at[idx.at[i3, 0]], rs.at[b],
                                  sem_g).wait()
            pltpu.make_async_copy(ad.at[idx.at[i3, 1]], rd.at[b],
                                  sem_g).wait()

        def start_s(j):
            b = j & 1
            pltpu.async_copy(rs.at[b], acc.at[idx.at[j % 3, 1]], sem_s,
                             add=True)

        def wait_s(j):
            b = j & 1
            pltpu.make_async_copy(rs.at[b], acc.at[idx.at[j % 3, 1]],
                                  sem_s).wait()

        start_idx(0)
        wait_idx(0)
        start_g(0)
        start_idx(1)

        @pl.loop(0, n_c)
        def _(j):
            b = j & 1
            wait_g(j)

            @pl.when(j >= 1)
            def _():
                wait_s(j - 1)

            @pl.when(j + 1 < n_c)
            def _():
                wait_idx(j + 1)
                start_g(j + 1)

            @pl.when(j + 2 < n_c)
            def _():
                start_idx(j + 2)

            @plsc.parallel_loop(0, _C, 1, unroll=4)
            def _(e):
                z = rs[b, e, pl.ds(64, 16)] + rd[b, e, :]
                ae = jnp.exp(jnp.maximum(z, z * 0.2))
                rs[b, e, pl.ds(64, 16)] = ae
                for k in range(4):
                    rs[b, e, pl.ds(16 * k, 16)] = (
                        rs[b, e, pl.ds(16 * k, 16)] * ae)

            start_s(j)

        wait_s(n_c - 1)

    plsc.subcore_barrier()

    base = s * rows_per_sub
    pltpu.sync_copy(acc_sp.at[pl.ds(base, rows_per_sub)],
                    out.at[c, 0, pl.ds(base, rows_per_sub)])
    pltpu.sync_copy(acc_si.at[pl.ds(base, rows_per_sub)],
                    out.at[c, 1, pl.ds(base, rows_per_sub)])


@functools.lru_cache(maxsize=None)
def _sc_kernel():
    return pl.kernel(
        _sc_edge_body,
        mesh=plsc.VectorSubcoreMesh(core_axis_name="c", subcore_axis_name="s"),
        compiler_params=pltpu.CompilerParams(use_tc_tiling_on_sc=False),
        out_type=jax.ShapeDtypeStruct((2, 2, _NP, 80), jnp.float32),
        scratch_types=[
            pltpu.VMEM_SHARED((_NP, 80), jnp.float32),
            pltpu.VMEM_SHARED((_NP, 80), jnp.float32),
            pltpu.VMEM((3, 2, _C), jnp.int32),
            pltpu.VMEM((2, _C, 80), jnp.float32),
            pltpu.VMEM((2, _C, 16), jnp.float32),
            pltpu.SemaphoreType.DMA,
            pltpu.SemaphoreType.DMA,
            pltpu.SemaphoreType.DMA,
        ],
    )


def _sc_edge_pass(*args):
    return _sc_kernel()(*args)



def _layer(tables, eip_sp, eip_si, kWd, kb, q):
    xa_sp, ad_sp, xa_si, ad_si = tables
    acc = _sc_edge_pass(xa_sp, ad_sp, xa_si, ad_si, eip_sp, eip_si)
    return _epilogue(acc, kWd, kb.reshape(1, _HID), q.reshape(1, _HID))


def kernel(x, ei_spatial, ei_similar, proj_W1, proj_b1, a_src_sp1, a_dst_sp1,
           a_src_si1, a_dst_si1, k_W1, k_b1, q1, proj_W2, proj_b2, a_src_sp2,
           a_dst_sp2, a_src_si2, a_dst_si2, k_W2, k_b2, q2, lin_W, lin_b):
    P = jnp.asarray(_P_NP)
    M1, b1row = _layer_mats(proj_W1, proj_b1,
                            a_src_sp1, a_dst_sp1, a_src_si1, a_dst_si1)
    M2, b2row = _layer_mats(P.T @ proj_W2, proj_b2,
                            a_src_sp2, a_dst_sp2, a_src_si2, a_dst_si2)
    kWd1, kWd2 = P.T @ k_W1, P.T @ k_W2
    linWd = P.T @ lin_W

    eip_sp = _pack_edges(ei_spatial)
    eip_si = _pack_edges(ei_similar)
    xp = jnp.pad(x, ((0, _NP - _N), (0, 0)))

    tables1 = _tables_from_x(xp, M1, b1row)
    o_sp1, o_si1, attn1 = _layer(tables1, eip_sp, eip_si, kWd1, k_b1, q1)

    tables2 = _tables_from_combine(o_sp1, o_si1, attn1, M2, b2row)
    o_sp2, o_si2, attn2 = _layer(tables2, eip_sp, eip_si, kWd2, k_b2, q2)

    out = _final_linear(o_sp2, o_si2, attn2, linWd, lin_b.reshape(1, -1))
    return out[:_N]

# --- scband reference (transcript-rebuilt; emitter-appended) ---
"""Pipeline reference for scband-han-60026462929256 (READ-ONLY COPY).

The authoritative reference and input builder live on the scoring server;
editing this copy changes nothing except your own understanding.
"""

import jax, jax.numpy as jnp
import numpy as np

N = 10000
E = 320000
D_IN = 128
HID = 64
HEADS = 8
DH = HID // HEADS
OUT = 16


def setup_inputs(seed: int = 0) -> dict:
    key = jax.random.key(seed)
    ks = jax.random.split(key, 32)
    def nrm(k, shape, scale=0.1):
        return jax.random.normal(k, shape, dtype=jnp.float32) * scale
    inp = {}
    inp["x"] = jax.random.normal(ks[0], (N, D_IN), dtype=jnp.float32)
    inp["ei_spatial"] = jax.random.randint(ks[1], (2, E), 0, N, dtype=jnp.int32)
    inp["ei_similar"] = jax.random.randint(ks[2], (2, E), 0, N, dtype=jnp.int32)
    # HANConv layer 1 params
    inp["proj_W1"] = nrm(ks[3], (D_IN, HID))
    inp["proj_b1"] = jnp.zeros((HID,), dtype=jnp.float32)
    inp["a_src_sp1"] = nrm(ks[4], (HEADS, DH))
    inp["a_dst_sp1"] = nrm(ks[5], (HEADS, DH))
    inp["a_src_si1"] = nrm(ks[6], (HEADS, DH))
    inp["a_dst_si1"] = nrm(ks[7], (HEADS, DH))
    inp["k_W1"] = nrm(ks[8], (HID, HID))
    inp["k_b1"] = jnp.zeros((HID,), dtype=jnp.float32)
    inp["q1"] = nrm(ks[9], (HID,))
    # HANConv layer 2 params
    inp["proj_W2"] = nrm(ks[10], (HID, HID))
    inp["proj_b2"] = jnp.zeros((HID,), dtype=jnp.float32)
    inp["a_src_sp2"] = nrm(ks[11], (HEADS, DH))
    inp["a_dst_sp2"] = nrm(ks[12], (HEADS, DH))
    inp["a_src_si2"] = nrm(ks[13], (HEADS, DH))
    inp["a_dst_si2"] = nrm(ks[14], (HEADS, DH))
    inp["k_W2"] = nrm(ks[15], (HID, HID))
    inp["k_b2"] = jnp.zeros((HID,), dtype=jnp.float32)
    inp["q2"] = nrm(ks[16], (HID,))
    # final linear
    inp["lin_W"] = nrm(ks[17], (HID, OUT))
    inp["lin_b"] = jnp.zeros((OUT,), dtype=jnp.float32)
    return inp


def _han_conv(x_in, eis, proj_W, proj_b, atts, k_W, k_b, q):
    # node-type projection (single node type 'cell')
    x = (x_in @ proj_W + proj_b).reshape(-1, HEADS, DH)
    outs = []
    for ei, (a_s, a_d) in zip(eis, atts):
        src, dst = ei[0], ei[1]
        alpha_src = (x * a_s).sum(-1)  # [N, H]
        alpha_dst = (x * a_d).sum(-1)  # [N, H]
        alpha = jax.nn.leaky_relu(alpha_src[src] + alpha_dst[dst], 0.2)  # [E, H]
        # softmax over incoming edges per destination node (dropout is identity in eval)
        amax = jax.ops.segment_max(alpha, dst, num_segments=N)
        ae = jnp.exp(alpha - amax[dst])
        den = jax.ops.segment_sum(ae, dst, num_segments=N)
        w = ae / (den[dst] + 1e-16)
        o = jax.ops.segment_sum(w[:, :, None] * x[src], dst, num_segments=N)
        outs.append(jax.nn.relu(o.reshape(-1, HID)))
    outs = jnp.stack(outs)  # [n_edge_types, N, HID]
    # semantic-level attention (PyG HANConv 'group')
    score = (jnp.tanh(outs @ k_W + k_b).mean(axis=1) * q).sum(-1)  # [n_edge_types]
    attn = jax.nn.softmax(score)
    return (attn[:, None, None] * outs).sum(0)


def reference(x, ei_spatial, ei_similar, proj_W1, proj_b1, a_src_sp1, a_dst_sp1, a_src_si1, a_dst_si1, k_W1, k_b1, q1, proj_W2, proj_b2, a_src_sp2, a_dst_sp2, a_src_si2, a_dst_si2, k_W2, k_b2, q2, lin_W, lin_b):
    eis = [ei_spatial, ei_similar]
    h = _han_conv(x, eis, proj_W1, proj_b1, [(a_src_sp1, a_dst_sp1), (a_src_si1, a_dst_si1)], k_W1, k_b1, q1)
    h = jax.nn.relu(h)
    h = _han_conv(h, eis, proj_W2, proj_b2, [(a_src_sp2, a_dst_sp2), (a_src_si2, a_dst_si2)], k_W2, k_b2, q2)
    h = jax.nn.relu(h)
    return h @ lin_W + lin_b

if __name__ == "__main__":
    import jax
    _d = setup_inputs()
    print(jax.jit(kernel)(*tuple(_d.values())))

</pallas_src>

<mosaic_0001>
#map = affine_map<(d0, d1) -> (0, 0)>
#map1 = affine_map<(d0, d1) -> (0, 0, 0)>
#map2 = affine_map<(d0, d1) -> (0, 0, 0, 0)>
module attributes {stable_mosaic.version = 14 : i64} {
  func.func @_sc_edge_body(%arg0: i32, %arg1: i32, %arg2: memref<10240x80xf32, #tpu.memory_space<hbm>>, %arg3: memref<10240x16xf32, #tpu.memory_space<hbm>>, %arg4: memref<10240x80xf32, #tpu.memory_space<hbm>>, %arg5: memref<10240x16xf32, #tpu.memory_space<hbm>>, %arg6: memref<2528x2x128xi32, #tpu.memory_space<hbm>>, %arg7: memref<2528x2x128xi32, #tpu.memory_space<hbm>>, %arg8: memref<2x2x10240x80xf32, #tpu.memory_space<hbm>>, %arg9: memref<10240x80xf32, #tpu.memory_space<vmem_shared>>, %arg10: memref<10240x80xf32, #tpu.memory_space<vmem_shared>>, %arg11: memref<3x2x128xi32, #tpu.memory_space<vmem>>, %arg12: memref<2x128x80xf32, #tpu.memory_space<vmem>>, %arg13: memref<2x128x16xf32, #tpu.memory_space<vmem>>, %arg14: memref<!tpu.dma_semaphore, #tpu.memory_space<semaphore_mem>>, %arg15: memref<!tpu.dma_semaphore, #tpu.memory_space<semaphore_mem>>, %arg16: memref<!tpu.dma_semaphore, #tpu.memory_space<semaphore_mem>>) attributes {dimension_semantics = [#tpu.dimension_semantics<core_parallel>, #tpu.dimension_semantics<subcore_parallel>], iteration_bounds = array<i64: 2, 16>, scalar_prefetch = 0 : i64, scratch_operands = 8 : i64, tpu.core_type = #tpu.core_type<sc_vector_subcore>, window_params = [{transform_indices = #map}, {transform_indices = #map}, {transform_indices = #map}, {transform_indices = #map}, {transform_indices = #map1}, {transform_indices = #map1}, {transform_indices = #map2}]} {
    %mul3A = arith.constant 2 : i32
    %mul3A_0 = arith.muli %arg1, %mul3A : i32
    %add3A = arith.addi %mul3A_0, %arg0 : i32
    %scan3A = arith.constant 0 : i32
    %scan3A_1 = arith.constant 128 : i32
    %scan3A_2 = arith.addi %scan3A, %scan3A_1 : i32
    %scan3A_3 = arith.constant 1 : i32
    scf.for %scan3A_294 = %scan3A to %scan3A_2 step %scan3A_3  : i32 {
      %mul3A_295 = arith.constant 1 : i32
      %mul3A_296 = arith.muli %scan3A_294, %mul3A_295 : i32
      %add3A_297 = arith.constant 0 : i32
      %add3A_298 = arith.addi %add3A_297, %mul3A_296 : i32
      %broadcast_in_dim3A = arith.constant 0.000000e+00 : f32
      %broadcast_in_dim3A_299 = vector.broadcast %broadcast_in_dim3A : f32 to vector<16xf32>
      %swap3A = arith.constant 0 : i32
      %swap3A_300 = arith.index_cast %swap3A : i32 to index
      %swap3A_301 = arith.index_cast %add3A_298 : i32 to index
      %swap3A_302 = arith.constant 0 : index
      %swap3A_303 = tpu.vector_load %arg12[%swap3A_300, %swap3A_301, %swap3A_302] {strides = array<i32>} : memref<2x128x80xf32, #tpu.memory_space<vmem>>, vector<1x1x16xf32>,
      %swap3A_304 = vector.shape_cast %swap3A_303 : vector<1x1x16xf32> to vector<16xf32>
      %swap3A_305 = vector.shape_cast %broadcast_in_dim3A_299 : vector<16xf32> to vector<1x1x16xf32>
      tpu.vector_store %arg12[%swap3A_300, %swap3A_301, %swap3A_302], %swap3A_305 {strides = array<i32>} : memref<2x128x80xf32, #tpu.memory_space<vmem>>, vector<1x1x16xf32>,
      %broadcast_in_dim3A_306 = arith.constant 0.000000e+00 : f32
      %broadcast_in_dim3A_307 = vector.broadcast %broadcast_in_dim3A_306 : f32 to vector<16xf32>
      %swap3A_308 = arith.constant 0 : i32
      %swap3A_309 = arith.index_cast %swap3A_308 : i32 to index
      %swap3A_310 = arith.index_cast %add3A_298 : i32 to index
      %swap3A_311 = arith.constant 16 : index
      %swap3A_312 = tpu.vector_load %arg12[%swap3A_309, %swap3A_310, %swap3A_311] {strides = array<i32>} : memref<2x128x80xf32, #tpu.memory_space<vmem>>, vector<1x1x16xf32>,
      %swap3A_313 = vector.shape_cast %swap3A_312 : vector<1x1x16xf32> to vector<16xf32>
      %swap3A_314 = vector.shape_cast %broadcast_in_dim3A_307 : vector<16xf32> to vector<1x1x16xf32>
      tpu.vector_store %arg12[%swap3A_309, %swap3A_310, %swap3A_311], %swap3A_314 {strides = array<i32>} : memref<2x128x80xf32, #tpu.memory_space<vmem>>, vector<1x1x16xf32>,
      %broadcast_in_dim3A_315 = arith.constant 0.000000e+00 : f32
      %broadcast_in_dim3A_316 = vector.broadcast %broadcast_in_dim3A_315 : f32 to vector<16xf32>
      %swap3A_317 = arith.constant 0 : i32
      %swap3A_318 = arith.index_cast %swap3A_317 : i32 to index
      %swap3A_319 = arith.index_cast %add3A_298 : i32 to index
      %swap3A_320 = arith.constant 32 : index
      %swap3A_321 = tpu.vector_load %arg12[%swap3A_318, %swap3A_319, %swap3A_320] {strides = array<i32>} : memref<2x128x80xf32, #tpu.memory_space<vmem>>, vector<1x1x16xf32>,
      %swap3A_322 = vector.shape_cast %swap3A_321 : vector<1x1x16xf32> to vector<16xf32>
      %swap3A_323 = vector.shape_cast %broadcast_in_dim3A_316 : vector<16xf32> to vector<1x1x16xf32>
      tpu.vector_store %arg12[%swap3A_318, %swap3A_319, %swap3A_320], %swap3A_323 {strides = array<i32>} : memref<2x128x80xf32, #tpu.memory_space<vmem>>, vector<1x1x16xf32>,
      %broadcast_in_dim3A_324 = arith.constant 0.000000e+00 : f32
      %broadcast_in_dim3A_325 = vector.broadcast %broadcast_in_dim3A_324 : f32 to vector<16xf32>
      %swap3A_326 = arith.constant 0 : i32
      %swap3A_327 = arith.index_cast %swap3A_326 : i32 to index
      %swap3A_328 = arith.index_cast %add3A_298 : i32 to index
      %swap3A_329 = arith.constant 48 : index
      %swap3A_330 = tpu.vector_load %arg12[%swap3A_327, %swap3A_328, %swap3A_329] {strides = array<i32>} : memref<2x128x80xf32, #tpu.memory_space<vmem>>, vector<1x1x16xf32>,
      %swap3A_331 = vector.shape_cast %swap3A_330 : vector<1x1x16xf32> to vector<16xf32>
      %swap3A_332 = vector.shape_cast %broadcast_in_dim3A_325 : vector<16xf32> to vector<1x1x16xf32>
      tpu.vector_store %arg12[%swap3A_327, %swap3A_328, %swap3A_329], %swap3A_332 {strides = array<i32>} : memref<2x128x80xf32, #tpu.memory_space<vmem>>, vector<1x1x16xf32>,
      %broadcast_in_dim3A_333 = arith.constant 0.000000e+00 : f32
      %broadcast_in_dim3A_334 = vector.broadcast %broadcast_in_dim3A_333 : f32 to vector<16xf32>
      %swap3A_335 = arith.constant 0 : i32
      %swap3A_336 = arith.index_cast %swap3A_335 : i32 to index
      %swap3A_337 = arith.index_cast %add3A_298 : i32 to index
      %swap3A_338 = arith.constant 64 : index
      %swap3A_339 = tpu.vector_load %arg12[%swap3A_336, %swap3A_337, %swap3A_338] {strides = array<i32>} : memref<2x128x80xf32, #tpu.memory_space<vmem>>, vector<1x1x16xf32>,
      %swap3A_340 = vector.shape_cast %swap3A_339 : vector<1x1x16xf32> to vector<16xf32>
      %swap3A_341 = vector.shape_cast %broadcast_in_dim3A_334 : vector<16xf32> to vector<1x1x16xf32>
      tpu.vector_store %arg12[%swap3A_336, %swap3A_337, %swap3A_338], %swap3A_341 {strides = array<i32>} : memref<2x128x80xf32, #tpu.memory_space<vmem>>, vector<1x1x16xf32>,
    }
    %scan3A_4 = arith.constant 128 : i32
    %scan3A_5 = arith.constant 0 : i32
    %scan3A_6 = arith.constant 5 : i32
    %scan3A_7 = arith.addi %scan3A_5, %scan3A_6 : i32
    %scan3A_8 = arith.constant 1 : i32
    scf.for %scan3A_294 = %scan3A_5 to %scan3A_7 step %scan3A_8  : i32 {
      %mul3A_295 = arith.constant 1 : i32
      %mul3A_296 = arith.muli %scan3A_294, %mul3A_295 : i32
      %add3A_297 = arith.constant 0 : i32
      %add3A_298 = arith.addi %add3A_297, %mul3A_296 : i32
      %mul3A_299 = arith.constant 640 : i32
      %mul3A_300 = arith.muli %arg1, %mul3A_299 : i32
      %mul3A_301 = arith.constant 128 : i32
      %mul3A_302 = arith.muli %add3A_298, %mul3A_301 : i32
      %add3A_303 = arith.addi %mul3A_300, %mul3A_302 : i32
      %run_scoped3A_304 = arith.constant 0 : i32
      "tpu.region"() ({
        %run_scoped3A_306 = tpu.sem_alloc : memref<!tpu.dma_semaphore, #tpu.memory_space<semaphore_mem>>
        %dma_start3A_307 = arith.constant 0 : i32
        %dma_start3A_308 = arith.constant 0 : i32
        %dma_start3A_309 = tpu.memref_slice %arg12[%run_scoped3A_304, %dma_start3A_307, %dma_start3A_308] : memref<2x128x80xf32, #tpu.memory_space<vmem>> -> memref<1x128x80xf32, #tpu.memory_space<vmem>>
        %dma_start3A_310 = tpu.memref_squeeze %dma_start3A_309 : memref<1x128x80xf32, #tpu.memory_space<vmem>> -> memref<128x80xf32, #tpu.memory_space<vmem>>
        %dma_start3A_311 = arith.constant 0 : i32
        %dma_start3A_312 = tpu.memref_slice %arg9[%add3A_303, %dma_start3A_311] : memref<10240x80xf32, #tpu.memory_space<vmem_shared>> -> memref<128x80xf32, #tpu.memory_space<vmem_shared>>
        %dma_start3A_313 = arith.constant 0 : i32
        %dma_start3A_314 = tpu.memref_slice %arg9[%add3A_303, %dma_start3A_313] : memref<10240x80xf32, #tpu.memory_space<vmem_shared>> -> memref<128x80xf32, #tpu.memory_space<vmem_shared>>
        %dma_start3A_315 = arith.constant 0 : i32
        %dma_start3A_316 = arith.constant 0 : i32
        %dma_start3A_317 = tpu.memref_slice %arg12[%run_scoped3A_304, %dma_start3A_315, %dma_start3A_316] : memref<2x128x80xf32, #tpu.memory_space<vmem>> -> memref<1x128x80xf32, #tpu.memory_space<vmem>>
        %dma_start3A_318 = tpu.memref_squeeze %dma_start3A_317 : memref<1x128x80xf32, #tpu.memory_space<vmem>> -> memref<128x80xf32, #tpu.memory_space<vmem>>
        tpu.enqueue_dma source(%dma_start3A_318 : memref<128x80xf32, #tpu.memory_space<vmem>>) target(%dma_start3A_314 : memref<128x80xf32, #tpu.memory_space<vmem_shared>>) target_semaphore(%run_scoped3A_306 : memref<!tpu.dma_semaphore, #tpu.memory_space<semaphore_mem>>)
        %dma_wait3A_319 = arith.constant 0 : i32
        %dma_wait3A_320 = arith.constant 0 : i32
        %dma_wait3A_321 = tpu.memref_slice %arg12[%run_scoped3A_304, %dma_wait3A_319, %dma_wait3A_320] : memref<2x128x80xf32, #tpu.memory_space<vmem>> -> memref<1x128x80xf32, #tpu.memory_space<vmem>>
        %dma_wait3A_322 = tpu.memref_squeeze %dma_wait3A_321 : memref<1x128x80xf32, #tpu.memory_space<vmem>> -> memref<128x80xf32, #tpu.memory_space<vmem>>
        %dma_wait3A_323 = arith.constant 0 : i32
        %dma_wait3A_324 = tpu.memref_slice %arg9[%add3A_303, %dma_wait3A_323] : memref<10240x80xf32, #tpu.memory_space<vmem_shared>> -> memref<128x80xf32, #tpu.memory_space<vmem_shared>>
        %dma_wait3A_325 = arith.constant 0 : i32
        %dma_wait3A_326 = tpu.memref_slice %arg9[%add3A_303, %dma_wait3A_325] : memref<10240x80xf32, #tpu.memory_space<vmem_shared>> -> memref<128x80xf32, #tpu.memory_space<vmem_shared>>
        %dma_wait3A_327 = arith.constant 0 : i32
        %dma_wait3A_328 = arith.constant 0 : i32
        %dma_wait3A_329 = tpu.memref_slice %arg12[%run_scoped3A_304, %dma_wait3A_327, %dma_wait3A_328] : memref<2x128x80xf32, #tpu.memory_space<vmem>> -> memref<1x128x80xf32, #tpu.memory_space<vmem>>
        %dma_wait3A_330 = tpu.memref_squeeze %dma_wait3A_329 : memref<1x128x80xf32, #tpu.memory_space<vmem>> -> memref<128x80xf32, #tpu.memory_space<vmem>>
        tpu.wait_dma2 semaphore(%run_scoped3A_306 : memref<!tpu.dma_semaphore, #tpu.memory_space<semaphore_mem>>) src(%dma_wait3A_330 : memref<128x80xf32, #tpu.memory_space<vmem>>) dst(%dma_wait3A_326 : memref<128x80xf32, #tpu.memory_space<vmem_shared>>)
        tpu.yield
      }) : () -> ()
      %run_scoped3A_305 = arith.constant 0 : i32
      "tpu.region"() ({
        %run_scoped3A_306 = tpu.sem_alloc : memref<!tpu.dma_semaphore, #tpu.memory_space<semaphore_mem>>
        %dma_start3A_307 = arith.constant 0 : i32
        %dma_start3A_308 = arith.constant 0 : i32
        %dma_start3A_309 = tpu.memref_slice %arg12[%run_scoped3A_305, %dma_start3A_307, %dma_start3A_308] : memref<2x128x80xf32, #tpu.memory_space<vmem>> -> memref<1x128x80xf32, #tpu.memory_space<vmem>>
        %dma_start3A_310 = tpu.memref_squeeze %dma_start3A_309 : memref<1x128x80xf32, #tpu.memory_space<vmem>> -> memref<128x80xf32, #tpu.memory_space<vmem>>
        %dma_start3A_311 = arith.constant 0 : i32
        %dma_start3A_312 = tpu.memref_slice %arg10[%add3A_303, %dma_start3A_311] : memref<10240x80xf32, #tpu.memory_space<vmem_shared>> -> memref<128x80xf32, #tpu.memory_space<vmem_shared>>
        %dma_start3A_313 = arith.constant 0 : i32
        %dma_start3A_314 = tpu.memref_slice %arg10[%add3A_303, %dma_start3A_313] : memref<10240x80xf32, #tpu.memory_space<vmem_shared>> -> memref<128x80xf32, #tpu.memory_space<vmem_shared>>
        %dma_start3A_315 = arith.constant 0 : i32
        %dma_start3A_316 = arith.constant 0 : i32
        %dma_start3A_317 = tpu.memref_slice %arg12[%run_scoped3A_305, %dma_start3A_315, %dma_start3A_316] : memref<2x128x80xf32, #tpu.memory_space<vmem>> -> memref<1x128x80xf32, #tpu.memory_space<vmem>>
        %dma_start3A_318 = tpu.memref_squeeze %dma_start3A_317 : memref<1x128x80xf32, #tpu.memory_space<vmem>> -> memref<128x80xf32, #tpu.memory_space<vmem>>
        tpu.enqueue_dma source(%dma_start3A_318 : memref<128x80xf32, #tpu.memory_space<vmem>>) target(%dma_start3A_314 : memref<128x80xf32, #tpu.memory_space<vmem_shared>>) target_semaphore(%run_scoped3A_306 : memref<!tpu.dma_semaphore, #tpu.memory_space<semaphore_mem>>)
        %dma_wait3A_319 = arith.constant 0 : i32
        %dma_wait3A_320 = arith.constant 0 : i32
        %dma_wait3A_321 = tpu.memref_slice %arg12[%run_scoped3A_305, %dma_wait3A_319, %dma_wait3A_320] : memref<2x128x80xf32, #tpu.memory_space<vmem>> -> memref<1x128x80xf32, #tpu.memory_space<vmem>>
        %dma_wait3A_322 = tpu.memref_squeeze %dma_wait3A_321 : memref<1x128x80xf32, #tpu.memory_space<vmem>> -> memref<128x80xf32, #tpu.memory_space<vmem>>
        %dma_wait3A_323 = arith.constant 0 : i32
        %dma_wait3A_324 = tpu.memref_slice %arg10[%add3A_303, %dma_wait3A_323] : memref<10240x80xf32, #tpu.memory_space<vmem_shared>> -> memref<128x80xf32, #tpu.memory_space<vmem_shared>>
        %dma_wait3A_325 = arith.constant 0 : i32
        %dma_wait3A_326 = tpu.memref_slice %arg10[%add3A_303, %dma_wait3A_325] : memref<10240x80xf32, #tpu.memory_space<vmem_shared>> -> memref<128x80xf32, #tpu.memory_space<vmem_shared>>
        %dma_wait3A_327 = arith.constant 0 : i32
        %dma_wait3A_328 = arith.constant 0 : i32
        %dma_wait3A_329 = tpu.memref_slice %arg12[%run_scoped3A_305, %dma_wait3A_327, %dma_wait3A_328] : memref<2x128x80xf32, #tpu.memory_space<vmem>> -> memref<1x128x80xf32, #tpu.memory_space<vmem>>
        %dma_wait3A_330 = tpu.memref_squeeze %dma_wait3A_329 : memref<1x128x80xf32, #tpu.memory_space<vmem>> -> memref<128x80xf32, #tpu.memory_space<vmem>>
        tpu.wait_dma2 semaphore(%run_scoped3A_306 : memref<!tpu.dma_semaphore, #tpu.memory_space<semaphore_mem>>) src(%dma_wait3A_330 : memref<128x80xf32, #tpu.memory_space<vmem>>) dst(%dma_wait3A_326 : memref<128x80xf32, #tpu.memory_space<vmem_shared>>)
        tpu.yield
      }) : () -> ()
    }
    %scan3A_9 = arith.constant 5 : i32
    %barrier3A = arith.constant 0 : index
    tpu.barrier barrier_id(%barrier3A)
    %eq3A = arith.constant 0 : i32
    %eq3A_10 = arith.cmpi eq, %arg0, %eq3A : i32
    %jit3A = arith.constant 120 : i32
    %jit3A_11 = arith.constant 38 : i32
    %select_n3A = arith.select %eq3A_10, %jit3A, %jit3A_11 : i32
    %mul3A_12 = arith.constant 158 : i32
    %mul3A_13 = arith.muli %arg1, %mul3A_12 : i32
    %eq3A_14 = arith.constant 0 : i32
    %eq3A_15 = arith.cmpi eq, %arg0, %eq3A_14 : i32
    %jit3A_16 = arith.constant 0 : i32
    %jit3A_17 = arith.constant 120 : i32
    %select_n3A_18 = arith.select %eq3A_15, %jit3A_16, %jit3A_17 : i32
    %add3A_19 = arith.addi %mul3A_13, %select_n3A_18 : i32
    %add3A_20 = arith.constant 0 : i32
    %add3A_21 = arith.addi %add3A_19, %add3A_20 : i32
    %dma_start3A = arith.constant 0 : i32
    %dma_start3A_22 = arith.constant 0 : i32
    %dma_start3A_23 = arith.constant 0 : i32
    %dma_start3A_24 = tpu.memref_slice %arg11[%dma_start3A, %dma_start3A_22, %dma_start3A_23] : memref<3x2x128xi32, #tpu.memory_space<vmem>> -> memref<1x2x128xi32, #tpu.memory_space<vmem>>
    %dma_start3A_25 = tpu.memref_squeeze %dma_start3A_24 : memref<1x2x128xi32, #tpu.memory_space<vmem>> -> memref<2x128xi32, #tpu.memory_space<vmem>>
    %dma_start3A_26 = arith.constant 0 : i32
    %dma_start3A_27 = arith.constant 0 : i32
    %dma_start3A_28 = tpu.memref_slice %arg6[%add3A_21, %dma_start3A_26, %dma_start3A_27] : memref<2528x2x128xi32, #tpu.memory_space<hbm>> -> memref<1x2x128xi32, #tpu.memory_space<hbm>>
    %dma_start3A_29 = tpu.memref_squeeze %dma_start3A_28 : memref<1x2x128xi32, #tpu.memory_space<hbm>> -> memref<2x128xi32, #tpu.memory_space<hbm>>
    %dma_start3A_30 = arith.constant 0 : i32
    %dma_start3A_31 = arith.constant 0 : i32
    %dma_start3A_32 = tpu.memref_slice %arg11[%dma_start3A, %dma_start3A_30, %dma_start3A_31] : memref<3x2x128xi32, #tpu.memory_space<vmem>> -> memref<1x2x128xi32, #tpu.memory_space<vmem>>
    %dma_start3A_33 = tpu.memref_squeeze %dma_start3A_32 : memref<1x2x128xi32, #tpu.memory_space<vmem>> -> memref<2x128xi32, #tpu.memory_space<vmem>>
    %dma_start3A_34 = arith.constant 0 : i32
    %dma_start3A_35 = arith.constant 0 : i32
    %dma_start3A_36 = tpu.memref_slice %arg6[%add3A_21, %dma_start3A_34, %dma_start3A_35] : memref<2528x2x128xi32, #tpu.memory_space<hbm>> -> memref<1x2x128xi32, #tpu.memory_space<hbm>>
    %dma_start3A_37 = tpu.memref_squeeze %dma_start3A_36 : memref<1x2x128xi32, #tpu.memory_space<hbm>> -> memref<2x128xi32, #tpu.memory_space<hbm>>
    tpu.enqueue_dma source(%dma_start3A_37 : memref<2x128xi32, #tpu.memory_space<hbm>>) target(%dma_start3A_33 : memref<2x128xi32, #tpu.memory_space<vmem>>) target_semaphore(%arg14 : memref<!tpu.dma_semaphore, #tpu.memory_space<semaphore_mem>>)
    %add3A_38 = arith.constant 0 : i32
    %add3A_39 = arith.addi %add3A_19, %add3A_38 : i32
    %dma_wait3A = arith.constant 0 : i32
    %dma_wait3A_40 = arith.constant 0 : i32
    %dma_wait3A_41 = arith.constant 0 : i32
    %dma_wait3A_42 = tpu.memref_slice %arg11[%dma_wait3A, %dma_wait3A_40, %dma_wait3A_41] : memref<3x2x128xi32, #tpu.memory_space<vmem>> -> memref<1x2x128xi32, #tpu.memory_space<vmem>>
    %dma_wait3A_43 = tpu.memref_squeeze %dma_wait3A_42 : memref<1x2x128xi32, #tpu.memory_space<vmem>> -> memref<2x128xi32, #tpu.memory_space<vmem>>
    %dma_wait3A_44 = arith.constant 0 : i32
    %dma_wait3A_45 = arith.constant 0 : i32
    %dma_wait3A_46 = tpu.memref_slice %arg6[%add3A_39, %dma_wait3A_44, %dma_wait3A_45] : memref<2528x2x128xi32, #tpu.memory_space<hbm>> -> memref<1x2x128xi32, #tpu.memory_space<hbm>>
    %dma_wait3A_47 = tpu.memref_squeeze %dma_wait3A_46 : memref<1x2x128xi32, #tpu.memory_space<hbm>> -> memref<2x128xi32, #tpu.memory_space<hbm>>
    %dma_wait3A_48 = arith.constant 0 : i32
    %dma_wait3A_49 = arith.constant 0 : i32
    %dma_wait3A_50 = tpu.memref_slice %arg11[%dma_wait3A, %dma_wait3A_48, %dma_wait3A_49] : memref<3x2x128xi32, #tpu.memory_space<vmem>> -> memref<1x2x128xi32, #tpu.memory_space<vmem>>
    %dma_wait3A_51 = tpu.memref_squeeze %dma_wait3A_50 : memref<1x2x128xi32, #tpu.memory_space<vmem>> -> memref<2x128xi32, #tpu.memory_space<vmem>>
    %dma_wait3A_52 = arith.constant 0 : i32
    %dma_wait3A_53 = arith.constant 0 : i32
    %dma_wait3A_54 = tpu.memref_slice %arg6[%add3A_39, %dma_wait3A_52, %dma_wait3A_53] : memref<2528x2x128xi32, #tpu.memory_space<hbm>> -> memref<1x2x128xi32, #tpu.memory_space<hbm>>
    %dma_wait3A_55 = tpu.memref_squeeze %dma_wait3A_54 : memref<1x2x128xi32, #tpu.memory_space<hbm>> -> memref<2x128xi32, #tpu.memory_space<hbm>>
    tpu.wait_dma2 semaphore(%arg14 : memref<!tpu.dma_semaphore, #tpu.memory_space<semaphore_mem>>) src(%dma_wait3A_55 : memref<2x128xi32, #tpu.memory_space<hbm>>) dst(%dma_wait3A_51 : memref<2x128xi32, #tpu.memory_space<vmem>>)
    %dma_start3A_56 = arith.constant 0 : i32
    %dma_start3A_57 = arith.constant 0 : i32
    %dma_start3A_58 = arith.constant 0 : i32
    %dma_start3A_59 = arith.constant 0 : i32
    %dma_start3A_60 = arith.constant 0 : i32
    %dma_start3A_61 = tpu.memref_slice %arg12[%dma_start3A_58, %dma_start3A_59, %dma_start3A_60] : memref<2x128x80xf32, #tpu.memory_space<vmem>> -> memref<1x128x80xf32, #tpu.memory_space<vmem>>
    %dma_start3A_62 = tpu.memref_squeeze %dma_start3A_61 : memref<1x128x80xf32, #tpu.memory_space<vmem>> -> memref<128x80xf32, #tpu.memory_space<vmem>>
    %dma_start3A_63 = arith.constant 0 : i32
    %dma_start3A_64 = tpu.memref_slice %arg11[%dma_start3A_56, %dma_start3A_57, %dma_start3A_63] : memref<3x2x128xi32, #tpu.memory_space<vmem>> -> memref<1x1x128xi32, #tpu.memory_space<vmem>>
    %dma_start3A_65 = tpu.memref_squeeze %dma_start3A_64 : memref<1x1x128xi32, #tpu.memory_space<vmem>> -> memref<128xi32, #tpu.memory_space<vmem>>
    %dma_start3A_66 = arith.constant 0 : i32
    %dma_start3A_67 = arith.constant 0 : i32
    %dma_start3A_68 = tpu.memref_slice %arg2[%dma_start3A_66, %dma_start3A_67] : memref<10240x80xf32, #tpu.memory_space<hbm>> -> memref<10240x80xf32, #tpu.memory_space<hbm>>
    tpu.enqueue_indirect_dma source(%dma_start3A_68 : memref<10240x80xf32, #tpu.memory_space<hbm>>) target(%dma_start3A_62 : memref<128x80xf32, #tpu.memory_space<vmem>>) offsets(%dma_start3A_65 : memref<128xi32, #tpu.memory_space<vmem>>) semaphore(%arg15 : memref<!tpu.dma_semaphore, #tpu.memory_space<semaphore_mem>>)
    %dma_start3A_69 = arith.constant 0 : i32
    %dma_start3A_70 = arith.constant 1 : i32
    %dma_start3A_71 = arith.constant 0 : i32
    %dma_start3A_72 = arith.constant 0 : i32
    %dma_start3A_73 = arith.constant 0 : i32
    %dma_start3A_74 = tpu.memref_slice %arg13[%dma_start3A_71, %dma_start3A_72, %dma_start3A_73] : memref<2x128x16xf32, #tpu.memory_space<vmem>> -> memref<1x128x16xf32, #tpu.memory_space<vmem>>
    %dma_start3A_75 = tpu.memref_squeeze %dma_start3A_74 : memref<1x128x16xf32, #tpu.memory_space<vmem>> -> memref<128x16xf32, #tpu.memory_space<vmem>>
    %dma_start3A_76 = arith.constant 0 : i32
    %dma_start3A_77 = tpu.memref_slice %arg11[%dma_start3A_69, %dma_start3A_70, %dma_start3A_76] : memref<3x2x128xi32, #tpu.memory_space<vmem>> -> memref<1x1x128xi32, #tpu.memory_space<vmem>>
    %dma_start3A_78 = tpu.memref_squeeze %dma_start3A_77 : memref<1x1x128xi32, #tpu.memory_space<vmem>> -> memref<128xi32, #tpu.memory_space<vmem>>
    %dma_start3A_79 = arith.constant 0 : i32
    %dma_start3A_80 = arith.constant 0 : i32
    %dma_start3A_81 = tpu.memref_slice %arg3[%dma_start3A_79, %dma_start3A_80] : memref<10240x16xf32, #tpu.memory_space<hbm>> -> memref<10240x16xf32, #tpu.memory_space<hbm>>
    tpu.enqueue_indirect_dma source(%dma_start3A_81 : memref<10240x16xf32, #tpu.memory_space<hbm>>) target(%dma_start3A_75 : memref<128x16xf32, #tpu.memory_space<vmem>>) offsets(%dma_start3A_78 : memref<128xi32, #tpu.memory_space<vmem>>) semaphore(%arg15 : memref<!tpu.dma_semaphore, #tpu.memory_space<semaphore_mem>>)
    %add3A_82 = arith.constant 1 : i32
    %add3A_83 = arith.addi %add3A_19, %add3A_82 : i32
    %dma_start3A_84 = arith.constant 1 : i32
    %dma_start3A_85 = arith.constant 0 : i32
    %dma_start3A_86 = arith.constant 0 : i32
    %dma_start3A_87 = tpu.memref_slice %arg11[%dma_start3A_84, %dma_start3A_85, %dma_start3A_86] : memref<3x2x128xi32, #tpu.memory_space<vmem>> -> memref<1x2x128xi32, #tpu.memory_space<vmem>>
    %dma_start3A_88 = tpu.memref_squeeze %dma_start3A_87 : memref<1x2x128xi32, #tpu.memory_space<vmem>> -> memref<2x128xi32, #tpu.memory_space<vmem>>
    %dma_start3A_89 = arith.constant 0 : i32
    %dma_start3A_90 = arith.constant 0 : i32
    %dma_start3A_91 = tpu.memref_slice %arg6[%add3A_83, %dma_start3A_89, %dma_start3A_90] : memref<2528x2x128xi32, #tpu.memory_space<hbm>> -> memref<1x2x128xi32, #tpu.memory_space<hbm>>
    %dma_start3A_92 = tpu.memref_squeeze %dma_start3A_91 : memref<1x2x128xi32, #tpu.memory_space<hbm>> -> memref<2x128xi32, #tpu.memory_space<hbm>>
    %dma_start3A_93 = arith.constant 0 : i32
    %dma_start3A_94 = arith.constant 0 : i32
    %dma_start3A_95 = tpu.memref_slice %arg11[%dma_start3A_84, %dma_start3A_93, %dma_start3A_94] : memref<3x2x128xi32, #tpu.memory_space<vmem>> -> memref<1x2x128xi32, #tpu.memory_space<vmem>>
    %dma_start3A_96 = tpu.memref_squeeze %dma_start3A_95 : memref<1x2x128xi32, #tpu.memory_space<vmem>> -> memref<2x128xi32, #tpu.memory_space<vmem>>
    %dma_start3A_97 = arith.constant 0 : i32
    %dma_start3A_98 = arith.constant 0 : i32
    %dma_start3A_99 = tpu.memref_slice %arg6[%add3A_83, %dma_start3A_97, %dma_start3A_98] : memref<2528x2x128xi32, #tpu.memory_space<hbm>> -> memref<1x2x128xi32, #tpu.memory_space<hbm>>
    %dma_start3A_100 = tpu.memref_squeeze %dma_start3A_99 : memref<1x2x128xi32, #tpu.memory_space<hbm>> -> memref<2x128xi32, #tpu.memory_space<hbm>>
    tpu.enqueue_dma source(%dma_start3A_100 : memref<2x128xi32, #tpu.memory_space<hbm>>) target(%dma_start3A_96 : memref<2x128xi32, #tpu.memory_space<vmem>>) target_semaphore(%arg14 : memref<!tpu.dma_semaphore, #tpu.memory_space<semaphore_mem>>)
    %sub3A = arith.constant 0 : i32
    %sub3A_101 = arith.subi %select_n3A, %sub3A : i32
    %sub3A_102 = arith.constant 1 : i32
    %sub3A_103 = arith.constant 1 : i32
    %sub3A_104 = arith.subi %sub3A_102, %sub3A_103 : i32
    %add3A_105 = arith.addi %sub3A_101, %sub3A_104 : i32
    %div3A = arith.constant 1 : i32
    %div3A_106 = arith.divsi %add3A_105, %div3A : i32
    %while3A = arith.constant 1 : i32
    %while3A_107 = arith.constant 0 : i32
    %while3A_108 = arith.constant 0 : i32
    %while3A_109 = arith.subi %div3A_106, %while3A_108 : i32
    %while3A_110 = arith.addi %while3A_108, %while3A_109 : i32
    %while3A_111 = arith.constant 1 : i32
    %while3A_112 = arith.divsi %while3A_109, %while3A_111 : i32
    %while3A_113 = arith.muli %while3A_112, %while3A_111 : i32
    %while3A_114 = arith.addi %while3A_108, %while3A_113 : i32
    %while3A_115 = arith.constant 1 : i32
    scf.for %while3A_294 = %while3A_108 to %while3A_114 step %while3A_115  : i32 {
      %mul3A_295 = arith.muli %while3A_294, %while3A : i32
      %add3A_296 = arith.addi %while3A_107, %mul3A_295 : i32
      %and3A_297 = arith.constant 1 : i32
      %and3A_298 = arith.andi %add3A_296, %and3A_297 : i32
      %and3A_299 = arith.constant 1 : i32
      %and3A_300 = arith.andi %add3A_296, %and3A_299 : i32
      %jit3A_301 = arith.constant 3 : i32
      %eq3A_302 = arith.constant 0 : i32
      %eq3A_303 = arith.cmpi eq, %jit3A_301, %eq3A_302 : i32
      %jit3A_304 = arith.constant 1 : i32
      %select_n3A_305 = arith.select %eq3A_303, %jit3A_304, %jit3A_301 : i32
      %rem3A_306 = arith.remsi %add3A_296, %select_n3A_305 : i32
      %ne3A_307 = arith.constant 0 : i32
      %ne3A_308 = arith.cmpi ne, %rem3A_306, %ne3A_307 : i32
      %lt3A_309 = arith.constant 0 : i32
      %lt3A_310 = arith.cmpi slt, %rem3A_306, %lt3A_309 : i32
      %lt3A_311 = arith.constant 0 : i32
      %lt3A_312 = arith.cmpi slt, %select_n3A_305, %lt3A_311 : i32
      %ne3A_313 = arith.xori %lt3A_310, %lt3A_312 : i1
      %and3A_314 = arith.andi %ne3A_313, %ne3A_308 : i1
      %add3A_315 = arith.addi %rem3A_306, %select_n3A_305 : i32
      %select_n3A_316 = arith.select %and3A_314, %add3A_315, %rem3A_306 : i32
      %dma_wait3A_317 = arith.constant 0 : i32
      %dma_wait3A_318 = arith.constant 0 : i32
      %dma_wait3A_319 = arith.constant 0 : i32
      %dma_wait3A_320 = tpu.memref_slice %arg12[%and3A_300, %dma_wait3A_318, %dma_wait3A_319] : memref<2x128x80xf32, #tpu.memory_space<vmem>> -> memref<1x128x80xf32, #tpu.memory_space<vmem>>
      %dma_wait3A_321 = tpu.memref_squeeze %dma_wait3A_320 : memref<1x128x80xf32, #tpu.memory_space<vmem>> -> memref<128x80xf32, #tpu.memory_space<vmem>>
      %dma_wait3A_322 = arith.constant 0 : i32
      %dma_wait3A_323 = tpu.memref_slice %arg11[%select_n3A_316, %dma_wait3A_317, %dma_wait3A_322] : memref<3x2x128xi32, #tpu.memory_space<vmem>> -> memref<1x1x128xi32, #tpu.memory_space<vmem>>
      %dma_wait3A_324 = tpu.memref_squeeze %dma_wait3A_323 : memref<1x1x128xi32, #tpu.memory_space<vmem>> -> memref<128xi32, #tpu.memory_space<vmem>>
      %dma_wait3A_325 = arith.constant 0 : i32
      %dma_wait3A_326 = arith.constant 0 : i32
      %dma_wait3A_327 = tpu.memref_slice %arg2[%dma_wait3A_325, %dma_wait3A_326] : memref<10240x80xf32, #tpu.memory_space<hbm>> -> memref<10240x80xf32, #tpu.memory_space<hbm>>
      tpu.wait_indirect_dma semaphore(%arg15 : memref<!tpu.dma_semaphore, #tpu.memory_space<semaphore_mem>>) src(%dma_wait3A_327 : memref<10240x80xf32, #tpu.memory_space<hbm>>) dst(%dma_wait3A_321 : memref<128x80xf32, #tpu.memory_space<vmem>>)
      %dma_wait3A_328 = arith.constant 1 : i32
      %dma_wait3A_329 = arith.constant 0 : i32
      %dma_wait3A_330 = arith.constant 0 : i32
      %dma_wait3A_331 = tpu.memref_slice %arg13[%and3A_300, %dma_wait3A_329, %dma_wait3A_330] : memref<2x128x16xf32, #tpu.memory_space<vmem>> -> memref<1x128x16xf32, #tpu.memory_space<vmem>>
      %dma_wait3A_332 = tpu.memref_squeeze %dma_wait3A_331 : memref<1x128x16xf32, #tpu.memory_space<vmem>> -> memref<128x16xf32, #tpu.memory_space<vmem>>
      %dma_wait3A_333 = arith.constant 0 : i32
      %dma_wait3A_334 = tpu.memref_slice %arg11[%select_n3A_316, %dma_wait3A_328, %dma_wait3A_333] : memref<3x2x128xi32, #tpu.memory_space<vmem>> -> memref<1x1x128xi32, #tpu.memory_space<vmem>>
      %dma_wait3A_335 = tpu.memref_squeeze %dma_wait3A_334 : memref<1x1x128xi32, #tpu.memory_space<vmem>> -> memref<128xi32, #tpu.memory_space<vmem>>
      %dma_wait3A_336 = arith.constant 0 : i32
      %dma_wait3A_337 = arith.constant 0 : i32
      %dma_wait3A_338 = tpu.memref_slice %arg3[%dma_wait3A_336, %dma_wait3A_337] : memref<10240x16xf32, #tpu.memory_space<hbm>> -> memref<10240x16xf32, #tpu.memory_space<hbm>>
      tpu.wait_indirect_dma semaphore(%arg15 : memref<!tpu.dma_semaphore, #tpu.memory_space<semaphore_mem>>) src(%dma_wait3A_338 : memref<10240x16xf32, #tpu.memory_space<hbm>>) dst(%dma_wait3A_332 : memref<128x16xf32, #tpu.memory_space<vmem>>)
      %ge3A = arith.constant 1 : i32
      %ge3A_339 = arith.cmpi sge, %add3A_296, %ge3A : i32
      %convert_element_type3A = arith.extui %ge3A_339 : i1 to i32
      %cond3A = arith.constant 0 : i32
      %cond3A_340 = arith.cmpi ne, %convert_element_type3A, %cond3A : i32
      scf.if %cond3A_340 {
        %sub3A_384 = arith.constant 1 : i32
        %sub3A_385 = arith.subi %add3A_296, %sub3A_384 : i32
        %and3A_386 = arith.constant 1 : i32
        %and3A_387 = arith.andi %sub3A_385, %and3A_386 : i32
        %jit3A_388 = arith.constant 3 : i32
        %eq3A_389 = arith.constant 0 : i32
        %eq3A_390 = arith.cmpi eq, %jit3A_388, %eq3A_389 : i32
        %jit3A_391 = arith.constant 1 : i32
        %select_n3A_392 = arith.select %eq3A_390, %jit3A_391, %jit3A_388 : i32
        %rem3A_393 = arith.remsi %sub3A_385, %select_n3A_392 : i32
        %ne3A_394 = arith.constant 0 : i32
        %ne3A_395 = arith.cmpi ne, %rem3A_393, %ne3A_394 : i32
        %lt3A_396 = arith.constant 0 : i32
        %lt3A_397 = arith.cmpi slt, %rem3A_393, %lt3A_396 : i32
        %lt3A_398 = arith.constant 0 : i32
        %lt3A_399 = arith.cmpi slt, %select_n3A_392, %lt3A_398 : i32
        %ne3A_400 = arith.xori %lt3A_397, %lt3A_399 : i1
        %and3A_401 = arith.andi %ne3A_400, %ne3A_395 : i1
        %add3A_402 = arith.addi %rem3A_393, %select_n3A_392 : i32
        %select_n3A_403 = arith.select %and3A_401, %add3A_402, %rem3A_393 : i32
        %dma_wait3A_404 = arith.constant 1 : i32
        %dma_wait3A_405 = arith.constant 0 : i32
        %dma_wait3A_406 = arith.constant 0 : i32
        %dma_wait3A_407 = tpu.memref_slice %arg12[%and3A_387, %dma_wait3A_405, %dma_wait3A_406] : memref<2x128x80xf32, #tpu.memory_space<vmem>> -> memref<1x128x80xf32, #tpu.memory_space<vmem>>
        %dma_wait3A_408 = tpu.memref_squeeze %dma_wait3A_407 : memref<1x128x80xf32, #tpu.memory_space<vmem>> -> memref<128x80xf32, #tpu.memory_space<vmem>>
        %dma_wait3A_409 = arith.constant 0 : i32
        %dma_wait3A_410 = tpu.memref_slice %arg11[%select_n3A_403, %dma_wait3A_404, %dma_wait3A_409] : memref<3x2x128xi32, #tpu.memory_space<vmem>> -> memref<1x1x128xi32, #tpu.memory_space<vmem>>
        %dma_wait3A_411 = tpu.memref_squeeze %dma_wait3A_410 : memref<1x1x128xi32, #tpu.memory_space<vmem>> -> memref<128xi32, #tpu.memory_space<vmem>>
        %dma_wait3A_412 = arith.constant 0 : i32
        %dma_wait3A_413 = arith.constant 0 : i32
        %dma_wait3A_414 = tpu.memref_slice %arg9[%dma_wait3A_412, %dma_wait3A_413] : memref<10240x80xf32, #tpu.memory_space<vmem_shared>> -> memref<10240x80xf32, #tpu.memory_space<vmem_shared>>
        tpu.wait_indirect_dma semaphore(%arg16 : memref<!tpu.dma_semaphore, #tpu.memory_space<semaphore_mem>>) src(%dma_wait3A_408 : memref<128x80xf32, #tpu.memory_space<vmem>>) dst(%dma_wait3A_414 : memref<10240x80xf32, #tpu.memory_space<vmem_shared>>)
      } else {
      }
      %add3A_341 = arith.constant 1 : i32
      %add3A_342 = arith.addi %add3A_296, %add3A_341 : i32
      %lt3A_343 = arith.cmpi slt, %add3A_342, %select_n3A : i32
      %convert_element_type3A_344 = arith.extui %lt3A_343 : i1 to i32
      %cond3A_345 = arith.constant 0 : i32
      %cond3A_346 = arith.cmpi ne, %convert_element_type3A_344, %cond3A_345 : i32
      scf.if %cond3A_346 {
        %add3A_384 = arith.constant 1 : i32
        %add3A_385 = arith.addi %add3A_296, %add3A_384 : i32
        %add3A_386 = arith.addi %add3A_19, %add3A_385 : i32
        %jit3A_387 = arith.constant 3 : i32
        %eq3A_388 = arith.constant 0 : i32
        %eq3A_389 = arith.cmpi eq, %jit3A_387, %eq3A_388 : i32
        %jit3A_390 = arith.constant 1 : i32
        %select_n3A_391 = arith.select %eq3A_389, %jit3A_390, %jit3A_387 : i32
        %rem3A_392 = arith.remsi %add3A_385, %select_n3A_391 : i32
        %ne3A_393 = arith.constant 0 : i32
        %ne3A_394 = arith.cmpi ne, %rem3A_392, %ne3A_393 : i32
        %lt3A_395 = arith.constant 0 : i32
        %lt3A_396 = arith.cmpi slt, %rem3A_392, %lt3A_395 : i32
        %lt3A_397 = arith.constant 0 : i32
        %lt3A_398 = arith.cmpi slt, %select_n3A_391, %lt3A_397 : i32
        %ne3A_399 = arith.xori %lt3A_396, %lt3A_398 : i1
        %and3A_400 = arith.andi %ne3A_399, %ne3A_394 : i1
        %add3A_401 = arith.addi %rem3A_392, %select_n3A_391 : i32
        %select_n3A_402 = arith.select %and3A_400, %add3A_401, %rem3A_392 : i32
        %dma_wait3A_403 = arith.constant 0 : i32
        %dma_wait3A_404 = arith.constant 0 : i32
        %dma_wait3A_405 = tpu.memref_slice %arg11[%select_n3A_402, %dma_wait3A_403, %dma_wait3A_404] : memref<3x2x128xi32, #tpu.memory_space<vmem>> -> memref<1x2x128xi32, #tpu.memory_space<vmem>>
        %dma_wait3A_406 = tpu.memref_squeeze %dma_wait3A_405 : memref<1x2x128xi32, #tpu.memory_space<vmem>> -> memref<2x128xi32, #tpu.memory_space<vmem>>
        %dma_wait3A_407 = arith.constant 0 : i32
        %dma_wait3A_408 = arith.constant 0 : i32
        %dma_wait3A_409 = tpu.memref_slice %arg6[%add3A_386, %dma_wait3A_407, %dma_wait3A_408] : memref<2528x2x128xi32, #tpu.memory_space<hbm>> -> memref<1x2x128xi32, #tpu.memory_space<hbm>>
        %dma_wait3A_410 = tpu.memref_squeeze %dma_wait3A_409 : memref<1x2x128xi32, #tpu.memory_space<hbm>> -> memref<2x128xi32, #tpu.memory_space<hbm>>
        %dma_wait3A_411 = arith.constant 0 : i32
        %dma_wait3A_412 = arith.constant 0 : i32
        %dma_wait3A_413 = tpu.memref_slice %arg11[%select_n3A_402, %dma_wait3A_411, %dma_wait3A_412] : memref<3x2x128xi32, #tpu.memory_space<vmem>> -> memref<1x2x128xi32, #tpu.memory_space<vmem>>
        %dma_wait3A_414 = tpu.memref_squeeze %dma_wait3A_413 : memref<1x2x128xi32, #tpu.memory_space<vmem>> -> memref<2x128xi32, #tpu.memory_space<vmem>>
        %dma_wait3A_415 = arith.constant 0 : i32
        %dma_wait3A_416 = arith.constant 0 : i32
        %dma_wait3A_417 = tpu.memref_slice %arg6[%add3A_386, %dma_wait3A_415, %dma_wait3A_416] : memref<2528x2x128xi32, #tpu.memory_space<hbm>> -> memref<1x2x128xi32, #tpu.memory_space<hbm>>
        %dma_wait3A_418 = tpu.memref_squeeze %dma_wait3A_417 : memref<1x2x128xi32, #tpu.memory_space<hbm>> -> memref<2x128xi32, #tpu.memory_space<hbm>>
        tpu.wait_dma2 semaphore(%arg14 : memref<!tpu.dma_semaphore, #tpu.memory_space<semaphore_mem>>) src(%dma_wait3A_418 : memref<2x128xi32, #tpu.memory_space<hbm>>) dst(%dma_wait3A_414 : memref<2x128xi32, #tpu.memory_space<vmem>>)
        %add3A_419 = arith.constant 1 : i32
        %add3A_420 = arith.addi %add3A_296, %add3A_419 : i32
        %and3A_421 = arith.constant 1 : i32
        %and3A_422 = arith.andi %add3A_420, %and3A_421 : i32
        %jit3A_423 = arith.constant 3 : i32
        %eq3A_424 = arith.constant 0 : i32
        %eq3A_425 = arith.cmpi eq, %jit3A_423, %eq3A_424 : i32
        %jit3A_426 = arith.constant 1 : i32
        %select_n3A_427 = arith.select %eq3A_425, %jit3A_426, %jit3A_423 : i32
        %rem3A_428 = arith.remsi %add3A_420, %select_n3A_427 : i32
        %ne3A_429 = arith.constant 0 : i32
        %ne3A_430 = arith.cmpi ne, %rem3A_428, %ne3A_429 : i32
        %lt3A_431 = arith.constant 0 : i32
        %lt3A_432 = arith.cmpi slt, %rem3A_428, %lt3A_431 : i32
        %lt3A_433 = arith.constant 0 : i32
        %lt3A_434 = arith.cmpi slt, %select_n3A_427, %lt3A_433 : i32
        %ne3A_435 = arith.xori %lt3A_432, %lt3A_434 : i1
        %and3A_436 = arith.andi %ne3A_435, %ne3A_430 : i1
        %add3A_437 = arith.addi %rem3A_428, %select_n3A_427 : i32
        %select_n3A_438 = arith.select %and3A_436, %add3A_437, %rem3A_428 : i32
        %dma_start3A_439 = arith.constant 0 : i32
        %dma_start3A_440 = arith.constant 0 : i32
        %dma_start3A_441 = arith.constant 0 : i32
        %dma_start3A_442 = tpu.memref_slice %arg12[%and3A_422, %dma_start3A_440, %dma_start3A_441] : memref<2x128x80xf32, #tpu.memory_space<vmem>> -> memref<1x128x80xf32, #tpu.memory_space<vmem>>
        %dma_start3A_443 = tpu.memref_squeeze %dma_start3A_442 : memref<1x128x80xf32, #tpu.memory_space<vmem>> -> memref<128x80xf32, #tpu.memory_space<vmem>>
        %dma_start3A_444 = arith.constant 0 : i32
        %dma_start3A_445 = tpu.memref_slice %arg11[%select_n3A_438, %dma_start3A_439, %dma_start3A_444] : memref<3x2x128xi32, #tpu.memory_space<vmem>> -> memref<1x1x128xi32, #tpu.memory_space<vmem>>
        %dma_start3A_446 = tpu.memref_squeeze %dma_start3A_445 : memref<1x1x128xi32, #tpu.memory_space<vmem>> -> memref<128xi32, #tpu.memory_space<vmem>>
        %dma_start3A_447 = arith.constant 0 : i32
        %dma_start3A_448 = arith.constant 0 : i32
        %dma_start3A_449 = tpu.memref_slice %arg2[%dma_start3A_447, %dma_start3A_448] : memref<10240x80xf32, #tpu.memory_space<hbm>> -> memref<10240x80xf32, #tpu.memory_space<hbm>>
        tpu.enqueue_indirect_dma source(%dma_start3A_449 : memref<10240x80xf32, #tpu.memory_space<hbm>>) target(%dma_start3A_443 : memref<128x80xf32, #tpu.memory_space<vmem>>) offsets(%dma_start3A_446 : memref<128xi32, #tpu.memory_space<vmem>>) semaphore(%arg15 : memref<!tpu.dma_semaphore, #tpu.memory_space<semaphore_mem>>)
        %dma_start3A_450 = arith.constant 1 : i32
        %dma_start3A_451 = arith.constant 0 : i32
        %dma_start3A_452 = arith.constant 0 : i32
        %dma_start3A_453 = tpu.memref_slice %arg13[%and3A_422, %dma_start3A_451, %dma_start3A_452] : memref<2x128x16xf32, #tpu.memory_space<vmem>> -> memref<1x128x16xf32, #tpu.memory_space<vmem>>
        %dma_start3A_454 = tpu.memref_squeeze %dma_start3A_453 : memref<1x128x16xf32, #tpu.memory_space<vmem>> -> memref<128x16xf32, #tpu.memory_space<vmem>>
        %dma_start3A_455 = arith.constant 0 : i32
        %dma_start3A_456 = tpu.memref_slice %arg11[%select_n3A_438, %dma_start3A_450, %dma_start3A_455] : memref<3x2x128xi32, #tpu.memory_space<vmem>> -> memref<1x1x128xi32, #tpu.memory_space<vmem>>
        %dma_start3A_457 = tpu.memref_squeeze %dma_start3A_456 : memref<1x1x128xi32, #tpu.memory_space<vmem>> -> memref<128xi32, #tpu.memory_space<vmem>>
        %dma_start3A_458 = arith.constant 0 : i32
        %dma_start3A_459 = arith.constant 0 : i32
        %dma_start3A_460 = tpu.memref_slice %arg3[%dma_start3A_458, %dma_start3A_459] : memref<10240x16xf32, #tpu.memory_space<hbm>> -> memref<10240x16xf32, #tpu.memory_space<hbm>>
        tpu.enqueue_indirect_dma source(%dma_start3A_460 : memref<10240x16xf32, #tpu.memory_space<hbm>>) target(%dma_start3A_454 : memref<128x16xf32, #tpu.memory_space<vmem>>) offsets(%dma_start3A_457 : memref<128xi32, #tpu.memory_space<vmem>>) semaphore(%arg15 : memref<!tpu.dma_semaphore, #tpu.memory_space<semaphore_mem>>)
      } else {
      }
      %add3A_347 = arith.constant 2 : i32
      %add3A_348 = arith.addi %add3A_296, %add3A_347 : i32
      %lt3A_349 = arith.cmpi slt, %add3A_348, %select_n3A : i32
      %convert_element_type3A_350 = arith.extui %lt3A_349 : i1 to i32
      %cond3A_351 = arith.constant 0 : i32
      %cond3A_352 = arith.cmpi ne, %convert_element_type3A_350, %cond3A_351 : i32
      scf.if %cond3A_352 {
        %add3A_384 = arith.constant 2 : i32
        %add3A_385 = arith.addi %add3A_296, %add3A_384 : i32
        %add3A_386 = arith.addi %add3A_19, %add3A_385 : i32
        %jit3A_387 = arith.constant 3 : i32
        %eq3A_388 = arith.constant 0 : i32
        %eq3A_389 = arith.cmpi eq, %jit3A_387, %eq3A_388 : i32
        %jit3A_390 = arith.constant 1 : i32
        %select_n3A_391 = arith.select %eq3A_389, %jit3A_390, %jit3A_387 : i32
        %rem3A_392 = arith.remsi %add3A_385, %select_n3A_391 : i32
        %ne3A_393 = arith.constant 0 : i32
        %ne3A_394 = arith.cmpi ne, %rem3A_392, %ne3A_393 : i32
        %lt3A_395 = arith.constant 0 : i32
        %lt3A_396 = arith.cmpi slt, %rem3A_392, %lt3A_395 : i32
        %lt3A_397 = arith.constant 0 : i32
        %lt3A_398 = arith.cmpi slt, %select_n3A_391, %lt3A_397 : i32
        %ne3A_399 = arith.xori %lt3A_396, %lt3A_398 : i1
        %and3A_400 = arith.andi %ne3A_399, %ne3A_394 : i1
        %add3A_401 = arith.addi %rem3A_392, %select_n3A_391 : i32
        %select_n3A_402 = arith.select %and3A_400, %add3A_401, %rem3A_392 : i32
        %dma_start3A_403 = arith.constant 0 : i32
        %dma_start3A_404 = arith.constant 0 : i32
        %dma_start3A_405 = tpu.memref_slice %arg11[%select_n3A_402, %dma_start3A_403, %dma_start3A_404] : memref<3x2x128xi32, #tpu.memory_space<vmem>> -> memref<1x2x128xi32, #tpu.memory_space<vmem>>
        %dma_start3A_406 = tpu.memref_squeeze %dma_start3A_405 : memref<1x2x128xi32, #tpu.memory_space<vmem>> -> memref<2x128xi32, #tpu.memory_space<vmem>>
        %dma_start3A_407 = arith.constant 0 : i32
        %dma_start3A_408 = arith.constant 0 : i32
        %dma_start3A_409 = tpu.memref_slice %arg6[%add3A_386, %dma_start3A_407, %dma_start3A_408] : memref<2528x2x128xi32, #tpu.memory_space<hbm>> -> memref<1x2x128xi32, #tpu.memory_space<hbm>>
        %dma_start3A_410 = tpu.memref_squeeze %dma_start3A_409 : memref<1x2x128xi32, #tpu.memory_space<hbm>> -> memref<2x128xi32, #tpu.memory_space<hbm>>
        %dma_start3A_411 = arith.constant 0 : i32
        %dma_start3A_412 = arith.constant 0 : i32
        %dma_start3A_413 = tpu.memref_slice %arg11[%select_n3A_402, %dma_start3A_411, %dma_start3A_412] : memref<3x2x128xi32, #tpu.memory_space<vmem>> -> memref<1x2x128xi32, #tpu.memory_space<vmem>>
        %dma_start3A_414 = tpu.memref_squeeze %dma_start3A_413 : memref<1x2x128xi32, #tpu.memory_space<vmem>> -> memref<2x128xi32, #tpu.memory_space<vmem>>
        %dma_start3A_415 = arith.constant 0 : i32
        %dma_start3A_416 = arith.constant 0 : i32
        %dma_start3A_417 = tpu.memref_slice %arg6[%add3A_386, %dma_start3A_415, %dma_start3A_416] : memref<2528x2x128xi32, #tpu.memory_space<hbm>> -> memref<1x2x128xi32, #tpu.memory_space<hbm>>
        %dma_start3A_418 = tpu.memref_squeeze %dma_start3A_417 : memref<1x2x128xi32, #tpu.memory_space<hbm>> -> memref<2x128xi32, #tpu.memory_space<hbm>>
        tpu.enqueue_dma source(%dma_start3A_418 : memref<2x128xi32, #tpu.memory_space<hbm>>) target(%dma_start3A_414 : memref<2x128xi32, #tpu.memory_space<vmem>>) target_semaphore(%arg14 : memref<!tpu.dma_semaphore, #tpu.memory_space<semaphore_mem>>)
      } else {
      }
      %parallel_loop3A = arith.constant 0 : i32
      %parallel_loop3A_353 = arith.constant 128 : i32
      %parallel_loop3A_354 = arith.constant 1 : i32
      scf.for %parallel_loop3A_384 = %parallel_loop3A to %parallel_loop3A_353 step %parallel_loop3A_354  : i32 {
        %parallel_loop3A_385 = arith.index_cast %and3A_298 : i32 to index
        %parallel_loop3A_386 = arith.index_cast %parallel_loop3A_384 : i32 to index
        %parallel_loop3A_387 = arith.constant 64 : index
        %parallel_loop3A_388 = tpu.vector_load %arg12[%parallel_loop3A_385, %parallel_loop3A_386, %parallel_loop3A_387] {strides = array<i32>} : memref<2x128x80xf32, #tpu.memory_space<vmem>>, vector<1x1x16xf32>,
        %parallel_loop3A_389 = vector.shape_cast %parallel_loop3A_388 : vector<1x1x16xf32> to vector<16xf32>
        %parallel_loop3A_390 = arith.index_cast %and3A_298 : i32 to index
        %parallel_loop3A_391 = arith.index_cast %parallel_loop3A_384 : i32 to index
        %parallel_loop3A_392 = arith.constant 0 : index
        %parallel_loop3A_393 = tpu.vector_load %arg13[%parallel_loop3A_390, %parallel_loop3A_391, %parallel_loop3A_392] {strides = array<i32>} : memref<2x128x16xf32, #tpu.memory_space<vmem>>, vector<1x1x16xf32>,
        %parallel_loop3A_394 = vector.shape_cast %parallel_loop3A_393 : vector<1x1x16xf32> to vector<16xf32>
        %parallel_loop3A_395 = arith.addf %parallel_loop3A_389, %parallel_loop3A_394 : vector<16xf32>
        %parallel_loop3A_396 = arith.constant 2.000000e-01 : f32
        %parallel_loop3A_397 = vector.broadcast %parallel_loop3A_396 : f32 to vector<16xf32>
        %parallel_loop3A_398 = arith.mulf %parallel_loop3A_395, %parallel_loop3A_397 : vector<16xf32>
        %parallel_loop3A_399 = arith.maximumf %parallel_loop3A_395, %parallel_loop3A_398 : vector<16xf32>
        %parallel_loop3A_400 = math.exp %parallel_loop3A_399 : vector<16xf32>
        %parallel_loop3A_401 = arith.index_cast %and3A_298 : i32 to index
        %parallel_loop3A_402 = arith.index_cast %parallel_loop3A_384 : i32 to index
        %parallel_loop3A_403 = arith.constant 64 : index
        %parallel_loop3A_404 = tpu.vector_load %arg12[%parallel_loop3A_401, %parallel_loop3A_402, %parallel_loop3A_403] {strides = array<i32>} : memref<2x128x80xf32, #tpu.memory_space<vmem>>, vector<1x1x16xf32>,
        %parallel_loop3A_405 = vector.shape_cast %parallel_loop3A_404 : vector<1x1x16xf32> to vector<16xf32>
        %parallel_loop3A_406 = vector.shape_cast %parallel_loop3A_400 : vector<16xf32> to vector<1x1x16xf32>
        tpu.vector_store %arg12[%parallel_loop3A_401, %parallel_loop3A_402, %parallel_loop3A_403], %parallel_loop3A_406 {strides = array<i32>} : memref<2x128x80xf32, #tpu.memory_space<vmem>>, vector<1x1x16xf32>,
        %parallel_loop3A_407 = arith.index_cast %and3A_298 : i32 to index
        %parallel_loop3A_408 = arith.index_cast %parallel_loop3A_384 : i32 to index
        %parallel_loop3A_409 = arith.constant 0 : index
        %parallel_loop3A_410 = tpu.vector_load %arg12[%parallel_loop3A_407, %parallel_loop3A_408, %parallel_loop3A_409] {strides = array<i32>} : memref<2x128x80xf32, #tpu.memory_space<vmem>>, vector<1x1x16xf32>,
        %parallel_loop3A_411 = vector.shape_cast %parallel_loop3A_410 : vector<1x1x16xf32> to vector<16xf32>
        %parallel_loop3A_412 = arith.mulf %parallel_loop3A_411, %parallel_loop3A_400 : vector<16xf32>
        %parallel_loop3A_413 = arith.index_cast %and3A_298 : i32 to index
        %parallel_loop3A_414 = arith.index_cast %parallel_loop3A_384 : i32 to index
        %parallel_loop3A_415 = arith.constant 0 : index
        %parallel_loop3A_416 = tpu.vector_load %arg12[%parallel_loop3A_413, %parallel_loop3A_414, %parallel_loop3A_415] {strides = array<i32>} : memref<2x128x80xf32, #tpu.memory_space<vmem>>, vector<1x1x16xf32>,
        %parallel_loop3A_417 = vector.shape_cast %parallel_loop3A_416 : vector<1x1x16xf32> to vector<16xf32>
        %parallel_loop3A_418 = vector.shape_cast %parallel_loop3A_412 : vector<16xf32> to vector<1x1x16xf32>
        tpu.vector_store %arg12[%parallel_loop3A_413, %parallel_loop3A_414, %parallel_loop3A_415], %parallel_loop3A_418 {strides = array<i32>} : memref<2x128x80xf32, #tpu.memory_space<vmem>>, vector<1x1x16xf32>,
        %parallel_loop3A_419 = arith.index_cast %and3A_298 : i32 to index
        %parallel_loop3A_420 = arith.index_cast %parallel_loop3A_384 : i32 to index
        %parallel_loop3A_421 = arith.constant 16 : index
        %parallel_loop3A_422 = tpu.vector_load %arg12[%parallel_loop3A_419, %parallel_loop3A_420, %parallel_loop3A_421] {strides = array<i32>} : memref<2x128x80xf32, #tpu.memory_space<vmem>>, vector<1x1x16xf32>,
        %parallel_loop3A_423 = vector.shape_cast %parallel_loop3A_422 : vector<1x1x16xf32> to vector<16xf32>
        %parallel_loop3A_424 = arith.mulf %parallel_loop3A_423, %parallel_loop3A_400 : vector<16xf32>
        %parallel_loop3A_425 = arith.index_cast %and3A_298 : i32 to index
        %parallel_loop3A_426 = arith.index_cast %parallel_loop3A_384 : i32 to index
        %parallel_loop3A_427 = arith.constant 16 : index
        %parallel_loop3A_428 = tpu.vector_load %arg12[%parallel_loop3A_425, %parallel_loop3A_426, %parallel_loop3A_427] {strides = array<i32>} : memref<2x128x80xf32, #tpu.memory_space<vmem>>, vector<1x1x16xf32>,
        %parallel_loop3A_429 = vector.shape_cast %parallel_loop3A_428 : vector<1x1x16xf32> to vector<16xf32>
        %parallel_loop3A_430 = vector.shape_cast %parallel_loop3A_424 : vector<16xf32> to vector<1x1x16xf32>
        tpu.vector_store %arg12[%parallel_loop3A_425, %parallel_loop3A_426, %parallel_loop3A_427], %parallel_loop3A_430 {strides = array<i32>} : memref<2x128x80xf32, #tpu.memory_space<vmem>>, vector<1x1x16xf32>,
        %parallel_loop3A_431 = arith.index_cast %and3A_298 : i32 to index
        %parallel_loop3A_432 = arith.index_cast %parallel_loop3A_384 : i32 to index
        %parallel_loop3A_433 = arith.constant 32 : index
        %parallel_loop3A_434 = tpu.vector_load %arg12[%parallel_loop3A_431, %parallel_loop3A_432, %parallel_loop3A_433] {strides = array<i32>} : memref<2x128x80xf32, #tpu.memory_space<vmem>>, vector<1x1x16xf32>,
        %parallel_loop3A_435 = vector.shape_cast %parallel_loop3A_434 : vector<1x1x16xf32> to vector<16xf32>
        %parallel_loop3A_436 = arith.mulf %parallel_loop3A_435, %parallel_loop3A_400 : vector<16xf32>
        %parallel_loop3A_437 = arith.index_cast %and3A_298 : i32 to index
        %parallel_loop3A_438 = arith.index_cast %parallel_loop3A_384 : i32 to index
        %parallel_loop3A_439 = arith.constant 32 : index
        %parallel_loop3A_440 = tpu.vector_load %arg12[%parallel_loop3A_437, %parallel_loop3A_438, %parallel_loop3A_439] {strides = array<i32>} : memref<2x128x80xf32, #tpu.memory_space<vmem>>, vector<1x1x16xf32>,
        %parallel_loop3A_441 = vector.shape_cast %parallel_loop3A_440 : vector<1x1x16xf32> to vector<16xf32>
        %parallel_loop3A_442 = vector.shape_cast %parallel_loop3A_436 : vector<16xf32> to vector<1x1x16xf32>
        tpu.vector_store %arg12[%parallel_loop3A_437, %parallel_loop3A_438, %parallel_loop3A_439], %parallel_loop3A_442 {strides = array<i32>} : memref<2x128x80xf32, #tpu.memory_space<vmem>>, vector<1x1x16xf32>,
        %parallel_loop3A_443 = arith.index_cast %and3A_298 : i32 to index
        %parallel_loop3A_444 = arith.index_cast %parallel_loop3A_384 : i32 to index
        %parallel_loop3A_445 = arith.constant 48 : index
        %parallel_loop3A_446 = tpu.vector_load %arg12[%parallel_loop3A_443, %parallel_loop3A_444, %parallel_loop3A_445] {strides = array<i32>} : memref<2x128x80xf32, #tpu.memory_space<vmem>>, vector<1x1x16xf32>,
        %parallel_loop3A_447 = vector.shape_cast %parallel_loop3A_446 : vector<1x1x16xf32> to vector<16xf32>
        %parallel_loop3A_448 = arith.mulf %parallel_loop3A_447, %parallel_loop3A_400 : vector<16xf32>
        %parallel_loop3A_449 = arith.index_cast %and3A_298 : i32 to index
        %parallel_loop3A_450 = arith.index_cast %parallel_loop3A_384 : i32 to index
        %parallel_loop3A_451 = arith.constant 48 : index
        %parallel_loop3A_452 = tpu.vector_load %arg12[%parallel_loop3A_449, %parallel_loop3A_450, %parallel_loop3A_451] {strides = array<i32>} : memref<2x128x80xf32, #tpu.memory_space<vmem>>, vector<1x1x16xf32>,
        %parallel_loop3A_453 = vector.shape_cast %parallel_loop3A_452 : vector<1x1x16xf32> to vector<16xf32>
        %parallel_loop3A_454 = vector.shape_cast %parallel_loop3A_448 : vector<16xf32> to vector<1x1x16xf32>
        tpu.vector_store %arg12[%parallel_loop3A_449, %parallel_loop3A_450, %parallel_loop3A_451], %parallel_loop3A_454 {strides = array<i32>} : memref<2x128x80xf32, #tpu.memory_space<vmem>>, vector<1x1x16xf32>,
      } {sc.loop_unroll_factor = 4 : i64, sc.parallel_access}
      %and3A_355 = arith.constant 1 : i32
      %and3A_356 = arith.andi %add3A_296, %and3A_355 : i32
      %jit3A_357 = arith.constant 3 : i32
      %eq3A_358 = arith.constant 0 : i32
      %eq3A_359 = arith.cmpi eq, %jit3A_357, %eq3A_358 : i32
      %jit3A_360 = arith.constant 1 : i32
      %select_n3A_361 = arith.select %eq3A_359, %jit3A_360, %jit3A_357 : i32
      %rem3A_362 = arith.remsi %add3A_296, %select_n3A_361 : i32
      %ne3A_363 = arith.constant 0 : i32
      %ne3A_364 = arith.cmpi ne, %rem3A_362, %ne3A_363 : i32
      %lt3A_365 = arith.constant 0 : i32
      %lt3A_366 = arith.cmpi slt, %rem3A_362, %lt3A_365 : i32
      %lt3A_367 = arith.constant 0 : i32
      %lt3A_368 = arith.cmpi slt, %select_n3A_361, %lt3A_367 : i32
      %ne3A_369 = arith.xori %lt3A_366, %lt3A_368 : i1
      %and3A_370 = arith.andi %ne3A_369, %ne3A_364 : i1
      %add3A_371 = arith.addi %rem3A_362, %select_n3A_361 : i32
      %select_n3A_372 = arith.select %and3A_370, %add3A_371, %rem3A_362 : i32
      %dma_start3A_373 = arith.constant 1 : i32
      %dma_start3A_374 = arith.constant 0 : i32
      %dma_start3A_375 = arith.constant 0 : i32
      %dma_start3A_376 = tpu.memref_slice %arg12[%and3A_356, %dma_start3A_374, %dma_start3A_375] : memref<2x128x80xf32, #tpu.memory_space<vmem>> -> memref<1x128x80xf32, #tpu.memory_space<vmem>>
      %dma_start3A_377 = tpu.memref_squeeze %dma_start3A_376 : memref<1x128x80xf32, #tpu.memory_space<vmem>> -> memref<128x80xf32, #tpu.memory_space<vmem>>
      %dma_start3A_378 = arith.constant 0 : i32
      %dma_start3A_379 = tpu.memref_slice %arg11[%select_n3A_372, %dma_start3A_373, %dma_start3A_378] : memref<3x2x128xi32, #tpu.memory_space<vmem>> -> memref<1x1x128xi32, #tpu.memory_space<vmem>>
      %dma_start3A_380 = tpu.memref_squeeze %dma_start3A_379 : memref<1x1x128xi32, #tpu.memory_space<vmem>> -> memref<128xi32, #tpu.memory_space<vmem>>
      %dma_start3A_381 = arith.constant 0 : i32
      %dma_start3A_382 = arith.constant 0 : i32
      %dma_start3A_383 = tpu.memref_slice %arg9[%dma_start3A_381, %dma_start3A_382] : memref<10240x80xf32, #tpu.memory_space<vmem_shared>> -> memref<10240x80xf32, #tpu.memory_space<vmem_shared>>
      tpu.enqueue_indirect_dma source(%dma_start3A_377 : memref<128x80xf32, #tpu.memory_space<vmem>>) target(%dma_start3A_383 : memref<10240x80xf32, #tpu.memory_space<vmem_shared>>) offsets(%dma_start3A_380 : memref<128xi32, #tpu.memory_space<vmem>>) semaphore(%arg16 : memref<!tpu.dma_semaphore, #tpu.memory_space<semaphore_mem>>) {add = true}
    }
    %while3A_116 = arith.constant 1 : i32
    scf.for %while3A_294 = %while3A_114 to %while3A_110 step %while3A_116  : i32 {
      %mul3A_295 = arith.muli %while3A_294, %while3A : i32
      %add3A_296 = arith.addi %while3A_107, %mul3A_295 : i32
      %and3A_297 = arith.constant 1 : i32
      %and3A_298 = arith.andi %add3A_296, %and3A_297 : i32
      %and3A_299 = arith.constant 1 : i32
      %and3A_300 = arith.andi %add3A_296, %and3A_299 : i32
      %jit3A_301 = arith.constant 3 : i32
      %eq3A_302 = arith.constant 0 : i32
      %eq3A_303 = arith.cmpi eq, %jit3A_301, %eq3A_302 : i32
      %jit3A_304 = arith.constant 1 : i32
      %select_n3A_305 = arith.select %eq3A_303, %jit3A_304, %jit3A_301 : i32
      %rem3A_306 = arith.remsi %add3A_296, %select_n3A_305 : i32
      %ne3A_307 = arith.constant 0 : i32
      %ne3A_308 = arith.cmpi ne, %rem3A_306, %ne3A_307 : i32
      %lt3A_309 = arith.constant 0 : i32
      %lt3A_310 = arith.cmpi slt, %rem3A_306, %lt3A_309 : i32
      %lt3A_311 = arith.constant 0 : i32
      %lt3A_312 = arith.cmpi slt, %select_n3A_305, %lt3A_311 : i32
      %ne3A_313 = arith.xori %lt3A_310, %lt3A_312 : i1
      %and3A_314 = arith.andi %ne3A_313, %ne3A_308 : i1
      %add3A_315 = arith.addi %rem3A_306, %select_n3A_305 : i32
      %select_n3A_316 = arith.select %and3A_314, %add3A_315, %rem3A_306 : i32
      %dma_wait3A_317 = arith.constant 0 : i32
      %dma_wait3A_318 = arith.constant 0 : i32
      %dma_wait3A_319 = arith.constant 0 : i32
      %dma_wait3A_320 = tpu.memref_slice %arg12[%and3A_300, %dma_wait3A_318, %dma_wait3A_319] : memref<2x128x80xf32, #tpu.memory_space<vmem>> -> memref<1x128x80xf32, #tpu.memory_space<vmem>>
      %dma_wait3A_321 = tpu.memref_squeeze %dma_wait3A_320 : memref<1x128x80xf32, #tpu.memory_space<vmem>> -> memref<128x80xf32, #tpu.memory_space<vmem>>
      %dma_wait3A_322 = arith.constant 0 : i32
      %dma_wait3A_323 = tpu.memref_slice %arg11[%select_n3A_316, %dma_wait3A_317, %dma_wait3A_322] : memref<3x2x128xi32, #tpu.memory_space<vmem>> -> memref<1x1x128xi32, #tpu.memory_space<vmem>>
      %dma_wait3A_324 = tpu.memref_squeeze %dma_wait3A_323 : memref<1x1x128xi32, #tpu.memory_space<vmem>> -> memref<128xi32, #tpu.memory_space<vmem>>
      %dma_wait3A_325 = arith.constant 0 : i32
      %dma_wait3A_326 = arith.constant 0 : i32
      %dma_wait3A_327 = tpu.memref_slice %arg2[%dma_wait3A_325, %dma_wait3A_326] : memref<10240x80xf32, #tpu.memory_space<hbm>> -> memref<10240x80xf32, #tpu.memory_space<hbm>>
      tpu.wait_indirect_dma semaphore(%arg15 : memref<!tpu.dma_semaphore, #tpu.memory_space<semaphore_mem>>) src(%dma_wait3A_327 : memref<10240x80xf32, #tpu.memory_space<hbm>>) dst(%dma_wait3A_321 : memref<128x80xf32, #tpu.memory_space<vmem>>)
      %dma_wait3A_328 = arith.constant 1 : i32
      %dma_wait3A_329 = arith.constant 0 : i32
      %dma_wait3A_330 = arith.constant 0 : i32
      %dma_wait3A_331 = tpu.memref_slice %arg13[%and3A_300, %dma_wait3A_329, %dma_wait3A_330] : memref<2x128x16xf32, #tpu.memory_space<vmem>> -> memref<1x128x16xf32, #tpu.memory_space<vmem>>
      %dma_wait3A_332 = tpu.memref_squeeze %dma_wait3A_331 : memref<1x128x16xf32, #tpu.memory_space<vmem>> -> memref<128x16xf32, #tpu.memory_space<vmem>>
      %dma_wait3A_333 = arith.constant 0 : i32
      %dma_wait3A_334 = tpu.memref_slice %arg11[%select_n3A_316, %dma_wait3A_328, %dma_wait3A_333] : memref<3x2x128xi32, #tpu.memory_space<vmem>> -> memref<1x1x128xi32, #tpu.memory_space<vmem>>
      %dma_wait3A_335 = tpu.memref_squeeze %dma_wait3A_334 : memref<1x1x128xi32, #tpu.memory_space<vmem>> -> memref<128xi32, #tpu.memory_space<vmem>>
      %dma_wait3A_336 = arith.constant 0 : i32
      %dma_wait3A_337 = arith.constant 0 : i32
      %dma_wait3A_338 = tpu.memref_slice %arg3[%dma_wait3A_336, %dma_wait3A_337] : memref<10240x16xf32, #tpu.memory_space<hbm>> -> memref<10240x16xf32, #tpu.memory_space<hbm>>
      tpu.wait_indirect_dma semaphore(%arg15 : memref<!tpu.dma_semaphore, #tpu.memory_space<semaphore_mem>>) src(%dma_wait3A_338 : memref<10240x16xf32, #tpu.memory_space<hbm>>) dst(%dma_wait3A_332 : memref<128x16xf32, #tpu.memory_space<vmem>>)
      %ge3A = arith.constant 1 : i32
      %ge3A_339 = arith.cmpi sge, %add3A_296, %ge3A : i32
      %convert_element_type3A = arith.extui %ge3A_339 : i1 to i32
      %cond3A = arith.constant 0 : i32
      %cond3A_340 = arith.cmpi ne, %convert_element_type3A, %cond3A : i32
      scf.if %cond3A_340 {
        %sub3A_384 = arith.constant 1 : i32
        %sub3A_385 = arith.subi %add3A_296, %sub3A_384 : i32
        %and3A_386 = arith.constant 1 : i32
        %and3A_387 = arith.andi %sub3A_385, %and3A_386 : i32
        %jit3A_388 = arith.constant 3 : i32
        %eq3A_389 = arith.constant 0 : i32
        %eq3A_390 = arith.cmpi eq, %jit3A_388, %eq3A_389 : i32
        %jit3A_391 = arith.constant 1 : i32
        %select_n3A_392 = arith.select %eq3A_390, %jit3A_391, %jit3A_388 : i32
        %rem3A_393 = arith.remsi %sub3A_385, %select_n3A_392 : i32
        %ne3A_394 = arith.constant 0 : i32
        %ne3A_395 = arith.cmpi ne, %rem3A_393, %ne3A_394 : i32
        %lt3A_396 = arith.constant 0 : i32
        %lt3A_397 = arith.cmpi slt, %rem3A_393, %lt3A_396 : i32
        %lt3A_398 = arith.constant 0 : i32
        %lt3A_399 = arith.cmpi slt, %select_n3A_392, %lt3A_398 : i32
        %ne3A_400 = arith.xori %lt3A_397, %lt3A_399 : i1
        %and3A_401 = arith.andi %ne3A_400, %ne3A_395 : i1
        %add3A_402 = arith.addi %rem3A_393, %select_n3A_392 : i32
        %select_n3A_403 = arith.select %and3A_401, %add3A_402, %rem3A_393 : i32
        %dma_wait3A_404 = arith.constant 1 : i32
        %dma_wait3A_405 = arith.constant 0 : i32
        %dma_wait3A_406 = arith.constant 0 : i32
        %dma_wait3A_407 = tpu.memref_slice %arg12[%and3A_387, %dma_wait3A_405, %dma_wait3A_406] : memref<2x128x80xf32, #tpu.memory_space<vmem>> -> memref<1x128x80xf32, #tpu.memory_space<vmem>>
        %dma_wait3A_408 = tpu.memref_squeeze %dma_wait3A_407 : memref<1x128x80xf32, #tpu.memory_space<vmem>> -> memref<128x80xf32, #tpu.memory_space<vmem>>
        %dma_wait3A_409 = arith.constant 0 : i32
        %dma_wait3A_410 = tpu.memref_slice %arg11[%select_n3A_403, %dma_wait3A_404, %dma_wait3A_409] : memref<3x2x128xi32, #tpu.memory_space<vmem>> -> memref<1x1x128xi32, #tpu.memory_space<vmem>>
        %dma_wait3A_411 = tpu.memref_squeeze %dma_wait3A_410 : memref<1x1x128xi32, #tpu.memory_space<vmem>> -> memref<128xi32, #tpu.memory_space<vmem>>
        %dma_wait3A_412 = arith.constant 0 : i32
        %dma_wait3A_413 = arith.constant 0 : i32
        %dma_wait3A_414 = tpu.memref_slice %arg9[%dma_wait3A_412, %dma_wait3A_413] : memref<10240x80xf32, #tpu.memory_space<vmem_shared>> -> memref<10240x80xf32, #tpu.memory_space<vmem_shared>>
        tpu.wait_indirect_dma semaphore(%arg16 : memref<!tpu.dma_semaphore, #tpu.memory_space<semaphore_mem>>) src(%dma_wait3A_408 : memref<128x80xf32, #tpu.memory_space<vmem>>) dst(%dma_wait3A_414 : memref<10240x80xf32, #tpu.memory_space<vmem_shared>>)
      } else {
      }
      %add3A_341 = arith.constant 1 : i32
      %add3A_342 = arith.addi %add3A_296, %add3A_341 : i32
      %lt3A_343 = arith.cmpi slt, %add3A_342, %select_n3A : i32
      %convert_element_type3A_344 = arith.extui %lt3A_343 : i1 to i32
      %cond3A_345 = arith.constant 0 : i32
      %cond3A_346 = arith.cmpi ne, %convert_element_type3A_344, %cond3A_345 : i32
      scf.if %cond3A_346 {
        %add3A_384 = arith.constant 1 : i32
        %add3A_385 = arith.addi %add3A_296, %add3A_384 : i32
        %add3A_386 = arith.addi %add3A_19, %add3A_385 : i32
        %jit3A_387 = arith.constant 3 : i32
        %eq3A_388 = arith.constant 0 : i32
        %eq3A_389 = arith.cmpi eq, %jit3A_387, %eq3A_388 : i32
        %jit3A_390 = arith.constant 1 : i32
        %select_n3A_391 = arith.select %eq3A_389, %jit3A_390, %jit3A_387 : i32
        %rem3A_392 = arith.remsi %add3A_385, %select_n3A_391 : i32
        %ne3A_393 = arith.constant 0 : i32
        %ne3A_394 = arith.cmpi ne, %rem3A_392, %ne3A_393 : i32
        %lt3A_395 = arith.constant 0 : i32
        %lt3A_396 = arith.cmpi slt, %rem3A_392, %lt3A_395 : i32
        %lt3A_397 = arith.constant 0 : i32
        %lt3A_398 = arith.cmpi slt, %select_n3A_391, %lt3A_397 : i32
        %ne3A_399 = arith.xori %lt3A_396, %lt3A_398 : i1
        %and3A_400 = arith.andi %ne3A_399, %ne3A_394 : i1
        %add3A_401 = arith.addi %rem3A_392, %select_n3A_391 : i32
        %select_n3A_402 = arith.select %and3A_400, %add3A_401, %rem3A_392 : i32
        %dma_wait3A_403 = arith.constant 0 : i32
        %dma_wait3A_404 = arith.constant 0 : i32
        %dma_wait3A_405 = tpu.memref_slice %arg11[%select_n3A_402, %dma_wait3A_403, %dma_wait3A_404] : memref<3x2x128xi32, #tpu.memory_space<vmem>> -> memref<1x2x128xi32, #tpu.memory_space<vmem>>
        %dma_wait3A_406 = tpu.memref_squeeze %dma_wait3A_405 : memref<1x2x128xi32, #tpu.memory_space<vmem>> -> memref<2x128xi32, #tpu.memory_space<vmem>>
        %dma_wait3A_407 = arith.constant 0 : i32
        %dma_wait3A_408 = arith.constant 0 : i32
        %dma_wait3A_409 = tpu.memref_slice %arg6[%add3A_386, %dma_wait3A_407, %dma_wait3A_408] : memref<2528x2x128xi32, #tpu.memory_space<hbm>> -> memref<1x2x128xi32, #tpu.memory_space<hbm>>
        %dma_wait3A_410 = tpu.memref_squeeze %dma_wait3A_409 : memref<1x2x128xi32, #tpu.memory_space<hbm>> -> memref<2x128xi32, #tpu.memory_space<hbm>>
        %dma_wait3A_411 = arith.constant 0 : i32
        %dma_wait3A_412 = arith.constant 0 : i32
        %dma_wait3A_413 = tpu.memref_slice %arg11[%select_n3A_402, %dma_wait3A_411, %dma_wait3A_412] : memref<3x2x128xi32, #tpu.memory_space<vmem>> -> memref<1x2x128xi32, #tpu.memory_space<vmem>>
        %dma_wait3A_414 = tpu.memref_squeeze %dma_wait3A_413 : memref<1x2x128xi32, #tpu.memory_space<vmem>> -> memref<2x128xi32, #tpu.memory_space<vmem>>
        %dma_wait3A_415 = arith.constant 0 : i32
        %dma_wait3A_416 = arith.constant 0 : i32
        %dma_wait3A_417 = tpu.memref_slice %arg6[%add3A_386, %dma_wait3A_415, %dma_wait3A_416] : memref<2528x2x128xi32, #tpu.memory_space<hbm>> -> memref<1x2x128xi32, #tpu.memory_space<hbm>>
        %dma_wait3A_418 = tpu.memref_squeeze %dma_wait3A_417 : memref<1x2x128xi32, #tpu.memory_space<hbm>> -> memref<2x128xi32, #tpu.memory_space<hbm>>
        tpu.wait_dma2 semaphore(%arg14 : memref<!tpu.dma_semaphore, #tpu.memory_space<semaphore_mem>>) src(%dma_wait3A_418 : memref<2x128xi32, #tpu.memory_space<hbm>>) dst(%dma_wait3A_414 : memref<2x128xi32, #tpu.memory_space<vmem>>)
        %add3A_419 = arith.constant 1 : i32
        %add3A_420 = arith.addi %add3A_296, %add3A_419 : i32
        %and3A_421 = arith.constant 1 : i32
        %and3A_422 = arith.andi %add3A_420, %and3A_421 : i32
        %jit3A_423 = arith.constant 3 : i32
        %eq3A_424 = arith.constant 0 : i32
        %eq3A_425 = arith.cmpi eq, %jit3A_423, %eq3A_424 : i32
        %jit3A_426 = arith.constant 1 : i32
        %select_n3A_427 = arith.select %eq3A_425, %jit3A_426, %jit3A_423 : i32
        %rem3A_428 = arith.remsi %add3A_420, %select_n3A_427 : i32
        %ne3A_429 = arith.constant 0 : i32
        %ne3A_430 = arith.cmpi ne, %rem3A_428, %ne3A_429 : i32
        %lt3A_431 = arith.constant 0 : i32
        %lt3A_432 = arith.cmpi slt, %rem3A_428, %lt3A_431 : i32
        %lt3A_433 = arith.constant 0 : i32
        %lt3A_434 = arith.cmpi slt, %select_n3A_427, %lt3A_433 : i32
        %ne3A_435 = arith.xori %lt3A_432, %lt3A_434 : i1
        %and3A_436 = arith.andi %ne3A_435, %ne3A_430 : i1
        %add3A_437 = arith.addi %rem3A_428, %select_n3A_427 : i32
        %select_n3A_438 = arith.select %and3A_436, %add3A_437, %rem3A_428 : i32
        %dma_start3A_439 = arith.constant 0 : i32
        %dma_start3A_440 = arith.constant 0 : i32
        %dma_start3A_441 = arith.constant 0 : i32
        %dma_start3A_442 = tpu.memref_slice %arg12[%and3A_422, %dma_start3A_440, %dma_start3A_441] : memref<2x128x80xf32, #tpu.memory_space<vmem>> -> memref<1x128x80xf32, #tpu.memory_space<vmem>>
        %dma_start3A_443 = tpu.memref_squeeze %dma_start3A_442 : memref<1x128x80xf32, #tpu.memory_space<vmem>> -> memref<128x80xf32, #tpu.memory_space<vmem>>
        %dma_start3A_444 = arith.constant 0 : i32
        %dma_start3A_445 = tpu.memref_slice %arg11[%select_n3A_438, %dma_start3A_439, %dma_start3A_444] : memref<3x2x128xi32, #tpu.memory_space<vmem>> -> memref<1x1x128xi32, #tpu.memory_space<vmem>>
        %dma_start3A_446 = tpu.memref_squeeze %dma_start3A_445 : memref<1x1x128xi32, #tpu.memory_space<vmem>> -> memref<128xi32, #tpu.memory_space<vmem>>
        %dma_start3A_447 = arith.constant 0 : i32
        %dma_start3A_448 = arith.constant 0 : i32
        %dma_start3A_449 = tpu.memref_slice %arg2[%dma_start3A_447, %dma_start3A_448] : memref<10240x80xf32, #tpu.memory_space<hbm>> -> memref<10240x80xf32, #tpu.memory_space<hbm>>
        tpu.enqueue_indirect_dma source(%dma_start3A_449 : memref<10240x80xf32, #tpu.memory_space<hbm>>) target(%dma_start3A_443 : memref<128x80xf32, #tpu.memory_space<vmem>>) offsets(%dma_start3A_446 : memref<128xi32, #tpu.memory_space<vmem>>) semaphore(%arg15 : memref<!tpu.dma_semaphore, #tpu.memory_space<semaphore_mem>>)
        %dma_start3A_450 = arith.constant 1 : i32
        %dma_start3A_451 = arith.constant 0 : i32
        %dma_start3A_452 = arith.constant 0 : i32
        %dma_start3A_453 = tpu.memref_slice %arg13[%and3A_422, %dma_start3A_451, %dma_start3A_452] : memref<2x128x16xf32, #tpu.memory_space<vmem>> -> memref<1x128x16xf32, #tpu.memory_space<vmem>>
        %dma_start3A_454 = tpu.memref_squeeze %dma_start3A_453 : memref<1x128x16xf32, #tpu.memory_space<vmem>> -> memref<128x16xf32, #tpu.memory_space<vmem>>
        %dma_start3A_455 = arith.constant 0 : i32
        %dma_start3A_456 = tpu.memref_slice %arg11[%select_n3A_438, %dma_start3A_450, %dma_start3A_455] : memref<3x2x128xi32, #tpu.memory_space<vmem>> -> memref<1x1x128xi32, #tpu.memory_space<vmem>>
        %dma_start3A_457 = tpu.memref_squeeze %dma_start3A_456 : memref<1x1x128xi32, #tpu.memory_space<vmem>> -> memref<128xi32, #tpu.memory_space<vmem>>
        %dma_start3A_458 = arith.constant 0 : i32
        %dma_start3A_459 = arith.constant 0 : i32
        %dma_start3A_460 = tpu.memref_slice %arg3[%dma_start3A_458, %dma_start3A_459] : memref<10240x16xf32, #tpu.memory_space<hbm>> -> memref<10240x16xf32, #tpu.memory_space<hbm>>
        tpu.enqueue_indirect_dma source(%dma_start3A_460 : memref<10240x16xf32, #tpu.memory_space<hbm>>) target(%dma_start3A_454 : memref<128x16xf32, #tpu.memory_space<vmem>>) offsets(%dma_start3A_457 : memref<128xi32, #tpu.memory_space<vmem>>) semaphore(%arg15 : memref<!tpu.dma_semaphore, #tpu.memory_space<semaphore_mem>>)
      } else {
      }
      %add3A_347 = arith.constant 2 : i32
      %add3A_348 = arith.addi %add3A_296, %add3A_347 : i32
      %lt3A_349 = arith.cmpi slt, %add3A_348, %select_n3A : i32
      %convert_element_type3A_350 = arith.extui %lt3A_349 : i1 to i32
      %cond3A_351 = arith.constant 0 : i32
      %cond3A_352 = arith.cmpi ne, %convert_element_type3A_350, %cond3A_351 : i32
      scf.if %cond3A_352 {
        %add3A_384 = arith.constant 2 : i32
        %add3A_385 = arith.addi %add3A_296, %add3A_384 : i32
        %add3A_386 = arith.addi %add3A_19, %add3A_385 : i32
        %jit3A_387 = arith.constant 3 : i32
        %eq3A_388 = arith.constant 0 : i32
        %eq3A_389 = arith.cmpi eq, %jit3A_387, %eq3A_388 : i32
        %jit3A_390 = arith.constant 1 : i32
        %select_n3A_391 = arith.select %eq3A_389, %jit3A_390, %jit3A_387 : i32
        %rem3A_392 = arith.remsi %add3A_385, %select_n3A_391 : i32
        %ne3A_393 = arith.constant 0 : i32
        %ne3A_394 = arith.cmpi ne, %rem3A_392, %ne3A_393 : i32
        %lt3A_395 = arith.constant 0 : i32
        %lt3A_396 = arith.cmpi slt, %rem3A_392, %lt3A_395 : i32
        %lt3A_397 = arith.constant 0 : i32
        %lt3A_398 = arith.cmpi slt, %select_n3A_391, %lt3A_397 : i32
        %ne3A_399 = arith.xori %lt3A_396, %lt3A_398 : i1
        %and3A_400 = arith.andi %ne3A_399, %ne3A_394 : i1
        %add3A_401 = arith.addi %rem3A_392, %select_n3A_391 : i32
        %select_n3A_402 = arith.select %and3A_400, %add3A_401, %rem3A_392 : i32
        %dma_start3A_403 = arith.constant 0 : i32
        %dma_start3A_404 = arith.constant 0 : i32
        %dma_start3A_405 = tpu.memref_slice %arg11[%select_n3A_402, %dma_start3A_403, %dma_start3A_404] : memref<3x2x128xi32, #tpu.memory_space<vmem>> -> memref<1x2x128xi32, #tpu.memory_space<vmem>>
        %dma_start3A_406 = tpu.memref_squeeze %dma_start3A_405 : memref<1x2x128xi32, #tpu.memory_space<vmem>> -> memref<2x128xi32, #tpu.memory_space<vmem>>
        %dma_start3A_407 = arith.constant 0 : i32
        %dma_start3A_408 = arith.constant 0 : i32
        %dma_start3A_409 = tpu.memref_slice %arg6[%add3A_386, %dma_start3A_407, %dma_start3A_408] : memref<2528x2x128xi32, #tpu.memory_space<hbm>> -> memref<1x2x128xi32, #tpu.memory_space<hbm>>
        %dma_start3A_410 = tpu.memref_squeeze %dma_start3A_409 : memref<1x2x128xi32, #tpu.memory_space<hbm>> -> memref<2x128xi32, #tpu.memory_space<hbm>>
        %dma_start3A_411 = arith.constant 0 : i32
        %dma_start3A_412 = arith.constant 0 : i32
        %dma_start3A_413 = tpu.memref_slice %arg11[%select_n3A_402, %dma_start3A_411, %dma_start3A_412] : memref<3x2x128xi32, #tpu.memory_space<vmem>> -> memref<1x2x128xi32, #tpu.memory_space<vmem>>
        %dma_start3A_414 = tpu.memref_squeeze %dma_start3A_413 : memref<1x2x128xi32, #tpu.memory_space<vmem>> -> memref<2x128xi32, #tpu.memory_space<vmem>>
        %dma_start3A_415 = arith.constant 0 : i32
        %dma_start3A_416 = arith.constant 0 : i32
        %dma_start3A_417 = tpu.memref_slice %arg6[%add3A_386, %dma_start3A_415, %dma_start3A_416] : memref<2528x2x128xi32, #tpu.memory_space<hbm>> -> memref<1x2x128xi32, #tpu.memory_space<hbm>>
        %dma_start3A_418 = tpu.memref_squeeze %dma_start3A_417 : memref<1x2x128xi32, #tpu.memory_space<hbm>> -> memref<2x128xi32, #tpu.memory_space<hbm>>
        tpu.enqueue_dma source(%dma_start3A_418 : memref<2x128xi32, #tpu.memory_space<hbm>>) target(%dma_start3A_414 : memref<2x128xi32, #tpu.memory_space<vmem>>) target_semaphore(%arg14 : memref<!tpu.dma_semaphore, #tpu.memory_space<semaphore_mem>>)
      } else {
      }
      %parallel_loop3A = arith.constant 0 : i32
      %parallel_loop3A_353 = arith.constant 128 : i32
      %parallel_loop3A_354 = arith.constant 1 : i32
      scf.for %parallel_loop3A_384 = %parallel_loop3A to %parallel_loop3A_353 step %parallel_loop3A_354  : i32 {
        %parallel_loop3A_385 = arith.index_cast %and3A_298 : i32 to index
        %parallel_loop3A_386 = arith.index_cast %parallel_loop3A_384 : i32 to index
        %parallel_loop3A_387 = arith.constant 64 : index
        %parallel_loop3A_388 = tpu.vector_load %arg12[%parallel_loop3A_385, %parallel_loop3A_386, %parallel_loop3A_387] {strides = array<i32>} : memref<2x128x80xf32, #tpu.memory_space<vmem>>, vector<1x1x16xf32>,
        %parallel_loop3A_389 = vector.shape_cast %parallel_loop3A_388 : vector<1x1x16xf32> to vector<16xf32>
        %parallel_loop3A_390 = arith.index_cast %and3A_298 : i32 to index
        %parallel_loop3A_391 = arith.index_cast %parallel_loop3A_384 : i32 to index
        %parallel_loop3A_392 = arith.constant 0 : index
        %parallel_loop3A_393 = tpu.vector_load %arg13[%parallel_loop3A_390, %parallel_loop3A_391, %parallel_loop3A_392] {strides = array<i32>} : memref<2x128x16xf32, #tpu.memory_space<vmem>>, vector<1x1x16xf32>,
        %parallel_loop3A_394 = vector.shape_cast %parallel_loop3A_393 : vector<1x1x16xf32> to vector<16xf32>
        %parallel_loop3A_395 = arith.addf %parallel_loop3A_389, %parallel_loop3A_394 : vector<16xf32>
        %parallel_loop3A_396 = arith.constant 2.000000e-01 : f32
        %parallel_loop3A_397 = vector.broadcast %parallel_loop3A_396 : f32 to vector<16xf32>
        %parallel_loop3A_398 = arith.mulf %parallel_loop3A_395, %parallel_loop3A_397 : vector<16xf32>
        %parallel_loop3A_399 = arith.maximumf %parallel_loop3A_395, %parallel_loop3A_398 : vector<16xf32>
        %parallel_loop3A_400 = math.exp %parallel_loop3A_399 : vector<16xf32>
        %parallel_loop3A_401 = arith.index_cast %and3A_298 : i32 to index
        %parallel_loop3A_402 = arith.index_cast %parallel_loop3A_384 : i32 to index
        %parallel_loop3A_403 = arith.constant 64 : index
        %parallel_loop3A_404 = tpu.vector_load %arg12[%parallel_loop3A_401, %parallel_loop3A_402, %parallel_loop3A_403] {strides = array<i32>} : memref<2x128x80xf32, #tpu.memory_space<vmem>>, vector<1x1x16xf32>,
        %parallel_loop3A_405 = vector.shape_cast %parallel_loop3A_404 : vector<1x1x16xf32> to vector<16xf32>
        %parallel_loop3A_406 = vector.shape_cast %parallel_loop3A_400 : vector<16xf32> to vector<1x1x16xf32>
        tpu.vector_store %arg12[%parallel_loop3A_401, %parallel_loop3A_402, %parallel_loop3A_403], %parallel_loop3A_406 {strides = array<i32>} : memref<2x128x80xf32, #tpu.memory_space<vmem>>, vector<1x1x16xf32>,
        %parallel_loop3A_407 = arith.index_cast %and3A_298 : i32 to index
        %parallel_loop3A_408 = arith.index_cast %parallel_loop3A_384 : i32 to index
        %parallel_loop3A_409 = arith.constant 0 : index
        %parallel_loop3A_410 = tpu.vector_load %arg12[%parallel_loop3A_407, %parallel_loop3A_408, %parallel_loop3A_409] {strides = array<i32>} : memref<2x128x80xf32, #tpu.memory_space<vmem>>, vector<1x1x16xf32>,
        %parallel_loop3A_411 = vector.shape_cast %parallel_loop3A_410 : vector<1x1x16xf32> to vector<16xf32>
        %parallel_loop3A_412 = arith.mulf %parallel_loop3A_411, %parallel_loop3A_400 : vector<16xf32>
        %parallel_loop3A_413 = arith.index_cast %and3A_298 : i32 to index
        %parallel_loop3A_414 = arith.index_cast %parallel_loop3A_384 : i32 to index
        %parallel_loop3A_415 = arith.constant 0 : index
        %parallel_loop3A_416 = tpu.vector_load %arg12[%parallel_loop3A_413, %parallel_loop3A_414, %parallel_loop3A_415] {strides = array<i32>} : memref<2x128x80xf32, #tpu.memory_space<vmem>>, vector<1x1x16xf32>,
        %parallel_loop3A_417 = vector.shape_cast %parallel_loop3A_416 : vector<1x1x16xf32> to vector<16xf32>
        %parallel_loop3A_418 = vector.shape_cast %parallel_loop3A_412 : vector<16xf32> to vector<1x1x16xf32>
        tpu.vector_store %arg12[%parallel_loop3A_413, %parallel_loop3A_414, %parallel_loop3A_415], %parallel_loop3A_418 {strides = array<i32>} : memref<2x128x80xf32, #tpu.memory_space<vmem>>, vector<1x1x16xf32>,
        %parallel_loop3A_419 = arith.index_cast %and3A_298 : i32 to index
        %parallel_loop3A_420 = arith.index_cast %parallel_loop3A_384 : i32 to index
        %parallel_loop3A_421 = arith.constant 16 : index
        %parallel_loop3A_422 = tpu.vector_load %arg12[%parallel_loop3A_419, %parallel_loop3A_420, %parallel_loop3A_421] {strides = array<i32>} : memref<2x128x80xf32, #tpu.memory_space<vmem>>, vector<1x1x16xf32>,
        %parallel_loop3A_423 = vector.shape_cast %parallel_loop3A_422 : vector<1x1x16xf32> to vector<16xf32>
        %parallel_loop3A_424 = arith.mulf %parallel_loop3A_423, %parallel_loop3A_400 : vector<16xf32>
        %parallel_loop3A_425 = arith.index_cast %and3A_298 : i32 to index
        %parallel_loop3A_426 = arith.index_cast %parallel_loop3A_384 : i32 to index
        %parallel_loop3A_427 = arith.constant 16 : index
        %parallel_loop3A_428 = tpu.vector_load %arg12[%parallel_loop3A_425, %parallel_loop3A_426, %parallel_loop3A_427] {strides = array<i32>} : memref<2x128x80xf32, #tpu.memory_space<vmem>>, vector<1x1x16xf32>,
        %parallel_loop3A_429 = vector.shape_cast %parallel_loop3A_428 : vector<1x1x16xf32> to vector<16xf32>
        %parallel_loop3A_430 = vector.shape_cast %parallel_loop3A_424 : vector<16xf32> to vector<1x1x16xf32>
        tpu.vector_store %arg12[%parallel_loop3A_425, %parallel_loop3A_426, %parallel_loop3A_427], %parallel_loop3A_430 {strides = array<i32>} : memref<2x128x80xf32, #tpu.memory_space<vmem>>, vector<1x1x16xf32>,
        %parallel_loop3A_431 = arith.index_cast %and3A_298 : i32 to index
        %parallel_loop3A_432 = arith.index_cast %parallel_loop3A_384 : i32 to index
        %parallel_loop3A_433 = arith.constant 32 : index
        %parallel_loop3A_434 = tpu.vector_load %arg12[%parallel_loop3A_431, %parallel_loop3A_432, %parallel_loop3A_433] {strides = array<i32>} : memref<2x128x80xf32, #tpu.memory_space<vmem>>, vector<1x1x16xf32>,
        %parallel_loop3A_435 = vector.shape_cast %parallel_loop3A_434 : vector<1x1x16xf32> to vector<16xf32>
        %parallel_loop3A_436 = arith.mulf %parallel_loop3A_435, %parallel_loop3A_400 : vector<16xf32>
        %parallel_loop3A_437 = arith.index_cast %and3A_298 : i32 to index
        %parallel_loop3A_438 = arith.index_cast %parallel_loop3A_384 : i32 to index
        %parallel_loop3A_439 = arith.constant 32 : index
        %parallel_loop3A_440 = tpu.vector_load %arg12[%parallel_loop3A_437, %parallel_loop3A_438, %parallel_loop3A_439] {strides = array<i32>} : memref<2x128x80xf32, #tpu.memory_space<vmem>>, vector<1x1x16xf32>,
        %parallel_loop3A_441 = vector.shape_cast %parallel_loop3A_440 : vector<1x1x16xf32> to vector<16xf32>
        %parallel_loop3A_442 = vector.shape_cast %parallel_loop3A_436 : vector<16xf32> to vector<1x1x16xf32>
        tpu.vector_store %arg12[%parallel_loop3A_437, %parallel_loop3A_438, %parallel_loop3A_439], %parallel_loop3A_442 {strides = array<i32>} : memref<2x128x80xf32, #tpu.memory_space<vmem>>, vector<1x1x16xf32>,
        %parallel_loop3A_443 = arith.index_cast %and3A_298 : i32 to index
        %parallel_loop3A_444 = arith.index_cast %parallel_loop3A_384 : i32 to index
        %parallel_loop3A_445 = arith.constant 48 : index
        %parallel_loop3A_446 = tpu.vector_load %arg12[%parallel_loop3A_443, %parallel_loop3A_444, %parallel_loop3A_445] {strides = array<i32>} : memref<2x128x80xf32, #tpu.memory_space<vmem>>, vector<1x1x16xf32>,
        %parallel_loop3A_447 = vector.shape_cast %parallel_loop3A_446 : vector<1x1x16xf32> to vector<16xf32>
        %parallel_loop3A_448 = arith.mulf %parallel_loop3A_447, %parallel_loop3A_400 : vector<16xf32>
        %parallel_loop3A_449 = arith.index_cast %and3A_298 : i32 to index
        %parallel_loop3A_450 = arith.index_cast %parallel_loop3A_384 : i32 to index
        %parallel_loop3A_451 = arith.constant 48 : index
        %parallel_loop3A_452 = tpu.vector_load %arg12[%parallel_loop3A_449, %parallel_loop3A_450, %parallel_loop3A_451] {strides = array<i32>} : memref<2x128x80xf32, #tpu.memory_space<vmem>>, vector<1x1x16xf32>,
        %parallel_loop3A_453 = vector.shape_cast %parallel_loop3A_452 : vector<1x1x16xf32> to vector<16xf32>
        %parallel_loop3A_454 = vector.shape_cast %parallel_loop3A_448 : vector<16xf32> to vector<1x1x16xf32>
        tpu.vector_store %arg12[%parallel_loop3A_449, %parallel_loop3A_450, %parallel_loop3A_451], %parallel_loop3A_454 {strides = array<i32>} : memref<2x128x80xf32, #tpu.memory_space<vmem>>, vector<1x1x16xf32>,
      } {sc.loop_unroll_factor = 4 : i64, sc.parallel_access}
      %and3A_355 = arith.constant 1 : i32
      %and3A_356 = arith.andi %add3A_296, %and3A_355 : i32
      %jit3A_357 = arith.constant 3 : i32
      %eq3A_358 = arith.constant 0 : i32
      %eq3A_359 = arith.cmpi eq, %jit3A_357, %eq3A_358 : i32
      %jit3A_360 = arith.constant 1 : i32
      %select_n3A_361 = arith.select %eq3A_359, %jit3A_360, %jit3A_357 : i32
      %rem3A_362 = arith.remsi %add3A_296, %select_n3A_361 : i32
      %ne3A_363 = arith.constant 0 : i32
      %ne3A_364 = arith.cmpi ne, %rem3A_362, %ne3A_363 : i32
      %lt3A_365 = arith.constant 0 : i32
      %lt3A_366 = arith.cmpi slt, %rem3A_362, %lt3A_365 : i32
      %lt3A_367 = arith.constant 0 : i32
      %lt3A_368 = arith.cmpi slt, %select_n3A_361, %lt3A_367 : i32
      %ne3A_369 = arith.xori %lt3A_366, %lt3A_368 : i1
      %and3A_370 = arith.andi %ne3A_369, %ne3A_364 : i1
      %add3A_371 = arith.addi %rem3A_362, %select_n3A_361 : i32
      %select_n3A_372 = arith.select %and3A_370, %add3A_371, %rem3A_362 : i32
      %dma_start3A_373 = arith.constant 1 : i32
      %dma_start3A_374 = arith.constant 0 : i32
      %dma_start3A_375 = arith.constant 0 : i32
      %dma_start3A_376 = tpu.memref_slice %arg12[%and3A_356, %dma_start3A_374, %dma_start3A_375] : memref<2x128x80xf32, #tpu.memory_space<vmem>> -> memref<1x128x80xf32, #tpu.memory_space<vmem>>
      %dma_start3A_377 = tpu.memref_squeeze %dma_start3A_376 : memref<1x128x80xf32, #tpu.memory_space<vmem>> -> memref<128x80xf32, #tpu.memory_space<vmem>>
      %dma_start3A_378 = arith.constant 0 : i32
      %dma_start3A_379 = tpu.memref_slice %arg11[%select_n3A_372, %dma_start3A_373, %dma_start3A_378] : memref<3x2x128xi32, #tpu.memory_space<vmem>> -> memref<1x1x128xi32, #tpu.memory_space<vmem>>
      %dma_start3A_380 = tpu.memref_squeeze %dma_start3A_379 : memref<1x1x128xi32, #tpu.memory_space<vmem>> -> memref<128xi32, #tpu.memory_space<vmem>>
      %dma_start3A_381 = arith.constant 0 : i32
      %dma_start3A_382 = arith.constant 0 : i32
      %dma_start3A_383 = tpu.memref_slice %arg9[%dma_start3A_381, %dma_start3A_382] : memref<10240x80xf32, #tpu.memory_space<vmem_shared>> -> memref<10240x80xf32, #tpu.memory_space<vmem_shared>>
      tpu.enqueue_indirect_dma source(%dma_start3A_377 : memref<128x80xf32, #tpu.memory_space<vmem>>) target(%dma_start3A_383 : memref<10240x80xf32, #tpu.memory_space<vmem_shared>>) offsets(%dma_start3A_380 : memref<128xi32, #tpu.memory_space<vmem>>) semaphore(%arg16 : memref<!tpu.dma_semaphore, #tpu.memory_space<semaphore_mem>>) {add = true}
    }
    %sub3A_117 = arith.constant 1 : i32
    %sub3A_118 = arith.subi %select_n3A, %sub3A_117 : i32
    %and3A = arith.constant 1 : i32
    %and3A_119 = arith.andi %sub3A_118, %and3A : i32
    %jit3A_120 = arith.constant 3 : i32
    %eq3A_121 = arith.constant 0 : i32
    %eq3A_122 = arith.cmpi eq, %jit3A_120, %eq3A_121 : i32
    %jit3A_123 = arith.constant 1 : i32
    %select_n3A_124 = arith.select %eq3A_122, %jit3A_123, %jit3A_120 : i32
    %rem3A = arith.remsi %sub3A_118, %select_n3A_124 : i32
    %ne3A = arith.constant 0 : i32
    %ne3A_125 = arith.cmpi ne, %rem3A, %ne3A : i32
    %lt3A = arith.constant 0 : i32
    %lt3A_126 = arith.cmpi slt, %rem3A, %lt3A : i32
    %lt3A_127 = arith.constant 0 : i32
    %lt3A_128 = arith.cmpi slt, %select_n3A_124, %lt3A_127 : i32
    %ne3A_129 = arith.xori %lt3A_126, %lt3A_128 : i1
    %and3A_130 = arith.andi %ne3A_129, %ne3A_125 : i1
    %add3A_131 = arith.addi %rem3A, %select_n3A_124 : i32
    %select_n3A_132 = arith.select %and3A_130, %add3A_131, %rem3A : i32
    %dma_wait3A_133 = arith.constant 1 : i32
    %dma_wait3A_134 = arith.constant 0 : i32
    %dma_wait3A_135 = arith.constant 0 : i32
    %dma_wait3A_136 = tpu.memref_slice %arg12[%and3A_119, %dma_wait3A_134, %dma_wait3A_135] : memref<2x128x80xf32, #tpu.memory_space<vmem>> -> memref<1x128x80xf32, #tpu.memory_space<vmem>>
    %dma_wait3A_137 = tpu.memref_squeeze %dma_wait3A_136 : memref<1x128x80xf32, #tpu.memory_space<vmem>> -> memref<128x80xf32, #tpu.memory_space<vmem>>
    %dma_wait3A_138 = arith.constant 0 : i32
    %dma_wait3A_139 = tpu.memref_slice %arg11[%select_n3A_132, %dma_wait3A_133, %dma_wait3A_138] : memref<3x2x128xi32, #tpu.memory_space<vmem>> -> memref<1x1x128xi32, #tpu.memory_space<vmem>>
    %dma_wait3A_140 = tpu.memref_squeeze %dma_wait3A_139 : memref<1x1x128xi32, #tpu.memory_space<vmem>> -> memref<128xi32, #tpu.memory_space<vmem>>
    %dma_wait3A_141 = arith.constant 0 : i32
    %dma_wait3A_142 = arith.constant 0 : i32
    %dma_wait3A_143 = tpu.memref_slice %arg9[%dma_wait3A_141, %dma_wait3A_142] : memref<10240x80xf32, #tpu.memory_space<vmem_shared>> -> memref<10240x80xf32, #tpu.memory_space<vmem_shared>>
    tpu.wait_indirect_dma semaphore(%arg16 : memref<!tpu.dma_semaphore, #tpu.memory_space<semaphore_mem>>) src(%dma_wait3A_137 : memref<128x80xf32, #tpu.memory_space<vmem>>) dst(%dma_wait3A_143 : memref<10240x80xf32, #tpu.memory_space<vmem_shared>>)
    %eq3A_144 = arith.constant 0 : i32
    %eq3A_145 = arith.cmpi eq, %arg0, %eq3A_144 : i32
    %jit3A_146 = arith.constant 120 : i32
    %jit3A_147 = arith.constant 38 : i32
    %select_n3A_148 = arith.select %eq3A_145, %jit3A_146, %jit3A_147 : i32
    %mul3A_149 = arith.constant 158 : i32
    %mul3A_150 = arith.muli %arg1, %mul3A_149 : i32
    %eq3A_151 = arith.constant 0 : i32
    %eq3A_152 = arith.cmpi eq, %arg0, %eq3A_151 : i32
    %jit3A_153 = arith.constant 0 : i32
    %jit3A_154 = arith.constant 120 : i32
    %select_n3A_155 = arith.select %eq3A_152, %jit3A_153, %jit3A_154 : i32
    %add3A_156 = arith.addi %mul3A_150, %select_n3A_155 : i32
    %add3A_157 = arith.constant 0 : i32
    %add3A_158 = arith.addi %add3A_156, %add3A_157 : i32
    %dma_start3A_159 = arith.constant 0 : i32
    %dma_start3A_160 = arith.constant 0 : i32
    %dma_start3A_161 = arith.constant 0 : i32
    %dma_start3A_162 = tpu.memref_slice %arg11[%dma_start3A_159, %dma_start3A_160, %dma_start3A_161] : memref<3x2x128xi32, #tpu.memory_space<vmem>> -> memref<1x2x128xi32, #tpu.memory_space<vmem>>
    %dma_start3A_163 = tpu.memref_squeeze %dma_start3A_162 : memref<1x2x128xi32, #tpu.memory_space<vmem>> -> memref<2x128xi32, #tpu.memory_space<vmem>>
    %dma_start3A_164 = arith.constant 0 : i32
    %dma_start3A_165 = arith.constant 0 : i32
    %dma_start3A_166 = tpu.memref_slice %arg7[%add3A_158, %dma_start3A_164, %dma_start3A_165] : memref<2528x2x128xi32, #tpu.memory_space<hbm>> -> memref<1x2x128xi32, #tpu.memory_space<hbm>>
    %dma_start3A_167 = tpu.memref_squeeze %dma_start3A_166 : memref<1x2x128xi32, #tpu.memory_space<hbm>> -> memref<2x128xi32, #tpu.memory_space<hbm>>
    %dma_start3A_168 = arith.constant 0 : i32
    %dma_start3A_169 = arith.constant 0 : i32
    %dma_start3A_170 = tpu.memref_slice %arg11[%dma_start3A_159, %dma_start3A_168, %dma_start3A_169] : memref<3x2x128xi32, #tpu.memory_space<vmem>> -> memref<1x2x128xi32, #tpu.memory_space<vmem>>
    %dma_start3A_171 = tpu.memref_squeeze %dma_start3A_170 : memref<1x2x128xi32, #tpu.memory_space<vmem>> -> memref<2x128xi32, #tpu.memory_space<vmem>>
    %dma_start3A_172 = arith.constant 0 : i32
    %dma_start3A_173 = arith.constant 0 : i32
    %dma_start3A_174 = tpu.memref_slice %arg7[%add3A_158, %dma_start3A_172, %dma_start3A_173] : memref<2528x2x128xi32, #tpu.memory_space<hbm>> -> memref<1x2x128xi32, #tpu.memory_space<hbm>>
    %dma_start3A_175 = tpu.memref_squeeze %dma_start3A_174 : memref<1x2x128xi32, #tpu.memory_space<hbm>> -> memref<2x128xi32, #tpu.memory_space<hbm>>
    tpu.enqueue_dma source(%dma_start3A_175 : memref<2x128xi32, #tpu.memory_space<hbm>>) target(%dma_start3A_171 : memref<2x128xi32, #tpu.memory_space<vmem>>) target_semaphore(%arg14 : memref<!tpu.dma_semaphore, #tpu.memory_space<semaphore_mem>>)
    %add3A_176 = arith.constant 0 : i32
    %add3A_177 = arith.addi %add3A_156, %add3A_176 : i32
    %dma_wait3A_178 = arith.constant 0 : i32
    %dma_wait3A_179 = arith.constant 0 : i32
    %dma_wait3A_180 = arith.constant 0 : i32
    %dma_wait3A_181 = tpu.memref_slice %arg11[%dma_wait3A_178, %dma_wait3A_179, %dma_wait3A_180] : memref<3x2x128xi32, #tpu.memory_space<vmem>> -> memref<1x2x128xi32, #tpu.memory_space<vmem>>
    %dma_wait3A_182 = tpu.memref_squeeze %dma_wait3A_181 : memref<1x2x128xi32, #tpu.memory_space<vmem>> -> memref<2x128xi32, #tpu.memory_space<vmem>>
    %dma_wait3A_183 = arith.constant 0 : i32
    %dma_wait3A_184 = arith.constant 0 : i32
    %dma_wait3A_185 = tpu.memref_slice %arg7[%add3A_177, %dma_wait3A_183, %dma_wait3A_184] : memref<2528x2x128xi32, #tpu.memory_space<hbm>> -> memref<1x2x128xi32, #tpu.memory_space<hbm>>
    %dma_wait3A_186 = tpu.memref_squeeze %dma_wait3A_185 : memref<1x2x128xi32, #tpu.memory_space<hbm>> -> memref<2x128xi32, #tpu.memory_space<hbm>>
    %dma_wait3A_187 = arith.constant 0 : i32
    %dma_wait3A_188 = arith.constant 0 : i32
    %dma_wait3A_189 = tpu.memref_slice %arg11[%dma_wait3A_178, %dma_wait3A_187, %dma_wait3A_188] : memref<3x2x128xi32, #tpu.memory_space<vmem>> -> memref<1x2x128xi32, #tpu.memory_space<vmem>>
    %dma_wait3A_190 = tpu.memref_squeeze %dma_wait3A_189 : memref<1x2x128xi32, #tpu.memory_space<vmem>> -> memref<2x128xi32, #tpu.memory_space<vmem>>
    %dma_wait3A_191 = arith.constant 0 : i32
    %dma_wait3A_192 = arith.constant 0 : i32
    %dma_wait3A_193 = tpu.memref_slice %arg7[%add3A_177, %dma_wait3A_191, %dma_wait3A_192] : memref<2528x2x128xi32, #tpu.memory_space<hbm>> -> memref<1x2x128xi32, #tpu.memory_space<hbm>>
    %dma_wait3A_194 = tpu.memref_squeeze %dma_wait3A_193 : memref<1x2x128xi32, #tpu.memory_space<hbm>> -> memref<2x128xi32, #tpu.memory_space<hbm>>
    tpu.wait_dma2 semaphore(%arg14 : memref<!tpu.dma_semaphore, #tpu.memory_space<semaphore_mem>>) src(%dma_wait3A_194 : memref<2x128xi32, #tpu.memory_space<hbm>>) dst(%dma_wait3A_190 : memref<2x128xi32, #tpu.memory_space<vmem>>)
    %dma_start3A_195 = arith.constant 0 : i32
    %dma_start3A_196 = arith.constant 0 : i32
    %dma_start3A_197 = arith.constant 0 : i32
    %dma_start3A_198 = arith.constant 0 : i32
    %dma_start3A_199 = arith.constant 0 : i32
    %dma_start3A_200 = tpu.memref_slice %arg12[%dma_start3A_197, %dma_start3A_198, %dma_start3A_199] : memref<2x128x80xf32, #tpu.memory_space<vmem>> -> memref<1x128x80xf32, #tpu.memory_space<vmem>>
    %dma_start3A_201 = tpu.memref_squeeze %dma_start3A_200 : memref<1x128x80xf32, #tpu.memory_space<vmem>> -> memref<128x80xf32, #tpu.memory_space<vmem>>
    %dma_start3A_202 = arith.constant 0 : i32
    %dma_start3A_203 = tpu.memref_slice %arg11[%dma_start3A_195, %dma_start3A_196, %dma_start3A_202] : memref<3x2x128xi32, #tpu.memory_space<vmem>> -> memref<1x1x128xi32, #tpu.memory_space<vmem>>
    %dma_start3A_204 = tpu.memref_squeeze %dma_start3A_203 : memref<1x1x128xi32, #tpu.memory_space<vmem>> -> memref<128xi32, #tpu.memory_space<vmem>>
    %dma_start3A_205 = arith.constant 0 : i32
    %dma_start3A_206 = arith.constant 0 : i32
    %dma_start3A_207 = tpu.memref_slice %arg4[%dma_start3A_205, %dma_start3A_206] : memref<10240x80xf32, #tpu.memory_space<hbm>> -> memref<10240x80xf32, #tpu.memory_space<hbm>>
    tpu.enqueue_indirect_dma source(%dma_start3A_207 : memref<10240x80xf32, #tpu.memory_space<hbm>>) target(%dma_start3A_201 : memref<128x80xf32, #tpu.memory_space<vmem>>) offsets(%dma_start3A_204 : memref<128xi32, #tpu.memory_space<vmem>>) semaphore(%arg15 : memref<!tpu.dma_semaphore, #tpu.memory_space<semaphore_mem>>)
    %dma_start3A_208 = arith.constant 0 : i32
    %dma_start3A_209 = arith.constant 1 : i32
    %dma_start3A_210 = arith.constant 0 : i32
    %dma_start3A_211 = arith.constant 0 : i32
    %dma_start3A_212 = arith.constant 0 : i32
    %dma_start3A_213 = tpu.memref_slice %arg13[%dma_start3A_210, %dma_start3A_211, %dma_start3A_212] : memref<2x128x16xf32, #tpu.memory_space<vmem>> -> memref<1x128x16xf32, #tpu.memory_space<vmem>>
    %dma_start3A_214 = tpu.memref_squeeze %dma_start3A_213 : memref<1x128x16xf32, #tpu.memory_space<vmem>> -> memref<128x16xf32, #tpu.memory_space<vmem>>
    %dma_start3A_215 = arith.constant 0 : i32
    %dma_start3A_216 = tpu.memref_slice %arg11[%dma_start3A_208, %dma_start3A_209, %dma_start3A_215] : memref<3x2x128xi32, #tpu.memory_space<vmem>> -> memref<1x1x128xi32, #tpu.memory_space<vmem>>
    %dma_start3A_217 = tpu.memref_squeeze %dma_start3A_216 : memref<1x1x128xi32, #tpu.memory_space<vmem>> -> memref<128xi32, #tpu.memory_space<vmem>>
    %dma_start3A_218 = arith.constant 0 : i32
    %dma_start3A_219 = arith.constant 0 : i32
    %dma_start3A_220 = tpu.memref_slice %arg5[%dma_start3A_218, %dma_start3A_219] : memref<10240x16xf32, #tpu.memory_space<hbm>> -> memref<10240x16xf32, #tpu.memory_space<hbm>>
    tpu.enqueue_indirect_dma source(%dma_start3A_220 : memref<10240x16xf32, #tpu.memory_space<hbm>>) target(%dma_start3A_214 : memref<128x16xf32, #tpu.memory_space<vmem>>) offsets(%dma_start3A_217 : memref<128xi32, #tpu.memory_space<vmem>>) semaphore(%arg15 : memref<!tpu.dma_semaphore, #tpu.memory_space<semaphore_mem>>)
    %add3A_221 = arith.constant 1 : i32
    %add3A_222 = arith.addi %add3A_156, %add3A_221 : i32
    %dma_start3A_223 = arith.constant 1 : i32
    %dma_start3A_224 = arith.constant 0 : i32
    %dma_start3A_225 = arith.constant 0 : i32
    %dma_start3A_226 = tpu.memref_slice %arg11[%dma_start3A_223, %dma_start3A_224, %dma_start3A_225] : memref<3x2x128xi32, #tpu.memory_space<vmem>> -> memref<1x2x128xi32, #tpu.memory_space<vmem>>
    %dma_start3A_227 = tpu.memref_squeeze %dma_start3A_226 : memref<1x2x128xi32, #tpu.memory_space<vmem>> -> memref<2x128xi32, #tpu.memory_space<vmem>>
    %dma_start3A_228 = arith.constant 0 : i32
    %dma_start3A_229 = arith.constant 0 : i32
    %dma_start3A_230 = tpu.memref_slice %arg7[%add3A_222, %dma_start3A_228, %dma_start3A_229] : memref<2528x2x128xi32, #tpu.memory_space<hbm>> -> memref<1x2x128xi32, #tpu.memory_space<hbm>>
    %dma_start3A_231 = tpu.memref_squeeze %dma_start3A_230 : memref<1x2x128xi32, #tpu.memory_space<hbm>> -> memref<2x128xi32, #tpu.memory_space<hbm>>
    %dma_start3A_232 = arith.constant 0 : i32
    %dma_start3A_233 = arith.constant 0 : i32
    %dma_start3A_234 = tpu.memref_slice %arg11[%dma_start3A_223, %dma_start3A_232, %dma_start3A_233] : memref<3x2x128xi32, #tpu.memory_space<vmem>> -> memref<1x2x128xi32, #tpu.memory_space<vmem>>
    %dma_start3A_235 = tpu.memref_squeeze %dma_start3A_234 : memref<1x2x128xi32, #tpu.memory_space<vmem>> -> memref<2x128xi32, #tpu.memory_space<vmem>>
    %dma_start3A_236 = arith.constant 0 : i32
    %dma_start3A_237 = arith.constant 0 : i32
    %dma_start3A_238 = tpu.memref_slice %arg7[%add3A_222, %dma_start3A_236, %dma_start3A_237] : memref<2528x2x128xi32, #tpu.memory_space<hbm>> -> memref<1x2x128xi32, #tpu.memory_space<hbm>>
    %dma_start3A_239 = tpu.memref_squeeze %dma_start3A_238 : memref<1x2x128xi32, #tpu.memory_space<hbm>> -> memref<2x128xi32, #tpu.memory_space<hbm>>
    tpu.enqueue_dma source(%dma_start3A_239 : memref<2x128xi32, #tpu.memory_space<hbm>>) target(%dma_start3A_235 : memref<2x128xi32, #tpu.memory_space<vmem>>) target_semaphore(%arg14 : memref<!tpu.dma_semaphore, #tpu.memory_space<semaphore_mem>>)
    %sub3A_240 = arith.constant 0 : i32
    %sub3A_241 = arith.subi %select_n3A_148, %sub3A_240 : i32
    %sub3A_242 = arith.constant 1 : i32
    %sub3A_243 = arith.constant 1 : i32
    %sub3A_244 = arith.subi %sub3A_242, %sub3A_243 : i32
    %add3A_245 = arith.addi %sub3A_241, %sub3A_244 : i32
    %div3A_246 = arith.constant 1 : i32
    %div3A_247 = arith.divsi %add3A_245, %div3A_246 : i32
    %while3A_248 = arith.constant 1 : i32
    %while3A_249 = arith.constant 0 : i32
    %while3A_250 = arith.constant 0 : i32
    %while3A_251 = arith.subi %div3A_247, %while3A_250 : i32
    %while3A_252 = arith.addi %while3A_250, %while3A_251 : i32
    %while3A_253 = arith.constant 1 : i32
    %while3A_254 = arith.divsi %while3A_251, %while3A_253 : i32
    %while3A_255 = arith.muli %while3A_254, %while3A_253 : i32
    %while3A_256 = arith.addi %while3A_250, %while3A_255 : i32
    %while3A_257 = arith.constant 1 : i32
    scf.for %while3A_294 = %while3A_250 to %while3A_256 step %while3A_257  : i32 {
      %mul3A_295 = arith.muli %while3A_294, %while3A_248 : i32
      %add3A_296 = arith.addi %while3A_249, %mul3A_295 : i32
      %and3A_297 = arith.constant 1 : i32
      %and3A_298 = arith.andi %add3A_296, %and3A_297 : i32
      %and3A_299 = arith.constant 1 : i32
      %and3A_300 = arith.andi %add3A_296, %and3A_299 : i32
      %jit3A_301 = arith.constant 3 : i32
      %eq3A_302 = arith.constant 0 : i32
      %eq3A_303 = arith.cmpi eq, %jit3A_301, %eq3A_302 : i32
      %jit3A_304 = arith.constant 1 : i32
      %select_n3A_305 = arith.select %eq3A_303, %jit3A_304, %jit3A_301 : i32
      %rem3A_306 = arith.remsi %add3A_296, %select_n3A_305 : i32
      %ne3A_307 = arith.constant 0 : i32
      %ne3A_308 = arith.cmpi ne, %rem3A_306, %ne3A_307 : i32
      %lt3A_309 = arith.constant 0 : i32
      %lt3A_310 = arith.cmpi slt, %rem3A_306, %lt3A_309 : i32
      %lt3A_311 = arith.constant 0 : i32
      %lt3A_312 = arith.cmpi slt, %select_n3A_305, %lt3A_311 : i32
      %ne3A_313 = arith.xori %lt3A_310, %lt3A_312 : i1
      %and3A_314 = arith.andi %ne3A_313, %ne3A_308 : i1
      %add3A_315 = arith.addi %rem3A_306, %select_n3A_305 : i32
      %select_n3A_316 = arith.select %and3A_314, %add3A_315, %rem3A_306 : i32
      %dma_wait3A_317 = arith.constant 0 : i32
      %dma_wait3A_318 = arith.constant 0 : i32
      %dma_wait3A_319 = arith.constant 0 : i32
      %dma_wait3A_320 = tpu.memref_slice %arg12[%and3A_300, %dma_wait3A_318, %dma_wait3A_319] : memref<2x128x80xf32, #tpu.memory_space<vmem>> -> memref<1x128x80xf32, #tpu.memory_space<vmem>>
      %dma_wait3A_321 = tpu.memref_squeeze %dma_wait3A_320 : memref<1x128x80xf32, #tpu.memory_space<vmem>> -> memref<128x80xf32, #tpu.memory_space<vmem>>
      %dma_wait3A_322 = arith.constant 0 : i32
      %dma_wait3A_323 = tpu.memref_slice %arg11[%select_n3A_316, %dma_wait3A_317, %dma_wait3A_322] : memref<3x2x128xi32, #tpu.memory_space<vmem>> -> memref<1x1x128xi32, #tpu.memory_space<vmem>>
      %dma_wait3A_324 = tpu.memref_squeeze %dma_wait3A_323 : memref<1x1x128xi32, #tpu.memory_space<vmem>> -> memref<128xi32, #tpu.memory_space<vmem>>
      %dma_wait3A_325 = arith.constant 0 : i32
      %dma_wait3A_326 = arith.constant 0 : i32
      %dma_wait3A_327 = tpu.memref_slice %arg4[%dma_wait3A_325, %dma_wait3A_326] : memref<10240x80xf32, #tpu.memory_space<hbm>> -> memref<10240x80xf32, #tpu.memory_space<hbm>>
      tpu.wait_indirect_dma semaphore(%arg15 : memref<!tpu.dma_semaphore, #tpu.memory_space<semaphore_mem>>) src(%dma_wait3A_327 : memref<10240x80xf32, #tpu.memory_space<hbm>>) dst(%dma_wait3A_321 : memref<128x80xf32, #tpu.memory_space<vmem>>)
      %dma_wait3A_328 = arith.constant 1 : i32
      %dma_wait3A_329 = arith.constant 0 : i32
      %dma_wait3A_330 = arith.constant 0 : i32
      %dma_wait3A_331 = tpu.memref_slice %arg13[%and3A_300, %dma_wait3A_329, %dma_wait3A_330] : memref<2x128x16xf32, #tpu.memory_space<vmem>> -> memref<1x128x16xf32, #tpu.memory_space<vmem>>
      %dma_wait3A_332 = tpu.memref_squeeze %dma_wait3A_331 : memref<1x128x16xf32, #tpu.memory_space<vmem>> -> memref<128x16xf32, #tpu.memory_space<vmem>>
      %dma_wait3A_333 = arith.constant 0 : i32
      %dma_wait3A_334 = tpu.memref_slice %arg11[%select_n3A_316, %dma_wait3A_328, %dma_wait3A_333] : memref<3x2x128xi32, #tpu.memory_space<vmem>> -> memref<1x1x128xi32, #tpu.memory_space<vmem>>
      %dma_wait3A_335 = tpu.memref_squeeze %dma_wait3A_334 : memref<1x1x128xi32, #tpu.memory_space<vmem>> -> memref<128xi32, #tpu.memory_space<vmem>>
      %dma_wait3A_336 = arith.constant 0 : i32
      %dma_wait3A_337 = arith.constant 0 : i32
      %dma_wait3A_338 = tpu.memref_slice %arg5[%dma_wait3A_336, %dma_wait3A_337] : memref<10240x16xf32, #tpu.memory_space<hbm>> -> memref<10240x16xf32, #tpu.memory_space<hbm>>
      tpu.wait_indirect_dma semaphore(%arg15 : memref<!tpu.dma_semaphore, #tpu.memory_space<semaphore_mem>>) src(%dma_wait3A_338 : memref<10240x16xf32, #tpu.memory_space<hbm>>) dst(%dma_wait3A_332 : memref<128x16xf32, #tpu.memory_space<vmem>>)
      %ge3A = arith.constant 1 : i32
      %ge3A_339 = arith.cmpi sge, %add3A_296, %ge3A : i32
      %convert_element_type3A = arith.extui %ge3A_339 : i1 to i32
      %cond3A = arith.constant 0 : i32
      %cond3A_340 = arith.cmpi ne, %convert_element_type3A, %cond3A : i32
      scf.if %cond3A_340 {
        %sub3A_384 = arith.constant 1 : i32
        %sub3A_385 = arith.subi %add3A_296, %sub3A_384 : i32
        %and3A_386 = arith.constant 1 : i32
        %and3A_387 = arith.andi %sub3A_385, %and3A_386 : i32
        %jit3A_388 = arith.constant 3 : i32
        %eq3A_389 = arith.constant 0 : i32
        %eq3A_390 = arith.cmpi eq, %jit3A_388, %eq3A_389 : i32
        %jit3A_391 = arith.constant 1 : i32
        %select_n3A_392 = arith.select %eq3A_390, %jit3A_391, %jit3A_388 : i32
        %rem3A_393 = arith.remsi %sub3A_385, %select_n3A_392 : i32
        %ne3A_394 = arith.constant 0 : i32
        %ne3A_395 = arith.cmpi ne, %rem3A_393, %ne3A_394 : i32
        %lt3A_396 = arith.constant 0 : i32
        %lt3A_397 = arith.cmpi slt, %rem3A_393, %lt3A_396 : i32
        %lt3A_398 = arith.constant 0 : i32
        %lt3A_399 = arith.cmpi slt, %select_n3A_392, %lt3A_398 : i32
        %ne3A_400 = arith.xori %lt3A_397, %lt3A_399 : i1
        %and3A_401 = arith.andi %ne3A_400, %ne3A_395 : i1
        %add3A_402 = arith.addi %rem3A_393, %select_n3A_392 : i32
        %select_n3A_403 = arith.select %and3A_401, %add3A_402, %rem3A_393 : i32
        %dma_wait3A_404 = arith.constant 1 : i32
        %dma_wait3A_405 = arith.constant 0 : i32
        %dma_wait3A_406 = arith.constant 0 : i32
        %dma_wait3A_407 = tpu.memref_slice %arg12[%and3A_387, %dma_wait3A_405, %dma_wait3A_406] : memref<2x128x80xf32, #tpu.memory_space<vmem>> -> memref<1x128x80xf32, #tpu.memory_space<vmem>>
        %dma_wait3A_408 = tpu.memref_squeeze %dma_wait3A_407 : memref<1x128x80xf32, #tpu.memory_space<vmem>> -> memref<128x80xf32, #tpu.memory_space<vmem>>
        %dma_wait3A_409 = arith.constant 0 : i32
        %dma_wait3A_410 = tpu.memref_slice %arg11[%select_n3A_403, %dma_wait3A_404, %dma_wait3A_409] : memref<3x2x128xi32, #tpu.memory_space<vmem>> -> memref<1x1x128xi32, #tpu.memory_space<vmem>>
        %dma_wait3A_411 = tpu.memref_squeeze %dma_wait3A_410 : memref<1x1x128xi32, #tpu.memory_space<vmem>> -> memref<128xi32, #tpu.memory_space<vmem>>
        %dma_wait3A_412 = arith.constant 0 : i32
        %dma_wait3A_413 = arith.constant 0 : i32
        %dma_wait3A_414 = tpu.memref_slice %arg10[%dma_wait3A_412, %dma_wait3A_413] : memref<10240x80xf32, #tpu.memory_space<vmem_shared>> -> memref<10240x80xf32, #tpu.memory_space<vmem_shared>>
        tpu.wait_indirect_dma semaphore(%arg16 : memref<!tpu.dma_semaphore, #tpu.memory_space<semaphore_mem>>) src(%dma_wait3A_408 : memref<128x80xf32, #tpu.memory_space<vmem>>) dst(%dma_wait3A_414 : memref<10240x80xf32, #tpu.memory_space<vmem_shared>>)
      } else {
      }
      %add3A_341 = arith.constant 1 : i32
      %add3A_342 = arith.addi %add3A_296, %add3A_341 : i32
      %lt3A_343 = arith.cmpi slt, %add3A_342, %select_n3A_148 : i32
      %convert_element_type3A_344 = arith.extui %lt3A_343 : i1 to i32
      %cond3A_345 = arith.constant 0 : i32
      %cond3A_346 = arith.cmpi ne, %convert_element_type3A_344, %cond3A_345 : i32
      scf.if %cond3A_346 {
        %add3A_384 = arith.constant 1 : i32
        %add3A_385 = arith.addi %add3A_296, %add3A_384 : i32
        %add3A_386 = arith.addi %add3A_156, %add3A_385 : i32
        %jit3A_387 = arith.constant 3 : i32
        %eq3A_388 = arith.constant 0 : i32
        %eq3A_389 = arith.cmpi eq, %jit3A_387, %eq3A_388 : i32
        %jit3A_390 = arith.constant 1 : i32
        %select_n3A_391 = arith.select %eq3A_389, %jit3A_390, %jit3A_387 : i32
        %rem3A_392 = arith.remsi %add3A_385, %select_n3A_391 : i32
        %ne3A_393 = arith.constant 0 : i32
        %ne3A_394 = arith.cmpi ne, %rem3A_392, %ne3A_393 : i32
        %lt3A_395 = arith.constant 0 : i32
        %lt3A_396 = arith.cmpi slt, %rem3A_392, %lt3A_395 : i32
        %lt3A_397 = arith.constant 0 : i32
        %lt3A_398 = arith.cmpi slt, %select_n3A_391, %lt3A_397 : i32
        %ne3A_399 = arith.xori %lt3A_396, %lt3A_398 : i1
        %and3A_400 = arith.andi %ne3A_399, %ne3A_394 : i1
        %add3A_401 = arith.addi %rem3A_392, %select_n3A_391 : i32
        %select_n3A_402 = arith.select %and3A_400, %add3A_401, %rem3A_392 : i32
        %dma_wait3A_403 = arith.constant 0 : i32
        %dma_wait3A_404 = arith.constant 0 : i32
        %dma_wait3A_405 = tpu.memref_slice %arg11[%select_n3A_402, %dma_wait3A_403, %dma_wait3A_404] : memref<3x2x128xi32, #tpu.memory_space<vmem>> -> memref<1x2x128xi32, #tpu.memory_space<vmem>>
        %dma_wait3A_406 = tpu.memref_squeeze %dma_wait3A_405 : memref<1x2x128xi32, #tpu.memory_space<vmem>> -> memref<2x128xi32, #tpu.memory_space<vmem>>
        %dma_wait3A_407 = arith.constant 0 : i32
        %dma_wait3A_408 = arith.constant 0 : i32
        %dma_wait3A_409 = tpu.memref_slice %arg7[%add3A_386, %dma_wait3A_407, %dma_wait3A_408] : memref<2528x2x128xi32, #tpu.memory_space<hbm>> -> memref<1x2x128xi32, #tpu.memory_space<hbm>>
        %dma_wait3A_410 = tpu.memref_squeeze %dma_wait3A_409 : memref<1x2x128xi32, #tpu.memory_space<hbm>> -> memref<2x128xi32, #tpu.memory_space<hbm>>
        %dma_wait3A_411 = arith.constant 0 : i32
        %dma_wait3A_412 = arith.constant 0 : i32
        %dma_wait3A_413 = tpu.memref_slice %arg11[%select_n3A_402, %dma_wait3A_411, %dma_wait3A_412] : memref<3x2x128xi32, #tpu.memory_space<vmem>> -> memref<1x2x128xi32, #tpu.memory_space<vmem>>
        %dma_wait3A_414 = tpu.memref_squeeze %dma_wait3A_413 : memref<1x2x128xi32, #tpu.memory_space<vmem>> -> memref<2x128xi32, #tpu.memory_space<vmem>>
        %dma_wait3A_415 = arith.constant 0 : i32
        %dma_wait3A_416 = arith.constant 0 : i32
        %dma_wait3A_417 = tpu.memref_slice %arg7[%add3A_386, %dma_wait3A_415, %dma_wait3A_416] : memref<2528x2x128xi32, #tpu.memory_space<hbm>> -> memref<1x2x128xi32, #tpu.memory_space<hbm>>
        %dma_wait3A_418 = tpu.memref_squeeze %dma_wait3A_417 : memref<1x2x128xi32, #tpu.memory_space<hbm>> -> memref<2x128xi32, #tpu.memory_space<hbm>>
        tpu.wait_dma2 semaphore(%arg14 : memref<!tpu.dma_semaphore, #tpu.memory_space<semaphore_mem>>) src(%dma_wait3A_418 : memref<2x128xi32, #tpu.memory_space<hbm>>) dst(%dma_wait3A_414 : memref<2x128xi32, #tpu.memory_space<vmem>>)
        %add3A_419 = arith.constant 1 : i32
        %add3A_420 = arith.addi %add3A_296, %add3A_419 : i32
        %and3A_421 = arith.constant 1 : i32
        %and3A_422 = arith.andi %add3A_420, %and3A_421 : i32
        %jit3A_423 = arith.constant 3 : i32
        %eq3A_424 = arith.constant 0 : i32
        %eq3A_425 = arith.cmpi eq, %jit3A_423, %eq3A_424 : i32
        %jit3A_426 = arith.constant 1 : i32
        %select_n3A_427 = arith.select %eq3A_425, %jit3A_426, %jit3A_423 : i32
        %rem3A_428 = arith.remsi %add3A_420, %select_n3A_427 : i32
        %ne3A_429 = arith.constant 0 : i32
        %ne3A_430 = arith.cmpi ne, %rem3A_428, %ne3A_429 : i32
        %lt3A_431 = arith.constant 0 : i32
        %lt3A_432 = arith.cmpi slt, %rem3A_428, %lt3A_431 : i32
        %lt3A_433 = arith.constant 0 : i32
        %lt3A_434 = arith.cmpi slt, %select_n3A_427, %lt3A_433 : i32
        %ne3A_435 = arith.xori %lt3A_432, %lt3A_434 : i1
        %and3A_436 = arith.andi %ne3A_435, %ne3A_430 : i1
        %add3A_437 = arith.addi %rem3A_428, %select_n3A_427 : i32
        %select_n3A_438 = arith.select %and3A_436, %add3A_437, %rem3A_428 : i32
        %dma_start3A_439 = arith.constant 0 : i32
        %dma_start3A_440 = arith.constant 0 : i32
        %dma_start3A_441 = arith.constant 0 : i32
        %dma_start3A_442 = tpu.memref_slice %arg12[%and3A_422, %dma_start3A_440, %dma_start3A_441] : memref<2x128x80xf32, #tpu.memory_space<vmem>> -> memref<1x128x80xf32, #tpu.memory_space<vmem>>
        %dma_start3A_443 = tpu.memref_squeeze %dma_start3A_442 : memref<1x128x80xf32, #tpu.memory_space<vmem>> -> memref<128x80xf32, #tpu.memory_space<vmem>>
        %dma_start3A_444 = arith.constant 0 : i32
        %dma_start3A_445 = tpu.memref_slice %arg11[%select_n3A_438, %dma_start3A_439, %dma_start3A_444] : memref<3x2x128xi32, #tpu.memory_space<vmem>> -> memref<1x1x128xi32, #tpu.memory_space<vmem>>
        %dma_start3A_446 = tpu.memref_squeeze %dma_start3A_445 : memref<1x1x128xi32, #tpu.memory_space<vmem>> -> memref<128xi32, #tpu.memory_space<vmem>>
        %dma_start3A_447 = arith.constant 0 : i32
        %dma_start3A_448 = arith.constant 0 : i32
        %dma_start3A_449 = tpu.memref_slice %arg4[%dma_start3A_447, %dma_start3A_448] : memref<10240x80xf32, #tpu.memory_space<hbm>> -> memref<10240x80xf32, #tpu.memory_space<hbm>>
        tpu.enqueue_indirect_dma source(%dma_start3A_449 : memref<10240x80xf32, #tpu.memory_space<hbm>>) target(%dma_start3A_443 : memref<128x80xf32, #tpu.memory_space<vmem>>) offsets(%dma_start3A_446 : memref<128xi32, #tpu.memory_space<vmem>>) semaphore(%arg15 : memref<!tpu.dma_semaphore, #tpu.memory_space<semaphore_mem>>)
        %dma_start3A_450 = arith.constant 1 : i32
        %dma_start3A_451 = arith.constant 0 : i32
        %dma_start3A_452 = arith.constant 0 : i32
        %dma_start3A_453 = tpu.memref_slice %arg13[%and3A_422, %dma_start3A_451, %dma_start3A_452] : memref<2x128x16xf32, #tpu.memory_space<vmem>> -> memref<1x128x16xf32, #tpu.memory_space<vmem>>
        %dma_start3A_454 = tpu.memref_squeeze %dma_start3A_453 : memref<1x128x16xf32, #tpu.memory_space<vmem>> -> memref<128x16xf32, #tpu.memory_space<vmem>>
        %dma_start3A_455 = arith.constant 0 : i32
        %dma_start3A_456 = tpu.memref_slice %arg11[%select_n3A_438, %dma_start3A_450, %dma_start3A_455] : memref<3x2x128xi32, #tpu.memory_space<vmem>> -> memref<1x1x128xi32, #tpu.memory_space<vmem>>
        %dma_start3A_457 = tpu.memref_squeeze %dma_start3A_456 : memref<1x1x128xi32, #tpu.memory_space<vmem>> -> memref<128xi32, #tpu.memory_space<vmem>>
        %dma_start3A_458 = arith.constant 0 : i32
        %dma_start3A_459 = arith.constant 0 : i32
        %dma_start3A_460 = tpu.memref_slice %arg5[%dma_start3A_458, %dma_start3A_459] : memref<10240x16xf32, #tpu.memory_space<hbm>> -> memref<10240x16xf32, #tpu.memory_space<hbm>>
        tpu.enqueue_indirect_dma source(%dma_start3A_460 : memref<10240x16xf32, #tpu.memory_space<hbm>>) target(%dma_start3A_454 : memref<128x16xf32, #tpu.memory_space<vmem>>) offsets(%dma_start3A_457 : memref<128xi32, #tpu.memory_space<vmem>>) semaphore(%arg15 : memref<!tpu.dma_semaphore, #tpu.memory_space<semaphore_mem>>)
      } else {
      }
      %add3A_347 = arith.constant 2 : i32
      %add3A_348 = arith.addi %add3A_296, %add3A_347 : i32
      %lt3A_349 = arith.cmpi slt, %add3A_348, %select_n3A_148 : i32
      %convert_element_type3A_350 = arith.extui %lt3A_349 : i1 to i32
      %cond3A_351 = arith.constant 0 : i32
      %cond3A_352 = arith.cmpi ne, %convert_element_type3A_350, %cond3A_351 : i32
      scf.if %cond3A_352 {
        %add3A_384 = arith.constant 2 : i32
        %add3A_385 = arith.addi %add3A_296, %add3A_384 : i32
        %add3A_386 = arith.addi %add3A_156, %add3A_385 : i32
        %jit3A_387 = arith.constant 3 : i32
        %eq3A_388 = arith.constant 0 : i32
        %eq3A_389 = arith.cmpi eq, %jit3A_387, %eq3A_388 : i32
        %jit3A_390 = arith.constant 1 : i32
        %select_n3A_391 = arith.select %eq3A_389, %jit3A_390, %jit3A_387 : i32
        %rem3A_392 = arith.remsi %add3A_385, %select_n3A_391 : i32
        %ne3A_393 = arith.constant 0 : i32
        %ne3A_394 = arith.cmpi ne, %rem3A_392, %ne3A_393 : i32
        %lt3A_395 = arith.constant 0 : i32
        %lt3A_396 = arith.cmpi slt, %rem3A_392, %lt3A_395 : i32
        %lt3A_397 = arith.constant 0 : i32
        %lt3A_398 = arith.cmpi slt, %select_n3A_391, %lt3A_397 : i32
        %ne3A_399 = arith.xori %lt3A_396, %lt3A_398 : i1
        %and3A_400 = arith.andi %ne3A_399, %ne3A_394 : i1
        %add3A_401 = arith.addi %rem3A_392, %select_n3A_391 : i32
        %select_n3A_402 = arith.select %and3A_400, %add3A_401, %rem3A_392 : i32
        %dma_start3A_403 = arith.constant 0 : i32
        %dma_start3A_404 = arith.constant 0 : i32
        %dma_start3A_405 = tpu.memref_slice %arg11[%select_n3A_402, %dma_start3A_403, %dma_start3A_404] : memref<3x2x128xi32, #tpu.memory_space<vmem>> -> memref<1x2x128xi32, #tpu.memory_space<vmem>>
        %dma_start3A_406 = tpu.memref_squeeze %dma_start3A_405 : memref<1x2x128xi32, #tpu.memory_space<vmem>> -> memref<2x128xi32, #tpu.memory_space<vmem>>
        %dma_start3A_407 = arith.constant 0 : i32
        %dma_start3A_408 = arith.constant 0 : i32
        %dma_start3A_409 = tpu.memref_slice %arg7[%add3A_386, %dma_start3A_407, %dma_start3A_408] : memref<2528x2x128xi32, #tpu.memory_space<hbm>> -> memref<1x2x128xi32, #tpu.memory_space<hbm>>
        %dma_start3A_410 = tpu.memref_squeeze %dma_start3A_409 : memref<1x2x128xi32, #tpu.memory_space<hbm>> -> memref<2x128xi32, #tpu.memory_space<hbm>>
        %dma_start3A_411 = arith.constant 0 : i32
        %dma_start3A_412 = arith.constant 0 : i32
        %dma_start3A_413 = tpu.memref_slice %arg11[%select_n3A_402, %dma_start3A_411, %dma_start3A_412] : memref<3x2x128xi32, #tpu.memory_space<vmem>> -> memref<1x2x128xi32, #tpu.memory_space<vmem>>
        %dma_start3A_414 = tpu.memref_squeeze %dma_start3A_413 : memref<1x2x128xi32, #tpu.memory_space<vmem>> -> memref<2x128xi32, #tpu.memory_space<vmem>>
        %dma_start3A_415 = arith.constant 0 : i32
        %dma_start3A_416 = arith.constant 0 : i32
        %dma_start3A_417 = tpu.memref_slice %arg7[%add3A_386, %dma_start3A_415, %dma_start3A_416] : memref<2528x2x128xi32, #tpu.memory_space<hbm>> -> memref<1x2x128xi32, #tpu.memory_space<hbm>>
        %dma_start3A_418 = tpu.memref_squeeze %dma_start3A_417 : memref<1x2x128xi32, #tpu.memory_space<hbm>> -> memref<2x128xi32, #tpu.memory_space<hbm>>
        tpu.enqueue_dma source(%dma_start3A_418 : memref<2x128xi32, #tpu.memory_space<hbm>>) target(%dma_start3A_414 : memref<2x128xi32, #tpu.memory_space<vmem>>) target_semaphore(%arg14 : memref<!tpu.dma_semaphore, #tpu.memory_space<semaphore_mem>>)
      } else {
      }
      %parallel_loop3A = arith.constant 0 : i32
      %parallel_loop3A_353 = arith.constant 128 : i32
      %parallel_loop3A_354 = arith.constant 1 : i32
      scf.for %parallel_loop3A_384 = %parallel_loop3A to %parallel_loop3A_353 step %parallel_loop3A_354  : i32 {
        %parallel_loop3A_385 = arith.index_cast %and3A_298 : i32 to index
        %parallel_loop3A_386 = arith.index_cast %parallel_loop3A_384 : i32 to index
        %parallel_loop3A_387 = arith.constant 64 : index
        %parallel_loop3A_388 = tpu.vector_load %arg12[%parallel_loop3A_385, %parallel_loop3A_386, %parallel_loop3A_387] {strides = array<i32>} : memref<2x128x80xf32, #tpu.memory_space<vmem>>, vector<1x1x16xf32>,
        %parallel_loop3A_389 = vector.shape_cast %parallel_loop3A_388 : vector<1x1x16xf32> to vector<16xf32>
        %parallel_loop3A_390 = arith.index_cast %and3A_298 : i32 to index
        %parallel_loop3A_391 = arith.index_cast %parallel_loop3A_384 : i32 to index
        %parallel_loop3A_392 = arith.constant 0 : index
        %parallel_loop3A_393 = tpu.vector_load %arg13[%parallel_loop3A_390, %parallel_loop3A_391, %parallel_loop3A_392] {strides = array<i32>} : memref<2x128x16xf32, #tpu.memory_space<vmem>>, vector<1x1x16xf32>,
        %parallel_loop3A_394 = vector.shape_cast %parallel_loop3A_393 : vector<1x1x16xf32> to vector<16xf32>
        %parallel_loop3A_395 = arith.addf %parallel_loop3A_389, %parallel_loop3A_394 : vector<16xf32>
        %parallel_loop3A_396 = arith.constant 2.000000e-01 : f32
        %parallel_loop3A_397 = vector.broadcast %parallel_loop3A_396 : f32 to vector<16xf32>
        %parallel_loop3A_398 = arith.mulf %parallel_loop3A_395, %parallel_loop3A_397 : vector<16xf32>
        %parallel_loop3A_399 = arith.maximumf %parallel_loop3A_395, %parallel_loop3A_398 : vector<16xf32>
        %parallel_loop3A_400 = math.exp %parallel_loop3A_399 : vector<16xf32>
        %parallel_loop3A_401 = arith.index_cast %and3A_298 : i32 to index
        %parallel_loop3A_402 = arith.index_cast %parallel_loop3A_384 : i32 to index
        %parallel_loop3A_403 = arith.constant 64 : index
        %parallel_loop3A_404 = tpu.vector_load %arg12[%parallel_loop3A_401, %parallel_loop3A_402, %parallel_loop3A_403] {strides = array<i32>} : memref<2x128x80xf32, #tpu.memory_space<vmem>>, vector<1x1x16xf32>,
        %parallel_loop3A_405 = vector.shape_cast %parallel_loop3A_404 : vector<1x1x16xf32> to vector<16xf32>
        %parallel_loop3A_406 = vector.shape_cast %parallel_loop3A_400 : vector<16xf32> to vector<1x1x16xf32>
        tpu.vector_store %arg12[%parallel_loop3A_401, %parallel_loop3A_402, %parallel_loop3A_403], %parallel_loop3A_406 {strides = array<i32>} : memref<2x128x80xf32, #tpu.memory_space<vmem>>, vector<1x1x16xf32>,
        %parallel_loop3A_407 = arith.index_cast %and3A_298 : i32 to index
        %parallel_loop3A_408 = arith.index_cast %parallel_loop3A_384 : i32 to index
        %parallel_loop3A_409 = arith.constant 0 : index
        %parallel_loop3A_410 = tpu.vector_load %arg12[%parallel_loop3A_407, %parallel_loop3A_408, %parallel_loop3A_409] {strides = array<i32>} : memref<2x128x80xf32, #tpu.memory_space<vmem>>, vector<1x1x16xf32>,
        %parallel_loop3A_411 = vector.shape_cast %parallel_loop3A_410 : vector<1x1x16xf32> to vector<16xf32>
        %parallel_loop3A_412 = arith.mulf %parallel_loop3A_411, %parallel_loop3A_400 : vector<16xf32>
        %parallel_loop3A_413 = arith.index_cast %and3A_298 : i32 to index
        %parallel_loop3A_414 = arith.index_cast %parallel_loop3A_384 : i32 to index
        %parallel_loop3A_415 = arith.constant 0 : index
        %parallel_loop3A_416 = tpu.vector_load %arg12[%parallel_loop3A_413, %parallel_loop3A_414, %parallel_loop3A_415] {strides = array<i32>} : memref<2x128x80xf32, #tpu.memory_space<vmem>>, vector<1x1x16xf32>,
        %parallel_loop3A_417 = vector.shape_cast %parallel_loop3A_416 : vector<1x1x16xf32> to vector<16xf32>
        %parallel_loop3A_418 = vector.shape_cast %parallel_loop3A_412 : vector<16xf32> to vector<1x1x16xf32>
        tpu.vector_store %arg12[%parallel_loop3A_413, %parallel_loop3A_414, %parallel_loop3A_415], %parallel_loop3A_418 {strides = array<i32>} : memref<2x128x80xf32, #tpu.memory_space<vmem>>, vector<1x1x16xf32>,
        %parallel_loop3A_419 = arith.index_cast %and3A_298 : i32 to index
        %parallel_loop3A_420 = arith.index_cast %parallel_loop3A_384 : i32 to index
        %parallel_loop3A_421 = arith.constant 16 : index
        %parallel_loop3A_422 = tpu.vector_load %arg12[%parallel_loop3A_419, %parallel_loop3A_420, %parallel_loop3A_421] {strides = array<i32>} : memref<2x128x80xf32, #tpu.memory_space<vmem>>, vector<1x1x16xf32>,
        %parallel_loop3A_423 = vector.shape_cast %parallel_loop3A_422 : vector<1x1x16xf32> to vector<16xf32>
        %parallel_loop3A_424 = arith.mulf %parallel_loop3A_423, %parallel_loop3A_400 : vector<16xf32>
        %parallel_loop3A_425 = arith.index_cast %and3A_298 : i32 to index
        %parallel_loop3A_426 = arith.index_cast %parallel_loop3A_384 : i32 to index
        %parallel_loop3A_427 = arith.constant 16 : index
        %parallel_loop3A_428 = tpu.vector_load %arg12[%parallel_loop3A_425, %parallel_loop3A_426, %parallel_loop3A_427] {strides = array<i32>} : memref<2x128x80xf32, #tpu.memory_space<vmem>>, vector<1x1x16xf32>,
        %parallel_loop3A_429 = vector.shape_cast %parallel_loop3A_428 : vector<1x1x16xf32> to vector<16xf32>
        %parallel_loop3A_430 = vector.shape_cast %parallel_loop3A_424 : vector<16xf32> to vector<1x1x16xf32>
        tpu.vector_store %arg12[%parallel_loop3A_425, %parallel_loop3A_426, %parallel_loop3A_427], %parallel_loop3A_430 {strides = array<i32>} : memref<2x128x80xf32, #tpu.memory_space<vmem>>, vector<1x1x16xf32>,
        %parallel_loop3A_431 = arith.index_cast %and3A_298 : i32 to index
        %parallel_loop3A_432 = arith.index_cast %parallel_loop3A_384 : i32 to index
        %parallel_loop3A_433 = arith.constant 32 : index
        %parallel_loop3A_434 = tpu.vector_load %arg12[%parallel_loop3A_431, %parallel_loop3A_432, %parallel_loop3A_433] {strides = array<i32>} : memref<2x128x80xf32, #tpu.memory_space<vmem>>, vector<1x1x16xf32>,
        %parallel_loop3A_435 = vector.shape_cast %parallel_loop3A_434 : vector<1x1x16xf32> to vector<16xf32>
        %parallel_loop3A_436 = arith.mulf %parallel_loop3A_435, %parallel_loop3A_400 : vector<16xf32>
        %parallel_loop3A_437 = arith.index_cast %and3A_298 : i32 to index
        %parallel_loop3A_438 = arith.index_cast %parallel_loop3A_384 : i32 to index
        %parallel_loop3A_439 = arith.constant 32 : index
        %parallel_loop3A_440 = tpu.vector_load %arg12[%parallel_loop3A_437, %parallel_loop3A_438, %parallel_loop3A_439] {strides = array<i32>} : memref<2x128x80xf32, #tpu.memory_space<vmem>>, vector<1x1x16xf32>,
        %parallel_loop3A_441 = vector.shape_cast %parallel_loop3A_440 : vector<1x1x16xf32> to vector<16xf32>
        %parallel_loop3A_442 = vector.shape_cast %parallel_loop3A_436 : vector<16xf32> to vector<1x1x16xf32>
        tpu.vector_store %arg12[%parallel_loop3A_437, %parallel_loop3A_438, %parallel_loop3A_439], %parallel_loop3A_442 {strides = array<i32>} : memref<2x128x80xf32, #tpu.memory_space<vmem>>, vector<1x1x16xf32>,
        %parallel_loop3A_443 = arith.index_cast %and3A_298 : i32 to index
        %parallel_loop3A_444 = arith.index_cast %parallel_loop3A_384 : i32 to index
        %parallel_loop3A_445 = arith.constant 48 : index
        %parallel_loop3A_446 = tpu.vector_load %arg12[%parallel_loop3A_443, %parallel_loop3A_444, %parallel_loop3A_445] {strides = array<i32>} : memref<2x128x80xf32, #tpu.memory_space<vmem>>, vector<1x1x16xf32>,
        %parallel_loop3A_447 = vector.shape_cast %parallel_loop3A_446 : vector<1x1x16xf32> to vector<16xf32>
        %parallel_loop3A_448 = arith.mulf %parallel_loop3A_447, %parallel_loop3A_400 : vector<16xf32>
        %parallel_loop3A_449 = arith.index_cast %and3A_298 : i32 to index
        %parallel_loop3A_450 = arith.index_cast %parallel_loop3A_384 : i32 to index
        %parallel_loop3A_451 = arith.constant 48 : index
        %parallel_loop3A_452 = tpu.vector_load %arg12[%parallel_loop3A_449, %parallel_loop3A_450, %parallel_loop3A_451] {strides = array<i32>} : memref<2x128x80xf32, #tpu.memory_space<vmem>>, vector<1x1x16xf32>,
        %parallel_loop3A_453 = vector.shape_cast %parallel_loop3A_452 : vector<1x1x16xf32> to vector<16xf32>
        %parallel_loop3A_454 = vector.shape_cast %parallel_loop3A_448 : vector<16xf32> to vector<1x1x16xf32>
        tpu.vector_store %arg12[%parallel_loop3A_449, %parallel_loop3A_450, %parallel_loop3A_451], %parallel_loop3A_454 {strides = array<i32>} : memref<2x128x80xf32, #tpu.memory_space<vmem>>, vector<1x1x16xf32>,
      } {sc.loop_unroll_factor = 4 : i64, sc.parallel_access}
      %and3A_355 = arith.constant 1 : i32
      %and3A_356 = arith.andi %add3A_296, %and3A_355 : i32
      %jit3A_357 = arith.constant 3 : i32
      %eq3A_358 = arith.constant 0 : i32
      %eq3A_359 = arith.cmpi eq, %jit3A_357, %eq3A_358 : i32
      %jit3A_360 = arith.constant 1 : i32
      %select_n3A_361 = arith.select %eq3A_359, %jit3A_360, %jit3A_357 : i32
      %rem3A_362 = arith.remsi %add3A_296, %select_n3A_361 : i32
      %ne3A_363 = arith.constant 0 : i32
      %ne3A_364 = arith.cmpi ne, %rem3A_362, %ne3A_363 : i32
      %lt3A_365 = arith.constant 0 : i32
      %lt3A_366 = arith.cmpi slt, %rem3A_362, %lt3A_365 : i32
      %lt3A_367 = arith.constant 0 : i32
      %lt3A_368 = arith.cmpi slt, %select_n3A_361, %lt3A_367 : i32
      %ne3A_369 = arith.xori %lt3A_366, %lt3A_368 : i1
      %and3A_370 = arith.andi %ne3A_369, %ne3A_364 : i1
      %add3A_371 = arith.addi %rem3A_362, %select_n3A_361 : i32
      %select_n3A_372 = arith.select %and3A_370, %add3A_371, %rem3A_362 : i32
      %dma_start3A_373 = arith.constant 1 : i32
      %dma_start3A_374 = arith.constant 0 : i32
      %dma_start3A_375 = arith.constant 0 : i32
      %dma_start3A_376 = tpu.memref_slice %arg12[%and3A_356, %dma_start3A_374, %dma_start3A_375] : memref<2x128x80xf32, #tpu.memory_space<vmem>> -> memref<1x128x80xf32, #tpu.memory_space<vmem>>
      %dma_start3A_377 = tpu.memref_squeeze %dma_start3A_376 : memref<1x128x80xf32, #tpu.memory_space<vmem>> -> memref<128x80xf32, #tpu.memory_space<vmem>>
      %dma_start3A_378 = arith.constant 0 : i32
      %dma_start3A_379 = tpu.memref_slice %arg11[%select_n3A_372, %dma_start3A_373, %dma_start3A_378] : memref<3x2x128xi32, #tpu.memory_space<vmem>> -> memref<1x1x128xi32, #tpu.memory_space<vmem>>
      %dma_start3A_380 = tpu.memref_squeeze %dma_start3A_379 : memref<1x1x128xi32, #tpu.memory_space<vmem>> -> memref<128xi32, #tpu.memory_space<vmem>>
      %dma_start3A_381 = arith.constant 0 : i32
      %dma_start3A_382 = arith.constant 0 : i32
      %dma_start3A_383 = tpu.memref_slice %arg10[%dma_start3A_381, %dma_start3A_382] : memref<10240x80xf32, #tpu.memory_space<vmem_shared>> -> memref<10240x80xf32, #tpu.memory_space<vmem_shared>>
      tpu.enqueue_indirect_dma source(%dma_start3A_377 : memref<128x80xf32, #tpu.memory_space<vmem>>) target(%dma_start3A_383 : memref<10240x80xf32, #tpu.memory_space<vmem_shared>>) offsets(%dma_start3A_380 : memref<128xi32, #tpu.memory_space<vmem>>) semaphore(%arg16 : memref<!tpu.dma_semaphore, #tpu.memory_space<semaphore_mem>>) {add = true}
    }
    %while3A_258 = arith.constant 1 : i32
    scf.for %while3A_294 = %while3A_256 to %while3A_252 step %while3A_258  : i32 {
      %mul3A_295 = arith.muli %while3A_294, %while3A_248 : i32
      %add3A_296 = arith.addi %while3A_249, %mul3A_295 : i32
      %and3A_297 = arith.constant 1 : i32
      %and3A_298 = arith.andi %add3A_296, %and3A_297 : i32
      %and3A_299 = arith.constant 1 : i32
      %and3A_300 = arith.andi %add3A_296, %and3A_299 : i32
      %jit3A_301 = arith.constant 3 : i32
      %eq3A_302 = arith.constant 0 : i32
      %eq3A_303 = arith.cmpi eq, %jit3A_301, %eq3A_302 : i32
      %jit3A_304 = arith.constant 1 : i32
      %select_n3A_305 = arith.select %eq3A_303, %jit3A_304, %jit3A_301 : i32
      %rem3A_306 = arith.remsi %add3A_296, %select_n3A_305 : i32
      %ne3A_307 = arith.constant 0 : i32
      %ne3A_308 = arith.cmpi ne, %rem3A_306, %ne3A_307 : i32
      %lt3A_309 = arith.constant 0 : i32
      %lt3A_310 = arith.cmpi slt, %rem3A_306, %lt3A_309 : i32
      %lt3A_311 = arith.constant 0 : i32
      %lt3A_312 = arith.cmpi slt, %select_n3A_305, %lt3A_311 : i32
      %ne3A_313 = arith.xori %lt3A_310, %lt3A_312 : i1
      %and3A_314 = arith.andi %ne3A_313, %ne3A_308 : i1
      %add3A_315 = arith.addi %rem3A_306, %select_n3A_305 : i32
      %select_n3A_316 = arith.select %and3A_314, %add3A_315, %rem3A_306 : i32
      %dma_wait3A_317 = arith.constant 0 : i32
      %dma_wait3A_318 = arith.constant 0 : i32
      %dma_wait3A_319 = arith.constant 0 : i32
      %dma_wait3A_320 = tpu.memref_slice %arg12[%and3A_300, %dma_wait3A_318, %dma_wait3A_319] : memref<2x128x80xf32, #tpu.memory_space<vmem>> -> memref<1x128x80xf32, #tpu.memory_space<vmem>>
      %dma_wait3A_321 = tpu.memref_squeeze %dma_wait3A_320 : memref<1x128x80xf32, #tpu.memory_space<vmem>> -> memref<128x80xf32, #tpu.memory_space<vmem>>
      %dma_wait3A_322 = arith.constant 0 : i32
      %dma_wait3A_323 = tpu.memref_slice %arg11[%select_n3A_316, %dma_wait3A_317, %dma_wait3A_322] : memref<3x2x128xi32, #tpu.memory_space<vmem>> -> memref<1x1x128xi32, #tpu.memory_space<vmem>>
      %dma_wait3A_324 = tpu.memref_squeeze %dma_wait3A_323 : memref<1x1x128xi32, #tpu.memory_space<vmem>> -> memref<128xi32, #tpu.memory_space<vmem>>
      %dma_wait3A_325 = arith.constant 0 : i32
      %dma_wait3A_326 = arith.constant 0 : i32
      %dma_wait3A_327 = tpu.memref_slice %arg4[%dma_wait3A_325, %dma_wait3A_326] : memref<10240x80xf32, #tpu.memory_space<hbm>> -> memref<10240x80xf32, #tpu.memory_space<hbm>>
      tpu.wait_indirect_dma semaphore(%arg15 : memref<!tpu.dma_semaphore, #tpu.memory_space<semaphore_mem>>) src(%dma_wait3A_327 : memref<10240x80xf32, #tpu.memory_space<hbm>>) dst(%dma_wait3A_321 : memref<128x80xf32, #tpu.memory_space<vmem>>)
      %dma_wait3A_328 = arith.constant 1 : i32
      %dma_wait3A_329 = arith.constant 0 : i32
      %dma_wait3A_330 = arith.constant 0 : i32
      %dma_wait3A_331 = tpu.memref_slice %arg13[%and3A_300, %dma_wait3A_329, %dma_wait3A_330] : memref<2x128x16xf32, #tpu.memory_space<vmem>> -> memref<1x128x16xf32, #tpu.memory_space<vmem>>
      %dma_wait3A_332 = tpu.memref_squeeze %dma_wait3A_331 : memref<1x128x16xf32, #tpu.memory_space<vmem>> -> memref<128x16xf32, #tpu.memory_space<vmem>>
      %dma_wait3A_333 = arith.constant 0 : i32
      %dma_wait3A_334 = tpu.memref_slice %arg11[%select_n3A_316, %dma_wait3A_328, %dma_wait3A_333] : memref<3x2x128xi32, #tpu.memory_space<vmem>> -> memref<1x1x128xi32, #tpu.memory_space<vmem>>
      %dma_wait3A_335 = tpu.memref_squeeze %dma_wait3A_334 : memref<1x1x128xi32, #tpu.memory_space<vmem>> -> memref<128xi32, #tpu.memory_space<vmem>>
      %dma_wait3A_336 = arith.constant 0 : i32
      %dma_wait3A_337 = arith.constant 0 : i32
      %dma_wait3A_338 = tpu.memref_slice %arg5[%dma_wait3A_336, %dma_wait3A_337] : memref<10240x16xf32, #tpu.memory_space<hbm>> -> memref<10240x16xf32, #tpu.memory_space<hbm>>
      tpu.wait_indirect_dma semaphore(%arg15 : memref<!tpu.dma_semaphore, #tpu.memory_space<semaphore_mem>>) src(%dma_wait3A_338 : memref<10240x16xf32, #tpu.memory_space<hbm>>) dst(%dma_wait3A_332 : memref<128x16xf32, #tpu.memory_space<vmem>>)
      %ge3A = arith.constant 1 : i32
      %ge3A_339 = arith.cmpi sge, %add3A_296, %ge3A : i32
      %convert_element_type3A = arith.extui %ge3A_339 : i1 to i32
      %cond3A = arith.constant 0 : i32
      %cond3A_340 = arith.cmpi ne, %convert_element_type3A, %cond3A : i32
      scf.if %cond3A_340 {
        %sub3A_384 = arith.constant 1 : i32
        %sub3A_385 = arith.subi %add3A_296, %sub3A_384 : i32
        %and3A_386 = arith.constant 1 : i32
        %and3A_387 = arith.andi %sub3A_385, %and3A_386 : i32
        %jit3A_388 = arith.constant 3 : i32
        %eq3A_389 = arith.constant 0 : i32
        %eq3A_390 = arith.cmpi eq, %jit3A_388, %eq3A_389 : i32
        %jit3A_391 = arith.constant 1 : i32
        %select_n3A_392 = arith.select %eq3A_390, %jit3A_391, %jit3A_388 : i32
        %rem3A_393 = arith.remsi %sub3A_385, %select_n3A_392 : i32
        %ne3A_394 = arith.constant 0 : i32
        %ne3A_395 = arith.cmpi ne, %rem3A_393, %ne3A_394 : i32
        %lt3A_396 = arith.constant 0 : i32
        %lt3A_397 = arith.cmpi slt, %rem3A_393, %lt3A_396 : i32
        %lt3A_398 = arith.constant 0 : i32
        %lt3A_399 = arith.cmpi slt, %select_n3A_392, %lt3A_398 : i32
        %ne3A_400 = arith.xori %lt3A_397, %lt3A_399 : i1
        %and3A_401 = arith.andi %ne3A_400, %ne3A_395 : i1
        %add3A_402 = arith.addi %rem3A_393, %select_n3A_392 : i32
        %select_n3A_403 = arith.select %and3A_401, %add3A_402, %rem3A_393 : i32
        %dma_wait3A_404 = arith.constant 1 : i32
        %dma_wait3A_405 = arith.constant 0 : i32
        %dma_wait3A_406 = arith.constant 0 : i32
        %dma_wait3A_407 = tpu.memref_slice %arg12[%and3A_387, %dma_wait3A_405, %dma_wait3A_406] : memref<2x128x80xf32, #tpu.memory_space<vmem>> -> memref<1x128x80xf32, #tpu.memory_space<vmem>>
        %dma_wait3A_408 = tpu.memref_squeeze %dma_wait3A_407 : memref<1x128x80xf32, #tpu.memory_space<vmem>> -> memref<128x80xf32, #tpu.memory_space<vmem>>
        %dma_wait3A_409 = arith.constant 0 : i32
        %dma_wait3A_410 = tpu.memref_slice %arg11[%select_n3A_403, %dma_wait3A_404, %dma_wait3A_409] : memref<3x2x128xi32, #tpu.memory_space<vmem>> -> memref<1x1x128xi32, #tpu.memory_space<vmem>>
        %dma_wait3A_411 = tpu.memref_squeeze %dma_wait3A_410 : memref<1x1x128xi32, #tpu.memory_space<vmem>> -> memref<128xi32, #tpu.memory_space<vmem>>
        %dma_wait3A_412 = arith.constant 0 : i32
        %dma_wait3A_413 = arith.constant 0 : i32
        %dma_wait3A_414 = tpu.memref_slice %arg10[%dma_wait3A_412, %dma_wait3A_413] : memref<10240x80xf32, #tpu.memory_space<vmem_shared>> -> memref<10240x80xf32, #tpu.memory_space<vmem_shared>>
        tpu.wait_indirect_dma semaphore(%arg16 : memref<!tpu.dma_semaphore, #tpu.memory_space<semaphore_mem>>) src(%dma_wait3A_408 : memref<128x80xf32, #tpu.memory_space<vmem>>) dst(%dma_wait3A_414 : memref<10240x80xf32, #tpu.memory_space<vmem_shared>>)
      } else {
      }
      %add3A_341 = arith.constant 1 : i32
      %add3A_342 = arith.addi %add3A_296, %add3A_341 : i32
      %lt3A_343 = arith.cmpi slt, %add3A_342, %select_n3A_148 : i32
      %convert_element_type3A_344 = arith.extui %lt3A_343 : i1 to i32
      %cond3A_345 = arith.constant 0 : i32
      %cond3A_346 = arith.cmpi ne, %convert_element_type3A_344, %cond3A_345 : i32
      scf.if %cond3A_346 {
        %add3A_384 = arith.constant 1 : i32
        %add3A_385 = arith.addi %add3A_296, %add3A_384 : i32
        %add3A_386 = arith.addi %add3A_156, %add3A_385 : i32
        %jit3A_387 = arith.constant 3 : i32
        %eq3A_388 = arith.constant 0 : i32
        %eq3A_389 = arith.cmpi eq, %jit3A_387, %eq3A_388 : i32
        %jit3A_390 = arith.constant 1 : i32
        %select_n3A_391 = arith.select %eq3A_389, %jit3A_390, %jit3A_387 : i32
        %rem3A_392 = arith.remsi %add3A_385, %select_n3A_391 : i32
        %ne3A_393 = arith.constant 0 : i32
        %ne3A_394 = arith.cmpi ne, %rem3A_392, %ne3A_393 : i32
        %lt3A_395 = arith.constant 0 : i32
        %lt3A_396 = arith.cmpi slt, %rem3A_392, %lt3A_395 : i32
        %lt3A_397 = arith.constant 0 : i32
        %lt3A_398 = arith.cmpi slt, %select_n3A_391, %lt3A_397 : i32
        %ne3A_399 = arith.xori %lt3A_396, %lt3A_398 : i1
        %and3A_400 = arith.andi %ne3A_399, %ne3A_394 : i1
        %add3A_401 = arith.addi %rem3A_392, %select_n3A_391 : i32
        %select_n3A_402 = arith.select %and3A_400, %add3A_401, %rem3A_392 : i32
        %dma_wait3A_403 = arith.constant 0 : i32
        %dma_wait3A_404 = arith.constant 0 : i32
        %dma_wait3A_405 = tpu.memref_slice %arg11[%select_n3A_402, %dma_wait3A_403, %dma_wait3A_404] : memref<3x2x128xi32, #tpu.memory_space<vmem>> -> memref<1x2x128xi32, #tpu.memory_space<vmem>>
        %dma_wait3A_406 = tpu.memref_squeeze %dma_wait3A_405 : memref<1x2x128xi32, #tpu.memory_space<vmem>> -> memref<2x128xi32, #tpu.memory_space<vmem>>
        %dma_wait3A_407 = arith.constant 0 : i32
        %dma_wait3A_408 = arith.constant 0 : i32
        %dma_wait3A_409 = tpu.memref_slice %arg7[%add3A_386, %dma_wait3A_407, %dma_wait3A_408] : memref<2528x2x128xi32, #tpu.memory_space<hbm>> -> memref<1x2x128xi32, #tpu.memory_space<hbm>>
        %dma_wait3A_410 = tpu.memref_squeeze %dma_wait3A_409 : memref<1x2x128xi32, #tpu.memory_space<hbm>> -> memref<2x128xi32, #tpu.memory_space<hbm>>
        %dma_wait3A_411 = arith.constant 0 : i32
        %dma_wait3A_412 = arith.constant 0 : i32
        %dma_wait3A_413 = tpu.memref_slice %arg11[%select_n3A_402, %dma_wait3A_411, %dma_wait3A_412] : memref<3x2x128xi32, #tpu.memory_space<vmem>> -> memref<1x2x128xi32, #tpu.memory_space<vmem>>
        %dma_wait3A_414 = tpu.memref_squeeze %dma_wait3A_413 : memref<1x2x128xi32, #tpu.memory_space<vmem>> -> memref<2x128xi32, #tpu.memory_space<vmem>>
        %dma_wait3A_415 = arith.constant 0 : i32
        %dma_wait3A_416 = arith.constant 0 : i32
        %dma_wait3A_417 = tpu.memref_slice %arg7[%add3A_386, %dma_wait3A_415, %dma_wait3A_416] : memref<2528x2x128xi32, #tpu.memory_space<hbm>> -> memref<1x2x128xi32, #tpu.memory_space<hbm>>
        %dma_wait3A_418 = tpu.memref_squeeze %dma_wait3A_417 : memref<1x2x128xi32, #tpu.memory_space<hbm>> -> memref<2x128xi32, #tpu.memory_space<hbm>>
        tpu.wait_dma2 semaphore(%arg14 : memref<!tpu.dma_semaphore, #tpu.memory_space<semaphore_mem>>) src(%dma_wait3A_418 : memref<2x128xi32, #tpu.memory_space<hbm>>) dst(%dma_wait3A_414 : memref<2x128xi32, #tpu.memory_space<vmem>>)
        %add3A_419 = arith.constant 1 : i32
        %add3A_420 = arith.addi %add3A_296, %add3A_419 : i32
        %and3A_421 = arith.constant 1 : i32
        %and3A_422 = arith.andi %add3A_420, %and3A_421 : i32
        %jit3A_423 = arith.constant 3 : i32
        %eq3A_424 = arith.constant 0 : i32
        %eq3A_425 = arith.cmpi eq, %jit3A_423, %eq3A_424 : i32
        %jit3A_426 = arith.constant 1 : i32
        %select_n3A_427 = arith.select %eq3A_425, %jit3A_426, %jit3A_423 : i32
        %rem3A_428 = arith.remsi %add3A_420, %select_n3A_427 : i32
        %ne3A_429 = arith.constant 0 : i32
        %ne3A_430 = arith.cmpi ne, %rem3A_428, %ne3A_429 : i32
        %lt3A_431 = arith.constant 0 : i32
        %lt3A_432 = arith.cmpi slt, %rem3A_428, %lt3A_431 : i32
        %lt3A_433 = arith.constant 0 : i32
        %lt3A_434 = arith.cmpi slt, %select_n3A_427, %lt3A_433 : i32
        %ne3A_435 = arith.xori %lt3A_432, %lt3A_434 : i1
        %and3A_436 = arith.andi %ne3A_435, %ne3A_430 : i1
        %add3A_437 = arith.addi %rem3A_428, %select_n3A_427 : i32
        %select_n3A_438 = arith.select %and3A_436, %add3A_437, %rem3A_428 : i32
        %dma_start3A_439 = arith.constant 0 : i32
        %dma_start3A_440 = arith.constant 0 : i32
        %dma_start3A_441 = arith.constant 0 : i32
        %dma_start3A_442 = tpu.memref_slice %arg12[%and3A_422, %dma_start3A_440, %dma_start3A_441] : memref<2x128x80xf32, #tpu.memory_space<vmem>> -> memref<1x128x80xf32, #tpu.memory_space<vmem>>
        %dma_start3A_443 = tpu.memref_squeeze %dma_start3A_442 : memref<1x128x80xf32, #tpu.memory_space<vmem>> -> memref<128x80xf32, #tpu.memory_space<vmem>>
        %dma_start3A_444 = arith.constant 0 : i32
        %dma_start3A_445 = tpu.memref_slice %arg11[%select_n3A_438, %dma_start3A_439, %dma_start3A_444] : memref<3x2x128xi32, #tpu.memory_space<vmem>> -> memref<1x1x128xi32, #tpu.memory_space<vmem>>
        %dma_start3A_446 = tpu.memref_squeeze %dma_start3A_445 : memref<1x1x128xi32, #tpu.memory_space<vmem>> -> memref<128xi32, #tpu.memory_space<vmem>>
        %dma_start3A_447 = arith.constant 0 : i32
        %dma_start3A_448 = arith.constant 0 : i32
        %dma_start3A_449 = tpu.memref_slice %arg4[%dma_start3A_447, %dma_start3A_448] : memref<10240x80xf32, #tpu.memory_space<hbm>> -> memref<10240x80xf32, #tpu.memory_space<hbm>>
        tpu.enqueue_indirect_dma source(%dma_start3A_449 : memref<10240x80xf32, #tpu.memory_space<hbm>>) target(%dma_start3A_443 : memref<128x80xf32, #tpu.memory_space<vmem>>) offsets(%dma_start3A_446 : memref<128xi32, #tpu.memory_space<vmem>>) semaphore(%arg15 : memref<!tpu.dma_semaphore, #tpu.memory_space<semaphore_mem>>)
        %dma_start3A_450 = arith.constant 1 : i32
        %dma_start3A_451 = arith.constant 0 : i32
        %dma_start3A_452 = arith.constant 0 : i32
        %dma_start3A_453 = tpu.memref_slice %arg13[%and3A_422, %dma_start3A_451, %dma_start3A_452] : memref<2x128x16xf32, #tpu.memory_space<vmem>> -> memref<1x128x16xf32, #tpu.memory_space<vmem>>
        %dma_start3A_454 = tpu.memref_squeeze %dma_start3A_453 : memref<1x128x16xf32, #tpu.memory_space<vmem>> -> memref<128x16xf32, #tpu.memory_space<vmem>>
        %dma_start3A_455 = arith.constant 0 : i32
        %dma_start3A_456 = tpu.memref_slice %arg11[%select_n3A_438, %dma_start3A_450, %dma_start3A_455] : memref<3x2x128xi32, #tpu.memory_space<vmem>> -> memref<1x1x128xi32, #tpu.memory_space<vmem>>
        %dma_start3A_457 = tpu.memref_squeeze %dma_start3A_456 : memref<1x1x128xi32, #tpu.memory_space<vmem>> -> memref<128xi32, #tpu.memory_space<vmem>>
        %dma_start3A_458 = arith.constant 0 : i32
        %dma_start3A_459 = arith.constant 0 : i32
        %dma_start3A_460 = tpu.memref_slice %arg5[%dma_start3A_458, %dma_start3A_459] : memref<10240x16xf32, #tpu.memory_space<hbm>> -> memref<10240x16xf32, #tpu.memory_space<hbm>>
        tpu.enqueue_indirect_dma source(%dma_start3A_460 : memref<10240x16xf32, #tpu.memory_space<hbm>>) target(%dma_start3A_454 : memref<128x16xf32, #tpu.memory_space<vmem>>) offsets(%dma_start3A_457 : memref<128xi32, #tpu.memory_space<vmem>>) semaphore(%arg15 : memref<!tpu.dma_semaphore, #tpu.memory_space<semaphore_mem>>)
      } else {
      }
      %add3A_347 = arith.constant 2 : i32
      %add3A_348 = arith.addi %add3A_296, %add3A_347 : i32
      %lt3A_349 = arith.cmpi slt, %add3A_348, %select_n3A_148 : i32
      %convert_element_type3A_350 = arith.extui %lt3A_349 : i1 to i32
      %cond3A_351 = arith.constant 0 : i32
      %cond3A_352 = arith.cmpi ne, %convert_element_type3A_350, %cond3A_351 : i32
      scf.if %cond3A_352 {
        %add3A_384 = arith.constant 2 : i32
        %add3A_385 = arith.addi %add3A_296, %add3A_384 : i32
        %add3A_386 = arith.addi %add3A_156, %add3A_385 : i32
        %jit3A_387 = arith.constant 3 : i32
        %eq3A_388 = arith.constant 0 : i32
        %eq3A_389 = arith.cmpi eq, %jit3A_387, %eq3A_388 : i32
        %jit3A_390 = arith.constant 1 : i32
        %select_n3A_391 = arith.select %eq3A_389, %jit3A_390, %jit3A_387 : i32
        %rem3A_392 = arith.remsi %add3A_385, %select_n3A_391 : i32
        %ne3A_393 = arith.constant 0 : i32
        %ne3A_394 = arith.cmpi ne, %rem3A_392, %ne3A_393 : i32
        %lt3A_395 = arith.constant 0 : i32
        %lt3A_396 = arith.cmpi slt, %rem3A_392, %lt3A_395 : i32
        %lt3A_397 = arith.constant 0 : i32
        %lt3A_398 = arith.cmpi slt, %select_n3A_391, %lt3A_397 : i32
        %ne3A_399 = arith.xori %lt3A_396, %lt3A_398 : i1
        %and3A_400 = arith.andi %ne3A_399, %ne3A_394 : i1
        %add3A_401 = arith.addi %rem3A_392, %select_n3A_391 : i32
        %select_n3A_402 = arith.select %and3A_400, %add3A_401, %rem3A_392 : i32
        %dma_start3A_403 = arith.constant 0 : i32
        %dma_start3A_404 = arith.constant 0 : i32
        %dma_start3A_405 = tpu.memref_slice %arg11[%select_n3A_402, %dma_start3A_403, %dma_start3A_404] : memref<3x2x128xi32, #tpu.memory_space<vmem>> -> memref<1x2x128xi32, #tpu.memory_space<vmem>>
        %dma_start3A_406 = tpu.memref_squeeze %dma_start3A_405 : memref<1x2x128xi32, #tpu.memory_space<vmem>> -> memref<2x128xi32, #tpu.memory_space<vmem>>
        %dma_start3A_407 = arith.constant 0 : i32
        %dma_start3A_408 = arith.constant 0 : i32
        %dma_start3A_409 = tpu.memref_slice %arg7[%add3A_386, %dma_start3A_407, %dma_start3A_408] : memref<2528x2x128xi32, #tpu.memory_space<hbm>> -> memref<1x2x128xi32, #tpu.memory_space<hbm>>
        %dma_start3A_410 = tpu.memref_squeeze %dma_start3A_409 : memref<1x2x128xi32, #tpu.memory_space<hbm>> -> memref<2x128xi32, #tpu.memory_space<hbm>>
        %dma_start3A_411 = arith.constant 0 : i32
        %dma_start3A_412 = arith.constant 0 : i32
        %dma_start3A_413 = tpu.memref_slice %arg11[%select_n3A_402, %dma_start3A_411, %dma_start3A_412] : memref<3x2x128xi32, #tpu.memory_space<vmem>> -> memref<1x2x128xi32, #tpu.memory_space<vmem>>
        %dma_start3A_414 = tpu.memref_squeeze %dma_start3A_413 : memref<1x2x128xi32, #tpu.memory_space<vmem>> -> memref<2x128xi32, #tpu.memory_space<vmem>>
        %dma_start3A_415 = arith.constant 0 : i32
        %dma_start3A_416 = arith.constant 0 : i32
        %dma_start3A_417 = tpu.memref_slice %arg7[%add3A_386, %dma_start3A_415, %dma_start3A_416] : memref<2528x2x128xi32, #tpu.memory_space<hbm>> -> memref<1x2x128xi32, #tpu.memory_space<hbm>>
        %dma_start3A_418 = tpu.memref_squeeze %dma_start3A_417 : memref<1x2x128xi32, #tpu.memory_space<hbm>> -> memref<2x128xi32, #tpu.memory_space<hbm>>
        tpu.enqueue_dma source(%dma_start3A_418 : memref<2x128xi32, #tpu.memory_space<hbm>>) target(%dma_start3A_414 : memref<2x128xi32, #tpu.memory_space<vmem>>) target_semaphore(%arg14 : memref<!tpu.dma_semaphore, #tpu.memory_space<semaphore_mem>>)
      } else {
      }
      %parallel_loop3A = arith.constant 0 : i32
      %parallel_loop3A_353 = arith.constant 128 : i32
      %parallel_loop3A_354 = arith.constant 1 : i32
      scf.for %parallel_loop3A_384 = %parallel_loop3A to %parallel_loop3A_353 step %parallel_loop3A_354  : i32 {
        %parallel_loop3A_385 = arith.index_cast %and3A_298 : i32 to index
        %parallel_loop3A_386 = arith.index_cast %parallel_loop3A_384 : i32 to index
        %parallel_loop3A_387 = arith.constant 64 : index
        %parallel_loop3A_388 = tpu.vector_load %arg12[%parallel_loop3A_385, %parallel_loop3A_386, %parallel_loop3A_387] {strides = array<i32>} : memref<2x128x80xf32, #tpu.memory_space<vmem>>, vector<1x1x16xf32>,
        %parallel_loop3A_389 = vector.shape_cast %parallel_loop3A_388 : vector<1x1x16xf32> to vector<16xf32>
        %parallel_loop3A_390 = arith.index_cast %and3A_298 : i32 to index
        %parallel_loop3A_391 = arith.index_cast %parallel_loop3A_384 : i32 to index
        %parallel_loop3A_392 = arith.constant 0 : index
        %parallel_loop3A_393 = tpu.vector_load %arg13[%parallel_loop3A_390, %parallel_loop3A_391, %parallel_loop3A_392] {strides = array<i32>} : memref<2x128x16xf32, #tpu.memory_space<vmem>>, vector<1x1x16xf32>,
        %parallel_loop3A_394 = vector.shape_cast %parallel_loop3A_393 : vector<1x1x16xf32> to vector<16xf32>
        %parallel_loop3A_395 = arith.addf %parallel_loop3A_389, %parallel_loop3A_394 : vector<16xf32>
        %parallel_loop3A_396 = arith.constant 2.000000e-01 : f32
        %parallel_loop3A_397 = vector.broadcast %parallel_loop3A_396 : f32 to vector<16xf32>
        %parallel_loop3A_398 = arith.mulf %parallel_loop3A_395, %parallel_loop3A_397 : vector<16xf32>
        %parallel_loop3A_399 = arith.maximumf %parallel_loop3A_395, %parallel_loop3A_398 : vector<16xf32>
        %parallel_loop3A_400 = math.exp %parallel_loop3A_399 : vector<16xf32>
        %parallel_loop3A_401 = arith.index_cast %and3A_298 : i32 to index
        %parallel_loop3A_402 = arith.index_cast %parallel_loop3A_384 : i32 to index
        %parallel_loop3A_403 = arith.constant 64 : index
        %parallel_loop3A_404 = tpu.vector_load %arg12[%parallel_loop3A_401, %parallel_loop3A_402, %parallel_loop3A_403] {strides = array<i32>} : memref<2x128x80xf32, #tpu.memory_space<vmem>>, vector<1x1x16xf32>,
        %parallel_loop3A_405 = vector.shape_cast %parallel_loop3A_404 : vector<1x1x16xf32> to vector<16xf32>
        %parallel_loop3A_406 = vector.shape_cast %parallel_loop3A_400 : vector<16xf32> to vector<1x1x16xf32>
        tpu.vector_store %arg12[%parallel_loop3A_401, %parallel_loop3A_402, %parallel_loop3A_403], %parallel_loop3A_406 {strides = array<i32>} : memref<2x128x80xf32, #tpu.memory_space<vmem>>, vector<1x1x16xf32>,
        %parallel_loop3A_407 = arith.index_cast %and3A_298 : i32 to index
        %parallel_loop3A_408 = arith.index_cast %parallel_loop3A_384 : i32 to index
        %parallel_loop3A_409 = arith.constant 0 : index
        %parallel_loop3A_410 = tpu.vector_load %arg12[%parallel_loop3A_407, %parallel_loop3A_408, %parallel_loop3A_409] {strides = array<i32>} : memref<2x128x80xf32, #tpu.memory_space<vmem>>, vector<1x1x16xf32>,
        %parallel_loop3A_411 = vector.shape_cast %parallel_loop3A_410 : vector<1x1x16xf32> to vector<16xf32>
        %parallel_loop3A_412 = arith.mulf %parallel_loop3A_411, %parallel_loop3A_400 : vector<16xf32>
        %parallel_loop3A_413 = arith.index_cast %and3A_298 : i32 to index
        %parallel_loop3A_414 = arith.index_cast %parallel_loop3A_384 : i32 to index
        %parallel_loop3A_415 = arith.constant 0 : index
        %parallel_loop3A_416 = tpu.vector_load %arg12[%parallel_loop3A_413, %parallel_loop3A_414, %parallel_loop3A_415] {strides = array<i32>} : memref<2x128x80xf32, #tpu.memory_space<vmem>>, vector<1x1x16xf32>,
        %parallel_loop3A_417 = vector.shape_cast %parallel_loop3A_416 : vector<1x1x16xf32> to vector<16xf32>
        %parallel_loop3A_418 = vector.shape_cast %parallel_loop3A_412 : vector<16xf32> to vector<1x1x16xf32>
        tpu.vector_store %arg12[%parallel_loop3A_413, %parallel_loop3A_414, %parallel_loop3A_415], %parallel_loop3A_418 {strides = array<i32>} : memref<2x128x80xf32, #tpu.memory_space<vmem>>, vector<1x1x16xf32>,
        %parallel_loop3A_419 = arith.index_cast %and3A_298 : i32 to index
        %parallel_loop3A_420 = arith.index_cast %parallel_loop3A_384 : i32 to index
        %parallel_loop3A_421 = arith.constant 16 : index
        %parallel_loop3A_422 = tpu.vector_load %arg12[%parallel_loop3A_419, %parallel_loop3A_420, %parallel_loop3A_421] {strides = array<i32>} : memref<2x128x80xf32, #tpu.memory_space<vmem>>, vector<1x1x16xf32>,
        %parallel_loop3A_423 = vector.shape_cast %parallel_loop3A_422 : vector<1x1x16xf32> to vector<16xf32>
        %parallel_loop3A_424 = arith.mulf %parallel_loop3A_423, %parallel_loop3A_400 : vector<16xf32>
        %parallel_loop3A_425 = arith.index_cast %and3A_298 : i32 to index
        %parallel_loop3A_426 = arith.index_cast %parallel_loop3A_384 : i32 to index
        %parallel_loop3A_427 = arith.constant 16 : index
        %parallel_loop3A_428 = tpu.vector_load %arg12[%parallel_loop3A_425, %parallel_loop3A_426, %parallel_loop3A_427] {strides = array<i32>} : memref<2x128x80xf32, #tpu.memory_space<vmem>>, vector<1x1x16xf32>,
        %parallel_loop3A_429 = vector.shape_cast %parallel_loop3A_428 : vector<1x1x16xf32> to vector<16xf32>
        %parallel_loop3A_430 = vector.shape_cast %parallel_loop3A_424 : vector<16xf32> to vector<1x1x16xf32>
        tpu.vector_store %arg12[%parallel_loop3A_425, %parallel_loop3A_426, %parallel_loop3A_427], %parallel_loop3A_430 {strides = array<i32>} : memref<2x128x80xf32, #tpu.memory_space<vmem>>, vector<1x1x16xf32>,
        %parallel_loop3A_431 = arith.index_cast %and3A_298 : i32 to index
        %parallel_loop3A_432 = arith.index_cast %parallel_loop3A_384 : i32 to index
        %parallel_loop3A_433 = arith.constant 32 : index
        %parallel_loop3A_434 = tpu.vector_load %arg12[%parallel_loop3A_431, %parallel_loop3A_432, %parallel_loop3A_433] {strides = array<i32>} : memref<2x128x80xf32, #tpu.memory_space<vmem>>, vector<1x1x16xf32>,
        %parallel_loop3A_435 = vector.shape_cast %parallel_loop3A_434 : vector<1x1x16xf32> to vector<16xf32>
        %parallel_loop3A_436 = arith.mulf %parallel_loop3A_435, %parallel_loop3A_400 : vector<16xf32>
        %parallel_loop3A_437 = arith.index_cast %and3A_298 : i32 to index
        %parallel_loop3A_438 = arith.index_cast %parallel_loop3A_384 : i32 to index
        %parallel_loop3A_439 = arith.constant 32 : index
        %parallel_loop3A_440 = tpu.vector_load %arg12[%parallel_loop3A_437, %parallel_loop3A_438, %parallel_loop3A_439] {strides = array<i32>} : memref<2x128x80xf32, #tpu.memory_space<vmem>>, vector<1x1x16xf32>,
        %parallel_loop3A_441 = vector.shape_cast %parallel_loop3A_440 : vector<1x1x16xf32> to vector<16xf32>
        %parallel_loop3A_442 = vector.shape_cast %parallel_loop3A_436 : vector<16xf32> to vector<1x1x16xf32>
        tpu.vector_store %arg12[%parallel_loop3A_437, %parallel_loop3A_438, %parallel_loop3A_439], %parallel_loop3A_442 {strides = array<i32>} : memref<2x128x80xf32, #tpu.memory_space<vmem>>, vector<1x1x16xf32>,
        %parallel_loop3A_443 = arith.index_cast %and3A_298 : i32 to index
        %parallel_loop3A_444 = arith.index_cast %parallel_loop3A_384 : i32 to index
        %parallel_loop3A_445 = arith.constant 48 : index
        %parallel_loop3A_446 = tpu.vector_load %arg12[%parallel_loop3A_443, %parallel_loop3A_444, %parallel_loop3A_445] {strides = array<i32>} : memref<2x128x80xf32, #tpu.memory_space<vmem>>, vector<1x1x16xf32>,
        %parallel_loop3A_447 = vector.shape_cast %parallel_loop3A_446 : vector<1x1x16xf32> to vector<16xf32>
        %parallel_loop3A_448 = arith.mulf %parallel_loop3A_447, %parallel_loop3A_400 : vector<16xf32>
        %parallel_loop3A_449 = arith.index_cast %and3A_298 : i32 to index
        %parallel_loop3A_450 = arith.index_cast %parallel_loop3A_384 : i32 to index
        %parallel_loop3A_451 = arith.constant 48 : index
        %parallel_loop3A_452 = tpu.vector_load %arg12[%parallel_loop3A_449, %parallel_loop3A_450, %parallel_loop3A_451] {strides = array<i32>} : memref<2x128x80xf32, #tpu.memory_space<vmem>>, vector<1x1x16xf32>,
        %parallel_loop3A_453 = vector.shape_cast %parallel_loop3A_452 : vector<1x1x16xf32> to vector<16xf32>
        %parallel_loop3A_454 = vector.shape_cast %parallel_loop3A_448 : vector<16xf32> to vector<1x1x16xf32>
        tpu.vector_store %arg12[%parallel_loop3A_449, %parallel_loop3A_450, %parallel_loop3A_451], %parallel_loop3A_454 {strides = array<i32>} : memref<2x128x80xf32, #tpu.memory_space<vmem>>, vector<1x1x16xf32>,
      } {sc.loop_unroll_factor = 4 : i64, sc.parallel_access}
      %and3A_355 = arith.constant 1 : i32
      %and3A_356 = arith.andi %add3A_296, %and3A_355 : i32
      %jit3A_357 = arith.constant 3 : i32
      %eq3A_358 = arith.constant 0 : i32
      %eq3A_359 = arith.cmpi eq, %jit3A_357, %eq3A_358 : i32
      %jit3A_360 = arith.constant 1 : i32
      %select_n3A_361 = arith.select %eq3A_359, %jit3A_360, %jit3A_357 : i32
      %rem3A_362 = arith.remsi %add3A_296, %select_n3A_361 : i32
      %ne3A_363 = arith.constant 0 : i32
      %ne3A_364 = arith.cmpi ne, %rem3A_362, %ne3A_363 : i32
      %lt3A_365 = arith.constant 0 : i32
      %lt3A_366 = arith.cmpi slt, %rem3A_362, %lt3A_365 : i32
      %lt3A_367 = arith.constant 0 : i32
      %lt3A_368 = arith.cmpi slt, %select_n3A_361, %lt3A_367 : i32
      %ne3A_369 = arith.xori %lt3A_366, %lt3A_368 : i1
      %and3A_370 = arith.andi %ne3A_369, %ne3A_364 : i1
      %add3A_371 = arith.addi %rem3A_362, %select_n3A_361 : i32
      %select_n3A_372 = arith.select %and3A_370, %add3A_371, %rem3A_362 : i32
      %dma_start3A_373 = arith.constant 1 : i32
      %dma_start3A_374 = arith.constant 0 : i32
      %dma_start3A_375 = arith.constant 0 : i32
      %dma_start3A_376 = tpu.memref_slice %arg12[%and3A_356, %dma_start3A_374, %dma_start3A_375] : memref<2x128x80xf32, #tpu.memory_space<vmem>> -> memref<1x128x80xf32, #tpu.memory_space<vmem>>
      %dma_start3A_377 = tpu.memref_squeeze %dma_start3A_376 : memref<1x128x80xf32, #tpu.memory_space<vmem>> -> memref<128x80xf32, #tpu.memory_space<vmem>>
      %dma_start3A_378 = arith.constant 0 : i32
      %dma_start3A_379 = tpu.memref_slice %arg11[%select_n3A_372, %dma_start3A_373, %dma_start3A_378] : memref<3x2x128xi32, #tpu.memory_space<vmem>> -> memref<1x1x128xi32, #tpu.memory_space<vmem>>
      %dma_start3A_380 = tpu.memref_squeeze %dma_start3A_379 : memref<1x1x128xi32, #tpu.memory_space<vmem>> -> memref<128xi32, #tpu.memory_space<vmem>>
      %dma_start3A_381 = arith.constant 0 : i32
      %dma_start3A_382 = arith.constant 0 : i32
      %dma_start3A_383 = tpu.memref_slice %arg10[%dma_start3A_381, %dma_start3A_382] : memref<10240x80xf32, #tpu.memory_space<vmem_shared>> -> memref<10240x80xf32, #tpu.memory_space<vmem_shared>>
      tpu.enqueue_indirect_dma source(%dma_start3A_377 : memref<128x80xf32, #tpu.memory_space<vmem>>) target(%dma_start3A_383 : memref<10240x80xf32, #tpu.memory_space<vmem_shared>>) offsets(%dma_start3A_380 : memref<128xi32, #tpu.memory_space<vmem>>) semaphore(%arg16 : memref<!tpu.dma_semaphore, #tpu.memory_space<semaphore_mem>>) {add = true}
    }
    %sub3A_259 = arith.constant 1 : i32
    %sub3A_260 = arith.subi %select_n3A_148, %sub3A_259 : i32
    %and3A_261 = arith.constant 1 : i32
    %and3A_262 = arith.andi %sub3A_260, %and3A_261 : i32
    %jit3A_263 = arith.constant 3 : i32
    %eq3A_264 = arith.constant 0 : i32
    %eq3A_265 = arith.cmpi eq, %jit3A_263, %eq3A_264 : i32
    %jit3A_266 = arith.constant 1 : i32
    %select_n3A_267 = arith.select %eq3A_265, %jit3A_266, %jit3A_263 : i32
    %rem3A_268 = arith.remsi %sub3A_260, %select_n3A_267 : i32
    %ne3A_269 = arith.constant 0 : i32
    %ne3A_270 = arith.cmpi ne, %rem3A_268, %ne3A_269 : i32
    %lt3A_271 = arith.constant 0 : i32
    %lt3A_272 = arith.cmpi slt, %rem3A_268, %lt3A_271 : i32
    %lt3A_273 = arith.constant 0 : i32
    %lt3A_274 = arith.cmpi slt, %select_n3A_267, %lt3A_273 : i32
    %ne3A_275 = arith.xori %lt3A_272, %lt3A_274 : i1
    %and3A_276 = arith.andi %ne3A_275, %ne3A_270 : i1
    %add3A_277 = arith.addi %rem3A_268, %select_n3A_267 : i32
    %select_n3A_278 = arith.select %and3A_276, %add3A_277, %rem3A_268 : i32
    %dma_wait3A_279 = arith.constant 1 : i32
    %dma_wait3A_280 = arith.constant 0 : i32
    %dma_wait3A_281 = arith.constant 0 : i32
    %dma_wait3A_282 = tpu.memref_slice %arg12[%and3A_262, %dma_wait3A_280, %dma_wait3A_281] : memref<2x128x80xf32, #tpu.memory_space<vmem>> -> memref<1x128x80xf32, #tpu.memory_space<vmem>>
    %dma_wait3A_283 = tpu.memref_squeeze %dma_wait3A_282 : memref<1x128x80xf32, #tpu.memory_space<vmem>> -> memref<128x80xf32, #tpu.memory_space<vmem>>
    %dma_wait3A_284 = arith.constant 0 : i32
    %dma_wait3A_285 = tpu.memref_slice %arg11[%select_n3A_278, %dma_wait3A_279, %dma_wait3A_284] : memref<3x2x128xi32, #tpu.memory_space<vmem>> -> memref<1x1x128xi32, #tpu.memory_space<vmem>>
    %dma_wait3A_286 = tpu.memref_squeeze %dma_wait3A_285 : memref<1x1x128xi32, #tpu.memory_space<vmem>> -> memref<128xi32, #tpu.memory_space<vmem>>
    %dma_wait3A_287 = arith.constant 0 : i32
    %dma_wait3A_288 = arith.constant 0 : i32
    %dma_wait3A_289 = tpu.memref_slice %arg10[%dma_wait3A_287, %dma_wait3A_288] : memref<10240x80xf32, #tpu.memory_space<vmem_shared>> -> memref<10240x80xf32, #tpu.memory_space<vmem_shared>>
    tpu.wait_indirect_dma semaphore(%arg16 : memref<!tpu.dma_semaphore, #tpu.memory_space<semaphore_mem>>) src(%dma_wait3A_283 : memref<128x80xf32, #tpu.memory_space<vmem>>) dst(%dma_wait3A_289 : memref<10240x80xf32, #tpu.memory_space<vmem_shared>>)
    %barrier3A_290 = arith.constant 0 : index
    tpu.barrier barrier_id(%barrier3A_290)
    %mul3A_291 = arith.constant 640 : i32
    %mul3A_292 = arith.muli %arg1, %mul3A_291 : i32
    %run_scoped3A = arith.constant 0 : i32
    "tpu.region"() ({
      %run_scoped3A_294 = tpu.sem_alloc : memref<!tpu.dma_semaphore, #tpu.memory_space<semaphore_mem>>
      %dma_start3A_295 = arith.constant 0 : i32
      %dma_start3A_296 = tpu.memref_slice %arg8[%arg0, %run_scoped3A, %mul3A_292, %dma_start3A_295] : memref<2x2x10240x80xf32, #tpu.memory_space<hbm>> -> memref<1x1x640x80xf32, #tpu.memory_space<hbm>>
      %dma_start3A_297 = tpu.memref_squeeze %dma_start3A_296 : memref<1x1x640x80xf32, #tpu.memory_space<hbm>> -> memref<640x80xf32, #tpu.memory_space<hbm>>
      %dma_start3A_298 = arith.constant 0 : i32
      %dma_start3A_299 = tpu.memref_slice %arg9[%mul3A_292, %dma_start3A_298] : memref<10240x80xf32, #tpu.memory_space<vmem_shared>> -> memref<640x80xf32, #tpu.memory_space<vmem_shared>>
      tpu.enqueue_dma source(%dma_start3A_299 : memref<640x80xf32, #tpu.memory_space<vmem_shared>>) target(%dma_start3A_297 : memref<640x80xf32, #tpu.memory_space<hbm>>) target_semaphore(%run_scoped3A_294 : memref<!tpu.dma_semaphore, #tpu.memory_space<semaphore_mem>>)
      %dma_wait3A_300 = arith.constant 0 : i32
      %dma_wait3A_301 = tpu.memref_slice %arg8[%arg0, %run_scoped3A, %mul3A_292, %dma_wait3A_300] : memref<2x2x10240x80xf32, #tpu.memory_space<hbm>> -> memref<1x1x640x80xf32, #tpu.memory_space<hbm>>
      %dma_wait3A_302 = tpu.memref_squeeze %dma_wait3A_301 : memref<1x1x640x80xf32, #tpu.memory_space<hbm>> -> memref<640x80xf32, #tpu.memory_space<hbm>>
      %dma_wait3A_303 = arith.constant 0 : i32
      %dma_wait3A_304 = tpu.memref_slice %arg9[%mul3A_292, %dma_wait3A_303] : memref<10240x80xf32, #tpu.memory_space<vmem_shared>> -> memref<640x80xf32, #tpu.memory_space<vmem_shared>>
      tpu.wait_dma2 semaphore(%run_scoped3A_294 : memref<!tpu.dma_semaphore, #tpu.memory_space<semaphore_mem>>) src(%dma_wait3A_304 : memref<640x80xf32, #tpu.memory_space<vmem_shared>>) dst(%dma_wait3A_302 : memref<640x80xf32, #tpu.memory_space<hbm>>)
      tpu.yield
    }) : () -> ()
    %run_scoped3A_293 = arith.constant 1 : i32
    "tpu.region"() ({
      %run_scoped3A_294 = tpu.sem_alloc : memref<!tpu.dma_semaphore, #tpu.memory_space<semaphore_mem>>
      %dma_start3A_295 = arith.constant 0 : i32
      %dma_start3A_296 = tpu.memref_slice %arg8[%arg0, %run_scoped3A_293, %mul3A_292, %dma_start3A_295] : memref<2x2x10240x80xf32, #tpu.memory_space<hbm>> -> memref<1x1x640x80xf32, #tpu.memory_space<hbm>>
      %dma_start3A_297 = tpu.memref_squeeze %dma_start3A_296 : memref<1x1x640x80xf32, #tpu.memory_space<hbm>> -> memref<640x80xf32, #tpu.memory_space<hbm>>
      %dma_start3A_298 = arith.constant 0 : i32
      %dma_start3A_299 = tpu.memref_slice %arg10[%mul3A_292, %dma_start3A_298] : memref<10240x80xf32, #tpu.memory_space<vmem_shared>> -> memref<640x80xf32, #tpu.memory_space<vmem_shared>>
      tpu.enqueue_dma source(%dma_start3A_299 : memref<640x80xf32, #tpu.memory_space<vmem_shared>>) target(%dma_start3A_297 : memref<640x80xf32, #tpu.memory_space<hbm>>) target_semaphore(%run_scoped3A_294 : memref<!tpu.dma_semaphore, #tpu.memory_space<semaphore_mem>>)
      %dma_wait3A_300 = arith.constant 0 : i32
      %dma_wait3A_301 = tpu.memref_slice %arg8[%arg0, %run_scoped3A_293, %mul3A_292, %dma_wait3A_300] : memref<2x2x10240x80xf32, #tpu.memory_space<hbm>> -> memref<1x1x640x80xf32, #tpu.memory_space<hbm>>
      %dma_wait3A_302 = tpu.memref_squeeze %dma_wait3A_301 : memref<1x1x640x80xf32, #tpu.memory_space<hbm>> -> memref<640x80xf32, #tpu.memory_space<hbm>>
      %dma_wait3A_303 = arith.constant 0 : i32
      %dma_wait3A_304 = tpu.memref_slice %arg10[%mul3A_292, %dma_wait3A_303] : memref<10240x80xf32, #tpu.memory_space<vmem_shared>> -> memref<640x80xf32, #tpu.memory_space<vmem_shared>>
      tpu.wait_dma2 semaphore(%run_scoped3A_294 : memref<!tpu.dma_semaphore, #tpu.memory_space<semaphore_mem>>) src(%dma_wait3A_304 : memref<640x80xf32, #tpu.memory_space<vmem_shared>>) dst(%dma_wait3A_302 : memref<640x80xf32, #tpu.memory_space<hbm>>)
      tpu.yield
    }) : () -> ()
    return
  }
}

#map = affine_map<(d0, d1) -> (0, 0)>
#map1 = affine_map<(d0, d1) -> (0, 0, 0)>
#map2 = affine_map<(d0, d1) -> (0, 0, 0, 0)>
module attributes {stable_mosaic.version = 14 : i64} {
  func.func @_sc_edge_body(%arg0: i32, %arg1: i32, %arg2: memref<10240x80xf32, #tpu.memory_space<hbm>>, %arg3: memref<10240x16xf32, #tpu.memory_space<hbm>>, %arg4: memref<10240x80xf32, #tpu.memory_space<hbm>>, %arg5: memref<10240x16xf32, #tpu.memory_space<hbm>>, %arg6: memref<2528x2x128xi32, #tpu.memory_space<hbm>>, %arg7: memref<2528x2x128xi32, #tpu.memory_space<hbm>>, %arg8: memref<2x2x10240x80xf32, #tpu.memory_space<hbm>>, %arg9: memref<10240x80xf32, #tpu.memory_space<vmem_shared>>, %arg10: memref<10240x80xf32, #tpu.memory_space<vmem_shared>>, %arg11: memref<3x2x128xi32, #tpu.memory_space<vmem>>, %arg12: memref<2x128x80xf32, #tpu.memory_space<vmem>>, %arg13: memref<2x128x16xf32, #tpu.memory_space<vmem>>, %arg14: memref<!tpu.dma_semaphore, #tpu.memory_space<semaphore_mem>>, %arg15: memref<!tpu.dma_semaphore, #tpu.memory_space<semaphore_mem>>, %arg16: memref<!tpu.dma_semaphore, #tpu.memory_space<semaphore_mem>>) attributes {dimension_semantics = [#tpu.dimension_semantics<core_parallel>, #tpu.dimension_semantics<subcore_parallel>], iteration_bounds = array<i64: 2, 16>, scalar_prefetch = 0 : i64, scratch_operands = 8 : i64, tpu.core_type = #tpu.core_type<sc_vector_subcore>, window_params = [{transform_indices = #map}, {transform_indices = #map}, {transform_indices = #map}, {transform_indices = #map}, {transform_indices = #map1}, {transform_indices = #map1}, {transform_indices = #map2}]} {
    %mul3A = arith.constant 2 : i32
    %mul3A_0 = arith.muli %arg1, %mul3A : i32
    %add3A = arith.addi %mul3A_0, %arg0 : i32
    %scan3A = arith.constant 0 : i32
    %scan3A_1 = arith.constant 128 : i32
    %scan3A_2 = arith.addi %scan3A, %scan3A_1 : i32
    %scan3A_3 = arith.constant 1 : i32
    scf.for %scan3A_294 = %scan3A to %scan3A_2 step %scan3A_3  : i32 {
      %mul3A_295 = arith.constant 1 : i32
      %mul3A_296 = arith.muli %scan3A_294, %mul3A_295 : i32
      %add3A_297 = arith.constant 0 : i32
      %add3A_298 = arith.addi %add3A_297, %mul3A_296 : i32
      %broadcast_in_dim3A = arith.constant 0.000000e+00 : f32
      %broadcast_in_dim3A_299 = vector.broadcast %broadcast_in_dim3A : f32 to vector<16xf32>
      %swap3A = arith.constant 0 : i32
      %swap3A_300 = arith.index_cast %swap3A : i32 to index
      %swap3A_301 = arith.index_cast %add3A_298 : i32 to index
      %swap3A_302 = arith.constant 0 : index
      %swap3A_303 = tpu.vector_load %arg12[%swap3A_300, %swap3A_301, %swap3A_302] {strides = array<i32>} : memref<2x128x80xf32, #tpu.memory_space<vmem>>, vector<1x1x16xf32>,
      %swap3A_304 = vector.shape_cast %swap3A_303 : vector<1x1x16xf32> to vector<16xf32>
      %swap3A_305 = vector.shape_cast %broadcast_in_dim3A_299 : vector<16xf32> to vector<1x1x16xf32>
      tpu.vector_store %arg12[%swap3A_300, %swap3A_301, %swap3A_302], %swap3A_305 {strides = array<i32>} : memref<2x128x80xf32, #tpu.memory_space<vmem>>, vector<1x1x16xf32>,
      %broadcast_in_dim3A_306 = arith.constant 0.000000e+00 : f32
      %broadcast_in_dim3A_307 = vector.broadcast %broadcast_in_dim3A_306 : f32 to vector<16xf32>
      %swap3A_308 = arith.constant 0 : i32
      %swap3A_309 = arith.index_cast %swap3A_308 : i32 to index
      %swap3A_310 = arith.index_cast %add3A_298 : i32 to index
      %swap3A_311 = arith.constant 16 : index
      %swap3A_312 = tpu.vector_load %arg12[%swap3A_309, %swap3A_310, %swap3A_311] {strides = array<i32>} : memref<2x128x80xf32, #tpu.memory_space<vmem>>, vector<1x1x16xf32>,
      %swap3A_313 = vector.shape_cast %swap3A_312 : vector<1x1x16xf32> to vector<16xf32>
      %swap3A_314 = vector.shape_cast %broadcast_in_dim3A_307 : vector<16xf32> to vector<1x1x16xf32>
      tpu.vector_store %arg12[%swap3A_309, %swap3A_310, %swap3A_311], %swap3A_314 {strides = array<i32>} : memref<2x128x80xf32, #tpu.memory_space<vmem>>, vector<1x1x16xf32>,
      %broadcast_in_dim3A_315 = arith.constant 0.000000e+00 : f32
      %broadcast_in_dim3A_316 = vector.broadcast %broadcast_in_dim3A_315 : f32 to vector<16xf32>
      %swap3A_317 = arith.constant 0 : i32
      %swap3A_318 = arith.index_cast %swap3A_317 : i32 to index
      %swap3A_319 = arith.index_cast %add3A_298 : i32 to index
      %swap3A_320 = arith.constant 32 : index
      %swap3A_321 = tpu.vector_load %arg12[%swap3A_318, %swap3A_319, %swap3A_320] {strides = array<i32>} : memref<2x128x80xf32, #tpu.memory_space<vmem>>, vector<1x1x16xf32>,
      %swap3A_322 = vector.shape_cast %swap3A_321 : vector<1x1x16xf32> to vector<16xf32>
      %swap3A_323 = vector.shape_cast %broadcast_in_dim3A_316 : vector<16xf32> to vector<1x1x16xf32>
      tpu.vector_store %arg12[%swap3A_318, %swap3A_319, %swap3A_320], %swap3A_323 {strides = array<i32>} : memref<2x128x80xf32, #tpu.memory_space<vmem>>, vector<1x1x16xf32>,
      %broadcast_in_dim3A_324 = arith.constant 0.000000e+00 : f32
      %broadcast_in_dim3A_325 = vector.broadcast %broadcast_in_dim3A_324 : f32 to vector<16xf32>
      %swap3A_326 = arith.constant 0 : i32
      %swap3A_327 = arith.index_cast %swap3A_326 : i32 to index
      %swap3A_328 = arith.index_cast %add3A_298 : i32 to index
      %swap3A_329 = arith.constant 48 : index
      %swap3A_330 = tpu.vector_load %arg12[%swap3A_327, %swap3A_328, %swap3A_329] {strides = array<i32>} : memref<2x128x80xf32, #tpu.memory_space<vmem>>, vector<1x1x16xf32>,
      %swap3A_331 = vector.shape_cast %swap3A_330 : vector<1x1x16xf32> to vector<16xf32>
      %swap3A_332 = vector.shape_cast %broadcast_in_dim3A_325 : vector<16xf32> to vector<1x1x16xf32>
      tpu.vector_store %arg12[%swap3A_327, %swap3A_328, %swap3A_329], %swap3A_332 {strides = array<i32>} : memref<2x128x80xf32, #tpu.memory_space<vmem>>, vector<1x1x16xf32>,
      %broadcast_in_dim3A_333 = arith.constant 0.000000e+00 : f32
      %broadcast_in_dim3A_334 = vector.broadcast %broadcast_in_dim3A_333 : f32 to vector<16xf32>
      %swap3A_335 = arith.constant 0 : i32
      %swap3A_336 = arith.index_cast %swap3A_335 : i32 to index
      %swap3A_337 = arith.index_cast %add3A_298 : i32 to index
      %swap3A_338 = arith.constant 64 : index
      %swap3A_339 = tpu.vector_load %arg12[%swap3A_336, %swap3A_337, %swap3A_338] {strides = array<i32>} : memref<2x128x80xf32, #tpu.memory_space<vmem>>, vector<1x1x16xf32>,
      %swap3A_340 = vector.shape_cast %swap3A_339 : vector<1x1x16xf32> to vector<16xf32>
      %swap3A_341 = vector.shape_cast %broadcast_in_dim3A_334 : vector<16xf32> to vector<1x1x16xf32>
      tpu.vector_store %arg12[%swap3A_336, %swap3A_337, %swap3A_338], %swap3A_341 {strides = array<i32>} : memref<2x128x80xf32, #tpu.memory_space<vmem>>, vector<1x1x16xf32>,
    }
    %scan3A_4 = arith.constant 128 : i32
    %scan3A_5 = arith.constant 0 : i32
    %scan3A_6 = arith.constant 5 : i32
    %scan3A_7 = arith.addi %scan3A_5, %scan3A_6 : i32
    %scan3A_8 = arith.constant 1 : i32
    scf.for %scan3A_294 = %scan3A_5 to %scan3A_7 step %scan3A_8  : i32 {
      %mul3A_295 = arith.constant 1 : i32
      %mul3A_296 = arith.muli %scan3A_294, %mul3A_295 : i32
      %add3A_297 = arith.constant 0 : i32
      %add3A_298 = arith.addi %add3A_297, %mul3A_296 : i32
      %mul3A_299 = arith.constant 640 : i32
      %mul3A_300 = arith.muli %arg1, %mul3A_299 : i32
      %mul3A_301 = arith.constant 128 : i32
      %mul3A_302 = arith.muli %add3A_298, %mul3A_301 : i32
      %add3A_303 = arith.addi %mul3A_300, %mul3A_302 : i32
      %run_scoped3A_304 = arith.constant 0 : i32
      "tpu.region"() ({
        %run_scoped3A_306 = tpu.sem_alloc : memref<!tpu.dma_semaphore, #tpu.memory_space<semaphore_mem>>
        %dma_start3A_307 = arith.constant 0 : i32
        %dma_start3A_308 = arith.constant 0 : i32
        %dma_start3A_309 = tpu.memref_slice %arg12[%run_scoped3A_304, %dma_start3A_307, %dma_start3A_308] : memref<2x128x80xf32, #tpu.memory_space<vmem>> -> memref<1x128x80xf32, #tpu.memory_space<vmem>>
        %dma_start3A_310 = tpu.memref_squeeze %dma_start3A_309 : memref<1x128x80xf32, #tpu.memory_space<vmem>> -> memref<128x80xf32, #tpu.memory_space<vmem>>
        %dma_start3A_311 = arith.constant 0 : i32
        %dma_start3A_312 = tpu.memref_slice %arg9[%add3A_303, %dma_start3A_311] : memref<10240x80xf32, #tpu.memory_space<vmem_shared>> -> memref<128x80xf32, #tpu.memory_space<vmem_shared>>
        %dma_start3A_313 = arith.constant 0 : i32
        %dma_start3A_314 = tpu.memref_slice %arg9[%add3A_303, %dma_start3A_313] : memref<10240x80xf32, #tpu.memory_space<vmem_shared>> -> memref<128x80xf32, #tpu.memory_space<vmem_shared>>
        %dma_start3A_315 = arith.constant 0 : i32
        %dma_start3A_316 = arith.constant 0 : i32
        %dma_start3A_317 = tpu.memref_slice %arg12[%run_scoped3A_304, %dma_start3A_315, %dma_start3A_316] : memref<2x128x80xf32, #tpu.memory_space<vmem>> -> memref<1x128x80xf32, #tpu.memory_space<vmem>>
        %dma_start3A_318 = tpu.memref_squeeze %dma_start3A_317 : memref<1x128x80xf32, #tpu.memory_space<vmem>> -> memref<128x80xf32, #tpu.memory_space<vmem>>
        tpu.enqueue_dma source(%dma_start3A_318 : memref<128x80xf32, #tpu.memory_space<vmem>>) target(%dma_start3A_314 : memref<128x80xf32, #tpu.memory_space<vmem_shared>>) target_semaphore(%run_scoped3A_306 : memref<!tpu.dma_semaphore, #tpu.memory_space<semaphore_mem>>)
        %dma_wait3A_319 = arith.constant 0 : i32
        %dma_wait3A_320 = arith.constant 0 : i32
        %dma_wait3A_321 = tpu.memref_slice %arg12[%run_scoped3A_304, %dma_wait3A_319, %dma_wait3A_320] : memref<2x128x80xf32, #tpu.memory_space<vmem>> -> memref<1x128x80xf32, #tpu.memory_space<vmem>>
        %dma_wait3A_322 = tpu.memref_squeeze %dma_wait3A_321 : memref<1x128x80xf32, #tpu.memory_space<vmem>> -> memref<128x80xf32, #tpu.memory_space<vmem>>
        %dma_wait3A_323 = arith.constant 0 : i32
        %dma_wait3A_324 = tpu.memref_slice %arg9[%add3A_303, %dma_wait3A_323] : memref<10240x80xf32, #tpu.memory_space<vmem_shared>> -> memref<128x80xf32, #tpu.memory_space<vmem_shared>>
        %dma_wait3A_325 = arith.constant 0 : i32
        %dma_wait3A_326 = tpu.memref_slice %arg9[%add3A_303, %dma_wait3A_325] : memref<10240x80xf32, #tpu.memory_space<vmem_shared>> -> memref<128x80xf32, #tpu.memory_space<vmem_shared>>
        %dma_wait3A_327 = arith.constant 0 : i32
        %dma_wait3A_328 = arith.constant 0 : i32
        %dma_wait3A_329 = tpu.memref_slice %arg12[%run_scoped3A_304, %dma_wait3A_327, %dma_wait3A_328] : memref<2x128x80xf32, #tpu.memory_space<vmem>> -> memref<1x128x80xf32, #tpu.memory_space<vmem>>
        %dma_wait3A_330 = tpu.memref_squeeze %dma_wait3A_329 : memref<1x128x80xf32, #tpu.memory_space<vmem>> -> memref<128x80xf32, #tpu.memory_space<vmem>>
        tpu.wait_dma2 semaphore(%run_scoped3A_306 : memref<!tpu.dma_semaphore, #tpu.memory_space<semaphore_mem>>) src(%dma_wait3A_330 : memref<128x80xf32, #tpu.memory_space<vmem>>) dst(%dma_wait3A_326 : memref<128x80xf32, #tpu.memory_space<vmem_shared>>)
        tpu.yield
      }) : () -> ()
      %run_scoped3A_305 = arith.constant 0 : i32
      "tpu.region"() ({
        %run_scoped3A_306 = tpu.sem_alloc : memref<!tpu.dma_semaphore, #tpu.memory_space<semaphore_mem>>
        %dma_start3A_307 = arith.constant 0 : i32
        %dma_start3A_308 = arith.constant 0 : i32
        %dma_start3A_309 = tpu.memref_slice %arg12[%run_scoped3A_305, %dma_start3A_307, %dma_start3A_308] : memref<2x128x80xf32, #tpu.memory_space<vmem>> -> memref<1x128x80xf32, #tpu.memory_space<vmem>>
        %dma_start3A_310 = tpu.memref_squeeze %dma_start3A_309 : memref<1x128x80xf32, #tpu.memory_space<vmem>> -> memref<128x80xf32, #tpu.memory_space<vmem>>
        %dma_start3A_311 = arith.constant 0 : i32
        %dma_start3A_312 = tpu.memref_slice %arg10[%add3A_303, %dma_start3A_311] : memref<10240x80xf32, #tpu.memory_space<vmem_shared>> -> memref<128x80xf32, #tpu.memory_space<vmem_shared>>
        %dma_start3A_313 = arith.constant 0 : i32
        %dma_start3A_314 = tpu.memref_slice %arg10[%add3A_303, %dma_start3A_313] : memref<10240x80xf32, #tpu.memory_space<vmem_shared>> -> memref<128x80xf32, #tpu.memory_space<vmem_shared>>
        %dma_start3A_315 = arith.constant 0 : i32
        %dma_start3A_316 = arith.constant 0 : i32
        %dma_start3A_317 = tpu.memref_slice %arg12[%run_scoped3A_305, %dma_start3A_315, %dma_start3A_316] : memref<2x128x80xf32, #tpu.memory_space<vmem>> -> memref<1x128x80xf32, #tpu.memory_space<vmem>>
        %dma_start3A_318 = tpu.memref_squeeze %dma_start3A_317 : memref<1x128x80xf32, #tpu.memory_space<vmem>> -> memref<128x80xf32, #tpu.memory_space<vmem>>
        tpu.enqueue_dma source(%dma_start3A_318 : memref<128x80xf32, #tpu.memory_space<vmem>>) target(%dma_start3A_314 : memref<128x80xf32, #tpu.memory_space<vmem_shared>>) target_semaphore(%run_scoped3A_306 : memref<!tpu.dma_semaphore, #tpu.memory_space<semaphore_mem>>)
        %dma_wait3A_319 = arith.constant 0 : i32
        %dma_wait3A_320 = arith.constant 0 : i32
        %dma_wait3A_321 = tpu.memref_slice %arg12[%run_scoped3A_305, %dma_wait3A_319, %dma_wait3A_320] : memref<2x128x80xf32, #tpu.memory_space<vmem>> -> memref<1x128x80xf32, #tpu.memory_space<vmem>>
        %dma_wait3A_322 = tpu.memref_squeeze %dma_wait3A_321 : memref<1x128x80xf32, #tpu.memory_space<vmem>> -> memref<128x80xf32, #tpu.memory_space<vmem>>
        %dma_wait3A_323 = arith.constant 0 : i32
        %dma_wait3A_324 = tpu.memref_slice %arg10[%add3A_303, %dma_wait3A_323] : memref<10240x80xf32, #tpu.memory_space<vmem_shared>> -> memref<128x80xf32, #tpu.memory_space<vmem_shared>>
        %dma_wait3A_325 = arith.constant 0 : i32
        %dma_wait3A_326 = tpu.memref_slice %arg10[%add3A_303, %dma_wait3A_325] : memref<10240x80xf32, #tpu.memory_space<vmem_shared>> -> memref<128x80xf32, #tpu.memory_space<vmem_shared>>
        %dma_wait3A_327 = arith.constant 0 : i32
        %dma_wait3A_328 = arith.constant 0 : i32
        %dma_wait3A_329 = tpu.memref_slice %arg12[%run_scoped3A_305, %dma_wait3A_327, %dma_wait3A_328] : memref<2x128x80xf32, #tpu.memory_space<vmem>> -> memref<1x128x80xf32, #tpu.memory_space<vmem>>
        %dma_wait3A_330 = tpu.memref_squeeze %dma_wait3A_329 : memref<1x128x80xf32, #tpu.memory_space<vmem>> -> memref<128x80xf32, #tpu.memory_space<vmem>>
        tpu.wait_dma2 semaphore(%run_scoped3A_306 : memref<!tpu.dma_semaphore, #tpu.memory_space<semaphore_mem>>) src(%dma_wait3A_330 : memref<128x80xf32, #tpu.memory_space<vmem>>) dst(%dma_wait3A_326 : memref<128x80xf32, #tpu.memory_space<vmem_shared>>)
        tpu.yield
      }) : () -> ()
    }
    %scan3A_9 = arith.constant 5 : i32
    %barrier3A = arith.constant 0 : index
    tpu.barrier barrier_id(%barrier3A)
    %eq3A = arith.constant 0 : i32
    %eq3A_10 = arith.cmpi eq, %arg0, %eq3A : i32
    %jit3A = arith.constant 120 : i32
    %jit3A_11 = arith.constant 38 : i32
    %select_n3A = arith.select %eq3A_10, %jit3A, %jit3A_11 : i32
    %mul3A_12 = arith.constant 158 : i32
    %mul3A_13 = arith.muli %arg1, %mul3A_12 : i32
    %eq3A_14 = arith.constant 0 : i32
    %eq3A_15 = arith.cmpi eq, %arg0, %eq3A_14 : i32
    %jit3A_16 = arith.constant 0 : i32
    %jit3A_17 = arith.constant 120 : i32
    %select_n3A_18 = arith.select %eq3A_15, %jit3A_16, %jit3A_17 : i32
    %add3A_19 = arith.addi %mul3A_13, %select_n3A_18 : i32
    %add3A_20 = arith.constant 0 : i32
    %add3A_21 = arith.addi %add3A_19, %add3A_20 : i32
    %dma_start3A = arith.constant 0 : i32
    %dma_start3A_22 = arith.constant 0 : i32
    %dma_start3A_23 = arith.constant 0 : i32
    %dma_start3A_24 = tpu.memref_slice %arg11[%dma_start3A, %dma_start3A_22, %dma_start3A_23] : memref<3x2x128xi32, #tpu.memory_space<vmem>> -> memref<1x2x128xi32, #tpu.memory_space<vmem>>
    %dma_start3A_25 = tpu.memref_squeeze %dma_start3A_24 : memref<1x2x128xi32, #tpu.memory_space<vmem>> -> memref<2x128xi32, #tpu.memory_space<vmem>>
    %dma_start3A_26 = arith.constant 0 : i32
    %dma_start3A_27 = arith.constant 0 : i32
    %dma_start3A_28 = tpu.memref_slice %arg6[%add3A_21, %dma_start3A_26, %dma_start3A_27] : memref<2528x2x128xi32, #tpu.memory_space<hbm>> -> memref<1x2x128xi32, #tpu.memory_space<hbm>>
    %dma_start3A_29 = tpu.memref_squeeze %dma_start3A_28 : memref<1x2x128xi32, #tpu.memory_space<hbm>> -> memref<2x128xi32, #tpu.memory_space<hbm>>
    %dma_start3A_30 = arith.constant 0 : i32
    %dma_start3A_31 = arith.constant 0 : i32
    %dma_start3A_32 = tpu.memref_slice %arg11[%dma_start3A, %dma_start3A_30, %dma_start3A_31] : memref<3x2x128xi32, #tpu.memory_space<vmem>> -> memref<1x2x128xi32, #tpu.memory_space<vmem>>
    %dma_start3A_33 = tpu.memref_squeeze %dma_start3A_32 : memref<1x2x128xi32, #tpu.memory_space<vmem>> -> memref<2x128xi32, #tpu.memory_space<vmem>>
    %dma_start3A_34 = arith.constant 0 : i32
    %dma_start3A_35 = arith.constant 0 : i32
    %dma_start3A_36 = tpu.memref_slice %arg6[%add3A_21, %dma_start3A_34, %dma_start3A_35] : memref<2528x2x128xi32, #tpu.memory_space<hbm>> -> memref<1x2x128xi32, #tpu.memory_space<hbm>>
    %dma_start3A_37 = tpu.memref_squeeze %dma_start3A_36 : memref<1x2x128xi32, #tpu.memory_space<hbm>> -> memref<2x128xi32, #tpu.memory_space<hbm>>
    tpu.enqueue_dma source(%dma_start3A_37 : memref<2x128xi32, #tpu.memory_space<hbm>>) target(%dma_start3A_33 : memref<2x128xi32, #tpu.memory_space<vmem>>) target_semaphore(%arg14 : memref<!tpu.dma_semaphore, #tpu.memory_space<semaphore_mem>>)
    %add3A_38 = arith.constant 0 : i32
    %add3A_39 = arith.addi %add3A_19, %add3A_38 : i32
    %dma_wait3A = arith.constant 0 : i32
    %dma_wait3A_40 = arith.constant 0 : i32
    %dma_wait3A_41 = arith.constant 0 : i32
    %dma_wait3A_42 = tpu.memref_slice %arg11[%dma_wait3A, %dma_wait3A_40, %dma_wait3A_41] : memref<3x2x128xi32, #tpu.memory_space<vmem>> -> memref<1x2x128xi32, #tpu.memory_space<vmem>>
    %dma_wait3A_43 = tpu.memref_squeeze %dma_wait3A_42 : memref<1x2x128xi32, #tpu.memory_space<vmem>> -> memref<2x128xi32, #tpu.memory_space<vmem>>
    %dma_wait3A_44 = arith.constant 0 : i32
    %dma_wait3A_45 = arith.constant 0 : i32
    %dma_wait3A_46 = tpu.memref_slice %arg6[%add3A_39, %dma_wait3A_44, %dma_wait3A_45] : memref<2528x2x128xi32, #tpu.memory_space<hbm>> -> memref<1x2x128xi32, #tpu.memory_space<hbm>>
    %dma_wait3A_47 = tpu.memref_squeeze %dma_wait3A_46 : memref<1x2x128xi32, #tpu.memory_space<hbm>> -> memref<2x128xi32, #tpu.memory_space<hbm>>
    %dma_wait3A_48 = arith.constant 0 : i32
    %dma_wait3A_49 = arith.constant 0 : i32
    %dma_wait3A_50 = tpu.memref_slice %arg11[%dma_wait3A, %dma_wait3A_48, %dma_wait3A_49] : memref<3x2x128xi32, #tpu.memory_space<vmem>> -> memref<1x2x128xi32, #tpu.memory_space<vmem>>
    %dma_wait3A_51 = tpu.memref_squeeze %dma_wait3A_50 : memref<1x2x128xi32, #tpu.memory_space<vmem>> -> memref<2x128xi32, #tpu.memory_space<vmem>>
    %dma_wait3A_52 = arith.constant 0 : i32
    %dma_wait3A_53 = arith.constant 0 : i32
    %dma_wait3A_54 = tpu.memref_slice %arg6[%add3A_39, %dma_wait3A_52, %dma_wait3A_53] : memref<2528x2x128xi32, #tpu.memory_space<hbm>> -> memref<1x2x128xi32, #tpu.memory_space<hbm>>
    %dma_wait3A_55 = tpu.memref_squeeze %dma_wait3A_54 : memref<1x2x128xi32, #tpu.memory_space<hbm>> -> memref<2x128xi32, #tpu.memory_space<hbm>>
    tpu.wait_dma2 semaphore(%arg14 : memref<!tpu.dma_semaphore, #tpu.memory_space<semaphore_mem>>) src(%dma_wait3A_55 : memref<2x128xi32, #tpu.memory_space<hbm>>) dst(%dma_wait3A_51 : memref<2x128xi32, #tpu.memory_space<vmem>>)
    %dma_start3A_56 = arith.constant 0 : i32
    %dma_start3A_57 = arith.constant 0 : i32
    %dma_start3A_58 = arith.constant 0 : i32
    %dma_start3A_59 = arith.constant 0 : i32
    %dma_start3A_60 = arith.constant 0 : i32
    %dma_start3A_61 = tpu.memref_slice %arg12[%dma_start3A_58, %dma_start3A_59, %dma_start3A_60] : memref<2x128x80xf32, #tpu.memory_space<vmem>> -> memref<1x128x80xf32, #tpu.memory_space<vmem>>
    %dma_start3A_62 = tpu.memref_squeeze %dma_start3A_61 : memref<1x128x80xf32, #tpu.memory_space<vmem>> -> memref<128x80xf32, #tpu.memory_space<vmem>>
    %dma_start3A_63 = arith.constant 0 : i32
    %dma_start3A_64 = tpu.memref_slice %arg11[%dma_start3A_56, %dma_start3A_57, %dma_start3A_63] : memref<3x2x128xi32, #tpu.memory_space<vmem>> -> memref<1x1x128xi32, #tpu.memory_space<vmem>>
    %dma_start3A_65 = tpu.memref_squeeze %dma_start3A_64 : memref<1x1x128xi32, #tpu.memory_space<vmem>> -> memref<128xi32, #tpu.memory_space<vmem>>
    %dma_start3A_66 = arith.constant 0 : i32
    %dma_start3A_67 = arith.constant 0 : i32
    %dma_start3A_68 = tpu.memref_slice %arg2[%dma_start3A_66, %dma_start3A_67] : memref<10240x80xf32, #tpu.memory_space<hbm>> -> memref<10240x80xf32, #tpu.memory_space<hbm>>
    tpu.enqueue_indirect_dma source(%dma_start3A_68 : memref<10240x80xf32, #tpu.memory_space<hbm>>) target(%dma_start3A_62 : memref<128x80xf32, #tpu.memory_space<vmem>>) offsets(%dma_start3A_65 : memref<128xi32, #tpu.memory_space<vmem>>) semaphore(%arg15 : memref<!tpu.dma_semaphore, #tpu.memory_space<semaphore_mem>>)
    %dma_start3A_69 = arith.constant 0 : i32
    %dma_start3A_70 = arith.constant 1 : i32
    %dma_start3A_71 = arith.constant 0 : i32
    %dma_start3A_72 = arith.constant 0 : i32
    %dma_start3A_73 = arith.constant 0 : i32
    %dma_start3A_74 = tpu.memref_slice %arg13[%dma_start3A_71, %dma_start3A_72, %dma_start3A_73] : memref<2x128x16xf32, #tpu.memory_space<vmem>> -> memref<1x128x16xf32, #tpu.memory_space<vmem>>
    %dma_start3A_75 = tpu.memref_squeeze %dma_start3A_74 : memref<1x128x16xf32, #tpu.memory_space<vmem>> -> memref<128x16xf32, #tpu.memory_space<vmem>>
    %dma_start3A_76 = arith.constant 0 : i32
    %dma_start3A_77 = tpu.memref_slice %arg11[%dma_start3A_69, %dma_start3A_70, %dma_start3A_76] : memref<3x2x128xi32, #tpu.memory_space<vmem>> -> memref<1x1x128xi32, #tpu.memory_space<vmem>>
    %dma_start3A_78 = tpu.memref_squeeze %dma_start3A_77 : memref<1x1x128xi32, #tpu.memory_space<vmem>> -> memref<128xi32, #tpu.memory_space<vmem>>
    %dma_start3A_79 = arith.constant 0 : i32
    %dma_start3A_80 = arith.constant 0 : i32
    %dma_start3A_81 = tpu.memref_slice %arg3[%dma_start3A_79, %dma_start3A_80] : memref<10240x16xf32, #tpu.memory_space<hbm>> -> memref<10240x16xf32, #tpu.memory_space<hbm>>
    tpu.enqueue_indirect_dma source(%dma_start3A_81 : memref<10240x16xf32, #tpu.memory_space<hbm>>) target(%dma_start3A_75 : memref<128x16xf32, #tpu.memory_space<vmem>>) offsets(%dma_start3A_78 : memref<128xi32, #tpu.memory_space<vmem>>) semaphore(%arg15 : memref<!tpu.dma_semaphore, #tpu.memory_space<semaphore_mem>>)
    %add3A_82 = arith.constant 1 : i32
    %add3A_83 = arith.addi %add3A_19, %add3A_82 : i32
    %dma_start3A_84 = arith.constant 1 : i32
    %dma_start3A_85 = arith.constant 0 : i32
    %dma_start3A_86 = arith.constant 0 : i32
    %dma_start3A_87 = tpu.memref_slice %arg11[%dma_start3A_84, %dma_start3A_85, %dma_start3A_86] : memref<3x2x128xi32, #tpu.memory_space<vmem>> -> memref<1x2x128xi32, #tpu.memory_space<vmem>>
    %dma_start3A_88 = tpu.memref_squeeze %dma_start3A_87 : memref<1x2x128xi32, #tpu.memory_space<vmem>> -> memref<2x128xi32, #tpu.memory_space<vmem>>
    %dma_start3A_89 = arith.constant 0 : i32
    %dma_start3A_90 = arith.constant 0 : i32
    %dma_start3A_91 = tpu.memref_slice %arg6[%add3A_83, %dma_start3A_89, %dma_start3A_90] : memref<2528x2x128xi32, #tpu.memory_space<hbm>> -> memref<1x2x128xi32, #tpu.memory_space<hbm>>
    %dma_start3A_92 = tpu.memref_squeeze %dma_start3A_91 : memref<1x2x128xi32, #tpu.memory_space<hbm>> -> memref<2x128xi32, #tpu.memory_space<hbm>>
    %dma_start3A_93 = arith.constant 0 : i32
    %dma_start3A_94 = arith.constant 0 : i32
    %dma_start3A_95 = tpu.memref_slice %arg11[%dma_start3A_84, %dma_start3A_93, %dma_start3A_94] : memref<3x2x128xi32, #tpu.memory_space<vmem>> -> memref<1x2x128xi32, #tpu.memory_space<vmem>>
    %dma_start3A_96 = tpu.memref_squeeze %dma_start3A_95 : memref<1x2x128xi32, #tpu.memory_space<vmem>> -> memref<2x128xi32, #tpu.memory_space<vmem>>
    %dma_start3A_97 = arith.constant 0 : i32
    %dma_start3A_98 = arith.constant 0 : i32
    %dma_start3A_99 = tpu.memref_slice %arg6[%add3A_83, %dma_start3A_97, %dma_start3A_98] : memref<2528x2x128xi32, #tpu.memory_space<hbm>> -> memref<1x2x128xi32, #tpu.memory_space<hbm>>
    %dma_start3A_100 = tpu.memref_squeeze %dma_start3A_99 : memref<1x2x128xi32, #tpu.memory_space<hbm>> -> memref<2x128xi32, #tpu.memory_space<hbm>>
    tpu.enqueue_dma source(%dma_start3A_100 : memref<2x128xi32, #tpu.memory_space<hbm>>) target(%dma_start3A_96 : memref<2x128xi32, #tpu.memory_space<vmem>>) target_semaphore(%arg14 : memref<!tpu.dma_semaphore, #tpu.memory_space<semaphore_mem>>)
    %sub3A = arith.constant 0 : i32
    %sub3A_101 = arith.subi %select_n3A, %sub3A : i32
    %sub3A_102 = arith.constant 1 : i32
    %sub3A_103 = arith.constant 1 : i32
    %sub3A_104 = arith.subi %sub3A_102, %sub3A_103 : i32
    %add3A_105 = arith.addi %sub3A_101, %sub3A_104 : i32
    %div3A = arith.constant 1 : i32
    %div3A_106 = arith.divsi %add3A_105, %div3A : i32
    %while3A = arith.constant 1 : i32
    %while3A_107 = arith.constant 0 : i32
    %while3A_108 = arith.constant 0 : i32
    %while3A_109 = arith.subi %div3A_106, %while3A_108 : i32
    %while3A_110 = arith.addi %while3A_108, %while3A_109 : i32
    %while3A_111 = arith.constant 1 : i32
    %while3A_112 = arith.divsi %while3A_109, %while3A_111 : i32
    %while3A_113 = arith.muli %while3A_112, %while3A_111 : i32
    %while3A_114 = arith.addi %while3A_108, %while3A_113 : i32
    %while3A_115 = arith.constant 1 : i32
    scf.for %while3A_294 = %while3A_108 to %while3A_114 step %while3A_115  : i32 {
      %mul3A_295 = arith.muli %while3A_294, %while3A : i32
      %add3A_296 = arith.addi %while3A_107, %mul3A_295 : i32
      %and3A_297 = arith.constant 1 : i32
      %and3A_298 = arith.andi %add3A_296, %and3A_297 : i32
      %and3A_299 = arith.constant 1 : i32
      %and3A_300 = arith.andi %add3A_296, %and3A_299 : i32
      %jit3A_301 = arith.constant 3 : i32
      %eq3A_302 = arith.constant 0 : i32
      %eq3A_303 = arith.cmpi eq, %jit3A_301, %eq3A_302 : i32
      %jit3A_304 = arith.constant 1 : i32
      %select_n3A_305 = arith.select %eq3A_303, %jit3A_304, %jit3A_301 : i32
      %rem3A_306 = arith.remsi %add3A_296, %select_n3A_305 : i32
      %ne3A_307 = arith.constant 0 : i32
      %ne3A_308 = arith.cmpi ne, %rem3A_306, %ne3A_307 : i32
      %lt3A_309 = arith.constant 0 : i32
      %lt3A_310 = arith.cmpi slt, %rem3A_306, %lt3A_309 : i32
      %lt3A_311 = arith.constant 0 : i32
      %lt3A_312 = arith.cmpi slt, %select_n3A_305, %lt3A_311 : i32
      %ne3A_313 = arith.xori %lt3A_310, %lt3A_312 : i1
      %and3A_314 = arith.andi %ne3A_313, %ne3A_308 : i1
      %add3A_315 = arith.addi %rem3A_306, %select_n3A_305 : i32
      %select_n3A_316 = arith.select %and3A_314, %add3A_315, %rem3A_306 : i32
      %dma_wait3A_317 = arith.constant 0 : i32
      %dma_wait3A_318 = arith.constant 0 : i32
      %dma_wait3A_319 = arith.constant 0 : i32
      %dma_wait3A_320 = tpu.memref_slice %arg12[%and3A_300, %dma_wait3A_318, %dma_wait3A_319] : memref<2x128x80xf32, #tpu.memory_space<vmem>> -> memref<1x128x80xf32, #tpu.memory_space<vmem>>
      %dma_wait3A_321 = tpu.memref_squeeze %dma_wait3A_320 : memref<1x128x80xf32, #tpu.memory_space<vmem>> -> memref<128x80xf32, #tpu.memory_space<vmem>>
      %dma_wait3A_322 = arith.constant 0 : i32
      %dma_wait3A_323 = tpu.memref_slice %arg11[%select_n3A_316, %dma_wait3A_317, %dma_wait3A_322] : memref<3x2x128xi32, #tpu.memory_space<vmem>> -> memref<1x1x128xi32, #tpu.memory_space<vmem>>
      %dma_wait3A_324 = tpu.memref_squeeze %dma_wait3A_323 : memref<1x1x128xi32, #tpu.memory_space<vmem>> -> memref<128xi32, #tpu.memory_space<vmem>>
      %dma_wait3A_325 = arith.constant 0 : i32
      %dma_wait3A_326 = arith.constant 0 : i32
      %dma_wait3A_327 = tpu.memref_slice %arg2[%dma_wait3A_325, %dma_wait3A_326] : memref<10240x80xf32, #tpu.memory_space<hbm>> -> memref<10240x80xf32, #tpu.memory_space<hbm>>
      tpu.wait_indirect_dma semaphore(%arg15 : memref<!tpu.dma_semaphore, #tpu.memory_space<semaphore_mem>>) src(%dma_wait3A_327 : memref<10240x80xf32, #tpu.memory_space<hbm>>) dst(%dma_wait3A_321 : memref<128x80xf32, #tpu.memory_space<vmem>>)
      %dma_wait3A_328 = arith.constant 1 : i32
      %dma_wait3A_329 = arith.constant 0 : i32
      %dma_wait3A_330 = arith.constant 0 : i32
      %dma_wait3A_331 = tpu.memref_slice %arg13[%and3A_300, %dma_wait3A_329, %dma_wait3A_330] : memref<2x128x16xf32, #tpu.memory_space<vmem>> -> memref<1x128x16xf32, #tpu.memory_space<vmem>>
      %dma_wait3A_332 = tpu.memref_squeeze %dma_wait3A_331 : memref<1x128x16xf32, #tpu.memory_space<vmem>> -> memref<128x16xf32, #tpu.memory_space<vmem>>
      %dma_wait3A_333 = arith.constant 0 : i32
      %dma_wait3A_334 = tpu.memref_slice %arg11[%select_n3A_316, %dma_wait3A_328, %dma_wait3A_333] : memref<3x2x128xi32, #tpu.memory_space<vmem>> -> memref<1x1x128xi32, #tpu.memory_space<vmem>>
      %dma_wait3A_335 = tpu.memref_squeeze %dma_wait3A_334 : memref<1x1x128xi32, #tpu.memory_space<vmem>> -> memref<128xi32, #tpu.memory_space<vmem>>
      %dma_wait3A_336 = arith.constant 0 : i32
      %dma_wait3A_337 = arith.constant 0 : i32
      %dma_wait3A_338 = tpu.memref_slice %arg3[%dma_wait3A_336, %dma_wait3A_337] : memref<10240x16xf32, #tpu.memory_space<hbm>> -> memref<10240x16xf32, #tpu.memory_space<hbm>>
      tpu.wait_indirect_dma semaphore(%arg15 : memref<!tpu.dma_semaphore, #tpu.memory_space<semaphore_mem>>) src(%dma_wait3A_338 : memref<10240x16xf32, #tpu.memory_space<hbm>>) dst(%dma_wait3A_332 : memref<128x16xf32, #tpu.memory_space<vmem>>)
      %ge3A = arith.constant 1 : i32
      %ge3A_339 = arith.cmpi sge, %add3A_296, %ge3A : i32
      %convert_element_type3A = arith.extui %ge3A_339 : i1 to i32
      %cond3A = arith.constant 0 : i32
      %cond3A_340 = arith.cmpi ne, %convert_element_type3A, %cond3A : i32
      scf.if %cond3A_340 {
        %sub3A_384 = arith.constant 1 : i32
        %sub3A_385 = arith.subi %add3A_296, %sub3A_384 : i32
        %and3A_386 = arith.constant 1 : i32
        %and3A_387 = arith.andi %sub3A_385, %and3A_386 : i32
        %jit3A_388 = arith.constant 3 : i32
        %eq3A_389 = arith.constant 0 : i32
        %eq3A_390 = arith.cmpi eq, %jit3A_388, %eq3A_389 : i32
        %jit3A_391 = arith.constant 1 : i32
        %select_n3A_392 = arith.select %eq3A_390, %jit3A_391, %jit3A_388 : i32
        %rem3A_393 = arith.remsi %sub3A_385, %select_n3A_392 : i32
        %ne3A_394 = arith.constant 0 : i32
        %ne3A_395 = arith.cmpi ne, %rem3A_393, %ne3A_394 : i32
        %lt3A_396 = arith.constant 0 : i32
        %lt3A_397 = arith.cmpi slt, %rem3A_393, %lt3A_396 : i32
        %lt3A_398 = arith.constant 0 : i32
        %lt3A_399 = arith.cmpi slt, %select_n3A_392, %lt3A_398 : i32
        %ne3A_400 = arith.xori %lt3A_397, %lt3A_399 : i1
        %and3A_401 = arith.andi %ne3A_400, %ne3A_395 : i1
        %add3A_402 = arith.addi %rem3A_393, %select_n3A_392 : i32
        %select_n3A_403 = arith.select %and3A_401, %add3A_402, %rem3A_393 : i32
        %dma_wait3A_404 = arith.constant 1 : i32
        %dma_wait3A_405 = arith.constant 0 : i32
        %dma_wait3A_406 = arith.constant 0 : i32
        %dma_wait3A_407 = tpu.memref_slice %arg12[%and3A_387, %dma_wait3A_405, %dma_wait3A_406] : memref<2x128x80xf32, #tpu.memory_space<vmem>> -> memref<1x128x80xf32, #tpu.memory_space<vmem>>
        %dma_wait3A_408 = tpu.memref_squeeze %dma_wait3A_407 : memref<1x128x80xf32, #tpu.memory_space<vmem>> -> memref<128x80xf32, #tpu.memory_space<vmem>>
        %dma_wait3A_409 = arith.constant 0 : i32
        %dma_wait3A_410 = tpu.memref_slice %arg11[%select_n3A_403, %dma_wait3A_404, %dma_wait3A_409] : memref<3x2x128xi32, #tpu.memory_space<vmem>> -> memref<1x1x128xi32, #tpu.memory_space<vmem>>
        %dma_wait3A_411 = tpu.memref_squeeze %dma_wait3A_410 : memref<1x1x128xi32, #tpu.memory_space<vmem>> -> memref<128xi32, #tpu.memory_space<vmem>>
        %dma_wait3A_412 = arith.constant 0 : i32
        %dma_wait3A_413 = arith.constant 0 : i32
        %dma_wait3A_414 = tpu.memref_slice %arg9[%dma_wait3A_412, %dma_wait3A_413] : memref<10240x80xf32, #tpu.memory_space<vmem_shared>> -> memref<10240x80xf32, #tpu.memory_space<vmem_shared>>
        tpu.wait_indirect_dma semaphore(%arg16 : memref<!tpu.dma_semaphore, #tpu.memory_space<semaphore_mem>>) src(%dma_wait3A_408 : memref<128x80xf32, #tpu.memory_space<vmem>>) dst(%dma_wait3A_414 : memref<10240x80xf32, #tpu.memory_space<vmem_shared>>)
      } else {
      }
      %add3A_341 = arith.constant 1 : i32
      %add3A_342 = arith.addi %add3A_296, %add3A_341 : i32
      %lt3A_343 = arith.cmpi slt, %add3A_342, %select_n3A : i32
      %convert_element_type3A_344 = arith.extui %lt3A_343 : i1 to i32
      %cond3A_345 = arith.constant 0 : i32
      %cond3A_346 = arith.cmpi ne, %convert_element_type3A_344, %cond3A_345 : i32
      scf.if %cond3A_346 {
        %add3A_384 = arith.constant 1 : i32
        %add3A_385 = arith.addi %add3A_296, %add3A_384 : i32
        %add3A_386 = arith.addi %add3A_19, %add3A_385 : i32
        %jit3A_387 = arith.constant 3 : i32
        %eq3A_388 = arith.constant 0 : i32
        %eq3A_389 = arith.cmpi eq, %jit3A_387, %eq3A_388 : i32
        %jit3A_390 = arith.constant 1 : i32
        %select_n3A_391 = arith.select %eq3A_389, %jit3A_390, %jit3A_387 : i32
        %rem3A_392 = arith.remsi %add3A_385, %select_n3A_391 : i32
        %ne3A_393 = arith.constant 0 : i32
        %ne3A_394 = arith.cmpi ne, %rem3A_392, %ne3A_393 : i32
        %lt3A_395 = arith.constant 0 : i32
        %lt3A_396 = arith.cmpi slt, %rem3A_392, %lt3A_395 : i32
        %lt3A_397 = arith.constant 0 : i32
        %lt3A_398 = arith.cmpi slt, %select_n3A_391, %lt3A_397 : i32
        %ne3A_399 = arith.xori %lt3A_396, %lt3A_398 : i1
        %and3A_400 = arith.andi %ne3A_399, %ne3A_394 : i1
        %add3A_401 = arith.addi %rem3A_392, %select_n3A_391 : i32
        %select_n3A_402 = arith.select %and3A_400, %add3A_401, %rem3A_392 : i32
        %dma_wait3A_403 = arith.constant 0 : i32
        %dma_wait3A_404 = arith.constant 0 : i32
        %dma_wait3A_405 = tpu.memref_slice %arg11[%select_n3A_402, %dma_wait3A_403, %dma_wait3A_404] : memref<3x2x128xi32, #tpu.memory_space<vmem>> -> memref<1x2x128xi32, #tpu.memory_space<vmem>>
        %dma_wait3A_406 = tpu.memref_squeeze %dma_wait3A_405 : memref<1x2x128xi32, #tpu.memory_space<vmem>> -> memref<2x128xi32, #tpu.memory_space<vmem>>
        %dma_wait3A_407 = arith.constant 0 : i32
        %dma_wait3A_408 = arith.constant 0 : i32
        %dma_wait3A_409 = tpu.memref_slice %arg6[%add3A_386, %dma_wait3A_407, %dma_wait3A_408] : memref<2528x2x128xi32, #tpu.memory_space<hbm>> -> memref<1x2x128xi32, #tpu.memory_space<hbm>>
        %dma_wait3A_410 = tpu.memref_squeeze %dma_wait3A_409 : memref<1x2x128xi32, #tpu.memory_space<hbm>> -> memref<2x128xi32, #tpu.memory_space<hbm>>
        %dma_wait3A_411 = arith.constant 0 : i32
        %dma_wait3A_412 = arith.constant 0 : i32
        %dma_wait3A_413 = tpu.memref_slice %arg11[%select_n3A_402, %dma_wait3A_411, %dma_wait3A_412] : memref<3x2x128xi32, #tpu.memory_space<vmem>> -> memref<1x2x128xi32, #tpu.memory_space<vmem>>
        %dma_wait3A_414 = tpu.memref_squeeze %dma_wait3A_413 : memref<1x2x128xi32, #tpu.memory_space<vmem>> -> memref<2x128xi32, #tpu.memory_space<vmem>>
        %dma_wait3A_415 = arith.constant 0 : i32
        %dma_wait3A_416 = arith.constant 0 : i32
        %dma_wait3A_417 = tpu.memref_slice %arg6[%add3A_386, %dma_wait3A_415, %dma_wait3A_416] : memref<2528x2x128xi32, #tpu.memory_space<hbm>> -> memref<1x2x128xi32, #tpu.memory_space<hbm>>
        %dma_wait3A_418 = tpu.memref_squeeze %dma_wait3A_417 : memref<1x2x128xi32, #tpu.memory_space<hbm>> -> memref<2x128xi32, #tpu.memory_space<hbm>>
        tpu.wait_dma2 semaphore(%arg14 : memref<!tpu.dma_semaphore, #tpu.memory_space<semaphore_mem>>) src(%dma_wait3A_418 : memref<2x128xi32, #tpu.memory_space<hbm>>) dst(%dma_wait3A_414 : memref<2x128xi32, #tpu.memory_space<vmem>>)
        %add3A_419 = arith.constant 1 : i32
        %add3A_420 = arith.addi %add3A_296, %add3A_419 : i32
        %and3A_421 = arith.constant 1 : i32
        %and3A_422 = arith.andi %add3A_420, %and3A_421 : i32
        %jit3A_423 = arith.constant 3 : i32
        %eq3A_424 = arith.constant 0 : i32
        %eq3A_425 = arith.cmpi eq, %jit3A_423, %eq3A_424 : i32
        %jit3A_426 = arith.constant 1 : i32
        %select_n3A_427 = arith.select %eq3A_425, %jit3A_426, %jit3A_423 : i32
        %rem3A_428 = arith.remsi %add3A_420, %select_n3A_427 : i32
        %ne3A_429 = arith.constant 0 : i32
        %ne3A_430 = arith.cmpi ne, %rem3A_428, %ne3A_429 : i32
        %lt3A_431 = arith.constant 0 : i32
        %lt3A_432 = arith.cmpi slt, %rem3A_428, %lt3A_431 : i32
        %lt3A_433 = arith.constant 0 : i32
        %lt3A_434 = arith.cmpi slt, %select_n3A_427, %lt3A_433 : i32
        %ne3A_435 = arith.xori %lt3A_432, %lt3A_434 : i1
        %and3A_436 = arith.andi %ne3A_435, %ne3A_430 : i1
        %add3A_437 = arith.addi %rem3A_428, %select_n3A_427 : i32
        %select_n3A_438 = arith.select %and3A_436, %add3A_437, %rem3A_428 : i32
        %dma_start3A_439 = arith.constant 0 : i32
        %dma_start3A_440 = arith.constant 0 : i32
        %dma_start3A_441 = arith.constant 0 : i32
        %dma_start3A_442 = tpu.memref_slice %arg12[%and3A_422, %dma_start3A_440, %dma_start3A_441] : memref<2x128x80xf32, #tpu.memory_space<vmem>> -> memref<1x128x80xf32, #tpu.memory_space<vmem>>
        %dma_start3A_443 = tpu.memref_squeeze %dma_start3A_442 : memref<1x128x80xf32, #tpu.memory_space<vmem>> -> memref<128x80xf32, #tpu.memory_space<vmem>>
        %dma_start3A_444 = arith.constant 0 : i32
        %dma_start3A_445 = tpu.memref_slice %arg11[%select_n3A_438, %dma_start3A_439, %dma_start3A_444] : memref<3x2x128xi32, #tpu.memory_space<vmem>> -> memref<1x1x128xi32, #tpu.memory_space<vmem>>
        %dma_start3A_446 = tpu.memref_squeeze %dma_start3A_445 : memref<1x1x128xi32, #tpu.memory_space<vmem>> -> memref<128xi32, #tpu.memory_space<vmem>>
        %dma_start3A_447 = arith.constant 0 : i32
        %dma_start3A_448 = arith.constant 0 : i32
        %dma_start3A_449 = tpu.memref_slice %arg2[%dma_start3A_447, %dma_start3A_448] : memref<10240x80xf32, #tpu.memory_space<hbm>> -> memref<10240x80xf32, #tpu.memory_space<hbm>>
        tpu.enqueue_indirect_dma source(%dma_start3A_449 : memref<10240x80xf32, #tpu.memory_space<hbm>>) target(%dma_start3A_443 : memref<128x80xf32, #tpu.memory_space<vmem>>) offsets(%dma_start3A_446 : memref<128xi32, #tpu.memory_space<vmem>>) semaphore(%arg15 : memref<!tpu.dma_semaphore, #tpu.memory_space<semaphore_mem>>)
        %dma_start3A_450 = arith.constant 1 : i32
        %dma_start3A_451 = arith.constant 0 : i32
        %dma_start3A_452 = arith.constant 0 : i32
        %dma_start3A_453 = tpu.memref_slice %arg13[%and3A_422, %dma_start3A_451, %dma_start3A_452] : memref<2x128x16xf32, #tpu.memory_space<vmem>> -> memref<1x128x16xf32, #tpu.memory_space<vmem>>
        %dma_start3A_454 = tpu.memref_squeeze %dma_start3A_453 : memref<1x128x16xf32, #tpu.memory_space<vmem>> -> memref<128x16xf32, #tpu.memory_space<vmem>>
        %dma_start3A_455 = arith.constant 0 : i32
        %dma_start3A_456 = tpu.memref_slice %arg11[%select_n3A_438, %dma_start3A_450, %dma_start3A_455] : memref<3x2x128xi32, #tpu.memory_space<vmem>> -> memref<1x1x128xi32, #tpu.memory_space<vmem>>
        %dma_start3A_457 = tpu.memref_squeeze %dma_start3A_456 : memref<1x1x128xi32, #tpu.memory_space<vmem>> -> memref<128xi32, #tpu.memory_space<vmem>>
        %dma_start3A_458 = arith.constant 0 : i32
        %dma_start3A_459 = arith.constant 0 : i32
        %dma_start3A_460 = tpu.memref_slice %arg3[%dma_start3A_458, %dma_start3A_459] : memref<10240x16xf32, #tpu.memory_space<hbm>> -> memref<10240x16xf32, #tpu.memory_space<hbm>>
        tpu.enqueue_indirect_dma source(%dma_start3A_460 : memref<10240x16xf32, #tpu.memory_space<hbm>>) target(%dma_start3A_454 : memref<128x16xf32, #tpu.memory_space<vmem>>) offsets(%dma_start3A_457 : memref<128xi32, #tpu.memory_space<vmem>>) semaphore(%arg15 : memref<!tpu.dma_semaphore, #tpu.memory_space<semaphore_mem>>)
      } else {
      }
      %add3A_347 = arith.constant 2 : i32
      %add3A_348 = arith.addi %add3A_296, %add3A_347 : i32
      %lt3A_349 = arith.cmpi slt, %add3A_348, %select_n3A : i32
      %convert_element_type3A_350 = arith.extui %lt3A_349 : i1 to i32
      %cond3A_351 = arith.constant 0 : i32
      %cond3A_352 = arith.cmpi ne, %convert_element_type3A_350, %cond3A_351 : i32
      scf.if %cond3A_352 {
        %add3A_384 = arith.constant 2 : i32
        %add3A_385 = arith.addi %add3A_296, %add3A_384 : i32
        %add3A_386 = arith.addi %add3A_19, %add3A_385 : i32
        %jit3A_387 = arith.constant 3 : i32
        %eq3A_388 = arith.constant 0 : i32
        %eq3A_389 = arith.cmpi eq, %jit3A_387, %eq3A_388 : i32
        %jit3A_390 = arith.constant 1 : i32
        %select_n3A_391 = arith.select %eq3A_389, %jit3A_390, %jit3A_387 : i32
        %rem3A_392 = arith.remsi %add3A_385, %select_n3A_391 : i32
        %ne3A_393 = arith.constant 0 : i32
        %ne3A_394 = arith.cmpi ne, %rem3A_392, %ne3A_393 : i32
        %lt3A_395 = arith.constant 0 : i32
        %lt3A_396 = arith.cmpi slt, %rem3A_392, %lt3A_395 : i32
        %lt3A_397 = arith.constant 0 : i32
        %lt3A_398 = arith.cmpi slt, %select_n3A_391, %lt3A_397 : i32
        %ne3A_399 = arith.xori %lt3A_396, %lt3A_398 : i1
        %and3A_400 = arith.andi %ne3A_399, %ne3A_394 : i1
        %add3A_401 = arith.addi %rem3A_392, %select_n3A_391 : i32
        %select_n3A_402 = arith.select %and3A_400, %add3A_401, %rem3A_392 : i32
        %dma_start3A_403 = arith.constant 0 : i32
        %dma_start3A_404 = arith.constant 0 : i32
        %dma_start3A_405 = tpu.memref_slice %arg11[%select_n3A_402, %dma_start3A_403, %dma_start3A_404] : memref<3x2x128xi32, #tpu.memory_space<vmem>> -> memref<1x2x128xi32, #tpu.memory_space<vmem>>
        %dma_start3A_406 = tpu.memref_squeeze %dma_start3A_405 : memref<1x2x128xi32, #tpu.memory_space<vmem>> -> memref<2x128xi32, #tpu.memory_space<vmem>>
        %dma_start3A_407 = arith.constant 0 : i32
        %dma_start3A_408 = arith.constant 0 : i32
        %dma_start3A_409 = tpu.memref_slice %arg6[%add3A_386, %dma_start3A_407, %dma_start3A_408] : memref<2528x2x128xi32, #tpu.memory_space<hbm>> -> memref<1x2x128xi32, #tpu.memory_space<hbm>>
        %dma_start3A_410 = tpu.memref_squeeze %dma_start3A_409 : memref<1x2x128xi32, #tpu.memory_space<hbm>> -> memref<2x128xi32, #tpu.memory_space<hbm>>
        %dma_start3A_411 = arith.constant 0 : i32
        %dma_start3A_412 = arith.constant 0 : i32
        %dma_start3A_413 = tpu.memref_slice %arg11[%select_n3A_402, %dma_start3A_411, %dma_start3A_412] : memref<3x2x128xi32, #tpu.memory_space<vmem>> -> memref<1x2x128xi32, #tpu.memory_space<vmem>>
        %dma_start3A_414 = tpu.memref_squeeze %dma_start3A_413 : memref<1x2x128xi32, #tpu.memory_space<vmem>> -> memref<2x128xi32, #tpu.memory_space<vmem>>
        %dma_start3A_415 = arith.constant 0 : i32
        %dma_start3A_416 = arith.constant 0 : i32
        %dma_start3A_417 = tpu.memref_slice %arg6[%add3A_386, %dma_start3A_415, %dma_start3A_416] : memref<2528x2x128xi32, #tpu.memory_space<hbm>> -> memref<1x2x128xi32, #tpu.memory_space<hbm>>
        %dma_start3A_418 = tpu.memref_squeeze %dma_start3A_417 : memref<1x2x128xi32, #tpu.memory_space<hbm>> -> memref<2x128xi32, #tpu.memory_space<hbm>>
        tpu.enqueue_dma source(%dma_start3A_418 : memref<2x128xi32, #tpu.memory_space<hbm>>) target(%dma_start3A_414 : memref<2x128xi32, #tpu.memory_space<vmem>>) target_semaphore(%arg14 : memref<!tpu.dma_semaphore, #tpu.memory_space<semaphore_mem>>)
      } else {
      }
      %parallel_loop3A = arith.constant 0 : i32
      %parallel_loop3A_353 = arith.constant 128 : i32
      %parallel_loop3A_354 = arith.constant 1 : i32
      scf.for %parallel_loop3A_384 = %parallel_loop3A to %parallel_loop3A_353 step %parallel_loop3A_354  : i32 {
        %parallel_loop3A_385 = arith.index_cast %and3A_298 : i32 to index
        %parallel_loop3A_386 = arith.index_cast %parallel_loop3A_384 : i32 to index
        %parallel_loop3A_387 = arith.constant 64 : index
        %parallel_loop3A_388 = tpu.vector_load %arg12[%parallel_loop3A_385, %parallel_loop3A_386, %parallel_loop3A_387] {strides = array<i32>} : memref<2x128x80xf32, #tpu.memory_space<vmem>>, vector<1x1x16xf32>,
        %parallel_loop3A_389 = vector.shape_cast %parallel_loop3A_388 : vector<1x1x16xf32> to vector<16xf32>
        %parallel_loop3A_390 = arith.index_cast %and3A_298 : i32 to index
        %parallel_loop3A_391 = arith.index_cast %parallel_loop3A_384 : i32 to index
        %parallel_loop3A_392 = arith.constant 0 : index
        %parallel_loop3A_393 = tpu.vector_load %arg13[%parallel_loop3A_390, %parallel_loop3A_391, %parallel_loop3A_392] {strides = array<i32>} : memref<2x128x16xf32, #tpu.memory_space<vmem>>, vector<1x1x16xf32>,
        %parallel_loop3A_394 = vector.shape_cast %parallel_loop3A_393 : vector<1x1x16xf32> to vector<16xf32>
        %parallel_loop3A_395 = arith.addf %parallel_loop3A_389, %parallel_loop3A_394 : vector<16xf32>
        %parallel_loop3A_396 = arith.constant 2.000000e-01 : f32
        %parallel_loop3A_397 = vector.broadcast %parallel_loop3A_396 : f32 to vector<16xf32>
        %parallel_loop3A_398 = arith.mulf %parallel_loop3A_395, %parallel_loop3A_397 : vector<16xf32>
        %parallel_loop3A_399 = arith.maximumf %parallel_loop3A_395, %parallel_loop3A_398 : vector<16xf32>
        %parallel_loop3A_400 = math.exp %parallel_loop3A_399 : vector<16xf32>
        %parallel_loop3A_401 = arith.index_cast %and3A_298 : i32 to index
        %parallel_loop3A_402 = arith.index_cast %parallel_loop3A_384 : i32 to index
        %parallel_loop3A_403 = arith.constant 64 : index
        %parallel_loop3A_404 = tpu.vector_load %arg12[%parallel_loop3A_401, %parallel_loop3A_402, %parallel_loop3A_403] {strides = array<i32>} : memref<2x128x80xf32, #tpu.memory_space<vmem>>, vector<1x1x16xf32>,
        %parallel_loop3A_405 = vector.shape_cast %parallel_loop3A_404 : vector<1x1x16xf32> to vector<16xf32>
        %parallel_loop3A_406 = vector.shape_cast %parallel_loop3A_400 : vector<16xf32> to vector<1x1x16xf32>
        tpu.vector_store %arg12[%parallel_loop3A_401, %parallel_loop3A_402, %parallel_loop3A_403], %parallel_loop3A_406 {strides = array<i32>} : memref<2x128x80xf32, #tpu.memory_space<vmem>>, vector<1x1x16xf32>,
        %parallel_loop3A_407 = arith.index_cast %and3A_298 : i32 to index
        %parallel_loop3A_408 = arith.index_cast %parallel_loop3A_384 : i32 to index
        %parallel_loop3A_409 = arith.constant 0 : index
        %parallel_loop3A_410 = tpu.vector_load %arg12[%parallel_loop3A_407, %parallel_loop3A_408, %parallel_loop3A_409] {strides = array<i32>} : memref<2x128x80xf32, #tpu.memory_space<vmem>>, vector<1x1x16xf32>,
        %parallel_loop3A_411 = vector.shape_cast %parallel_loop3A_410 : vector<1x1x16xf32> to vector<16xf32>
        %parallel_loop3A_412 = arith.mulf %parallel_loop3A_411, %parallel_loop3A_400 : vector<16xf32>
        %parallel_loop3A_413 = arith.index_cast %and3A_298 : i32 to index
        %parallel_loop3A_414 = arith.index_cast %parallel_loop3A_384 : i32 to index
        %parallel_loop3A_415 = arith.constant 0 : index
        %parallel_loop3A_416 = tpu.vector_load %arg12[%parallel_loop3A_413, %parallel_loop3A_414, %parallel_loop3A_415] {strides = array<i32>} : memref<2x128x80xf32, #tpu.memory_space<vmem>>, vector<1x1x16xf32>,
        %parallel_loop3A_417 = vector.shape_cast %parallel_loop3A_416 : vector<1x1x16xf32> to vector<16xf32>
        %parallel_loop3A_418 = vector.shape_cast %parallel_loop3A_412 : vector<16xf32> to vector<1x1x16xf32>
        tpu.vector_store %arg12[%parallel_loop3A_413, %parallel_loop3A_414, %parallel_loop3A_415], %parallel_loop3A_418 {strides = array<i32>} : memref<2x128x80xf32, #tpu.memory_space<vmem>>, vector<1x1x16xf32>,
        %parallel_loop3A_419 = arith.index_cast %and3A_298 : i32 to index
        %parallel_loop3A_420 = arith.index_cast %parallel_loop3A_384 : i32 to index
        %parallel_loop3A_421 = arith.constant 16 : index
        %parallel_loop3A_422 = tpu.vector_load %arg12[%parallel_loop3A_419, %parallel_loop3A_420, %parallel_loop3A_421] {strides = array<i32>} : memref<2x128x80xf32, #tpu.memory_space<vmem>>, vector<1x1x16xf32>,
        %parallel_loop3A_423 = vector.shape_cast %parallel_loop3A_422 : vector<1x1x16xf32> to vector<16xf32>
        %parallel_loop3A_424 = arith.mulf %parallel_loop3A_423, %parallel_loop3A_400 : vector<16xf32>
        %parallel_loop3A_425 = arith.index_cast %and3A_298 : i32 to index
        %parallel_loop3A_426 = arith.index_cast %parallel_loop3A_384 : i32 to index
        %parallel_loop3A_427 = arith.constant 16 : index
        %parallel_loop3A_428 = tpu.vector_load %arg12[%parallel_loop3A_425, %parallel_loop3A_426, %parallel_loop3A_427] {strides = array<i32>} : memref<2x128x80xf32, #tpu.memory_space<vmem>>, vector<1x1x16xf32>,
        %parallel_loop3A_429 = vector.shape_cast %parallel_loop3A_428 : vector<1x1x16xf32> to vector<16xf32>
        %parallel_loop3A_430 = vector.shape_cast %parallel_loop3A_424 : vector<16xf32> to vector<1x1x16xf32>
        tpu.vector_store %arg12[%parallel_loop3A_425, %parallel_loop3A_426, %parallel_loop3A_427], %parallel_loop3A_430 {strides = array<i32>} : memref<2x128x80xf32, #tpu.memory_space<vmem>>, vector<1x1x16xf32>,
        %parallel_loop3A_431 = arith.index_cast %and3A_298 : i32 to index
        %parallel_loop3A_432 = arith.index_cast %parallel_loop3A_384 : i32 to index
        %parallel_loop3A_433 = arith.constant 32 : index
        %parallel_loop3A_434 = tpu.vector_load %arg12[%parallel_loop3A_431, %parallel_loop3A_432, %parallel_loop3A_433] {strides = array<i32>} : memref<2x128x80xf32, #tpu.memory_space<vmem>>, vector<1x1x16xf32>,
        %parallel_loop3A_435 = vector.shape_cast %parallel_loop3A_434 : vector<1x1x16xf32> to vector<16xf32>
        %parallel_loop3A_436 = arith.mulf %parallel_loop3A_435, %parallel_loop3A_400 : vector<16xf32>
        %parallel_loop3A_437 = arith.index_cast %and3A_298 : i32 to index
        %parallel_loop3A_438 = arith.index_cast %parallel_loop3A_384 : i32 to index
        %parallel_loop3A_439 = arith.constant 32 : index
        %parallel_loop3A_440 = tpu.vector_load %arg12[%parallel_loop3A_437, %parallel_loop3A_438, %parallel_loop3A_439] {strides = array<i32>} : memref<2x128x80xf32, #tpu.memory_space<vmem>>, vector<1x1x16xf32>,
        %parallel_loop3A_441 = vector.shape_cast %parallel_loop3A_440 : vector<1x1x16xf32> to vector<16xf32>
        %parallel_loop3A_442 = vector.shape_cast %parallel_loop3A_436 : vector<16xf32> to vector<1x1x16xf32>
        tpu.vector_store %arg12[%parallel_loop3A_437, %parallel_loop3A_438, %parallel_loop3A_439], %parallel_loop3A_442 {strides = array<i32>} : memref<2x128x80xf32, #tpu.memory_space<vmem>>, vector<1x1x16xf32>,
        %parallel_loop3A_443 = arith.index_cast %and3A_298 : i32 to index
        %parallel_loop3A_444 = arith.index_cast %parallel_loop3A_384 : i32 to index
        %parallel_loop3A_445 = arith.constant 48 : index
        %parallel_loop3A_446 = tpu.vector_load %arg12[%parallel_loop3A_443, %parallel_loop3A_444, %parallel_loop3A_445] {strides = array<i32>} : memref<2x128x80xf32, #tpu.memory_space<vmem>>, vector<1x1x16xf32>,
        %parallel_loop3A_447 = vector.shape_cast %parallel_loop3A_446 : vector<1x1x16xf32> to vector<16xf32>
        %parallel_loop3A_448 = arith.mulf %parallel_loop3A_447, %parallel_loop3A_400 : vector<16xf32>
        %parallel_loop3A_449 = arith.index_cast %and3A_298 : i32 to index
        %parallel_loop3A_450 = arith.index_cast %parallel_loop3A_384 : i32 to index
        %parallel_loop3A_451 = arith.constant 48 : index
        %parallel_loop3A_452 = tpu.vector_load %arg12[%parallel_loop3A_449, %parallel_loop3A_450, %parallel_loop3A_451] {strides = array<i32>} : memref<2x128x80xf32, #tpu.memory_space<vmem>>, vector<1x1x16xf32>,
        %parallel_loop3A_453 = vector.shape_cast %parallel_loop3A_452 : vector<1x1x16xf32> to vector<16xf32>
        %parallel_loop3A_454 = vector.shape_cast %parallel_loop3A_448 : vector<16xf32> to vector<1x1x16xf32>
        tpu.vector_store %arg12[%parallel_loop3A_449, %parallel_loop3A_450, %parallel_loop3A_451], %parallel_loop3A_454 {strides = array<i32>} : memref<2x128x80xf32, #tpu.memory_space<vmem>>, vector<1x1x16xf32>,
      } {sc.loop_unroll_factor = 4 : i64, sc.parallel_access}
      %and3A_355 = arith.constant 1 : i32
      %and3A_356 = arith.andi %add3A_296, %and3A_355 : i32
      %jit3A_357 = arith.constant 3 : i32
      %eq3A_358 = arith.constant 0 : i32
      %eq3A_359 = arith.cmpi eq, %jit3A_357, %eq3A_358 : i32
      %jit3A_360 = arith.constant 1 : i32
      %select_n3A_361 = arith.select %eq3A_359, %jit3A_360, %jit3A_357 : i32
      %rem3A_362 = arith.remsi %add3A_296, %select_n3A_361 : i32
      %ne3A_363 = arith.constant 0 : i32
      %ne3A_364 = arith.cmpi ne, %rem3A_362, %ne3A_363 : i32
      %lt3A_365 = arith.constant 0 : i32
      %lt3A_366 = arith.cmpi slt, %rem3A_362, %lt3A_365 : i32
      %lt3A_367 = arith.constant 0 : i32
      %lt3A_368 = arith.cmpi slt, %select_n3A_361, %lt3A_367 : i32
      %ne3A_369 = arith.xori %lt3A_366, %lt3A_368 : i1
      %and3A_370 = arith.andi %ne3A_369, %ne3A_364 : i1
      %add3A_371 = arith.addi %rem3A_362, %select_n3A_361 : i32
      %select_n3A_372 = arith.select %and3A_370, %add3A_371, %rem3A_362 : i32
      %dma_start3A_373 = arith.constant 1 : i32
      %dma_start3A_374 = arith.constant 0 : i32
      %dma_start3A_375 = arith.constant 0 : i32
      %dma_start3A_376 = tpu.memref_slice %arg12[%and3A_356, %dma_start3A_374, %dma_start3A_375] : memref<2x128x80xf32, #tpu.memory_space<vmem>> -> memref<1x128x80xf32, #tpu.memory_space<vmem>>
      %dma_start3A_377 = tpu.memref_squeeze %dma_start3A_376 : memref<1x128x80xf32, #tpu.memory_space<vmem>> -> memref<128x80xf32, #tpu.memory_space<vmem>>
      %dma_start3A_378 = arith.constant 0 : i32
      %dma_start3A_379 = tpu.memref_slice %arg11[%select_n3A_372, %dma_start3A_373, %dma_start3A_378] : memref<3x2x128xi32, #tpu.memory_space<vmem>> -> memref<1x1x128xi32, #tpu.memory_space<vmem>>
      %dma_start3A_380 = tpu.memref_squeeze %dma_start3A_379 : memref<1x1x128xi32, #tpu.memory_space<vmem>> -> memref<128xi32, #tpu.memory_space<vmem>>
      %dma_start3A_381 = arith.constant 0 : i32
      %dma_start3A_382 = arith.constant 0 : i32
      %dma_start3A_383 = tpu.memref_slice %arg9[%dma_start3A_381, %dma_start3A_382] : memref<10240x80xf32, #tpu.memory_space<vmem_shared>> -> memref<10240x80xf32, #tpu.memory_space<vmem_shared>>
      tpu.enqueue_indirect_dma source(%dma_start3A_377 : memref<128x80xf32, #tpu.memory_space<vmem>>) target(%dma_start3A_383 : memref<10240x80xf32, #tpu.memory_space<vmem_shared>>) offsets(%dma_start3A_380 : memref<128xi32, #tpu.memory_space<vmem>>) semaphore(%arg16 : memref<!tpu.dma_semaphore, #tpu.memory_space<semaphore_mem>>) {add = true}
    }
    %while3A_116 = arith.constant 1 : i32
    scf.for %while3A_294 = %while3A_114 to %while3A_110 step %while3A_116  : i32 {
      %mul3A_295 = arith.muli %while3A_294, %while3A : i32
      %add3A_296 = arith.addi %while3A_107, %mul3A_295 : i32
      %and3A_297 = arith.constant 1 : i32
      %and3A_298 = arith.andi %add3A_296, %and3A_297 : i32
      %and3A_299 = arith.constant 1 : i32
      %and3A_300 = arith.andi %add3A_296, %and3A_299 : i32
      %jit3A_301 = arith.constant 3 : i32
      %eq3A_302 = arith.constant 0 : i32
      %eq3A_303 = arith.cmpi eq, %jit3A_301, %eq3A_302 : i32
      %jit3A_304 = arith.constant 1 : i32
      %select_n3A_305 = arith.select %eq3A_303, %jit3A_304, %jit3A_301 : i32
      %rem3A_306 = arith.remsi %add3A_296, %select_n3A_305 : i32
      %ne3A_307 = arith.constant 0 : i32
      %ne3A_308 = arith.cmpi ne, %rem3A_306, %ne3A_307 : i32
      %lt3A_309 = arith.constant 0 : i32
      %lt3A_310 = arith.cmpi slt, %rem3A_306, %lt3A_309 : i32
      %lt3A_311 = arith.constant 0 : i32
      %lt3A_312 = arith.cmpi slt, %select_n3A_305, %lt3A_311 : i32
      %ne3A_313 = arith.xori %lt3A_310, %lt3A_312 : i1
      %and3A_314 = arith.andi %ne3A_313, %ne3A_308 : i1
      %add3A_315 = arith.addi %rem3A_306, %select_n3A_305 : i32
      %select_n3A_316 = arith.select %and3A_314, %add3A_315, %rem3A_306 : i32
      %dma_wait3A_317 = arith.constant 0 : i32
      %dma_wait3A_318 = arith.constant 0 : i32
      %dma_wait3A_319 = arith.constant 0 : i32
      %dma_wait3A_320 = tpu.memref_slice %arg12[%and3A_300, %dma_wait3A_318, %dma_wait3A_319] : memref<2x128x80xf32, #tpu.memory_space<vmem>> -> memref<1x128x80xf32, #tpu.memory_space<vmem>>
      %dma_wait3A_321 = tpu.memref_squeeze %dma_wait3A_320 : memref<1x128x80xf32, #tpu.memory_space<vmem>> -> memref<128x80xf32, #tpu.memory_space<vmem>>
      %dma_wait3A_322 = arith.constant 0 : i32
      %dma_wait3A_323 = tpu.memref_slice %arg11[%select_n3A_316, %dma_wait3A_317, %dma_wait3A_322] : memref<3x2x128xi32, #tpu.memory_space<vmem>> -> memref<1x1x128xi32, #tpu.memory_space<vmem>>
      %dma_wait3A_324 = tpu.memref_squeeze %dma_wait3A_323 : memref<1x1x128xi32, #tpu.memory_space<vmem>> -> memref<128xi32, #tpu.memory_space<vmem>>
      %dma_wait3A_325 = arith.constant 0 : i32
      %dma_wait3A_326 = arith.constant 0 : i32
      %dma_wait3A_327 = tpu.memref_slice %arg2[%dma_wait3A_325, %dma_wait3A_326] : memref<10240x80xf32, #tpu.memory_space<hbm>> -> memref<10240x80xf32, #tpu.memory_space<hbm>>
      tpu.wait_indirect_dma semaphore(%arg15 : memref<!tpu.dma_semaphore, #tpu.memory_space<semaphore_mem>>) src(%dma_wait3A_327 : memref<10240x80xf32, #tpu.memory_space<hbm>>) dst(%dma_wait3A_321 : memref<128x80xf32, #tpu.memory_space<vmem>>)
      %dma_wait3A_328 = arith.constant 1 : i32
      %dma_wait3A_329 = arith.constant 0 : i32
      %dma_wait3A_330 = arith.constant 0 : i32
      %dma_wait3A_331 = tpu.memref_slice %arg13[%and3A_300, %dma_wait3A_329, %dma_wait3A_330] : memref<2x128x16xf32, #tpu.memory_space<vmem>> -> memref<1x128x16xf32, #tpu.memory_space<vmem>>
      %dma_wait3A_332 = tpu.memref_squeeze %dma_wait3A_331 : memref<1x128x16xf32, #tpu.memory_space<vmem>> -> memref<128x16xf32, #tpu.memory_space<vmem>>
      %dma_wait3A_333 = arith.constant 0 : i32
      %dma_wait3A_334 = tpu.memref_slice %arg11[%select_n3A_316, %dma_wait3A_328, %dma_wait3A_333] : memref<3x2x128xi32, #tpu.memory_space<vmem>> -> memref<1x1x128xi32, #tpu.memory_space<vmem>>
      %dma_wait3A_335 = tpu.memref_squeeze %dma_wait3A_334 : memref<1x1x128xi32, #tpu.memory_space<vmem>> -> memref<128xi32, #tpu.memory_space<vmem>>
      %dma_wait3A_336 = arith.constant 0 : i32
      %dma_wait3A_337 = arith.constant 0 : i32
      %dma_wait3A_338 = tpu.memref_slice %arg3[%dma_wait3A_336, %dma_wait3A_337] : memref<10240x16xf32, #tpu.memory_space<hbm>> -> memref<10240x16xf32, #tpu.memory_space<hbm>>
      tpu.wait_indirect_dma semaphore(%arg15 : memref<!tpu.dma_semaphore, #tpu.memory_space<semaphore_mem>>) src(%dma_wait3A_338 : memref<10240x16xf32, #tpu.memory_space<hbm>>) dst(%dma_wait3A_332 : memref<128x16xf32, #tpu.memory_space<vmem>>)
      %ge3A = arith.constant 1 : i32
      %ge3A_339 = arith.cmpi sge, %add3A_296, %ge3A : i32
      %convert_element_type3A = arith.extui %ge3A_339 : i1 to i32
      %cond3A = arith.constant 0 : i32
      %cond3A_340 = arith.cmpi ne, %convert_element_type3A, %cond3A : i32
      scf.if %cond3A_340 {
        %sub3A_384 = arith.constant 1 : i32
        %sub3A_385 = arith.subi %add3A_296, %sub3A_384 : i32
        %and3A_386 = arith.constant 1 : i32
        %and3A_387 = arith.andi %sub3A_385, %and3A_386 : i32
        %jit3A_388 = arith.constant 3 : i32
        %eq3A_389 = arith.constant 0 : i32
        %eq3A_390 = arith.cmpi eq, %jit3A_388, %eq3A_389 : i32
        %jit3A_391 = arith.constant 1 : i32
        %select_n3A_392 = arith.select %eq3A_390, %jit3A_391, %jit3A_388 : i32
        %rem3A_393 = arith.remsi %sub3A_385, %select_n3A_392 : i32
        %ne3A_394 = arith.constant 0 : i32
        %ne3A_395 = arith.cmpi ne, %rem3A_393, %ne3A_394 : i32
        %lt3A_396 = arith.constant 0 : i32
        %lt3A_397 = arith.cmpi slt, %rem3A_393, %lt3A_396 : i32
        %lt3A_398 = arith.constant 0 : i32
        %lt3A_399 = arith.cmpi slt, %select_n3A_392, %lt3A_398 : i32
        %ne3A_400 = arith.xori %lt3A_397, %lt3A_399 : i1
        %and3A_401 = arith.andi %ne3A_400, %ne3A_395 : i1
        %add3A_402 = arith.addi %rem3A_393, %select_n3A_392 : i32
        %select_n3A_403 = arith.select %and3A_401, %add3A_402, %rem3A_393 : i32
        %dma_wait3A_404 = arith.constant 1 : i32
        %dma_wait3A_405 = arith.constant 0 : i32
        %dma_wait3A_406 = arith.constant 0 : i32
        %dma_wait3A_407 = tpu.memref_slice %arg12[%and3A_387, %dma_wait3A_405, %dma_wait3A_406] : memref<2x128x80xf32, #tpu.memory_space<vmem>> -> memref<1x128x80xf32, #tpu.memory_space<vmem>>
        %dma_wait3A_408 = tpu.memref_squeeze %dma_wait3A_407 : memref<1x128x80xf32, #tpu.memory_space<vmem>> -> memref<128x80xf32, #tpu.memory_space<vmem>>
        %dma_wait3A_409 = arith.constant 0 : i32
        %dma_wait3A_410 = tpu.memref_slice %arg11[%select_n3A_403, %dma_wait3A_404, %dma_wait3A_409] : memref<3x2x128xi32, #tpu.memory_space<vmem>> -> memref<1x1x128xi32, #tpu.memory_space<vmem>>
        %dma_wait3A_411 = tpu.memref_squeeze %dma_wait3A_410 : memref<1x1x128xi32, #tpu.memory_space<vmem>> -> memref<128xi32, #tpu.memory_space<vmem>>
        %dma_wait3A_412 = arith.constant 0 : i32
        %dma_wait3A_413 = arith.constant 0 : i32
        %dma_wait3A_414 = tpu.memref_slice %arg9[%dma_wait3A_412, %dma_wait3A_413] : memref<10240x80xf32, #tpu.memory_space<vmem_shared>> -> memref<10240x80xf32, #tpu.memory_space<vmem_shared>>
        tpu.wait_indirect_dma semaphore(%arg16 : memref<!tpu.dma_semaphore, #tpu.memory_space<semaphore_mem>>) src(%dma_wait3A_408 : memref<128x80xf32, #tpu.memory_space<vmem>>) dst(%dma_wait3A_414 : memref<10240x80xf32, #tpu.memory_space<vmem_shared>>)
      } else {
      }
      %add3A_341 = arith.constant 1 : i32
      %add3A_342 = arith.addi %add3A_296, %add3A_341 : i32
      %lt3A_343 = arith.cmpi slt, %add3A_342, %select_n3A : i32
      %convert_element_type3A_344 = arith.extui %lt3A_343 : i1 to i32
      %cond3A_345 = arith.constant 0 : i32
      %cond3A_346 = arith.cmpi ne, %convert_element_type3A_344, %cond3A_345 : i32
      scf.if %cond3A_346 {
        %add3A_384 = arith.constant 1 : i32
        %add3A_385 = arith.addi %add3A_296, %add3A_384 : i32
        %add3A_386 = arith.addi %add3A_19, %add3A_385 : i32
        %jit3A_387 = arith.constant 3 : i32
        %eq3A_388 = arith.constant 0 : i32
        %eq3A_389 = arith.cmpi eq, %jit3A_387, %eq3A_388 : i32
        %jit3A_390 = arith.constant 1 : i32
        %select_n3A_391 = arith.select %eq3A_389, %jit3A_390, %jit3A_387 : i32
        %rem3A_392 = arith.remsi %add3A_385, %select_n3A_391 : i32
        %ne3A_393 = arith.constant 0 : i32
        %ne3A_394 = arith.cmpi ne, %rem3A_392, %ne3A_393 : i32
        %lt3A_395 = arith.constant 0 : i32
        %lt3A_396 = arith.cmpi slt, %rem3A_392, %lt3A_395 : i32
        %lt3A_397 = arith.constant 0 : i32
        %lt3A_398 = arith.cmpi slt, %select_n3A_391, %lt3A_397 : i32
        %ne3A_399 = arith.xori %lt3A_396, %lt3A_398 : i1
        %and3A_400 = arith.andi %ne3A_399, %ne3A_394 : i1
        %add3A_401 = arith.addi %rem3A_392, %select_n3A_391 : i32
        %select_n3A_402 = arith.select %and3A_400, %add3A_401, %rem3A_392 : i32
        %dma_wait3A_403 = arith.constant 0 : i32
        %dma_wait3A_404 = arith.constant 0 : i32
        %dma_wait3A_405 = tpu.memref_slice %arg11[%select_n3A_402, %dma_wait3A_403, %dma_wait3A_404] : memref<3x2x128xi32, #tpu.memory_space<vmem>> -> memref<1x2x128xi32, #tpu.memory_space<vmem>>
        %dma_wait3A_406 = tpu.memref_squeeze %dma_wait3A_405 : memref<1x2x128xi32, #tpu.memory_space<vmem>> -> memref<2x128xi32, #tpu.memory_space<vmem>>
        %dma_wait3A_407 = arith.constant 0 : i32
        %dma_wait3A_408 = arith.constant 0 : i32
        %dma_wait3A_409 = tpu.memref_slice %arg6[%add3A_386, %dma_wait3A_407, %dma_wait3A_408] : memref<2528x2x128xi32, #tpu.memory_space<hbm>> -> memref<1x2x128xi32, #tpu.memory_space<hbm>>
        %dma_wait3A_410 = tpu.memref_squeeze %dma_wait3A_409 : memref<1x2x128xi32, #tpu.memory_space<hbm>> -> memref<2x128xi32, #tpu.memory_space<hbm>>
        %dma_wait3A_411 = arith.constant 0 : i32
        %dma_wait3A_412 = arith.constant 0 : i32
        %dma_wait3A_413 = tpu.memref_slice %arg11[%select_n3A_402, %dma_wait3A_411, %dma_wait3A_412] : memref<3x2x128xi32, #tpu.memory_space<vmem>> -> memref<1x2x128xi32, #tpu.memory_space<vmem>>
        %dma_wait3A_414 = tpu.memref_squeeze %dma_wait3A_413 : memref<1x2x128xi32, #tpu.memory_space<vmem>> -> memref<2x128xi32, #tpu.memory_space<vmem>>
        %dma_wait3A_415 = arith.constant 0 : i32
        %dma_wait3A_416 = arith.constant 0 : i32
        %dma_wait3A_417 = tpu.memref_slice %arg6[%add3A_386, %dma_wait3A_415, %dma_wait3A_416] : memref<2528x2x128xi32, #tpu.memory_space<hbm>> -> memref<1x2x128xi32, #tpu.memory_space<hbm>>
        %dma_wait3A_418 = tpu.memref_squeeze %dma_wait3A_417 : memref<1x2x128xi32, #tpu.memory_space<hbm>> -> memref<2x128xi32, #tpu.memory_space<hbm>>
        tpu.wait_dma2 semaphore(%arg14 : memref<!tpu.dma_semaphore, #tpu.memory_space<semaphore_mem>>) src(%dma_wait3A_418 : memref<2x128xi32, #tpu.memory_space<hbm>>) dst(%dma_wait3A_414 : memref<2x128xi32, #tpu.memory_space<vmem>>)
        %add3A_419 = arith.constant 1 : i32
        %add3A_420 = arith.addi %add3A_296, %add3A_419 : i32
        %and3A_421 = arith.constant 1 : i32
        %and3A_422 = arith.andi %add3A_420, %and3A_421 : i32
        %jit3A_423 = arith.constant 3 : i32
        %eq3A_424 = arith.constant 0 : i32
        %eq3A_425 = arith.cmpi eq, %jit3A_423, %eq3A_424 : i32
        %jit3A_426 = arith.constant 1 : i32
        %select_n3A_427 = arith.select %eq3A_425, %jit3A_426, %jit3A_423 : i32
        %rem3A_428 = arith.remsi %add3A_420, %select_n3A_427 : i32
        %ne3A_429 = arith.constant 0 : i32
        %ne3A_430 = arith.cmpi ne, %rem3A_428, %ne3A_429 : i32
        %lt3A_431 = arith.constant 0 : i32
        %lt3A_432 = arith.cmpi slt, %rem3A_428, %lt3A_431 : i32
        %lt3A_433 = arith.constant 0 : i32
        %lt3A_434 = arith.cmpi slt, %select_n3A_427, %lt3A_433 : i32
        %ne3A_435 = arith.xori %lt3A_432, %lt3A_434 : i1
        %and3A_436 = arith.andi %ne3A_435, %ne3A_430 : i1
        %add3A_437 = arith.addi %rem3A_428, %select_n3A_427 : i32
        %select_n3A_438 = arith.select %and3A_436, %add3A_437, %rem3A_428 : i32
        %dma_start3A_439 = arith.constant 0 : i32
        %dma_start3A_440 = arith.constant 0 : i32
        %dma_start3A_441 = arith.constant 0 : i32
        %dma_start3A_442 = tpu.memref_slice %arg12[%and3A_422, %dma_start3A_440, %dma_start3A_441] : memref<2x128x80xf32, #tpu.memory_space<vmem>> -> memref<1x128x80xf32, #tpu.memory_space<vmem>>
        %dma_start3A_443 = tpu.memref_squeeze %dma_start3A_442 : memref<1x128x80xf32, #tpu.memory_space<vmem>> -> memref<128x80xf32, #tpu.memory_space<vmem>>
        %dma_start3A_444 = arith.constant 0 : i32
        %dma_start3A_445 = tpu.memref_slice %arg11[%select_n3A_438, %dma_start3A_439, %dma_start3A_444] : memref<3x2x128xi32, #tpu.memory_space<vmem>> -> memref<1x1x128xi32, #tpu.memory_space<vmem>>
        %dma_start3A_446 = tpu.memref_squeeze %dma_start3A_445 : memref<1x1x128xi32, #tpu.memory_space<vmem>> -> memref<128xi32, #tpu.memory_space<vmem>>
        %dma_start3A_447 = arith.constant 0 : i32
        %dma_start3A_448 = arith.constant 0 : i32
        %dma_start3A_449 = tpu.memref_slice %arg2[%dma_start3A_447, %dma_start3A_448] : memref<10240x80xf32, #tpu.memory_space<hbm>> -> memref<10240x80xf32, #tpu.memory_space<hbm>>
        tpu.enqueue_indirect_dma source(%dma_start3A_449 : memref<10240x80xf32, #tpu.memory_space<hbm>>) target(%dma_start3A_443 : memref<128x80xf32, #tpu.memory_space<vmem>>) offsets(%dma_start3A_446 : memref<128xi32, #tpu.memory_space<vmem>>) semaphore(%arg15 : memref<!tpu.dma_semaphore, #tpu.memory_space<semaphore_mem>>)
        %dma_start3A_450 = arith.constant 1 : i32
        %dma_start3A_451 = arith.constant 0 : i32
        %dma_start3A_452 = arith.constant 0 : i32
        %dma_start3A_453 = tpu.memref_slice %arg13[%and3A_422, %dma_start3A_451, %dma_start3A_452] : memref<2x128x16xf32, #tpu.memory_space<vmem>> -> memref<1x128x16xf32, #tpu.memory_space<vmem>>
        %dma_start3A_454 = tpu.memref_squeeze %dma_start3A_453 : memref<1x128x16xf32, #tpu.memory_space<vmem>> -> memref<128x16xf32, #tpu.memory_space<vmem>>
        %dma_start3A_455 = arith.constant 0 : i32
        %dma_start3A_456 = tpu.memref_slice %arg11[%select_n3A_438, %dma_start3A_450, %dma_start3A_455] : memref<3x2x128xi32, #tpu.memory_space<vmem>> -> memref<1x1x128xi32, #tpu.memory_space<vmem>>
        %dma_start3A_457 = tpu.memref_squeeze %dma_start3A_456 : memref<1x1x128xi32, #tpu.memory_space<vmem>> -> memref<128xi32, #tpu.memory_space<vmem>>
        %dma_start3A_458 = arith.constant 0 : i32
        %dma_start3A_459 = arith.constant 0 : i32
        %dma_start3A_460 = tpu.memref_slice %arg3[%dma_start3A_458, %dma_start3A_459] : memref<10240x16xf32, #tpu.memory_space<hbm>> -> memref<10240x16xf32, #tpu.memory_space<hbm>>
        tpu.enqueue_indirect_dma source(%dma_start3A_460 : memref<10240x16xf32, #tpu.memory_space<hbm>>) target(%dma_start3A_454 : memref<128x16xf32, #tpu.memory_space<vmem>>) offsets(%dma_start3A_457 : memref<128xi32, #tpu.memory_space<vmem>>) semaphore(%arg15 : memref<!tpu.dma_semaphore, #tpu.memory_space<semaphore_mem>>)
      } else {
      }
      %add3A_347 = arith.constant 2 : i32
      %add3A_348 = arith.addi %add3A_296, %add3A_347 : i32
      %lt3A_349 = arith.cmpi slt, %add3A_348, %select_n3A : i32
      %convert_element_type3A_350 = arith.extui %lt3A_349 : i1 to i32
      %cond3A_351 = arith.constant 0 : i32
      %cond3A_352 = arith.cmpi ne, %convert_element_type3A_350, %cond3A_351 : i32
      scf.if %cond3A_352 {
        %add3A_384 = arith.constant 2 : i32
        %add3A_385 = arith.addi %add3A_296, %add3A_384 : i32
        %add3A_386 = arith.addi %add3A_19, %add3A_385 : i32
        %jit3A_387 = arith.constant 3 : i32
        %eq3A_388 = arith.constant 0 : i32
        %eq3A_389 = arith.cmpi eq, %jit3A_387, %eq3A_388 : i32
        %jit3A_390 = arith.constant 1 : i32
        %select_n3A_391 = arith.select %eq3A_389, %jit3A_390, %jit3A_387 : i32
        %rem3A_392 = arith.remsi %add3A_385, %select_n3A_391 : i32
        %ne3A_393 = arith.constant 0 : i32
        %ne3A_394 = arith.cmpi ne, %rem3A_392, %ne3A_393 : i32
        %lt3A_395 = arith.constant 0 : i32
        %lt3A_396 = arith.cmpi slt, %rem3A_392, %lt3A_395 : i32
        %lt3A_397 = arith.constant 0 : i32
        %lt3A_398 = arith.cmpi slt, %select_n3A_391, %lt3A_397 : i32
        %ne3A_399 = arith.xori %lt3A_396, %lt3A_398 : i1
        %and3A_400 = arith.andi %ne3A_399, %ne3A_394 : i1
        %add3A_401 = arith.addi %rem3A_392, %select_n3A_391 : i32
        %select_n3A_402 = arith.select %and3A_400, %add3A_401, %rem3A_392 : i32
        %dma_start3A_403 = arith.constant 0 : i32
        %dma_start3A_404 = arith.constant 0 : i32
        %dma_start3A_405 = tpu.memref_slice %arg11[%select_n3A_402, %dma_start3A_403, %dma_start3A_404] : memref<3x2x128xi32, #tpu.memory_space<vmem>> -> memref<1x2x128xi32, #tpu.memory_space<vmem>>
        %dma_start3A_406 = tpu.memref_squeeze %dma_start3A_405 : memref<1x2x128xi32, #tpu.memory_space<vmem>> -> memref<2x128xi32, #tpu.memory_space<vmem>>
        %dma_start3A_407 = arith.constant 0 : i32
        %dma_start3A_408 = arith.constant 0 : i32
        %dma_start3A_409 = tpu.memref_slice %arg6[%add3A_386, %dma_start3A_407, %dma_start3A_408] : memref<2528x2x128xi32, #tpu.memory_space<hbm>> -> memref<1x2x128xi32, #tpu.memory_space<hbm>>
        %dma_start3A_410 = tpu.memref_squeeze %dma_start3A_409 : memref<1x2x128xi32, #tpu.memory_space<hbm>> -> memref<2x128xi32, #tpu.memory_space<hbm>>
        %dma_start3A_411 = arith.constant 0 : i32
        %dma_start3A_412 = arith.constant 0 : i32
        %dma_start3A_413 = tpu.memref_slice %arg11[%select_n3A_402, %dma_start3A_411, %dma_start3A_412] : memref<3x2x128xi32, #tpu.memory_space<vmem>> -> memref<1x2x128xi32, #tpu.memory_space<vmem>>
        %dma_start3A_414 = tpu.memref_squeeze %dma_start3A_413 : memref<1x2x128xi32, #tpu.memory_space<vmem>> -> memref<2x128xi32, #tpu.memory_space<vmem>>
        %dma_start3A_415 = arith.constant 0 : i32
        %dma_start3A_416 = arith.constant 0 : i32
        %dma_start3A_417 = tpu.memref_slice %arg6[%add3A_386, %dma_start3A_415, %dma_start3A_416] : memref<2528x2x128xi32, #tpu.memory_space<hbm>> -> memref<1x2x128xi32, #tpu.memory_space<hbm>>
        %dma_start3A_418 = tpu.memref_squeeze %dma_start3A_417 : memref<1x2x128xi32, #tpu.memory_space<hbm>> -> memref<2x128xi32, #tpu.memory_space<hbm>>
        tpu.enqueue_dma source(%dma_start3A_418 : memref<2x128xi32, #tpu.memory_space<hbm>>) target(%dma_start3A_414 : memref<2x128xi32, #tpu.memory_space<vmem>>) target_semaphore(%arg14 : memref<!tpu.dma_semaphore, #tpu.memory_space<semaphore_mem>>)
      } else {
      }
      %parallel_loop3A = arith.constant 0 : i32
      %parallel_loop3A_353 = arith.constant 128 : i32
      %parallel_loop3A_354 = arith.constant 1 : i32
      scf.for %parallel_loop3A_384 = %parallel_loop3A to %parallel_loop3A_353 step %parallel_loop3A_354  : i32 {
        %parallel_loop3A_385 = arith.index_cast %and3A_298 : i32 to index
        %parallel_loop3A_386 = arith.index_cast %parallel_loop3A_384 : i32 to index
        %parallel_loop3A_387 = arith.constant 64 : index
        %parallel_loop3A_388 = tpu.vector_load %arg12[%parallel_loop3A_385, %parallel_loop3A_386, %parallel_loop3A_387] {strides = array<i32>} : memref<2x128x80xf32, #tpu.memory_space<vmem>>, vector<1x1x16xf32>,
        %parallel_loop3A_389 = vector.shape_cast %parallel_loop3A_388 : vector<1x1x16xf32> to vector<16xf32>
        %parallel_loop3A_390 = arith.index_cast %and3A_298 : i32 to index
        %parallel_loop3A_391 = arith.index_cast %parallel_loop3A_384 : i32 to index
        %parallel_loop3A_392 = arith.constant 0 : index
        %parallel_loop3A_393 = tpu.vector_load %arg13[%parallel_loop3A_390, %parallel_loop3A_391, %parallel_loop3A_392] {strides = array<i32>} : memref<2x128x16xf32, #tpu.memory_space<vmem>>, vector<1x1x16xf32>,
        %parallel_loop3A_394 = vector.shape_cast %parallel_loop3A_393 : vector<1x1x16xf32> to vector<16xf32>
        %parallel_loop3A_395 = arith.addf %parallel_loop3A_389, %parallel_loop3A_394 : vector<16xf32>
        %parallel_loop3A_396 = arith.constant 2.000000e-01 : f32
        %parallel_loop3A_397 = vector.broadcast %parallel_loop3A_396 : f32 to vector<16xf32>
        %parallel_loop3A_398 = arith.mulf %parallel_loop3A_395, %parallel_loop3A_397 : vector<16xf32>
        %parallel_loop3A_399 = arith.maximumf %parallel_loop3A_395, %parallel_loop3A_398 : vector<16xf32>
        %parallel_loop3A_400 = math.exp %parallel_loop3A_399 : vector<16xf32>
        %parallel_loop3A_401 = arith.index_cast %and3A_298 : i32 to index
        %parallel_loop3A_402 = arith.index_cast %parallel_loop3A_384 : i32 to index
        %parallel_loop3A_403 = arith.constant 64 : index
        %parallel_loop3A_404 = tpu.vector_load %arg12[%parallel_loop3A_401, %parallel_loop3A_402, %parallel_loop3A_403] {strides = array<i32>} : memref<2x128x80xf32, #tpu.memory_space<vmem>>, vector<1x1x16xf32>,
        %parallel_loop3A_405 = vector.shape_cast %parallel_loop3A_404 : vector<1x1x16xf32> to vector<16xf32>
        %parallel_loop3A_406 = vector.shape_cast %parallel_loop3A_400 : vector<16xf32> to vector<1x1x16xf32>
        tpu.vector_store %arg12[%parallel_loop3A_401, %parallel_loop3A_402, %parallel_loop3A_403], %parallel_loop3A_406 {strides = array<i32>} : memref<2x128x80xf32, #tpu.memory_space<vmem>>, vector<1x1x16xf32>,
        %parallel_loop3A_407 = arith.index_cast %and3A_298 : i32 to index
        %parallel_loop3A_408 = arith.index_cast %parallel_loop3A_384 : i32 to index
        %parallel_loop3A_409 = arith.constant 0 : index
        %parallel_loop3A_410 = tpu.vector_load %arg12[%parallel_loop3A_407, %parallel_loop3A_408, %parallel_loop3A_409] {strides = array<i32>} : memref<2x128x80xf32, #tpu.memory_space<vmem>>, vector<1x1x16xf32>,
        %parallel_loop3A_411 = vector.shape_cast %parallel_loop3A_410 : vector<1x1x16xf32> to vector<16xf32>
        %parallel_loop3A_412 = arith.mulf %parallel_loop3A_411, %parallel_loop3A_400 : vector<16xf32>
        %parallel_loop3A_413 = arith.index_cast %and3A_298 : i32 to index
        %parallel_loop3A_414 = arith.index_cast %parallel_loop3A_384 : i32 to index
        %parallel_loop3A_415 = arith.constant 0 : index
        %parallel_loop3A_416 = tpu.vector_load %arg12[%parallel_loop3A_413, %parallel_loop3A_414, %parallel_loop3A_415] {strides = array<i32>} : memref<2x128x80xf32, #tpu.memory_space<vmem>>, vector<1x1x16xf32>,
        %parallel_loop3A_417 = vector.shape_cast %parallel_loop3A_416 : vector<1x1x16xf32> to vector<16xf32>
        %parallel_loop3A_418 = vector.shape_cast %parallel_loop3A_412 : vector<16xf32> to vector<1x1x16xf32>
        tpu.vector_store %arg12[%parallel_loop3A_413, %parallel_loop3A_414, %parallel_loop3A_415], %parallel_loop3A_418 {strides = array<i32>} : memref<2x128x80xf32, #tpu.memory_space<vmem>>, vector<1x1x16xf32>,
        %parallel_loop3A_419 = arith.index_cast %and3A_298 : i32 to index
        %parallel_loop3A_420 = arith.index_cast %parallel_loop3A_384 : i32 to index
        %parallel_loop3A_421 = arith.constant 16 : index
        %parallel_loop3A_422 = tpu.vector_load %arg12[%parallel_loop3A_419, %parallel_loop3A_420, %parallel_loop3A_421] {strides = array<i32>} : memref<2x128x80xf32, #tpu.memory_space<vmem>>, vector<1x1x16xf32>,
        %parallel_loop3A_423 = vector.shape_cast %parallel_loop3A_422 : vector<1x1x16xf32> to vector<16xf32>
        %parallel_loop3A_424 = arith.mulf %parallel_loop3A_423, %parallel_loop3A_400 : vector<16xf32>
        %parallel_loop3A_425 = arith.index_cast %and3A_298 : i32 to index
        %parallel_loop3A_426 = arith.index_cast %parallel_loop3A_384 : i32 to index
        %parallel_loop3A_427 = arith.constant 16 : index
        %parallel_loop3A_428 = tpu.vector_load %arg12[%parallel_loop3A_425, %parallel_loop3A_426, %parallel_loop3A_427] {strides = array<i32>} : memref<2x128x80xf32, #tpu.memory_space<vmem>>, vector<1x1x16xf32>,
        %parallel_loop3A_429 = vector.shape_cast %parallel_loop3A_428 : vector<1x1x16xf32> to vector<16xf32>
        %parallel_loop3A_430 = vector.shape_cast %parallel_loop3A_424 : vector<16xf32> to vector<1x1x16xf32>
        tpu.vector_store %arg12[%parallel_loop3A_425, %parallel_loop3A_426, %parallel_loop3A_427], %parallel_loop3A_430 {strides = array<i32>} : memref<2x128x80xf32, #tpu.memory_space<vmem>>, vector<1x1x16xf32>,
        %parallel_loop3A_431 = arith.index_cast %and3A_298 : i32 to index
        %parallel_loop3A_432 = arith.index_cast %parallel_loop3A_384 : i32 to index
        %parallel_loop3A_433 = arith.constant 32 : index
        %parallel_loop3A_434 = tpu.vector_load %arg12[%parallel_loop3A_431, %parallel_loop3A_432, %parallel_loop3A_433] {strides = array<i32>} : memref<2x128x80xf32, #tpu.memory_space<vmem>>, vector<1x1x16xf32>,
        %parallel_loop3A_435 = vector.shape_cast %parallel_loop3A_434 : vector<1x1x16xf32> to vector<16xf32>
        %parallel_loop3A_436 = arith.mulf %parallel_loop3A_435, %parallel_loop3A_400 : vector<16xf32>
        %parallel_loop3A_437 = arith.index_cast %and3A_298 : i32 to index
        %parallel_loop3A_438 = arith.index_cast %parallel_loop3A_384 : i32 to index
        %parallel_loop3A_439 = arith.constant 32 : index
        %parallel_loop3A_440 = tpu.vector_load %arg12[%parallel_loop3A_437, %parallel_loop3A_438, %parallel_loop3A_439] {strides = array<i32>} : memref<2x128x80xf32, #tpu.memory_space<vmem>>, vector<1x1x16xf32>,
        %parallel_loop3A_441 = vector.shape_cast %parallel_loop3A_440 : vector<1x1x16xf32> to vector<16xf32>
        %parallel_loop3A_442 = vector.shape_cast %parallel_loop3A_436 : vector<16xf32> to vector<1x1x16xf32>
        tpu.vector_store %arg12[%parallel_loop3A_437, %parallel_loop3A_438, %parallel_loop3A_439], %parallel_loop3A_442 {strides = array<i32>} : memref<2x128x80xf32, #tpu.memory_space<vmem>>, vector<1x1x16xf32>,
        %parallel_loop3A_443 = arith.index_cast %and3A_298 : i32 to index
        %parallel_loop3A_444 = arith.index_cast %parallel_loop3A_384 : i32 to index
        %parallel_loop3A_445 = arith.constant 48 : index
        %parallel_loop3A_446 = tpu.vector_load %arg12[%parallel_loop3A_443, %parallel_loop3A_444, %parallel_loop3A_445] {strides = array<i32>} : memref<2x128x80xf32, #tpu.memory_space<vmem>>, vector<1x1x16xf32>,
        %parallel_loop3A_447 = vector.shape_cast %parallel_loop3A_446 : vector<1x1x16xf32> to vector<16xf32>
        %parallel_loop3A_448 = arith.mulf %parallel_loop3A_447, %parallel_loop3A_400 : vector<16xf32>
        %parallel_loop3A_449 = arith.index_cast %and3A_298 : i32 to index
        %parallel_loop3A_450 = arith.index_cast %parallel_loop3A_384 : i32 to index
        %parallel_loop3A_451 = arith.constant 48 : index
        %parallel_loop3A_452 = tpu.vector_load %arg12[%parallel_loop3A_449, %parallel_loop3A_450, %parallel_loop3A_451] {strides = array<i32>} : memref<2x128x80xf32, #tpu.memory_space<vmem>>, vector<1x1x16xf32>,
        %parallel_loop3A_453 = vector.shape_cast %parallel_loop3A_452 : vector<1x1x16xf32> to vector<16xf32>
        %parallel_loop3A_454 = vector.shape_cast %parallel_loop3A_448 : vector<16xf32> to vector<1x1x16xf32>
        tpu.vector_store %arg12[%parallel_loop3A_449, %parallel_loop3A_450, %parallel_loop3A_451], %parallel_loop3A_454 {strides = array<i32>} : memref<2x128x80xf32, #tpu.memory_space<vmem>>, vector<1x1x16xf32>,
      } {sc.loop_unroll_factor = 4 : i64, sc.parallel_access}
      %and3A_355 = arith.constant 1 : i32
      %and3A_356 = arith.andi %add3A_296, %and3A_355 : i32
      %jit3A_357 = arith.constant 3 : i32
      %eq3A_358 = arith.constant 0 : i32
      %eq3A_359 = arith.cmpi eq, %jit3A_357, %eq3A_358 : i32
      %jit3A_360 = arith.constant 1 : i32
      %select_n3A_361 = arith.select %eq3A_359, %jit3A_360, %jit3A_357 : i32
      %rem3A_362 = arith.remsi %add3A_296, %select_n3A_361 : i32
      %ne3A_363 = arith.constant 0 : i32
      %ne3A_364 = arith.cmpi ne, %rem3A_362, %ne3A_363 : i32
      %lt3A_365 = arith.constant 0 : i32
      %lt3A_366 = arith.cmpi slt, %rem3A_362, %lt3A_365 : i32
      %lt3A_367 = arith.constant 0 : i32
      %lt3A_368 = arith.cmpi slt, %select_n3A_361, %lt3A_367 : i32
      %ne3A_369 = arith.xori %lt3A_366, %lt3A_368 : i1
      %and3A_370 = arith.andi %ne3A_369, %ne3A_364 : i1
      %add3A_371 = arith.addi %rem3A_362, %select_n3A_361 : i32
      %select_n3A_372 = arith.select %and3A_370, %add3A_371, %rem3A_362 : i32
      %dma_start3A_373 = arith.constant 1 : i32
      %dma_start3A_374 = arith.constant 0 : i32
      %dma_start3A_375 = arith.constant 0 : i32
      %dma_start3A_376 = tpu.memref_slice %arg12[%and3A_356, %dma_start3A_374, %dma_start3A_375] : memref<2x128x80xf32, #tpu.memory_space<vmem>> -> memref<1x128x80xf32, #tpu.memory_space<vmem>>
      %dma_start3A_377 = tpu.memref_squeeze %dma_start3A_376 : memref<1x128x80xf32, #tpu.memory_space<vmem>> -> memref<128x80xf32, #tpu.memory_space<vmem>>
      %dma_start3A_378 = arith.constant 0 : i32
      %dma_start3A_379 = tpu.memref_slice %arg11[%select_n3A_372, %dma_start3A_373, %dma_start3A_378] : memref<3x2x128xi32, #tpu.memory_space<vmem>> -> memref<1x1x128xi32, #tpu.memory_space<vmem>>
      %dma_start3A_380 = tpu.memref_squeeze %dma_start3A_379 : memref<1x1x128xi32, #tpu.memory_space<vmem>> -> memref<128xi32, #tpu.memory_space<vmem>>
      %dma_start3A_381 = arith.constant 0 : i32
      %dma_start3A_382 = arith.constant 0 : i32
      %dma_start3A_383 = tpu.memref_slice %arg9[%dma_start3A_381, %dma_start3A_382] : memref<10240x80xf32, #tpu.memory_space<vmem_shared>> -> memref<10240x80xf32, #tpu.memory_space<vmem_shared>>
      tpu.enqueue_indirect_dma source(%dma_start3A_377 : memref<128x80xf32, #tpu.memory_space<vmem>>) target(%dma_start3A_383 : memref<10240x80xf32, #tpu.memory_space<vmem_shared>>) offsets(%dma_start3A_380 : memref<128xi32, #tpu.memory_space<vmem>>) semaphore(%arg16 : memref<!tpu.dma_semaphore, #tpu.memory_space<semaphore_mem>>) {add = true}
    }
    %sub3A_117 = arith.constant 1 : i32
    %sub3A_118 = arith.subi %select_n3A, %sub3A_117 : i32
    %and3A = arith.constant 1 : i32
    %and3A_119 = arith.andi %sub3A_118, %and3A : i32
    %jit3A_120 = arith.constant 3 : i32
    %eq3A_121 = arith.constant 0 : i32
    %eq3A_122 = arith.cmpi eq, %jit3A_120, %eq3A_121 : i32
    %jit3A_123 = arith.constant 1 : i32
    %select_n3A_124 = arith.select %eq3A_122, %jit3A_123, %jit3A_120 : i32
    %rem3A = arith.remsi %sub3A_118, %select_n3A_124 : i32
    %ne3A = arith.constant 0 : i32
    %ne3A_125 = arith.cmpi ne, %rem3A, %ne3A : i32
    %lt3A = arith.constant 0 : i32
    %lt3A_126 = arith.cmpi slt, %rem3A, %lt3A : i32
    %lt3A_127 = arith.constant 0 : i32
    %lt3A_128 = arith.cmpi slt, %select_n3A_124, %lt3A_127 : i32
    %ne3A_129 = arith.xori %lt3A_126, %lt3A_128 : i1
    %and3A_130 = arith.andi %ne3A_129, %ne3A_125 : i1
    %add3A_131 = arith.addi %rem3A, %select_n3A_124 : i32
    %select_n3A_132 = arith.select %and3A_130, %add3A_131, %rem3A : i32
    %dma_wait3A_133 = arith.constant 1 : i32
    %dma_wait3A_134 = arith.constant 0 : i32
    %dma_wait3A_135 = arith.constant 0 : i32
    %dma_wait3A_136 = tpu.memref_slice %arg12[%and3A_119, %dma_wait3A_134, %dma_wait3A_135] : memref<2x128x80xf32, #tpu.memory_space<vmem>> -> memref<1x128x80xf32, #tpu.memory_space<vmem>>
    %dma_wait3A_137 = tpu.memref_squeeze %dma_wait3A_136 : memref<1x128x80xf32, #tpu.memory_space<vmem>> -> memref<128x80xf32, #tpu.memory_space<vmem>>
    %dma_wait3A_138 = arith.constant 0 : i32
    %dma_wait3A_139 = tpu.memref_slice %arg11[%select_n3A_132, %dma_wait3A_133, %dma_wait3A_138] : memref<3x2x128xi32, #tpu.memory_space<vmem>> -> memref<1x1x128xi32, #tpu.memory_space<vmem>>
    %dma_wait3A_140 = tpu.memref_squeeze %dma_wait3A_139 : memref<1x1x128xi32, #tpu.memory_space<vmem>> -> memref<128xi32, #tpu.memory_space<vmem>>
    %dma_wait3A_141 = arith.constant 0 : i32
    %dma_wait3A_142 = arith.constant 0 : i32
    %dma_wait3A_143 = tpu.memref_slice %arg9[%dma_wait3A_141, %dma_wait3A_142] : memref<10240x80xf32, #tpu.memory_space<vmem_shared>> -> memref<10240x80xf32, #tpu.memory_space<vmem_shared>>
    tpu.wait_indirect_dma semaphore(%arg16 : memref<!tpu.dma_semaphore, #tpu.memory_space<semaphore_mem>>) src(%dma_wait3A_137 : memref<128x80xf32, #tpu.memory_space<vmem>>) dst(%dma_wait3A_143 : memref<10240x80xf32, #tpu.memory_space<vmem_shared>>)
    %eq3A_144 = arith.constant 0 : i32
    %eq3A_145 = arith.cmpi eq, %arg0, %eq3A_144 : i32
    %jit3A_146 = arith.constant 120 : i32
    %jit3A_147 = arith.constant 38 : i32
    %select_n3A_148 = arith.select %eq3A_145, %jit3A_146, %jit3A_147 : i32
    %mul3A_149 = arith.constant 158 : i32
    %mul3A_150 = arith.muli %arg1, %mul3A_149 : i32
    %eq3A_151 = arith.constant 0 : i32
    %eq3A_152 = arith.cmpi eq, %arg0, %eq3A_151 : i32
    %jit3A_153 = arith.constant 0 : i32
    %jit3A_154 = arith.constant 120 : i32
    %select_n3A_155 = arith.select %eq3A_152, %jit3A_153, %jit3A_154 : i32
    %add3A_156 = arith.addi %mul3A_150, %select_n3A_155 : i32
    %add3A_157 = arith.constant 0 : i32
    %add3A_158 = arith.addi %add3A_156, %add3A_157 : i32
    %dma_start3A_159 = arith.constant 0 : i32
    %dma_start3A_160 = arith.constant 0 : i32
    %dma_start3A_161 = arith.constant 0 : i32
    %dma_start3A_162 = tpu.memref_slice %arg11[%dma_start3A_159, %dma_start3A_160, %dma_start3A_161] : memref<3x2x128xi32, #tpu.memory_space<vmem>> -> memref<1x2x128xi32, #tpu.memory_space<vmem>>
    %dma_start3A_163 = tpu.memref_squeeze %dma_start3A_162 : memref<1x2x128xi32, #tpu.memory_space<vmem>> -> memref<2x128xi32, #tpu.memory_space<vmem>>
    %dma_start3A_164 = arith.constant 0 : i32
    %dma_start3A_165 = arith.constant 0 : i32
    %dma_start3A_166 = tpu.memref_slice %arg7[%add3A_158, %dma_start3A_164, %dma_start3A_165] : memref<2528x2x128xi32, #tpu.memory_space<hbm>> -> memref<1x2x128xi32, #tpu.memory_space<hbm>>
    %dma_start3A_167 = tpu.memref_squeeze %dma_start3A_166 : memref<1x2x128xi32, #tpu.memory_space<hbm>> -> memref<2x128xi32, #tpu.memory_space<hbm>>
    %dma_start3A_168 = arith.constant 0 : i32
    %dma_start3A_169 = arith.constant 0 : i32
    %dma_start3A_170 = tpu.memref_slice %arg11[%dma_start3A_159, %dma_start3A_168, %dma_start3A_169] : memref<3x2x128xi32, #tpu.memory_space<vmem>> -> memref<1x2x128xi32, #tpu.memory_space<vmem>>
    %dma_start3A_171 = tpu.memref_squeeze %dma_start3A_170 : memref<1x2x128xi32, #tpu.memory_space<vmem>> -> memref<2x128xi32, #tpu.memory_space<vmem>>
    %dma_start3A_172 = arith.constant 0 : i32
    %dma_start3A_173 = arith.constant 0 : i32
    %dma_start3A_174 = tpu.memref_slice %arg7[%add3A_158, %dma_start3A_172, %dma_start3A_173] : memref<2528x2x128xi32, #tpu.memory_space<hbm>> -> memref<1x2x128xi32, #tpu.memory_space<hbm>>
    %dma_start3A_175 = tpu.memref_squeeze %dma_start3A_174 : memref<1x2x128xi32, #tpu.memory_space<hbm>> -> memref<2x128xi32, #tpu.memory_space<hbm>>
    tpu.enqueue_dma source(%dma_start3A_175 : memref<2x128xi32, #tpu.memory_space<hbm>>) target(%dma_start3A_171 : memref<2x128xi32, #tpu.memory_space<vmem>>) target_semaphore(%arg14 : memref<!tpu.dma_semaphore, #tpu.memory_space<semaphore_mem>>)
    %add3A_176 = arith.constant 0 : i32
    %add3A_177 = arith.addi %add3A_156, %add3A_176 : i32
    %dma_wait3A_178 = arith.constant 0 : i32
    %dma_wait3A_179 = arith.constant 0 : i32
    %dma_wait3A_180 = arith.constant 0 : i32
    %dma_wait3A_181 = tpu.memref_slice %arg11[%dma_wait3A_178, %dma_wait3A_179, %dma_wait3A_180] : memref<3x2x128xi32, #tpu.memory_space<vmem>> -> memref<1x2x128xi32, #tpu.memory_space<vmem>>
    %dma_wait3A_182 = tpu.memref_squeeze %dma_wait3A_181 : memref<1x2x128xi32, #tpu.memory_space<vmem>> -> memref<2x128xi32, #tpu.memory_space<vmem>>
    %dma_wait3A_183 = arith.constant 0 : i32
    %dma_wait3A_184 = arith.constant 0 : i32
    %dma_wait3A_185 = tpu.memref_slice %arg7[%add3A_177, %dma_wait3A_183, %dma_wait3A_184] : memref<2528x2x128xi32, #tpu.memory_space<hbm>> -> memref<1x2x128xi32, #tpu.memory_space<hbm>>
    %dma_wait3A_186 = tpu.memref_squeeze %dma_wait3A_185 : memref<1x2x128xi32, #tpu.memory_space<hbm>> -> memref<2x128xi32, #tpu.memory_space<hbm>>
    %dma_wait3A_187 = arith.constant 0 : i32
    %dma_wait3A_188 = arith.constant 0 : i32
    %dma_wait3A_189 = tpu.memref_slice %arg11[%dma_wait3A_178, %dma_wait3A_187, %dma_wait3A_188] : memref<3x2x128xi32, #tpu.memory_space<vmem>> -> memref<1x2x128xi32, #tpu.memory_space<vmem>>
    %dma_wait3A_190 = tpu.memref_squeeze %dma_wait3A_189 : memref<1x2x128xi32, #tpu.memory_space<vmem>> -> memref<2x128xi32, #tpu.memory_space<vmem>>
    %dma_wait3A_191 = arith.constant 0 : i32
    %dma_wait3A_192 = arith.constant 0 : i32
    %dma_wait3A_193 = tpu.memref_slice %arg7[%add3A_177, %dma_wait3A_191, %dma_wait3A_192] : memref<2528x2x128xi32, #tpu.memory_space<hbm>> -> memref<1x2x128xi32, #tpu.memory_space<hbm>>
    %dma_wait3A_194 = tpu.memref_squeeze %dma_wait3A_193 : memref<1x2x128xi32, #tpu.memory_space<hbm>> -> memref<2x128xi32, #tpu.memory_space<hbm>>
    tpu.wait_dma2 semaphore(%arg14 : memref<!tpu.dma_semaphore, #tpu.memory_space<semaphore_mem>>) src(%dma_wait3A_194 : memref<2x128xi32, #tpu.memory_space<hbm>>) dst(%dma_wait3A_190 : memref<2x128xi32, #tpu.memory_space<vmem>>)
    %dma_start3A_195 = arith.constant 0 : i32
    %dma_start3A_196 = arith.constant 0 : i32
    %dma_start3A_197 = arith.constant 0 : i32
    %dma_start3A_198 = arith.constant 0 : i32
    %dma_start3A_199 = arith.constant 0 : i32
    %dma_start3A_200 = tpu.memref_slice %arg12[%dma_start3A_197, %dma_start3A_198, %dma_start3A_199] : memref<2x128x80xf32, #tpu.memory_space<vmem>> -> memref<1x128x80xf32, #tpu.memory_space<vmem>>
    %dma_start3A_201 = tpu.memref_squeeze %dma_start3A_200 : memref<1x128x80xf32, #tpu.memory_space<vmem>> -> memref<128x80xf32, #tpu.memory_space<vmem>>
    %dma_start3A_202 = arith.constant 0 : i32
    %dma_start3A_203 = tpu.memref_slice %arg11[%dma_start3A_195, %dma_start3A_196, %dma_start3A_202] : memref<3x2x128xi32, #tpu.memory_space<vmem>> -> memref<1x1x128xi32, #tpu.memory_space<vmem>>
    %dma_start3A_204 = tpu.memref_squeeze %dma_start3A_203 : memref<1x1x128xi32, #tpu.memory_space<vmem>> -> memref<128xi32, #tpu.memory_space<vmem>>
    %dma_start3A_205 = arith.constant 0 : i32
    %dma_start3A_206 = arith.constant 0 : i32
    %dma_start3A_207 = tpu.memref_slice %arg4[%dma_start3A_205, %dma_start3A_206] : memref<10240x80xf32, #tpu.memory_space<hbm>> -> memref<10240x80xf32, #tpu.memory_space<hbm>>
    tpu.enqueue_indirect_dma source(%dma_start3A_207 : memref<10240x80xf32, #tpu.memory_space<hbm>>) target(%dma_start3A_201 : memref<128x80xf32, #tpu.memory_space<vmem>>) offsets(%dma_start3A_204 : memref<128xi32, #tpu.memory_space<vmem>>) semaphore(%arg15 : memref<!tpu.dma_semaphore, #tpu.memory_space<semaphore_mem>>)
    %dma_start3A_208 = arith.constant 0 : i32
    %dma_start3A_209 = arith.constant 1 : i32
    %dma_start3A_210 = arith.constant 0 : i32
    %dma_start3A_211 = arith.constant 0 : i32
    %dma_start3A_212 = arith.constant 0 : i32
    %dma_start3A_213 = tpu.memref_slice %arg13[%dma_start3A_210, %dma_start3A_211, %dma_start3A_212] : memref<2x128x16xf32, #tpu.memory_space<vmem>> -> memref<1x128x16xf32, #tpu.memory_space<vmem>>
    %dma_start3A_214 = tpu.memref_squeeze %dma_start3A_213 : memref<1x128x16xf32, #tpu.memory_space<vmem>> -> memref<128x16xf32, #tpu.memory_space<vmem>>
    %dma_start3A_215 = arith.constant 0 : i32
    %dma_start3A_216 = tpu.memref_slice %arg11[%dma_start3A_208, %dma_start3A_209, %dma_start3A_215] : memref<3x2x128xi32, #tpu.memory_space<vmem>> -> memref<1x1x128xi32, #tpu.memory_space<vmem>>
    %dma_start3A_217 = tpu.memref_squeeze %dma_start3A_216 : memref<1x1x128xi32, #tpu.memory_space<vmem>> -> memref<128xi32, #tpu.memory_space<vmem>>
    %dma_start3A_218 = arith.constant 0 : i32
    %dma_start3A_219 = arith.constant 0 : i32
    %dma_start3A_220 = tpu.memref_slice %arg5[%dma_start3A_218, %dma_start3A_219] : memref<10240x16xf32, #tpu.memory_space<hbm>> -> memref<10240x16xf32, #tpu.memory_space<hbm>>
    tpu.enqueue_indirect_dma source(%dma_start3A_220 : memref<10240x16xf32, #tpu.memory_space<hbm>>) target(%dma_start3A_214 : memref<128x16xf32, #tpu.memory_space<vmem>>) offsets(%dma_start3A_217 : memref<128xi32, #tpu.memory_space<vmem>>) semaphore(%arg15 : memref<!tpu.dma_semaphore, #tpu.memory_space<semaphore_mem>>)
    %add3A_221 = arith.constant 1 : i32
    %add3A_222 = arith.addi %add3A_156, %add3A_221 : i32
    %dma_start3A_223 = arith.constant 1 : i32
    %dma_start3A_224 = arith.constant 0 : i32
    %dma_start3A_225 = arith.constant 0 : i32
    %dma_start3A_226 = tpu.memref_slice %arg11[%dma_start3A_223, %dma_start3A_224, %dma_start3A_225] : memref<3x2x128xi32, #tpu.memory_space<vmem>> -> memref<1x2x128xi32, #tpu.memory_space<vmem>>
    %dma_start3A_227 = tpu.memref_squeeze %dma_start3A_226 : memref<1x2x128xi32, #tpu.memory_space<vmem>> -> memref<2x128xi32, #tpu.memory_space<vmem>>
    %dma_start3A_228 = arith.constant 0 : i32
    %dma_start3A_229 = arith.constant 0 : i32
    %dma_start3A_230 = tpu.memref_slice %arg7[%add3A_222, %dma_start3A_228, %dma_start3A_229] : memref<2528x2x128xi32, #tpu.memory_space<hbm>> -> memref<1x2x128xi32, #tpu.memory_space<hbm>>
    %dma_start3A_231 = tpu.memref_squeeze %dma_start3A_230 : memref<1x2x128xi32, #tpu.memory_space<hbm>> -> memref<2x128xi32, #tpu.memory_space<hbm>>
    %dma_start3A_232 = arith.constant 0 : i32
    %dma_start3A_233 = arith.constant 0 : i32
    %dma_start3A_234 = tpu.memref_slice %arg11[%dma_start3A_223, %dma_start3A_232, %dma_start3A_233] : memref<3x2x128xi32, #tpu.memory_space<vmem>> -> memref<1x2x128xi32, #tpu.memory_space<vmem>>
    %dma_start3A_235 = tpu.memref_squeeze %dma_start3A_234 : memref<1x2x128xi32, #tpu.memory_space<vmem>> -> memref<2x128xi32, #tpu.memory_space<vmem>>
    %dma_start3A_236 = arith.constant 0 : i32
    %dma_start3A_237 = arith.constant 0 : i32
    %dma_start3A_238 = tpu.memref_slice %arg7[%add3A_222, %dma_start3A_236, %dma_start3A_237] : memref<2528x2x128xi32, #tpu.memory_space<hbm>> -> memref<1x2x128xi32, #tpu.memory_space<hbm>>
    %dma_start3A_239 = tpu.memref_squeeze %dma_start3A_238 : memref<1x2x128xi32, #tpu.memory_space<hbm>> -> memref<2x128xi32, #tpu.memory_space<hbm>>
    tpu.enqueue_dma source(%dma_start3A_239 : memref<2x128xi32, #tpu.memory_space<hbm>>) target(%dma_start3A_235 : memref<2x128xi32, #tpu.memory_space<vmem>>) target_semaphore(%arg14 : memref<!tpu.dma_semaphore, #tpu.memory_space<semaphore_mem>>)
    %sub3A_240 = arith.constant 0 : i32
    %sub3A_241 = arith.subi %select_n3A_148, %sub3A_240 : i32
    %sub3A_242 = arith.constant 1 : i32
    %sub3A_243 = arith.constant 1 : i32
    %sub3A_244 = arith.subi %sub3A_242, %sub3A_243 : i32
    %add3A_245 = arith.addi %sub3A_241, %sub3A_244 : i32
    %div3A_246 = arith.constant 1 : i32
    %div3A_247 = arith.divsi %add3A_245, %div3A_246 : i32
    %while3A_248 = arith.constant 1 : i32
    %while3A_249 = arith.constant 0 : i32
    %while3A_250 = arith.constant 0 : i32
    %while3A_251 = arith.subi %div3A_247, %while3A_250 : i32
    %while3A_252 = arith.addi %while3A_250, %while3A_251 : i32
    %while3A_253 = arith.constant 1 : i32
    %while3A_254 = arith.divsi %while3A_251, %while3A_253 : i32
    %while3A_255 = arith.muli %while3A_254, %while3A_253 : i32
    %while3A_256 = arith.addi %while3A_250, %while3A_255 : i32
    %while3A_257 = arith.constant 1 : i32
    scf.for %while3A_294 = %while3A_250 to %while3A_256 step %while3A_257  : i32 {
      %mul3A_295 = arith.muli %while3A_294, %while3A_248 : i32
      %add3A_296 = arith.addi %while3A_249, %mul3A_295 : i32
      %and3A_297 = arith.constant 1 : i32
      %and3A_298 = arith.andi %add3A_296, %and3A_297 : i32
      %and3A_299 = arith.constant 1 : i32
      %and3A_300 = arith.andi %add3A_296, %and3A_299 : i32
      %jit3A_301 = arith.constant 3 : i32
      %eq3A_302 = arith.constant 0 : i32
      %eq3A_303 = arith.cmpi eq, %jit3A_301, %eq3A_302 : i32
      %jit3A_304 = arith.constant 1 : i32
      %select_n3A_305 = arith.select %eq3A_303, %jit3A_304, %jit3A_301 : i32
      %rem3A_306 = arith.remsi %add3A_296, %select_n3A_305 : i32
      %ne3A_307 = arith.constant 0 : i32
      %ne3A_308 = arith.cmpi ne, %rem3A_306, %ne3A_307 : i32
      %lt3A_309 = arith.constant 0 : i32
      %lt3A_310 = arith.cmpi slt, %rem3A_306, %lt3A_309 : i32
      %lt3A_311 = arith.constant 0 : i32
      %lt3A_312 = arith.cmpi slt, %select_n3A_305, %lt3A_311 : i32
      %ne3A_313 = arith.xori %lt3A_310, %lt3A_312 : i1
      %and3A_314 = arith.andi %ne3A_313, %ne3A_308 : i1
      %add3A_315 = arith.addi %rem3A_306, %select_n3A_305 : i32
      %select_n3A_316 = arith.select %and3A_314, %add3A_315, %rem3A_306 : i32
      %dma_wait3A_317 = arith.constant 0 : i32
      %dma_wait3A_318 = arith.constant 0 : i32
      %dma_wait3A_319 = arith.constant 0 : i32
      %dma_wait3A_320 = tpu.memref_slice %arg12[%and3A_300, %dma_wait3A_318, %dma_wait3A_319] : memref<2x128x80xf32, #tpu.memory_space<vmem>> -> memref<1x128x80xf32, #tpu.memory_space<vmem>>
      %dma_wait3A_321 = tpu.memref_squeeze %dma_wait3A_320 : memref<1x128x80xf32, #tpu.memory_space<vmem>> -> memref<128x80xf32, #tpu.memory_space<vmem>>
      %dma_wait3A_322 = arith.constant 0 : i32
      %dma_wait3A_323 = tpu.memref_slice %arg11[%select_n3A_316, %dma_wait3A_317, %dma_wait3A_322] : memref<3x2x128xi32, #tpu.memory_space<vmem>> -> memref<1x1x128xi32, #tpu.memory_space<vmem>>
      %dma_wait3A_324 = tpu.memref_squeeze %dma_wait3A_323 : memref<1x1x128xi32, #tpu.memory_space<vmem>> -> memref<128xi32, #tpu.memory_space<vmem>>
      %dma_wait3A_325 = arith.constant 0 : i32
      %dma_wait3A_326 = arith.constant 0 : i32
      %dma_wait3A_327 = tpu.memref_slice %arg4[%dma_wait3A_325, %dma_wait3A_326] : memref<10240x80xf32, #tpu.memory_space<hbm>> -> memref<10240x80xf32, #tpu.memory_space<hbm>>
      tpu.wait_indirect_dma semaphore(%arg15 : memref<!tpu.dma_semaphore, #tpu.memory_space<semaphore_mem>>) src(%dma_wait3A_327 : memref<10240x80xf32, #tpu.memory_space<hbm>>) dst(%dma_wait3A_321 : memref<128x80xf32, #tpu.memory_space<vmem>>)
      %dma_wait3A_328 = arith.constant 1 : i32
      %dma_wait3A_329 = arith.constant 0 : i32
      %dma_wait3A_330 = arith.constant 0 : i32
      %dma_wait3A_331 = tpu.memref_slice %arg13[%and3A_300, %dma_wait3A_329, %dma_wait3A_330] : memref<2x128x16xf32, #tpu.memory_space<vmem>> -> memref<1x128x16xf32, #tpu.memory_space<vmem>>
      %dma_wait3A_332 = tpu.memref_squeeze %dma_wait3A_331 : memref<1x128x16xf32, #tpu.memory_space<vmem>> -> memref<128x16xf32, #tpu.memory_space<vmem>>
      %dma_wait3A_333 = arith.constant 0 : i32
      %dma_wait3A_334 = tpu.memref_slice %arg11[%select_n3A_316, %dma_wait3A_328, %dma_wait3A_333] : memref<3x2x128xi32, #tpu.memory_space<vmem>> -> memref<1x1x128xi32, #tpu.memory_space<vmem>>
      %dma_wait3A_335 = tpu.memref_squeeze %dma_wait3A_334 : memref<1x1x128xi32, #tpu.memory_space<vmem>> -> memref<128xi32, #tpu.memory_space<vmem>>
      %dma_wait3A_336 = arith.constant 0 : i32
      %dma_wait3A_337 = arith.constant 0 : i32
      %dma_wait3A_338 = tpu.memref_slice %arg5[%dma_wait3A_336, %dma_wait3A_337] : memref<10240x16xf32, #tpu.memory_space<hbm>> -> memref<10240x16xf32, #tpu.memory_space<hbm>>
      tpu.wait_indirect_dma semaphore(%arg15 : memref<!tpu.dma_semaphore, #tpu.memory_space<semaphore_mem>>) src(%dma_wait3A_338 : memref<10240x16xf32, #tpu.memory_space<hbm>>) dst(%dma_wait3A_332 : memref<128x16xf32, #tpu.memory_space<vmem>>)
      %ge3A = arith.constant 1 : i32
      %ge3A_339 = arith.cmpi sge, %add3A_296, %ge3A : i32
      %convert_element_type3A = arith.extui %ge3A_339 : i1 to i32
      %cond3A = arith.constant 0 : i32
      %cond3A_340 = arith.cmpi ne, %convert_element_type3A, %cond3A : i32
      scf.if %cond3A_340 {
        %sub3A_384 = arith.constant 1 : i32
        %sub3A_385 = arith.subi %add3A_296, %sub3A_384 : i32
        %and3A_386 = arith.constant 1 : i32
        %and3A_387 = arith.andi %sub3A_385, %and3A_386 : i32
        %jit3A_388 = arith.constant 3 : i32
        %eq3A_389 = arith.constant 0 : i32
        %eq3A_390 = arith.cmpi eq, %jit3A_388, %eq3A_389 : i32
        %jit3A_391 = arith.constant 1 : i32
        %select_n3A_392 = arith.select %eq3A_390, %jit3A_391, %jit3A_388 : i32
        %rem3A_393 = arith.remsi %sub3A_385, %select_n3A_392 : i32
        %ne3A_394 = arith.constant 0 : i32
        %ne3A_395 = arith.cmpi ne, %rem3A_393, %ne3A_394 : i32
        %lt3A_396 = arith.constant 0 : i32
        %lt3A_397 = arith.cmpi slt, %rem3A_393, %lt3A_396 : i32
        %lt3A_398 = arith.constant 0 : i32
        %lt3A_399 = arith.cmpi slt, %select_n3A_392, %lt3A_398 : i32
        %ne3A_400 = arith.xori %lt3A_397, %lt3A_399 : i1
        %and3A_401 = arith.andi %ne3A_400, %ne3A_395 : i1
        %add3A_402 = arith.addi %rem3A_393, %select_n3A_392 : i32
        %select_n3A_403 = arith.select %and3A_401, %add3A_402, %rem3A_393 : i32
        %dma_wait3A_404 = arith.constant 1 : i32
        %dma_wait3A_405 = arith.constant 0 : i32
        %dma_wait3A_406 = arith.constant 0 : i32
        %dma_wait3A_407 = tpu.memref_slice %arg12[%and3A_387, %dma_wait3A_405, %dma_wait3A_406] : memref<2x128x80xf32, #tpu.memory_space<vmem>> -> memref<1x128x80xf32, #tpu.memory_space<vmem>>
        %dma_wait3A_408 = tpu.memref_squeeze %dma_wait3A_407 : memref<1x128x80xf32, #tpu.memory_space<vmem>> -> memref<128x80xf32, #tpu.memory_space<vmem>>
        %dma_wait3A_409 = arith.constant 0 : i32
        %dma_wait3A_410 = tpu.memref_slice %arg11[%select_n3A_403, %dma_wait3A_404, %dma_wait3A_409] : memref<3x2x128xi32, #tpu.memory_space<vmem>> -> memref<1x1x128xi32, #tpu.memory_space<vmem>>
        %dma_wait3A_411 = tpu.memref_squeeze %dma_wait3A_410 : memref<1x1x128xi32, #tpu.memory_space<vmem>> -> memref<128xi32, #tpu.memory_space<vmem>>
        %dma_wait3A_412 = arith.constant 0 : i32
        %dma_wait3A_413 = arith.constant 0 : i32
        %dma_wait3A_414 = tpu.memref_slice %arg10[%dma_wait3A_412, %dma_wait3A_413] : memref<10240x80xf32, #tpu.memory_space<vmem_shared>> -> memref<10240x80xf32, #tpu.memory_space<vmem_shared>>
        tpu.wait_indirect_dma semaphore(%arg16 : memref<!tpu.dma_semaphore, #tpu.memory_space<semaphore_mem>>) src(%dma_wait3A_408 : memref<128x80xf32, #tpu.memory_space<vmem>>) dst(%dma_wait3A_414 : memref<10240x80xf32, #tpu.memory_space<vmem_shared>>)
      } else {
      }
      %add3A_341 = arith.constant 1 : i32
      %add3A_342 = arith.addi %add3A_296, %add3A_341 : i32
      %lt3A_343 = arith.cmpi slt, %add3A_342, %select_n3A_148 : i32
      %convert_element_type3A_344 = arith.extui %lt3A_343 : i1 to i32
      %cond3A_345 = arith.constant 0 : i32
      %cond3A_346 = arith.cmpi ne, %convert_element_type3A_344, %cond3A_345 : i32
      scf.if %cond3A_346 {
        %add3A_384 = arith.constant 1 : i32
        %add3A_385 = arith.addi %add3A_296, %add3A_384 : i32
        %add3A_386 = arith.addi %add3A_156, %add3A_385 : i32
        %jit3A_387 = arith.constant 3 : i32
        %eq3A_388 = arith.constant 0 : i32
        %eq3A_389 = arith.cmpi eq, %jit3A_387, %eq3A_388 : i32
        %jit3A_390 = arith.constant 1 : i32
        %select_n3A_391 = arith.select %eq3A_389, %jit3A_390, %jit3A_387 : i32
        %rem3A_392 = arith.remsi %add3A_385, %select_n3A_391 : i32
        %ne3A_393 = arith.constant 0 : i32
        %ne3A_394 = arith.cmpi ne, %rem3A_392, %ne3A_393 : i32
        %lt3A_395 = arith.constant 0 : i32
        %lt3A_396 = arith.cmpi slt, %rem3A_392, %lt3A_395 : i32
        %lt3A_397 = arith.constant 0 : i32
        %lt3A_398 = arith.cmpi slt, %select_n3A_391, %lt3A_397 : i32
        %ne3A_399 = arith.xori %lt3A_396, %lt3A_398 : i1
        %and3A_400 = arith.andi %ne3A_399, %ne3A_394 : i1
        %add3A_401 = arith.addi %rem3A_392, %select_n3A_391 : i32
        %select_n3A_402 = arith.select %and3A_400, %add3A_401, %rem3A_392 : i32
        %dma_wait3A_403 = arith.constant 0 : i32
        %dma_wait3A_404 = arith.constant 0 : i32
        %dma_wait3A_405 = tpu.memref_slice %arg11[%select_n3A_402, %dma_wait3A_403, %dma_wait3A_404] : memref<3x2x128xi32, #tpu.memory_space<vmem>> -> memref<1x2x128xi32, #tpu.memory_space<vmem>>
        %dma_wait3A_406 = tpu.memref_squeeze %dma_wait3A_405 : memref<1x2x128xi32, #tpu.memory_space<vmem>> -> memref<2x128xi32, #tpu.memory_space<vmem>>
        %dma_wait3A_407 = arith.constant 0 : i32
        %dma_wait3A_408 = arith.constant 0 : i32
        %dma_wait3A_409 = tpu.memref_slice %arg7[%add3A_386, %dma_wait3A_407, %dma_wait3A_408] : memref<2528x2x128xi32, #tpu.memory_space<hbm>> -> memref<1x2x128xi32, #tpu.memory_space<hbm>>
        %dma_wait3A_410 = tpu.memref_squeeze %dma_wait3A_409 : memref<1x2x128xi32, #tpu.memory_space<hbm>> -> memref<2x128xi32, #tpu.memory_space<hbm>>
        %dma_wait3A_411 = arith.constant 0 : i32
        %dma_wait3A_412 = arith.constant 0 : i32
        %dma_wait3A_413 = tpu.memref_slice %arg11[%select_n3A_402, %dma_wait3A_411, %dma_wait3A_412] : memref<3x2x128xi32, #tpu.memory_space<vmem>> -> memref<1x2x128xi32, #tpu.memory_space<vmem>>
        %dma_wait3A_414 = tpu.memref_squeeze %dma_wait3A_413 : memref<1x2x128xi32, #tpu.memory_space<vmem>> -> memref<2x128xi32, #tpu.memory_space<vmem>>
        %dma_wait3A_415 = arith.constant 0 : i32
        %dma_wait3A_416 = arith.constant 0 : i32
        %dma_wait3A_417 = tpu.memref_slice %arg7[%add3A_386, %dma_wait3A_415, %dma_wait3A_416] : memref<2528x2x128xi32, #tpu.memory_space<hbm>> -> memref<1x2x128xi32, #tpu.memory_space<hbm>>
        %dma_wait3A_418 = tpu.memref_squeeze %dma_wait3A_417 : memref<1x2x128xi32, #tpu.memory_space<hbm>> -> memref<2x128xi32, #tpu.memory_space<hbm>>
        tpu.wait_dma2 semaphore(%arg14 : memref<!tpu.dma_semaphore, #tpu.memory_space<semaphore_mem>>) src(%dma_wait3A_418 : memref<2x128xi32, #tpu.memory_space<hbm>>) dst(%dma_wait3A_414 : memref<2x128xi32, #tpu.memory_space<vmem>>)
        %add3A_419 = arith.constant 1 : i32
        %add3A_420 = arith.addi %add3A_296, %add3A_419 : i32
        %and3A_421 = arith.constant 1 : i32
        %and3A_422 = arith.andi %add3A_420, %and3A_421 : i32
        %jit3A_423 = arith.constant 3 : i32
        %eq3A_424 = arith.constant 0 : i32
        %eq3A_425 = arith.cmpi eq, %jit3A_423, %eq3A_424 : i32
        %jit3A_426 = arith.constant 1 : i32
        %select_n3A_427 = arith.select %eq3A_425, %jit3A_426, %jit3A_423 : i32
        %rem3A_428 = arith.remsi %add3A_420, %select_n3A_427 : i32
        %ne3A_429 = arith.constant 0 : i32
        %ne3A_430 = arith.cmpi ne, %rem3A_428, %ne3A_429 : i32
        %lt3A_431 = arith.constant 0 : i32
        %lt3A_432 = arith.cmpi slt, %rem3A_428, %lt3A_431 : i32
        %lt3A_433 = arith.constant 0 : i32
        %lt3A_434 = arith.cmpi slt, %select_n3A_427, %lt3A_433 : i32
        %ne3A_435 = arith.xori %lt3A_432, %lt3A_434 : i1
        %and3A_436 = arith.andi %ne3A_435, %ne3A_430 : i1
        %add3A_437 = arith.addi %rem3A_428, %select_n3A_427 : i32
        %select_n3A_438 = arith.select %and3A_436, %add3A_437, %rem3A_428 : i32
        %dma_start3A_439 = arith.constant 0 : i32
        %dma_start3A_440 = arith.constant 0 : i32
        %dma_start3A_441 = arith.constant 0 : i32
        %dma_start3A_442 = tpu.memref_slice %arg12[%and3A_422, %dma_start3A_440, %dma_start3A_441] : memref<2x128x80xf32, #tpu.memory_space<vmem>> -> memref<1x128x80xf32, #tpu.memory_space<vmem>>
        %dma_start3A_443 = tpu.memref_squeeze %dma_start3A_442 : memref<1x128x80xf32, #tpu.memory_space<vmem>> -> memref<128x80xf32, #tpu.memory_space<vmem>>
        %dma_start3A_444 = arith.constant 0 : i32
        %dma_start3A_445 = tpu.memref_slice %arg11[%select_n3A_438, %dma_start3A_439, %dma_start3A_444] : memref<3x2x128xi32, #tpu.memory_space<vmem>> -> memref<1x1x128xi32, #tpu.memory_space<vmem>>
        %dma_start3A_446 = tpu.memref_squeeze %dma_start3A_445 : memref<1x1x128xi32, #tpu.memory_space<vmem>> -> memref<128xi32, #tpu.memory_space<vmem>>
        %dma_start3A_447 = arith.constant 0 : i32
        %dma_start3A_448 = arith.constant 0 : i32
        %dma_start3A_449 = tpu.memref_slice %arg4[%dma_start3A_447, %dma_start3A_448] : memref<10240x80xf32, #tpu.memory_space<hbm>> -> memref<10240x80xf32, #tpu.memory_space<hbm>>
        tpu.enqueue_indirect_dma source(%dma_start3A_449 : memref<10240x80xf32, #tpu.memory_space<hbm>>) target(%dma_start3A_443 : memref<128x80xf32, #tpu.memory_space<vmem>>) offsets(%dma_start3A_446 : memref<128xi32, #tpu.memory_space<vmem>>) semaphore(%arg15 : memref<!tpu.dma_semaphore, #tpu.memory_space<semaphore_mem>>)
        %dma_start3A_450 = arith.constant 1 : i32
        %dma_start3A_451 = arith.constant 0 : i32
        %dma_start3A_452 = arith.constant 0 : i32
        %dma_start3A_453 = tpu.memref_slice %arg13[%and3A_422, %dma_start3A_451, %dma_start3A_452] : memref<2x128x16xf32, #tpu.memory_space<vmem>> -> memref<1x128x16xf32, #tpu.memory_space<vmem>>
        %dma_start3A_454 = tpu.memref_squeeze %dma_start3A_453 : memref<1x128x16xf32, #tpu.memory_space<vmem>> -> memref<128x16xf32, #tpu.memory_space<vmem>>
        %dma_start3A_455 = arith.constant 0 : i32
        %dma_start3A_456 = tpu.memref_slice %arg11[%select_n3A_438, %dma_start3A_450, %dma_start3A_455] : memref<3x2x128xi32, #tpu.memory_space<vmem>> -> memref<1x1x128xi32, #tpu.memory_space<vmem>>
        %dma_start3A_457 = tpu.memref_squeeze %dma_start3A_456 : memref<1x1x128xi32, #tpu.memory_space<vmem>> -> memref<128xi32, #tpu.memory_space<vmem>>
        %dma_start3A_458 = arith.constant 0 : i32
        %dma_start3A_459 = arith.constant 0 : i32
        %dma_start3A_460 = tpu.memref_slice %arg5[%dma_start3A_458, %dma_start3A_459] : memref<10240x16xf32, #tpu.memory_space<hbm>> -> memref<10240x16xf32, #tpu.memory_space<hbm>>
        tpu.enqueue_indirect_dma source(%dma_start3A_460 : memref<10240x16xf32, #tpu.memory_space<hbm>>) target(%dma_start3A_454 : memref<128x16xf32, #tpu.memory_space<vmem>>) offsets(%dma_start3A_457 : memref<128xi32, #tpu.memory_space<vmem>>) semaphore(%arg15 : memref<!tpu.dma_semaphore, #tpu.memory_space<semaphore_mem>>)
      } else {
      }
      %add3A_347 = arith.constant 2 : i32
      %add3A_348 = arith.addi %add3A_296, %add3A_347 : i32
      %lt3A_349 = arith.cmpi slt, %add3A_348, %select_n3A_148 : i32
      %convert_element_type3A_350 = arith.extui %lt3A_349 : i1 to i32
      %cond3A_351 = arith.constant 0 : i32
      %cond3A_352 = arith.cmpi ne, %convert_element_type3A_350, %cond3A_351 : i32
      scf.if %cond3A_352 {
        %add3A_384 = arith.constant 2 : i32
        %add3A_385 = arith.addi %add3A_296, %add3A_384 : i32
        %add3A_386 = arith.addi %add3A_156, %add3A_385 : i32
        %jit3A_387 = arith.constant 3 : i32
        %eq3A_388 = arith.constant 0 : i32
        %eq3A_389 = arith.cmpi eq, %jit3A_387, %eq3A_388 : i32
        %jit3A_390 = arith.constant 1 : i32
        %select_n3A_391 = arith.select %eq3A_389, %jit3A_390, %jit3A_387 : i32
        %rem3A_392 = arith.remsi %add3A_385, %select_n3A_391 : i32
        %ne3A_393 = arith.constant 0 : i32
        %ne3A_394 = arith.cmpi ne, %rem3A_392, %ne3A_393 : i32
        %lt3A_395 = arith.constant 0 : i32
        %lt3A_396 = arith.cmpi slt, %rem3A_392, %lt3A_395 : i32
        %lt3A_397 = arith.constant 0 : i32
        %lt3A_398 = arith.cmpi slt, %select_n3A_391, %lt3A_397 : i32
        %ne3A_399 = arith.xori %lt3A_396, %lt3A_398 : i1
        %and3A_400 = arith.andi %ne3A_399, %ne3A_394 : i1
        %add3A_401 = arith.addi %rem3A_392, %select_n3A_391 : i32
        %select_n3A_402 = arith.select %and3A_400, %add3A_401, %rem3A_392 : i32
        %dma_start3A_403 = arith.constant 0 : i32
        %dma_start3A_404 = arith.constant 0 : i32
        %dma_start3A_405 = tpu.memref_slice %arg11[%select_n3A_402, %dma_start3A_403, %dma_start3A_404] : memref<3x2x128xi32, #tpu.memory_space<vmem>> -> memref<1x2x128xi32, #tpu.memory_space<vmem>>
        %dma_start3A_406 = tpu.memref_squeeze %dma_start3A_405 : memref<1x2x128xi32, #tpu.memory_space<vmem>> -> memref<2x128xi32, #tpu.memory_space<vmem>>
        %dma_start3A_407 = arith.constant 0 : i32
        %dma_start3A_408 = arith.constant 0 : i32
        %dma_start3A_409 = tpu.memref_slice %arg7[%add3A_386, %dma_start3A_407, %dma_start3A_408] : memref<2528x2x128xi32, #tpu.memory_space<hbm>> -> memref<1x2x128xi32, #tpu.memory_space<hbm>>
        %dma_start3A_410 = tpu.memref_squeeze %dma_start3A_409 : memref<1x2x128xi32, #tpu.memory_space<hbm>> -> memref<2x128xi32, #tpu.memory_space<hbm>>
        %dma_start3A_411 = arith.constant 0 : i32
        %dma_start3A_412 = arith.constant 0 : i32
        %dma_start3A_413 = tpu.memref_slice %arg11[%select_n3A_402, %dma_start3A_411, %dma_start3A_412] : memref<3x2x128xi32, #tpu.memory_space<vmem>> -> memref<1x2x128xi32, #tpu.memory_space<vmem>>
        %dma_start3A_414 = tpu.memref_squeeze %dma_start3A_413 : memref<1x2x128xi32, #tpu.memory_space<vmem>> -> memref<2x128xi32, #tpu.memory_space<vmem>>
        %dma_start3A_415 = arith.constant 0 : i32
        %dma_start3A_416 = arith.constant 0 : i32
        %dma_start3A_417 = tpu.memref_slice %arg7[%add3A_386, %dma_start3A_415, %dma_start3A_416] : memref<2528x2x128xi32, #tpu.memory_space<hbm>> -> memref<1x2x128xi32, #tpu.memory_space<hbm>>
        %dma_start3A_418 = tpu.memref_squeeze %dma_start3A_417 : memref<1x2x128xi32, #tpu.memory_space<hbm>> -> memref<2x128xi32, #tpu.memory_space<hbm>>
        tpu.enqueue_dma source(%dma_start3A_418 : memref<2x128xi32, #tpu.memory_space<hbm>>) target(%dma_start3A_414 : memref<2x128xi32, #tpu.memory_space<vmem>>) target_semaphore(%arg14 : memref<!tpu.dma_semaphore, #tpu.memory_space<semaphore_mem>>)
      } else {
      }
      %parallel_loop3A = arith.constant 0 : i32
      %parallel_loop3A_353 = arith.constant 128 : i32
      %parallel_loop3A_354 = arith.constant 1 : i32
      scf.for %parallel_loop3A_384 = %parallel_loop3A to %parallel_loop3A_353 step %parallel_loop3A_354  : i32 {
        %parallel_loop3A_385 = arith.index_cast %and3A_298 : i32 to index
        %parallel_loop3A_386 = arith.index_cast %parallel_loop3A_384 : i32 to index
        %parallel_loop3A_387 = arith.constant 64 : index
        %parallel_loop3A_388 = tpu.vector_load %arg12[%parallel_loop3A_385, %parallel_loop3A_386, %parallel_loop3A_387] {strides = array<i32>} : memref<2x128x80xf32, #tpu.memory_space<vmem>>, vector<1x1x16xf32>,
        %parallel_loop3A_389 = vector.shape_cast %parallel_loop3A_388 : vector<1x1x16xf32> to vector<16xf32>
        %parallel_loop3A_390 = arith.index_cast %and3A_298 : i32 to index
        %parallel_loop3A_391 = arith.index_cast %parallel_loop3A_384 : i32 to index
        %parallel_loop3A_392 = arith.constant 0 : index
        %parallel_loop3A_393 = tpu.vector_load %arg13[%parallel_loop3A_390, %parallel_loop3A_391, %parallel_loop3A_392] {strides = array<i32>} : memref<2x128x16xf32, #tpu.memory_space<vmem>>, vector<1x1x16xf32>,
        %parallel_loop3A_394 = vector.shape_cast %parallel_loop3A_393 : vector<1x1x16xf32> to vector<16xf32>
        %parallel_loop3A_395 = arith.addf %parallel_loop3A_389, %parallel_loop3A_394 : vector<16xf32>
        %parallel_loop3A_396 = arith.constant 2.000000e-01 : f32
        %parallel_loop3A_397 = vector.broadcast %parallel_loop3A_396 : f32 to vector<16xf32>
        %parallel_loop3A_398 = arith.mulf %parallel_loop3A_395, %parallel_loop3A_397 : vector<16xf32>
        %parallel_loop3A_399 = arith.maximumf %parallel_loop3A_395, %parallel_loop3A_398 : vector<16xf32>
        %parallel_loop3A_400 = math.exp %parallel_loop3A_399 : vector<16xf32>
        %parallel_loop3A_401 = arith.index_cast %and3A_298 : i32 to index
        %parallel_loop3A_402 = arith.index_cast %parallel_loop3A_384 : i32 to index
        %parallel_loop3A_403 = arith.constant 64 : index
        %parallel_loop3A_404 = tpu.vector_load %arg12[%parallel_loop3A_401, %parallel_loop3A_402, %parallel_loop3A_403] {strides = array<i32>} : memref<2x128x80xf32, #tpu.memory_space<vmem>>, vector<1x1x16xf32>,
        %parallel_loop3A_405 = vector.shape_cast %parallel_loop3A_404 : vector<1x1x16xf32> to vector<16xf32>
        %parallel_loop3A_406 = vector.shape_cast %parallel_loop3A_400 : vector<16xf32> to vector<1x1x16xf32>
        tpu.vector_store %arg12[%parallel_loop3A_401, %parallel_loop3A_402, %parallel_loop3A_403], %parallel_loop3A_406 {strides = array<i32>} : memref<2x128x80xf32, #tpu.memory_space<vmem>>, vector<1x1x16xf32>,
        %parallel_loop3A_407 = arith.index_cast %and3A_298 : i32 to index
        %parallel_loop3A_408 = arith.index_cast %parallel_loop3A_384 : i32 to index
        %parallel_loop3A_409 = arith.constant 0 : index
        %parallel_loop3A_410 = tpu.vector_load %arg12[%parallel_loop3A_407, %parallel_loop3A_408, %parallel_loop3A_409] {strides = array<i32>} : memref<2x128x80xf32, #tpu.memory_space<vmem>>, vector<1x1x16xf32>,
        %parallel_loop3A_411 = vector.shape_cast %parallel_loop3A_410 : vector<1x1x16xf32> to vector<16xf32>
        %parallel_loop3A_412 = arith.mulf %parallel_loop3A_411, %parallel_loop3A_400 : vector<16xf32>
        %parallel_loop3A_413 = arith.index_cast %and3A_298 : i32 to index
        %parallel_loop3A_414 = arith.index_cast %parallel_loop3A_384 : i32 to index
        %parallel_loop3A_415 = arith.constant 0 : index
        %parallel_loop3A_416 = tpu.vector_load %arg12[%parallel_loop3A_413, %parallel_loop3A_414, %parallel_loop3A_415] {strides = array<i32>} : memref<2x128x80xf32, #tpu.memory_space<vmem>>, vector<1x1x16xf32>,
        %parallel_loop3A_417 = vector.shape_cast %parallel_loop3A_416 : vector<1x1x16xf32> to vector<16xf32>
        %parallel_loop3A_418 = vector.shape_cast %parallel_loop3A_412 : vector<16xf32> to vector<1x1x16xf32>
        tpu.vector_store %arg12[%parallel_loop3A_413, %parallel_loop3A_414, %parallel_loop3A_415], %parallel_loop3A_418 {strides = array<i32>} : memref<2x128x80xf32, #tpu.memory_space<vmem>>, vector<1x1x16xf32>,
        %parallel_loop3A_419 = arith.index_cast %and3A_298 : i32 to index
        %parallel_loop3A_420 = arith.index_cast %parallel_loop3A_384 : i32 to index
        %parallel_loop3A_421 = arith.constant 16 : index
        %parallel_loop3A_422 = tpu.vector_load %arg12[%parallel_loop3A_419, %parallel_loop3A_420, %parallel_loop3A_421] {strides = array<i32>} : memref<2x128x80xf32, #tpu.memory_space<vmem>>, vector<1x1x16xf32>,
        %parallel_loop3A_423 = vector.shape_cast %parallel_loop3A_422 : vector<1x1x16xf32> to vector<16xf32>
        %parallel_loop3A_424 = arith.mulf %parallel_loop3A_423, %parallel_loop3A_400 : vector<16xf32>
        %parallel_loop3A_425 = arith.index_cast %and3A_298 : i32 to index
        %parallel_loop3A_426 = arith.index_cast %parallel_loop3A_384 : i32 to index
        %parallel_loop3A_427 = arith.constant 16 : index
        %parallel_loop3A_428 = tpu.vector_load %arg12[%parallel_loop3A_425, %parallel_loop3A_426, %parallel_loop3A_427] {strides = array<i32>} : memref<2x128x80xf32, #tpu.memory_space<vmem>>, vector<1x1x16xf32>,
        %parallel_loop3A_429 = vector.shape_cast %parallel_loop3A_428 : vector<1x1x16xf32> to vector<16xf32>
        %parallel_loop3A_430 = vector.shape_cast %parallel_loop3A_424 : vector<16xf32> to vector<1x1x16xf32>
        tpu.vector_store %arg12[%parallel_loop3A_425, %parallel_loop3A_426, %parallel_loop3A_427], %parallel_loop3A_430 {strides = array<i32>} : memref<2x128x80xf32, #tpu.memory_space<vmem>>, vector<1x1x16xf32>,
        %parallel_loop3A_431 = arith.index_cast %and3A_298 : i32 to index
        %parallel_loop3A_432 = arith.index_cast %parallel_loop3A_384 : i32 to index
        %parallel_loop3A_433 = arith.constant 32 : index
        %parallel_loop3A_434 = tpu.vector_load %arg12[%parallel_loop3A_431, %parallel_loop3A_432, %parallel_loop3A_433] {strides = array<i32>} : memref<2x128x80xf32, #tpu.memory_space<vmem>>, vector<1x1x16xf32>,
        %parallel_loop3A_435 = vector.shape_cast %parallel_loop3A_434 : vector<1x1x16xf32> to vector<16xf32>
        %parallel_loop3A_436 = arith.mulf %parallel_loop3A_435, %parallel_loop3A_400 : vector<16xf32>
        %parallel_loop3A_437 = arith.index_cast %and3A_298 : i32 to index
        %parallel_loop3A_438 = arith.index_cast %parallel_loop3A_384 : i32 to index
        %parallel_loop3A_439 = arith.constant 32 : index
        %parallel_loop3A_440 = tpu.vector_load %arg12[%parallel_loop3A_437, %parallel_loop3A_438, %parallel_loop3A_439] {strides = array<i32>} : memref<2x128x80xf32, #tpu.memory_space<vmem>>, vector<1x1x16xf32>,
        %parallel_loop3A_441 = vector.shape_cast %parallel_loop3A_440 : vector<1x1x16xf32> to vector<16xf32>
        %parallel_loop3A_442 = vector.shape_cast %parallel_loop3A_436 : vector<16xf32> to vector<1x1x16xf32>
        tpu.vector_store %arg12[%parallel_loop3A_437, %parallel_loop3A_438, %parallel_loop3A_439], %parallel_loop3A_442 {strides = array<i32>} : memref<2x128x80xf32, #tpu.memory_space<vmem>>, vector<1x1x16xf32>,
        %parallel_loop3A_443 = arith.index_cast %and3A_298 : i32 to index
        %parallel_loop3A_444 = arith.index_cast %parallel_loop3A_384 : i32 to index
        %parallel_loop3A_445 = arith.constant 48 : index
        %parallel_loop3A_446 = tpu.vector_load %arg12[%parallel_loop3A_443, %parallel_loop3A_444, %parallel_loop3A_445] {strides = array<i32>} : memref<2x128x80xf32, #tpu.memory_space<vmem>>, vector<1x1x16xf32>,
        %parallel_loop3A_447 = vector.shape_cast %parallel_loop3A_446 : vector<1x1x16xf32> to vector<16xf32>
        %parallel_loop3A_448 = arith.mulf %parallel_loop3A_447, %parallel_loop3A_400 : vector<16xf32>
        %parallel_loop3A_449 = arith.index_cast %and3A_298 : i32 to index
        %parallel_loop3A_450 = arith.index_cast %parallel_loop3A_384 : i32 to index
        %parallel_loop3A_451 = arith.constant 48 : index
        %parallel_loop3A_452 = tpu.vector_load %arg12[%parallel_loop3A_449, %parallel_loop3A_450, %parallel_loop3A_451] {strides = array<i32>} : memref<2x128x80xf32, #tpu.memory_space<vmem>>, vector<1x1x16xf32>,
        %parallel_loop3A_453 = vector.shape_cast %parallel_loop3A_452 : vector<1x1x16xf32> to vector<16xf32>
        %parallel_loop3A_454 = vector.shape_cast %parallel_loop3A_448 : vector<16xf32> to vector<1x1x16xf32>
        tpu.vector_store %arg12[%parallel_loop3A_449, %parallel_loop3A_450, %parallel_loop3A_451], %parallel_loop3A_454 {strides = array<i32>} : memref<2x128x80xf32, #tpu.memory_space<vmem>>, vector<1x1x16xf32>,
      } {sc.loop_unroll_factor = 4 : i64, sc.parallel_access}
      %and3A_355 = arith.constant 1 : i32
      %and3A_356 = arith.andi %add3A_296, %and3A_355 : i32
      %jit3A_357 = arith.constant 3 : i32
      %eq3A_358 = arith.constant 0 : i32
      %eq3A_359 = arith.cmpi eq, %jit3A_357, %eq3A_358 : i32
      %jit3A_360 = arith.constant 1 : i32
      %select_n3A_361 = arith.select %eq3A_359, %jit3A_360, %jit3A_357 : i32
      %rem3A_362 = arith.remsi %add3A_296, %select_n3A_361 : i32
      %ne3A_363 = arith.constant 0 : i32
      %ne3A_364 = arith.cmpi ne, %rem3A_362, %ne3A_363 : i32
      %lt3A_365 = arith.constant 0 : i32
      %lt3A_366 = arith.cmpi slt, %rem3A_362, %lt3A_365 : i32
      %lt3A_367 = arith.constant 0 : i32
      %lt3A_368 = arith.cmpi slt, %select_n3A_361, %lt3A_367 : i32
      %ne3A_369 = arith.xori %lt3A_366, %lt3A_368 : i1
      %and3A_370 = arith.andi %ne3A_369, %ne3A_364 : i1
      %add3A_371 = arith.addi %rem3A_362, %select_n3A_361 : i32
      %select_n3A_372 = arith.select %and3A_370, %add3A_371, %rem3A_362 : i32
      %dma_start3A_373 = arith.constant 1 : i32
      %dma_start3A_374 = arith.constant 0 : i32
      %dma_start3A_375 = arith.constant 0 : i32
      %dma_start3A_376 = tpu.memref_slice %arg12[%and3A_356, %dma_start3A_374, %dma_start3A_375] : memref<2x128x80xf32, #tpu.memory_space<vmem>> -> memref<1x128x80xf32, #tpu.memory_space<vmem>>
      %dma_start3A_377 = tpu.memref_squeeze %dma_start3A_376 : memref<1x128x80xf32, #tpu.memory_space<vmem>> -> memref<128x80xf32, #tpu.memory_space<vmem>>
      %dma_start3A_378 = arith.constant 0 : i32
      %dma_start3A_379 = tpu.memref_slice %arg11[%select_n3A_372, %dma_start3A_373, %dma_start3A_378] : memref<3x2x128xi32, #tpu.memory_space<vmem>> -> memref<1x1x128xi32, #tpu.memory_space<vmem>>
      %dma_start3A_380 = tpu.memref_squeeze %dma_start3A_379 : memref<1x1x128xi32, #tpu.memory_space<vmem>> -> memref<128xi32, #tpu.memory_space<vmem>>
      %dma_start3A_381 = arith.constant 0 : i32
      %dma_start3A_382 = arith.constant 0 : i32
      %dma_start3A_383 = tpu.memref_slice %arg10[%dma_start3A_381, %dma_start3A_382] : memref<10240x80xf32, #tpu.memory_space<vmem_shared>> -> memref<10240x80xf32, #tpu.memory_space<vmem_shared>>
      tpu.enqueue_indirect_dma source(%dma_start3A_377 : memref<128x80xf32, #tpu.memory_space<vmem>>) target(%dma_start3A_383 : memref<10240x80xf32, #tpu.memory_space<vmem_shared>>) offsets(%dma_start3A_380 : memref<128xi32, #tpu.memory_space<vmem>>) semaphore(%arg16 : memref<!tpu.dma_semaphore, #tpu.memory_space<semaphore_mem>>) {add = true}
    }
    %while3A_258 = arith.constant 1 : i32
    scf.for %while3A_294 = %while3A_256 to %while3A_252 step %while3A_258  : i32 {
      %mul3A_295 = arith.muli %while3A_294, %while3A_248 : i32
      %add3A_296 = arith.addi %while3A_249, %mul3A_295 : i32
      %and3A_297 = arith.constant 1 : i32
      %and3A_298 = arith.andi %add3A_296, %and3A_297 : i32
      %and3A_299 = arith.constant 1 : i32
      %and3A_300 = arith.andi %add3A_296, %and3A_299 : i32
      %jit3A_301 = arith.constant 3 : i32
      %eq3A_302 = arith.constant 0 : i32
      %eq3A_303 = arith.cmpi eq, %jit3A_301, %eq3A_302 : i32
      %jit3A_304 = arith.constant 1 : i32
      %select_n3A_305 = arith.select %eq3A_303, %jit3A_304, %jit3A_301 : i32
      %rem3A_306 = arith.remsi %add3A_296, %select_n3A_305 : i32
      %ne3A_307 = arith.constant 0 : i32
      %ne3A_308 = arith.cmpi ne, %rem3A_306, %ne3A_307 : i32
      %lt3A_309 = arith.constant 0 : i32
      %lt3A_310 = arith.cmpi slt, %rem3A_306, %lt3A_309 : i32
      %lt3A_311 = arith.constant 0 : i32
      %lt3A_312 = arith.cmpi slt, %select_n3A_305, %lt3A_311 : i32
      %ne3A_313 = arith.xori %lt3A_310, %lt3A_312 : i1
      %and3A_314 = arith.andi %ne3A_313, %ne3A_308 : i1
      %add3A_315 = arith.addi %rem3A_306, %select_n3A_305 : i32
      %select_n3A_316 = arith.select %and3A_314, %add3A_315, %rem3A_306 : i32
      %dma_wait3A_317 = arith.constant 0 : i32
      %dma_wait3A_318 = arith.constant 0 : i32
      %dma_wait3A_319 = arith.constant 0 : i32
      %dma_wait3A_320 = tpu.memref_slice %arg12[%and3A_300, %dma_wait3A_318, %dma_wait3A_319] : memref<2x128x80xf32, #tpu.memory_space<vmem>> -> memref<1x128x80xf32, #tpu.memory_space<vmem>>
      %dma_wait3A_321 = tpu.memref_squeeze %dma_wait3A_320 : memref<1x128x80xf32, #tpu.memory_space<vmem>> -> memref<128x80xf32, #tpu.memory_space<vmem>>
      %dma_wait3A_322 = arith.constant 0 : i32
      %dma_wait3A_323 = tpu.memref_slice %arg11[%select_n3A_316, %dma_wait3A_317, %dma_wait3A_322] : memref<3x2x128xi32, #tpu.memory_space<vmem>> -> memref<1x1x128xi32, #tpu.memory_space<vmem>>
      %dma_wait3A_324 = tpu.memref_squeeze %dma_wait3A_323 : memref<1x1x128xi32, #tpu.memory_space<vmem>> -> memref<128xi32, #tpu.memory_space<vmem>>
      %dma_wait3A_325 = arith.constant 0 : i32
      %dma_wait3A_326 = arith.constant 0 : i32
      %dma_wait3A_327 = tpu.memref_slice %arg4[%dma_wait3A_325, %dma_wait3A_326] : memref<10240x80xf32, #tpu.memory_space<hbm>> -> memref<10240x80xf32, #tpu.memory_space<hbm>>
      tpu.wait_indirect_dma semaphore(%arg15 : memref<!tpu.dma_semaphore, #tpu.memory_space<semaphore_mem>>) src(%dma_wait3A_327 : memref<10240x80xf32, #tpu.memory_space<hbm>>) dst(%dma_wait3A_321 : memref<128x80xf32, #tpu.memory_space<vmem>>)
      %dma_wait3A_328 = arith.constant 1 : i32
      %dma_wait3A_329 = arith.constant 0 : i32
      %dma_wait3A_330 = arith.constant 0 : i32
      %dma_wait3A_331 = tpu.memref_slice %arg13[%and3A_300, %dma_wait3A_329, %dma_wait3A_330] : memref<2x128x16xf32, #tpu.memory_space<vmem>> -> memref<1x128x16xf32, #tpu.memory_space<vmem>>
      %dma_wait3A_332 = tpu.memref_squeeze %dma_wait3A_331 : memref<1x128x16xf32, #tpu.memory_space<vmem>> -> memref<128x16xf32, #tpu.memory_space<vmem>>
      %dma_wait3A_333 = arith.constant 0 : i32
      %dma_wait3A_334 = tpu.memref_slice %arg11[%select_n3A_316, %dma_wait3A_328, %dma_wait3A_333] : memref<3x2x128xi32, #tpu.memory_space<vmem>> -> memref<1x1x128xi32, #tpu.memory_space<vmem>>
      %dma_wait3A_335 = tpu.memref_squeeze %dma_wait3A_334 : memref<1x1x128xi32, #tpu.memory_space<vmem>> -> memref<128xi32, #tpu.memory_space<vmem>>
      %dma_wait3A_336 = arith.constant 0 : i32
      %dma_wait3A_337 = arith.constant 0 : i32
      %dma_wait3A_338 = tpu.memref_slice %arg5[%dma_wait3A_336, %dma_wait3A_337] : memref<10240x16xf32, #tpu.memory_space<hbm>> -> memref<10240x16xf32, #tpu.memory_space<hbm>>
      tpu.wait_indirect_dma semaphore(%arg15 : memref<!tpu.dma_semaphore, #tpu.memory_space<semaphore_mem>>) src(%dma_wait3A_338 : memref<10240x16xf32, #tpu.memory_space<hbm>>) dst(%dma_wait3A_332 : memref<128x16xf32, #tpu.memory_space<vmem>>)
      %ge3A = arith.constant 1 : i32
      %ge3A_339 = arith.cmpi sge, %add3A_296, %ge3A : i32
      %convert_element_type3A = arith.extui %ge3A_339 : i1 to i32
      %cond3A = arith.constant 0 : i32
      %cond3A_340 = arith.cmpi ne, %convert_element_type3A, %cond3A : i32
      scf.if %cond3A_340 {
        %sub3A_384 = arith.constant 1 : i32
        %sub3A_385 = arith.subi %add3A_296, %sub3A_384 : i32
        %and3A_386 = arith.constant 1 : i32
        %and3A_387 = arith.andi %sub3A_385, %and3A_386 : i32
        %jit3A_388 = arith.constant 3 : i32
        %eq3A_389 = arith.constant 0 : i32
        %eq3A_390 = arith.cmpi eq, %jit3A_388, %eq3A_389 : i32
        %jit3A_391 = arith.constant 1 : i32
        %select_n3A_392 = arith.select %eq3A_390, %jit3A_391, %jit3A_388 : i32
        %rem3A_393 = arith.remsi %sub3A_385, %select_n3A_392 : i32
        %ne3A_394 = arith.constant 0 : i32
        %ne3A_395 = arith.cmpi ne, %rem3A_393, %ne3A_394 : i32
        %lt3A_396 = arith.constant 0 : i32
        %lt3A_397 = arith.cmpi slt, %rem3A_393, %lt3A_396 : i32
        %lt3A_398 = arith.constant 0 : i32
        %lt3A_399 = arith.cmpi slt, %select_n3A_392, %lt3A_398 : i32
        %ne3A_400 = arith.xori %lt3A_397, %lt3A_399 : i1
        %and3A_401 = arith.andi %ne3A_400, %ne3A_395 : i1
        %add3A_402 = arith.addi %rem3A_393, %select_n3A_392 : i32
        %select_n3A_403 = arith.select %and3A_401, %add3A_402, %rem3A_393 : i32
        %dma_wait3A_404 = arith.constant 1 : i32
        %dma_wait3A_405 = arith.constant 0 : i32
        %dma_wait3A_406 = arith.constant 0 : i32
        %dma_wait3A_407 = tpu.memref_slice %arg12[%and3A_387, %dma_wait3A_405, %dma_wait3A_406] : memref<2x128x80xf32, #tpu.memory_space<vmem>> -> memref<1x128x80xf32, #tpu.memory_space<vmem>>
        %dma_wait3A_408 = tpu.memref_squeeze %dma_wait3A_407 : memref<1x128x80xf32, #tpu.memory_space<vmem>> -> memref<128x80xf32, #tpu.memory_space<vmem>>
        %dma_wait3A_409 = arith.constant 0 : i32
        %dma_wait3A_410 = tpu.memref_slice %arg11[%select_n3A_403, %dma_wait3A_404, %dma_wait3A_409] : memref<3x2x128xi32, #tpu.memory_space<vmem>> -> memref<1x1x128xi32, #tpu.memory_space<vmem>>
        %dma_wait3A_411 = tpu.memref_squeeze %dma_wait3A_410 : memref<1x1x128xi32, #tpu.memory_space<vmem>> -> memref<128xi32, #tpu.memory_space<vmem>>
        %dma_wait3A_412 = arith.constant 0 : i32
        %dma_wait3A_413 = arith.constant 0 : i32
        %dma_wait3A_414 = tpu.memref_slice %arg10[%dma_wait3A_412, %dma_wait3A_413] : memref<10240x80xf32, #tpu.memory_space<vmem_shared>> -> memref<10240x80xf32, #tpu.memory_space<vmem_shared>>
        tpu.wait_indirect_dma semaphore(%arg16 : memref<!tpu.dma_semaphore, #tpu.memory_space<semaphore_mem>>) src(%dma_wait3A_408 : memref<128x80xf32, #tpu.memory_space<vmem>>) dst(%dma_wait3A_414 : memref<10240x80xf32, #tpu.memory_space<vmem_shared>>)
      } else {
      }
      %add3A_341 = arith.constant 1 : i32
      %add3A_342 = arith.addi %add3A_296, %add3A_341 : i32
      %lt3A_343 = arith.cmpi slt, %add3A_342, %select_n3A_148 : i32
      %convert_element_type3A_344 = arith.extui %lt3A_343 : i1 to i32
      %cond3A_345 = arith.constant 0 : i32
      %cond3A_346 = arith.cmpi ne, %convert_element_type3A_344, %cond3A_345 : i32
      scf.if %cond3A_346 {
        %add3A_384 = arith.constant 1 : i32
        %add3A_385 = arith.addi %add3A_296, %add3A_384 : i32
        %add3A_386 = arith.addi %add3A_156, %add3A_385 : i32
        %jit3A_387 = arith.constant 3 : i32
        %eq3A_388 = arith.constant 0 : i32
        %eq3A_389 = arith.cmpi eq, %jit3A_387, %eq3A_388 : i32
        %jit3A_390 = arith.constant 1 : i32
        %select_n3A_391 = arith.select %eq3A_389, %jit3A_390, %jit3A_387 : i32
        %rem3A_392 = arith.remsi %add3A_385, %select_n3A_391 : i32
        %ne3A_393 = arith.constant 0 : i32
        %ne3A_394 = arith.cmpi ne, %rem3A_392, %ne3A_393 : i32
        %lt3A_395 = arith.constant 0 : i32
        %lt3A_396 = arith.cmpi slt, %rem3A_392, %lt3A_395 : i32
        %lt3A_397 = arith.constant 0 : i32
        %lt3A_398 = arith.cmpi slt, %select_n3A_391, %lt3A_397 : i32
        %ne3A_399 = arith.xori %lt3A_396, %lt3A_398 : i1
        %and3A_400 = arith.andi %ne3A_399, %ne3A_394 : i1
        %add3A_401 = arith.addi %rem3A_392, %select_n3A_391 : i32
        %select_n3A_402 = arith.select %and3A_400, %add3A_401, %rem3A_392 : i32
        %dma_wait3A_403 = arith.constant 0 : i32
        %dma_wait3A_404 = arith.constant 0 : i32
        %dma_wait3A_405 = tpu.memref_slice %arg11[%select_n3A_402, %dma_wait3A_403, %dma_wait3A_404] : memref<3x2x128xi32, #tpu.memory_space<vmem>> -> memref<1x2x128xi32, #tpu.memory_space<vmem>>
        %dma_wait3A_406 = tpu.memref_squeeze %dma_wait3A_405 : memref<1x2x128xi32, #tpu.memory_space<vmem>> -> memref<2x128xi32, #tpu.memory_space<vmem>>
        %dma_wait3A_407 = arith.constant 0 : i32
        %dma_wait3A_408 = arith.constant 0 : i32
        %dma_wait3A_409 = tpu.memref_slice %arg7[%add3A_386, %dma_wait3A_407, %dma_wait3A_408] : memref<2528x2x128xi32, #tpu.memory_space<hbm>> -> memref<1x2x128xi32, #tpu.memory_space<hbm>>
        %dma_wait3A_410 = tpu.memref_squeeze %dma_wait3A_409 : memref<1x2x128xi32, #tpu.memory_space<hbm>> -> memref<2x128xi32, #tpu.memory_space<hbm>>
        %dma_wait3A_411 = arith.constant 0 : i32
        %dma_wait3A_412 = arith.constant 0 : i32
        %dma_wait3A_413 = tpu.memref_slice %arg11[%select_n3A_402, %dma_wait3A_411, %dma_wait3A_412] : memref<3x2x128xi32, #tpu.memory_space<vmem>> -> memref<1x2x128xi32, #tpu.memory_space<vmem>>
        %dma_wait3A_414 = tpu.memref_squeeze %dma_wait3A_413 : memref<1x2x128xi32, #tpu.memory_space<vmem>> -> memref<2x128xi32, #tpu.memory_space<vmem>>
        %dma_wait3A_415 = arith.constant 0 : i32
        %dma_wait3A_416 = arith.constant 0 : i32
        %dma_wait3A_417 = tpu.memref_slice %arg7[%add3A_386, %dma_wait3A_415, %dma_wait3A_416] : memref<2528x2x128xi32, #tpu.memory_space<hbm>> -> memref<1x2x128xi32, #tpu.memory_space<hbm>>
        %dma_wait3A_418 = tpu.memref_squeeze %dma_wait3A_417 : memref<1x2x128xi32, #tpu.memory_space<hbm>> -> memref<2x128xi32, #tpu.memory_space<hbm>>
        tpu.wait_dma2 semaphore(%arg14 : memref<!tpu.dma_semaphore, #tpu.memory_space<semaphore_mem>>) src(%dma_wait3A_418 : memref<2x128xi32, #tpu.memory_space<hbm>>) dst(%dma_wait3A_414 : memref<2x128xi32, #tpu.memory_space<vmem>>)
        %add3A_419 = arith.constant 1 : i32
        %add3A_420 = arith.addi %add3A_296, %add3A_419 : i32
        %and3A_421 = arith.constant 1 : i32
        %and3A_422 = arith.andi %add3A_420, %and3A_421 : i32
        %jit3A_423 = arith.constant 3 : i32
        %eq3A_424 = arith.constant 0 : i32
        %eq3A_425 = arith.cmpi eq, %jit3A_423, %eq3A_424 : i32
        %jit3A_426 = arith.constant 1 : i32
        %select_n3A_427 = arith.select %eq3A_425, %jit3A_426, %jit3A_423 : i32
        %rem3A_428 = arith.remsi %add3A_420, %select_n3A_427 : i32
        %ne3A_429 = arith.constant 0 : i32
        %ne3A_430 = arith.cmpi ne, %rem3A_428, %ne3A_429 : i32
        %lt3A_431 = arith.constant 0 : i32
        %lt3A_432 = arith.cmpi slt, %rem3A_428, %lt3A_431 : i32
        %lt3A_433 = arith.constant 0 : i32
        %lt3A_434 = arith.cmpi slt, %select_n3A_427, %lt3A_433 : i32
        %ne3A_435 = arith.xori %lt3A_432, %lt3A_434 : i1
        %and3A_436 = arith.andi %ne3A_435, %ne3A_430 : i1
        %add3A_437 = arith.addi %rem3A_428, %select_n3A_427 : i32
        %select_n3A_438 = arith.select %and3A_436, %add3A_437, %rem3A_428 : i32
        %dma_start3A_439 = arith.constant 0 : i32
        %dma_start3A_440 = arith.constant 0 : i32
        %dma_start3A_441 = arith.constant 0 : i32
        %dma_start3A_442 = tpu.memref_slice %arg12[%and3A_422, %dma_start3A_440, %dma_start3A_441] : memref<2x128x80xf32, #tpu.memory_space<vmem>> -> memref<1x128x80xf32, #tpu.memory_space<vmem>>
        %dma_start3A_443 = tpu.memref_squeeze %dma_start3A_442 : memref<1x128x80xf32, #tpu.memory_space<vmem>> -> memref<128x80xf32, #tpu.memory_space<vmem>>
        %dma_start3A_444 = arith.constant 0 : i32
        %dma_start3A_445 = tpu.memref_slice %arg11[%select_n3A_438, %dma_start3A_439, %dma_start3A_444] : memref<3x2x128xi32, #tpu.memory_space<vmem>> -> memref<1x1x128xi32, #tpu.memory_space<vmem>>
        %dma_start3A_446 = tpu.memref_squeeze %dma_start3A_445 : memref<1x1x128xi32, #tpu.memory_space<vmem>> -> memref<128xi32, #tpu.memory_space<vmem>>
        %dma_start3A_447 = arith.constant 0 : i32
        %dma_start3A_448 = arith.constant 0 : i32
        %dma_start3A_449 = tpu.memref_slice %arg4[%dma_start3A_447, %dma_start3A_448] : memref<10240x80xf32, #tpu.memory_space<hbm>> -> memref<10240x80xf32, #tpu.memory_space<hbm>>
        tpu.enqueue_indirect_dma source(%dma_start3A_449 : memref<10240x80xf32, #tpu.memory_space<hbm>>) target(%dma_start3A_443 : memref<128x80xf32, #tpu.memory_space<vmem>>) offsets(%dma_start3A_446 : memref<128xi32, #tpu.memory_space<vmem>>) semaphore(%arg15 : memref<!tpu.dma_semaphore, #tpu.memory_space<semaphore_mem>>)
        %dma_start3A_450 = arith.constant 1 : i32
        %dma_start3A_451 = arith.constant 0 : i32
        %dma_start3A_452 = arith.constant 0 : i32
        %dma_start3A_453 = tpu.memref_slice %arg13[%and3A_422, %dma_start3A_451, %dma_start3A_452] : memref<2x128x16xf32, #tpu.memory_space<vmem>> -> memref<1x128x16xf32, #tpu.memory_space<vmem>>
        %dma_start3A_454 = tpu.memref_squeeze %dma_start3A_453 : memref<1x128x16xf32, #tpu.memory_space<vmem>> -> memref<128x16xf32, #tpu.memory_space<vmem>>
        %dma_start3A_455 = arith.constant 0 : i32
        %dma_start3A_456 = tpu.memref_slice %arg11[%select_n3A_438, %dma_start3A_450, %dma_start3A_455] : memref<3x2x128xi32, #tpu.memory_space<vmem>> -> memref<1x1x128xi32, #tpu.memory_space<vmem>>
        %dma_start3A_457 = tpu.memref_squeeze %dma_start3A_456 : memref<1x1x128xi32, #tpu.memory_space<vmem>> -> memref<128xi32, #tpu.memory_space<vmem>>
        %dma_start3A_458 = arith.constant 0 : i32
        %dma_start3A_459 = arith.constant 0 : i32
        %dma_start3A_460 = tpu.memref_slice %arg5[%dma_start3A_458, %dma_start3A_459] : memref<10240x16xf32, #tpu.memory_space<hbm>> -> memref<10240x16xf32, #tpu.memory_space<hbm>>
        tpu.enqueue_indirect_dma source(%dma_start3A_460 : memref<10240x16xf32, #tpu.memory_space<hbm>>) target(%dma_start3A_454 : memref<128x16xf32, #tpu.memory_space<vmem>>) offsets(%dma_start3A_457 : memref<128xi32, #tpu.memory_space<vmem>>) semaphore(%arg15 : memref<!tpu.dma_semaphore, #tpu.memory_space<semaphore_mem>>)
      } else {
      }
      %add3A_347 = arith.constant 2 : i32
      %add3A_348 = arith.addi %add3A_296, %add3A_347 : i32
      %lt3A_349 = arith.cmpi slt, %add3A_348, %select_n3A_148 : i32
      %convert_element_type3A_350 = arith.extui %lt3A_349 : i1 to i32
      %cond3A_351 = arith.constant 0 : i32
      %cond3A_352 = arith.cmpi ne, %convert_element_type3A_350, %cond3A_351 : i32
      scf.if %cond3A_352 {
        %add3A_384 = arith.constant 2 : i32
        %add3A_385 = arith.addi %add3A_296, %add3A_384 : i32
        %add3A_386 = arith.addi %add3A_156, %add3A_385 : i32
        %jit3A_387 = arith.constant 3 : i32
        %eq3A_388 = arith.constant 0 : i32
        %eq3A_389 = arith.cmpi eq, %jit3A_387, %eq3A_388 : i32
        %jit3A_390 = arith.constant 1 : i32
        %select_n3A_391 = arith.select %eq3A_389, %jit3A_390, %jit3A_387 : i32
        %rem3A_392 = arith.remsi %add3A_385, %select_n3A_391 : i32
        %ne3A_393 = arith.constant 0 : i32
        %ne3A_394 = arith.cmpi ne, %rem3A_392, %ne3A_393 : i32
        %lt3A_395 = arith.constant 0 : i32
        %lt3A_396 = arith.cmpi slt, %rem3A_392, %lt3A_395 : i32
        %lt3A_397 = arith.constant 0 : i32
        %lt3A_398 = arith.cmpi slt, %select_n3A_391, %lt3A_397 : i32
        %ne3A_399 = arith.xori %lt3A_396, %lt3A_398 : i1
        %and3A_400 = arith.andi %ne3A_399, %ne3A_394 : i1
        %add3A_401 = arith.addi %rem3A_392, %select_n3A_391 : i32
        %select_n3A_402 = arith.select %and3A_400, %add3A_401, %rem3A_392 : i32
        %dma_start3A_403 = arith.constant 0 : i32
        %dma_start3A_404 = arith.constant 0 : i32
        %dma_start3A_405 = tpu.memref_slice %arg11[%select_n3A_402, %dma_start3A_403, %dma_start3A_404] : memref<3x2x128xi32, #tpu.memory_space<vmem>> -> memref<1x2x128xi32, #tpu.memory_space<vmem>>
        %dma_start3A_406 = tpu.memref_squeeze %dma_start3A_405 : memref<1x2x128xi32, #tpu.memory_space<vmem>> -> memref<2x128xi32, #tpu.memory_space<vmem>>
        %dma_start3A_407 = arith.constant 0 : i32
        %dma_start3A_408 = arith.constant 0 : i32
        %dma_start3A_409 = tpu.memref_slice %arg7[%add3A_386, %dma_start3A_407, %dma_start3A_408] : memref<2528x2x128xi32, #tpu.memory_space<hbm>> -> memref<1x2x128xi32, #tpu.memory_space<hbm>>
        %dma_start3A_410 = tpu.memref_squeeze %dma_start3A_409 : memref<1x2x128xi32, #tpu.memory_space<hbm>> -> memref<2x128xi32, #tpu.memory_space<hbm>>
        %dma_start3A_411 = arith.constant 0 : i32
        %dma_start3A_412 = arith.constant 0 : i32
        %dma_start3A_413 = tpu.memref_slice %arg11[%select_n3A_402, %dma_start3A_411, %dma_start3A_412] : memref<3x2x128xi32, #tpu.memory_space<vmem>> -> memref<1x2x128xi32, #tpu.memory_space<vmem>>
        %dma_start3A_414 = tpu.memref_squeeze %dma_start3A_413 : memref<1x2x128xi32, #tpu.memory_space<vmem>> -> memref<2x128xi32, #tpu.memory_space<vmem>>
        %dma_start3A_415 = arith.constant 0 : i32
        %dma_start3A_416 = arith.constant 0 : i32
        %dma_start3A_417 = tpu.memref_slice %arg7[%add3A_386, %dma_start3A_415, %dma_start3A_416] : memref<2528x2x128xi32, #tpu.memory_space<hbm>> -> memref<1x2x128xi32, #tpu.memory_space<hbm>>
        %dma_start3A_418 = tpu.memref_squeeze %dma_start3A_417 : memref<1x2x128xi32, #tpu.memory_space<hbm>> -> memref<2x128xi32, #tpu.memory_space<hbm>>
        tpu.enqueue_dma source(%dma_start3A_418 : memref<2x128xi32, #tpu.memory_space<hbm>>) target(%dma_start3A_414 : memref<2x128xi32, #tpu.memory_space<vmem>>) target_semaphore(%arg14 : memref<!tpu.dma_semaphore, #tpu.memory_space<semaphore_mem>>)
      } else {
      }
      %parallel_loop3A = arith.constant 0 : i32
      %parallel_loop3A_353 = arith.constant 128 : i32
      %parallel_loop3A_354 = arith.constant 1 : i32
      scf.for %parallel_loop3A_384 = %parallel_loop3A to %parallel_loop3A_353 step %parallel_loop3A_354  : i32 {
        %parallel_loop3A_385 = arith.index_cast %and3A_298 : i32 to index
        %parallel_loop3A_386 = arith.index_cast %parallel_loop3A_384 : i32 to index
        %parallel_loop3A_387 = arith.constant 64 : index
        %parallel_loop3A_388 = tpu.vector_load %arg12[%parallel_loop3A_385, %parallel_loop3A_386, %parallel_loop3A_387] {strides = array<i32>} : memref<2x128x80xf32, #tpu.memory_space<vmem>>, vector<1x1x16xf32>,
        %parallel_loop3A_389 = vector.shape_cast %parallel_loop3A_388 : vector<1x1x16xf32> to vector<16xf32>
        %parallel_loop3A_390 = arith.index_cast %and3A_298 : i32 to index
        %parallel_loop3A_391 = arith.index_cast %parallel_loop3A_384 : i32 to index
        %parallel_loop3A_392 = arith.constant 0 : index
        %parallel_loop3A_393 = tpu.vector_load %arg13[%parallel_loop3A_390, %parallel_loop3A_391, %parallel_loop3A_392] {strides = array<i32>} : memref<2x128x16xf32, #tpu.memory_space<vmem>>, vector<1x1x16xf32>,
        %parallel_loop3A_394 = vector.shape_cast %parallel_loop3A_393 : vector<1x1x16xf32> to vector<16xf32>
        %parallel_loop3A_395 = arith.addf %parallel_loop3A_389, %parallel_loop3A_394 : vector<16xf32>
        %parallel_loop3A_396 = arith.constant 2.000000e-01 : f32
        %parallel_loop3A_397 = vector.broadcast %parallel_loop3A_396 : f32 to vector<16xf32>
        %parallel_loop3A_398 = arith.mulf %parallel_loop3A_395, %parallel_loop3A_397 : vector<16xf32>
        %parallel_loop3A_399 = arith.maximumf %parallel_loop3A_395, %parallel_loop3A_398 : vector<16xf32>
        %parallel_loop3A_400 = math.exp %parallel_loop3A_399 : vector<16xf32>
        %parallel_loop3A_401 = arith.index_cast %and3A_298 : i32 to index
        %parallel_loop3A_402 = arith.index_cast %parallel_loop3A_384 : i32 to index
        %parallel_loop3A_403 = arith.constant 64 : index
        %parallel_loop3A_404 = tpu.vector_load %arg12[%parallel_loop3A_401, %parallel_loop3A_402, %parallel_loop3A_403] {strides = array<i32>} : memref<2x128x80xf32, #tpu.memory_space<vmem>>, vector<1x1x16xf32>,
        %parallel_loop3A_405 = vector.shape_cast %parallel_loop3A_404 : vector<1x1x16xf32> to vector<16xf32>
        %parallel_loop3A_406 = vector.shape_cast %parallel_loop3A_400 : vector<16xf32> to vector<1x1x16xf32>
        tpu.vector_store %arg12[%parallel_loop3A_401, %parallel_loop3A_402, %parallel_loop3A_403], %parallel_loop3A_406 {strides = array<i32>} : memref<2x128x80xf32, #tpu.memory_space<vmem>>, vector<1x1x16xf32>,
        %parallel_loop3A_407 = arith.index_cast %and3A_298 : i32 to index
        %parallel_loop3A_408 = arith.index_cast %parallel_loop3A_384 : i32 to index
        %parallel_loop3A_409 = arith.constant 0 : index
        %parallel_loop3A_410 = tpu.vector_load %arg12[%parallel_loop3A_407, %parallel_loop3A_408, %parallel_loop3A_409] {strides = array<i32>} : memref<2x128x80xf32, #tpu.memory_space<vmem>>, vector<1x1x16xf32>,
        %parallel_loop3A_411 = vector.shape_cast %parallel_loop3A_410 : vector<1x1x16xf32> to vector<16xf32>
        %parallel_loop3A_412 = arith.mulf %parallel_loop3A_411, %parallel_loop3A_400 : vector<16xf32>
        %parallel_loop3A_413 = arith.index_cast %and3A_298 : i32 to index
        %parallel_loop3A_414 = arith.index_cast %parallel_loop3A_384 : i32 to index
        %parallel_loop3A_415 = arith.constant 0 : index
        %parallel_loop3A_416 = tpu.vector_load %arg12[%parallel_loop3A_413, %parallel_loop3A_414, %parallel_loop3A_415] {strides = array<i32>} : memref<2x128x80xf32, #tpu.memory_space<vmem>>, vector<1x1x16xf32>,
        %parallel_loop3A_417 = vector.shape_cast %parallel_loop3A_416 : vector<1x1x16xf32> to vector<16xf32>
        %parallel_loop3A_418 = vector.shape_cast %parallel_loop3A_412 : vector<16xf32> to vector<1x1x16xf32>
        tpu.vector_store %arg12[%parallel_loop3A_413, %parallel_loop3A_414, %parallel_loop3A_415], %parallel_loop3A_418 {strides = array<i32>} : memref<2x128x80xf32, #tpu.memory_space<vmem>>, vector<1x1x16xf32>,
        %parallel_loop3A_419 = arith.index_cast %and3A_298 : i32 to index
        %parallel_loop3A_420 = arith.index_cast %parallel_loop3A_384 : i32 to index
        %parallel_loop3A_421 = arith.constant 16 : index
        %parallel_loop3A_422 = tpu.vector_load %arg12[%parallel_loop3A_419, %parallel_loop3A_420, %parallel_loop3A_421] {strides = array<i32>} : memref<2x128x80xf32, #tpu.memory_space<vmem>>, vector<1x1x16xf32>,
        %parallel_loop3A_423 = vector.shape_cast %parallel_loop3A_422 : vector<1x1x16xf32> to vector<16xf32>
        %parallel_loop3A_424 = arith.mulf %parallel_loop3A_423, %parallel_loop3A_400 : vector<16xf32>
        %parallel_loop3A_425 = arith.index_cast %and3A_298 : i32 to index
        %parallel_loop3A_426 = arith.index_cast %parallel_loop3A_384 : i32 to index
        %parallel_loop3A_427 = arith.constant 16 : index
        %parallel_loop3A_428 = tpu.vector_load %arg12[%parallel_loop3A_425, %parallel_loop3A_426, %parallel_loop3A_427] {strides = array<i32>} : memref<2x128x80xf32, #tpu.memory_space<vmem>>, vector<1x1x16xf32>,
        %parallel_loop3A_429 = vector.shape_cast %parallel_loop3A_428 : vector<1x1x16xf32> to vector<16xf32>
        %parallel_loop3A_430 = vector.shape_cast %parallel_loop3A_424 : vector<16xf32> to vector<1x1x16xf32>
        tpu.vector_store %arg12[%parallel_loop3A_425, %parallel_loop3A_426, %parallel_loop3A_427], %parallel_loop3A_430 {strides = array<i32>} : memref<2x128x80xf32, #tpu.memory_space<vmem>>, vector<1x1x16xf32>,
        %parallel_loop3A_431 = arith.index_cast %and3A_298 : i32 to index
        %parallel_loop3A_432 = arith.index_cast %parallel_loop3A_384 : i32 to index
        %parallel_loop3A_433 = arith.constant 32 : index
        %parallel_loop3A_434 = tpu.vector_load %arg12[%parallel_loop3A_431, %parallel_loop3A_432, %parallel_loop3A_433] {strides = array<i32>} : memref<2x128x80xf32, #tpu.memory_space<vmem>>, vector<1x1x16xf32>,
        %parallel_loop3A_435 = vector.shape_cast %parallel_loop3A_434 : vector<1x1x16xf32> to vector<16xf32>
        %parallel_loop3A_436 = arith.mulf %parallel_loop3A_435, %parallel_loop3A_400 : vector<16xf32>
        %parallel_loop3A_437 = arith.index_cast %and3A_298 : i32 to index
        %parallel_loop3A_438 = arith.index_cast %parallel_loop3A_384 : i32 to index
        %parallel_loop3A_439 = arith.constant 32 : index
        %parallel_loop3A_440 = tpu.vector_load %arg12[%parallel_loop3A_437, %parallel_loop3A_438, %parallel_loop3A_439] {strides = array<i32>} : memref<2x128x80xf32, #tpu.memory_space<vmem>>, vector<1x1x16xf32>,
        %parallel_loop3A_441 = vector.shape_cast %parallel_loop3A_440 : vector<1x1x16xf32> to vector<16xf32>
        %parallel_loop3A_442 = vector.shape_cast %parallel_loop3A_436 : vector<16xf32> to vector<1x1x16xf32>
        tpu.vector_store %arg12[%parallel_loop3A_437, %parallel_loop3A_438, %parallel_loop3A_439], %parallel_loop3A_442 {strides = array<i32>} : memref<2x128x80xf32, #tpu.memory_space<vmem>>, vector<1x1x16xf32>,
        %parallel_loop3A_443 = arith.index_cast %and3A_298 : i32 to index
        %parallel_loop3A_444 = arith.index_cast %parallel_loop3A_384 : i32 to index
        %parallel_loop3A_445 = arith.constant 48 : index
        %parallel_loop3A_446 = tpu.vector_load %arg12[%parallel_loop3A_443, %parallel_loop3A_444, %parallel_loop3A_445] {strides = array<i32>} : memref<2x128x80xf32, #tpu.memory_space<vmem>>, vector<1x1x16xf32>,
        %parallel_loop3A_447 = vector.shape_cast %parallel_loop3A_446 : vector<1x1x16xf32> to vector<16xf32>
        %parallel_loop3A_448 = arith.mulf %parallel_loop3A_447, %parallel_loop3A_400 : vector<16xf32>
        %parallel_loop3A_449 = arith.index_cast %and3A_298 : i32 to index
        %parallel_loop3A_450 = arith.index_cast %parallel_loop3A_384 : i32 to index
        %parallel_loop3A_451 = arith.constant 48 : index
        %parallel_loop3A_452 = tpu.vector_load %arg12[%parallel_loop3A_449, %parallel_loop3A_450, %parallel_loop3A_451] {strides = array<i32>} : memref<2x128x80xf32, #tpu.memory_space<vmem>>, vector<1x1x16xf32>,
        %parallel_loop3A_453 = vector.shape_cast %parallel_loop3A_452 : vector<1x1x16xf32> to vector<16xf32>
        %parallel_loop3A_454 = vector.shape_cast %parallel_loop3A_448 : vector<16xf32> to vector<1x1x16xf32>
        tpu.vector_store %arg12[%parallel_loop3A_449, %parallel_loop3A_450, %parallel_loop3A_451], %parallel_loop3A_454 {strides = array<i32>} : memref<2x128x80xf32, #tpu.memory_space<vmem>>, vector<1x1x16xf32>,
      } {sc.loop_unroll_factor = 4 : i64, sc.parallel_access}
      %and3A_355 = arith.constant 1 : i32
      %and3A_356 = arith.andi %add3A_296, %and3A_355 : i32
      %jit3A_357 = arith.constant 3 : i32
      %eq3A_358 = arith.constant 0 : i32
      %eq3A_359 = arith.cmpi eq, %jit3A_357, %eq3A_358 : i32
      %jit3A_360 = arith.constant 1 : i32
      %select_n3A_361 = arith.select %eq3A_359, %jit3A_360, %jit3A_357 : i32
      %rem3A_362 = arith.remsi %add3A_296, %select_n3A_361 : i32
      %ne3A_363 = arith.constant 0 : i32
      %ne3A_364 = arith.cmpi ne, %rem3A_362, %ne3A_363 : i32
      %lt3A_365 = arith.constant 0 : i32
      %lt3A_366 = arith.cmpi slt, %rem3A_362, %lt3A_365 : i32
      %lt3A_367 = arith.constant 0 : i32
      %lt3A_368 = arith.cmpi slt, %select_n3A_361, %lt3A_367 : i32
      %ne3A_369 = arith.xori %lt3A_366, %lt3A_368 : i1
      %and3A_370 = arith.andi %ne3A_369, %ne3A_364 : i1
      %add3A_371 = arith.addi %rem3A_362, %select_n3A_361 : i32
      %select_n3A_372 = arith.select %and3A_370, %add3A_371, %rem3A_362 : i32
      %dma_start3A_373 = arith.constant 1 : i32
      %dma_start3A_374 = arith.constant 0 : i32
      %dma_start3A_375 = arith.constant 0 : i32
      %dma_start3A_376 = tpu.memref_slice %arg12[%and3A_356, %dma_start3A_374, %dma_start3A_375] : memref<2x128x80xf32, #tpu.memory_space<vmem>> -> memref<1x128x80xf32, #tpu.memory_space<vmem>>
      %dma_start3A_377 = tpu.memref_squeeze %dma_start3A_376 : memref<1x128x80xf32, #tpu.memory_space<vmem>> -> memref<128x80xf32, #tpu.memory_space<vmem>>
      %dma_start3A_378 = arith.constant 0 : i32
      %dma_start3A_379 = tpu.memref_slice %arg11[%select_n3A_372, %dma_start3A_373, %dma_start3A_378] : memref<3x2x128xi32, #tpu.memory_space<vmem>> -> memref<1x1x128xi32, #tpu.memory_space<vmem>>
      %dma_start3A_380 = tpu.memref_squeeze %dma_start3A_379 : memref<1x1x128xi32, #tpu.memory_space<vmem>> -> memref<128xi32, #tpu.memory_space<vmem>>
      %dma_start3A_381 = arith.constant 0 : i32
      %dma_start3A_382 = arith.constant 0 : i32
      %dma_start3A_383 = tpu.memref_slice %arg10[%dma_start3A_381, %dma_start3A_382] : memref<10240x80xf32, #tpu.memory_space<vmem_shared>> -> memref<10240x80xf32, #tpu.memory_space<vmem_shared>>
      tpu.enqueue_indirect_dma source(%dma_start3A_377 : memref<128x80xf32, #tpu.memory_space<vmem>>) target(%dma_start3A_383 : memref<10240x80xf32, #tpu.memory_space<vmem_shared>>) offsets(%dma_start3A_380 : memref<128xi32, #tpu.memory_space<vmem>>) semaphore(%arg16 : memref<!tpu.dma_semaphore, #tpu.memory_space<semaphore_mem>>) {add = true}
    }
    %sub3A_259 = arith.constant 1 : i32
    %sub3A_260 = arith.subi %select_n3A_148, %sub3A_259 : i32
    %and3A_261 = arith.constant 1 : i32
    %and3A_262 = arith.andi %sub3A_260, %and3A_261 : i32
    %jit3A_263 = arith.constant 3 : i32
    %eq3A_264 = arith.constant 0 : i32
    %eq3A_265 = arith.cmpi eq, %jit3A_263, %eq3A_264 : i32
    %jit3A_266 = arith.constant 1 : i32
    %select_n3A_267 = arith.select %eq3A_265, %jit3A_266, %jit3A_263 : i32
    %rem3A_268 = arith.remsi %sub3A_260, %select_n3A_267 : i32
    %ne3A_269 = arith.constant 0 : i32
    %ne3A_270 = arith.cmpi ne, %rem3A_268, %ne3A_269 : i32
    %lt3A_271 = arith.constant 0 : i32
    %lt3A_272 = arith.cmpi slt, %rem3A_268, %lt3A_271 : i32
    %lt3A_273 = arith.constant 0 : i32
    %lt3A_274 = arith.cmpi slt, %select_n3A_267, %lt3A_273 : i32
    %ne3A_275 = arith.xori %lt3A_272, %lt3A_274 : i1
    %and3A_276 = arith.andi %ne3A_275, %ne3A_270 : i1
    %add3A_277 = arith.addi %rem3A_268, %select_n3A_267 : i32
    %select_n3A_278 = arith.select %and3A_276, %add3A_277, %rem3A_268 : i32
    %dma_wait3A_279 = arith.constant 1 : i32
    %dma_wait3A_280 = arith.constant 0 : i32
    %dma_wait3A_281 = arith.constant 0 : i32
    %dma_wait3A_282 = tpu.memref_slice %arg12[%and3A_262, %dma_wait3A_280, %dma_wait3A_281] : memref<2x128x80xf32, #tpu.memory_space<vmem>> -> memref<1x128x80xf32, #tpu.memory_space<vmem>>
    %dma_wait3A_283 = tpu.memref_squeeze %dma_wait3A_282 : memref<1x128x80xf32, #tpu.memory_space<vmem>> -> memref<128x80xf32, #tpu.memory_space<vmem>>
    %dma_wait3A_284 = arith.constant 0 : i32
    %dma_wait3A_285 = tpu.memref_slice %arg11[%select_n3A_278, %dma_wait3A_279, %dma_wait3A_284] : memref<3x2x128xi32, #tpu.memory_space<vmem>> -> memref<1x1x128xi32, #tpu.memory_space<vmem>>
    %dma_wait3A_286 = tpu.memref_squeeze %dma_wait3A_285 : memref<1x1x128xi32, #tpu.memory_space<vmem>> -> memref<128xi32, #tpu.memory_space<vmem>>
    %dma_wait3A_287 = arith.constant 0 : i32
    %dma_wait3A_288 = arith.constant 0 : i32
    %dma_wait3A_289 = tpu.memref_slice %arg10[%dma_wait3A_287, %dma_wait3A_288] : memref<10240x80xf32, #tpu.memory_space<vmem_shared>> -> memref<10240x80xf32, #tpu.memory_space<vmem_shared>>
    tpu.wait_indirect_dma semaphore(%arg16 : memref<!tpu.dma_semaphore, #tpu.memory_space<semaphore_mem>>) src(%dma_wait3A_283 : memref<128x80xf32, #tpu.memory_space<vmem>>) dst(%dma_wait3A_289 : memref<10240x80xf32, #tpu.memory_space<vmem_shared>>)
    %barrier3A_290 = arith.constant 0 : index
    tpu.barrier barrier_id(%barrier3A_290)
    %mul3A_291 = arith.constant 640 : i32
    %mul3A_292 = arith.muli %arg1, %mul3A_291 : i32
    %run_scoped3A = arith.constant 0 : i32
    "tpu.region"() ({
      %run_scoped3A_294 = tpu.sem_alloc : memref<!tpu.dma_semaphore, #tpu.memory_space<semaphore_mem>>
      %dma_start3A_295 = arith.constant 0 : i32
      %dma_start3A_296 = tpu.memref_slice %arg8[%arg0, %run_scoped3A, %mul3A_292, %dma_start3A_295] : memref<2x2x10240x80xf32, #tpu.memory_space<hbm>> -> memref<1x1x640x80xf32, #tpu.memory_space<hbm>>
      %dma_start3A_297 = tpu.memref_squeeze %dma_start3A_296 : memref<1x1x640x80xf32, #tpu.memory_space<hbm>> -> memref<640x80xf32, #tpu.memory_space<hbm>>
      %dma_start3A_298 = arith.constant 0 : i32
      %dma_start3A_299 = tpu.memref_slice %arg9[%mul3A_292, %dma_start3A_298] : memref<10240x80xf32, #tpu.memory_space<vmem_shared>> -> memref<640x80xf32, #tpu.memory_space<vmem_shared>>
      tpu.enqueue_dma source(%dma_start3A_299 : memref<640x80xf32, #tpu.memory_space<vmem_shared>>) target(%dma_start3A_297 : memref<640x80xf32, #tpu.memory_space<hbm>>) target_semaphore(%run_scoped3A_294 : memref<!tpu.dma_semaphore, #tpu.memory_space<semaphore_mem>>)
      %dma_wait3A_300 = arith.constant 0 : i32
      %dma_wait3A_301 = tpu.memref_slice %arg8[%arg0, %run_scoped3A, %mul3A_292, %dma_wait3A_300] : memref<2x2x10240x80xf32, #tpu.memory_space<hbm>> -> memref<1x1x640x80xf32, #tpu.memory_space<hbm>>
      %dma_wait3A_302 = tpu.memref_squeeze %dma_wait3A_301 : memref<1x1x640x80xf32, #tpu.memory_space<hbm>> -> memref<640x80xf32, #tpu.memory_space<hbm>>
      %dma_wait3A_303 = arith.constant 0 : i32
      %dma_wait3A_304 = tpu.memref_slice %arg9[%mul3A_292, %dma_wait3A_303] : memref<10240x80xf32, #tpu.memory_space<vmem_shared>> -> memref<640x80xf32, #tpu.memory_space<vmem_shared>>
      tpu.wait_dma2 semaphore(%run_scoped3A_294 : memref<!tpu.dma_semaphore, #tpu.memory_space<semaphore_mem>>) src(%dma_wait3A_304 : memref<640x80xf32, #tpu.memory_space<vmem_shared>>) dst(%dma_wait3A_302 : memref<640x80xf32, #tpu.memory_space<hbm>>)
      tpu.yield
    }) : () -> ()
    %run_scoped3A_293 = arith.constant 1 : i32
    "tpu.region"() ({
      %run_scoped3A_294 = tpu.sem_alloc : memref<!tpu.dma_semaphore, #tpu.memory_space<semaphore_mem>>
      %dma_start3A_295 = arith.constant 0 : i32
      %dma_start3A_296 = tpu.memref_slice %arg8[%arg0, %run_scoped3A_293, %mul3A_292, %dma_start3A_295] : memref<2x2x10240x80xf32, #tpu.memory_space<hbm>> -> memref<1x1x640x80xf32, #tpu.memory_space<hbm>>
      %dma_start3A_297 = tpu.memref_squeeze %dma_start3A_296 : memref<1x1x640x80xf32, #tpu.memory_space<hbm>> -> memref<640x80xf32, #tpu.memory_space<hbm>>
      %dma_start3A_298 = arith.constant 0 : i32
      %dma_start3A_299 = tpu.memref_slice %arg10[%mul3A_292, %dma_start3A_298] : memref<10240x80xf32, #tpu.memory_space<vmem_shared>> -> memref<640x80xf32, #tpu.memory_space<vmem_shared>>
      tpu.enqueue_dma source(%dma_start3A_299 : memref<640x80xf32, #tpu.memory_space<vmem_shared>>) target(%dma_start3A_297 : memref<640x80xf32, #tpu.memory_space<hbm>>) target_semaphore(%run_scoped3A_294 : memref<!tpu.dma_semaphore, #tpu.memory_space<semaphore_mem>>)
      %dma_wait3A_300 = arith.constant 0 : i32
      %dma_wait3A_301 = tpu.memref_slice %arg8[%arg0, %run_scoped3A_293, %mul3A_292, %dma_wait3A_300] : memref<2x2x10240x80xf32, #tpu.memory_space<hbm>> -> memref<1x1x640x80xf32, #tpu.memory_space<hbm>>
      %dma_wait3A_302 = tpu.memref_squeeze %dma_wait3A_301 : memref<1x1x640x80xf32, #tpu.memory_space<hbm>> -> memref<640x80xf32, #tpu.memory_space<hbm>>
      %dma_wait3A_303 = arith.constant 0 : i32
      %dma_wait3A_304 = tpu.memref_slice %arg10[%mul3A_292, %dma_wait3A_303] : memref<10240x80xf32, #tpu.memory_space<vmem_shared>> -> memref<640x80xf32, #tpu.memory_space<vmem_shared>>
      tpu.wait_dma2 semaphore(%run_scoped3A_294 : memref<!tpu.dma_semaphore, #tpu.memory_space<semaphore_mem>>) src(%dma_wait3A_304 : memref<640x80xf32, #tpu.memory_space<vmem_shared>>) dst(%dma_wait3A_302 : memref<640x80xf32, #tpu.memory_space<hbm>>)
      tpu.yield
    }) : () -> ()
    return
  }
}

module attributes {stable_mosaic.version = 14 : i64} {
  func.func @_tables_body(%arg0: i32, %arg1: memref<1024x128xf32, #tpu.memory_space<vmem>>, %arg2: memref<128x192xf32, #tpu.memory_space<vmem>>, %arg3: memref<1x192xf32, #tpu.memory_space<vmem>>, %arg4: memref<1024x80xf32, #tpu.memory_space<vmem>>, %arg5: memref<1024x16xf32, #tpu.memory_space<vmem>>, %arg6: memref<1024x80xf32, #tpu.memory_space<vmem>>, %arg7: memref<1024x16xf32, #tpu.memory_space<vmem>>) attributes {dimension_semantics = [#tpu.dimension_semantics<arbitrary>], iteration_bounds = array<i64: 10>, scalar_prefetch = 0 : i64, scratch_operands = 0 : i64, tpu.core_type = #tpu.core_type<tc>, window_params = [{transform_indices = @transform_0, window_bounds = array<i64: 1024, 128>}, {pipeline_mode = #tpu.pipeline_mode<synchronous>, transform_indices = @transform_1, window_bounds = array<i64: 128, 192>}, {pipeline_mode = #tpu.pipeline_mode<synchronous>, transform_indices = @transform_2, window_bounds = array<i64: 1, 192>}, {transform_indices = @transform_3, window_bounds = array<i64: 1024, 80>}, {transform_indices = @transform_4, window_bounds = array<i64: 1024, 16>}, {transform_indices = @transform_5, window_bounds = array<i64: 1024, 80>}, {transform_indices = @transform_6, window_bounds = array<i64: 1024, 16>}]} {
    %get3A = arith.constant 0 : index
    %get3A_0 = arith.constant 0 : index
    %get3A_1 = vector.load %arg1[%get3A, %get3A_0] : memref<1024x128xf32, #tpu.memory_space<vmem>>, vector<1024x128xf32>
    %get3A_2 = arith.constant 0 : index
    %get3A_3 = arith.constant 0 : index
    %get3A_4 = vector.load %arg2[%get3A_2, %get3A_3] : memref<128x192xf32, #tpu.memory_space<vmem>>, vector<128x192xf32>
    %dot_general3A = arith.constant dense<0.000000e+00> : vector<1024x192xf32>
    %dot_general3A_5 = tpu.matmul %get3A_1, %get3A_4, %dot_general3A {dimension_numbers = #tpu.dot_dimension_numbers<[1], [0], [0], [1], [0, 0, 1, 1], [], []>, transpose_lhs_hint = false} : vector<1024x128xf32>, vector<128x192xf32>, vector<1024x192xf32> -> vector<1024x192xf32>
    %get3A_6 = arith.constant 0 : index
    %get3A_7 = arith.constant 0 : index
    %get3A_8 = vector.load %arg3[%get3A_6, %get3A_7] : memref<1x192xf32, #tpu.memory_space<vmem>>, vector<1x192xf32>
    %add3A = vector.broadcast %get3A_8 : vector<1x192xf32> to vector<1024x192xf32>
    %add3A_9 = arith.addf %dot_general3A_5, %add3A : vector<1024x192xf32>
    %slice3A = vector.extract_strided_slice %add3A_9 {offsets = [0, 0], sizes = [1024, 80], strides = [1, 1]} : vector<1024x192xf32> to vector<1024x80xf32>
    %swap3A = arith.constant 0 : index
    %swap3A_10 = arith.constant 0 : index
    %swap3A_11 = vector.load %arg4[%swap3A, %swap3A_10] : memref<1024x80xf32, #tpu.memory_space<vmem>>, vector<1024x80xf32>
    tpu.vector_store %arg4[%swap3A, %swap3A_10], %slice3A {strides = array<i32>} : memref<1024x80xf32, #tpu.memory_space<vmem>>, vector<1024x80xf32>,
    %slice3A_12 = vector.extract_strided_slice %add3A_9 {offsets = [0, 80], sizes = [1024, 16], strides = [1, 1]} : vector<1024x192xf32> to vector<1024x16xf32>
    %swap3A_13 = arith.constant 0 : index
    %swap3A_14 = arith.constant 0 : index
    %swap3A_15 = vector.load %arg5[%swap3A_13, %swap3A_14] : memref<1024x16xf32, #tpu.memory_space<vmem>>, vector<1024x16xf32>
    tpu.vector_store %arg5[%swap3A_13, %swap3A_14], %slice3A_12 {strides = array<i32>} : memref<1024x16xf32, #tpu.memory_space<vmem>>, vector<1024x16xf32>,
    %slice3A_16 = vector.extract_strided_slice %add3A_9 {offsets = [0, 96], sizes = [1024, 80], strides = [1, 1]} : vector<1024x192xf32> to vector<1024x80xf32>
    %swap3A_17 = arith.constant 0 : index
    %swap3A_18 = arith.constant 0 : index
    %swap3A_19 = vector.load %arg6[%swap3A_17, %swap3A_18] : memref<1024x80xf32, #tpu.memory_space<vmem>>, vector<1024x80xf32>
    tpu.vector_store %arg6[%swap3A_17, %swap3A_18], %slice3A_16 {strides = array<i32>} : memref<1024x80xf32, #tpu.memory_space<vmem>>, vector<1024x80xf32>,
    %slice3A_20 = vector.extract_strided_slice %add3A_9 {offsets = [0, 176], sizes = [1024, 16], strides = [1, 1]} : vector<1024x192xf32> to vector<1024x16xf32>
    %swap3A_21 = arith.constant 0 : index
    %swap3A_22 = arith.constant 0 : index
    %swap3A_23 = vector.load %arg7[%swap3A_21, %swap3A_22] : memref<1024x16xf32, #tpu.memory_space<vmem>>, vector<1024x16xf32>
    tpu.vector_store %arg7[%swap3A_21, %swap3A_22], %slice3A_20 {strides = array<i32>} : memref<1024x16xf32, #tpu.memory_space<vmem>>, vector<1024x16xf32>,
    return
  }
  func.func @transform_0(%arg0: i32) -> (i32, i32) {
    %c0_i32 = arith.constant 0 : i32
    %c0_i32_0 = arith.constant 0 : i32
    return %arg0, %c0_i32 : i32, i32
  }
  func.func @transform_1(%arg0: i32) -> (i32, i32) {
    %c0_i32 = arith.constant 0 : i32
    %c0_i32_0 = arith.constant 0 : i32
    %c0_i32_1 = arith.constant 0 : i32
    return %c0_i32, %c0_i32_0 : i32, i32
  }
  func.func @transform_2(%arg0: i32) -> (i32, i32) {
    %c0_i32 = arith.constant 0 : i32
    %c0_i32_0 = arith.constant 0 : i32
    %c0_i32_1 = arith.constant 0 : i32
    return %c0_i32, %c0_i32_0 : i32, i32
  }
  func.func @transform_3(%arg0: i32) -> (i32, i32) {
    %c0_i32 = arith.constant 0 : i32
    %c0_i32_0 = arith.constant 0 : i32
    return %arg0, %c0_i32 : i32, i32
  }
  func.func @transform_4(%arg0: i32) -> (i32, i32) {
    %c0_i32 = arith.constant 0 : i32
    %c0_i32_0 = arith.constant 0 : i32
    return %arg0, %c0_i32 : i32, i32
  }
  func.func @transform_5(%arg0: i32) -> (i32, i32) {
    %c0_i32 = arith.constant 0 : i32
    %c0_i32_0 = arith.constant 0 : i32
    return %arg0, %c0_i32 : i32, i32
  }
  func.func @transform_6(%arg0: i32) -> (i32, i32) {
    %c0_i32 = arith.constant 0 : i32
    %c0_i32_0 = arith.constant 0 : i32
    return %arg0, %c0_i32 : i32, i32
  }
}

module attributes {stable_mosaic.version = 14 : i64} {
  func.func @_epilogue_body(%arg0: i32, %arg1: memref<2x2x1024x80xf32, #tpu.memory_space<vmem>>, %arg2: memref<64x64xf32, #tpu.memory_space<vmem>>, %arg3: memref<1x64xf32, #tpu.memory_space<vmem>>, %arg4: memref<1x64xf32, #tpu.memory_space<vmem>>, %arg5: memref<1024x64xf32, #tpu.memory_space<vmem>>, %arg6: memref<1024x64xf32, #tpu.memory_space<vmem>>, %arg7: memref<1x2xf32, #tpu.memory_space<vmem>>, %arg8: memref<2x64xf32, #tpu.memory_space<vmem>>) attributes {dimension_semantics = [#tpu.dimension_semantics<arbitrary>], iteration_bounds = array<i64: 10>, scalar_prefetch = 0 : i64, scratch_operands = 1 : i64, tpu.core_type = #tpu.core_type<tc>, window_params = [{transform_indices = @transform_0, window_bounds = array<i64: 2, 2, 1024, 80>}, {pipeline_mode = #tpu.pipeline_mode<synchronous>, transform_indices = @transform_1, window_bounds = array<i64: 64, 64>}, {pipeline_mode = #tpu.pipeline_mode<synchronous>, transform_indices = @transform_2, window_bounds = array<i64: 1, 64>}, {pipeline_mode = #tpu.pipeline_mode<synchronous>, transform_indices = @transform_3, window_bounds = array<i64: 1, 64>}, {transform_indices = @transform_4, window_bounds = array<i64: 1024, 64>}, {transform_indices = @transform_5, window_bounds = array<i64: 1024, 64>}, {pipeline_mode = #tpu.pipeline_mode<synchronous>, transform_indices = @transform_6, window_bounds = array<i64: 1, 2>}]} {
    %iota3A = tpu.iota {dimensions = array<i32: 0>} : vector<1024x1xi32>
    %mul3A = arith.constant 1024 : i32
    %mul3A_0 = arith.muli %arg0, %mul3A : i32
    %add3A = vector.broadcast %mul3A_0 : i32 to vector<1024x1xi32>
    %add3A_1 = arith.addi %iota3A, %add3A : vector<1024x1xi32>
    %lt3A = arith.constant 10000 : i32
    %lt3A_2 = vector.broadcast %lt3A : i32 to vector<1024x1xi32>
    %lt3A_3 = arith.cmpi slt, %add3A_1, %lt3A_2 : vector<1024x1xi32>
    %convert_element_type3A = arith.extui %lt3A_3 : vector<1024x1xi1> to vector<1024x1xi32>
    %convert_element_type3A_4 = arith.sitofp %convert_element_type3A : vector<1024x1xi32> to vector<1024x1xf32>
    %get3A = arith.constant 0 : index
    %get3A_5 = arith.constant 0 : index
    %get3A_6 = arith.constant 0 : index
    %get3A_7 = arith.constant 0 : index
    %get3A_8 = vector.load %arg1[%get3A, %get3A_5, %get3A_6, %get3A_7] : memref<2x2x1024x80xf32, #tpu.memory_space<vmem>>, vector<1x1x1024x64xf32>
    %get3A_9 = vector.shape_cast %get3A_8 : vector<1x1x1024x64xf32> to vector<1024x64xf32>
    %get3A_10 = arith.constant 1 : index
    %get3A_11 = arith.constant 0 : index
    %get3A_12 = arith.constant 0 : index
    %get3A_13 = arith.constant 0 : index
    %get3A_14 = vector.load %arg1[%get3A_10, %get3A_11, %get3A_12, %get3A_13] : memref<2x2x1024x80xf32, #tpu.memory_space<vmem>>, vector<1x1x1024x64xf32>
    %get3A_15 = vector.shape_cast %get3A_14 : vector<1x1x1024x64xf32> to vector<1024x64xf32>
    %add3A_16 = arith.addf %get3A_9, %get3A_15 : vector<1024x64xf32>
    %get3A_17 = arith.constant 0 : index
    %get3A_18 = arith.constant 0 : index
    %get3A_19 = arith.constant 0 : index
    %get3A_20 = arith.constant 64 : index
    %get3A_21 = vector.load %arg1[%get3A_17, %get3A_18, %get3A_19, %get3A_20] : memref<2x2x1024x80xf32, #tpu.memory_space<vmem>>, vector<1x1x1024x8xf32>
    %get3A_22 = vector.shape_cast %get3A_21 : vector<1x1x1024x8xf32> to vector<1024x8xf32>
    %get3A_23 = arith.constant 1 : index
    %get3A_24 = arith.constant 0 : index
    %get3A_25 = arith.constant 0 : index
    %get3A_26 = arith.constant 64 : index
    %get3A_27 = vector.load %arg1[%get3A_23, %get3A_24, %get3A_25, %get3A_26] : memref<2x2x1024x80xf32, #tpu.memory_space<vmem>>, vector<1x1x1024x8xf32>
    %get3A_28 = vector.shape_cast %get3A_27 : vector<1x1x1024x8xf32> to vector<1024x8xf32>
    %add3A_29 = arith.addf %get3A_22, %get3A_28 : vector<1024x8xf32>
    %tile3A = tpu.concatenate %add3A_29, %add3A_29, %add3A_29, %add3A_29, %add3A_29, %add3A_29, %add3A_29, %add3A_29 in 1 : vector<1024x8xf32>, vector<1024x8xf32>, vector<1024x8xf32>, vector<1024x8xf32>, vector<1024x8xf32>, vector<1024x8xf32>, vector<1024x8xf32>, vector<1024x8xf32> -> vector<1024x64xf32>
    %add3A_30 = arith.constant 1.000000e-16 : f32
    %add3A_31 = vector.broadcast %add3A_30 : f32 to vector<1024x64xf32>
    %add3A_32 = arith.addf %tile3A, %add3A_31 : vector<1024x64xf32>
    %div3A = arith.divf %add3A_16, %add3A_32 : vector<1024x64xf32>
    %max3A = arith.constant 0.000000e+00 : f32
    %max3A_33 = vector.broadcast %max3A : f32 to vector<1024x64xf32>
    %max3A_34 = arith.maximumf %div3A, %max3A_33 : vector<1024x64xf32>
    %swap3A = arith.constant 0 : index
    %swap3A_35 = arith.constant 0 : index
    %swap3A_36 = vector.load %arg5[%swap3A, %swap3A_35] : memref<1024x64xf32, #tpu.memory_space<vmem>>, vector<1024x64xf32>
    tpu.vector_store %arg5[%swap3A, %swap3A_35], %max3A_34 {strides = array<i32>} : memref<1024x64xf32, #tpu.memory_space<vmem>>, vector<1024x64xf32>,
    %get3A_37 = arith.constant 0 : index
    %get3A_38 = arith.constant 0 : index
    %get3A_39 = vector.load %arg2[%get3A_37, %get3A_38] : memref<64x64xf32, #tpu.memory_space<vmem>>, vector<64x64xf32>
    %dot_general3A = arith.constant dense<0.000000e+00> : vector<1024x64xf32>
    %dot_general3A_40 = tpu.matmul %max3A_34, %get3A_39, %dot_general3A {dimension_numbers = #tpu.dot_dimension_numbers<[1], [0], [0], [1], [0, 0, 1, 1], [], []>, transpose_lhs_hint = false} : vector<1024x64xf32>, vector<64x64xf32>, vector<1024x64xf32> -> vector<1024x64xf32>
    %get3A_41 = arith.constant 0 : index
    %get3A_42 = arith.constant 0 : index
    %get3A_43 = vector.load %arg3[%get3A_41, %get3A_42] : memref<1x64xf32, #tpu.memory_space<vmem>>, vector<1x64xf32>
    %add3A_44 = vector.broadcast %get3A_43 : vector<1x64xf32> to vector<1024x64xf32>
    %add3A_45 = arith.addf %dot_general3A_40, %add3A_44 : vector<1024x64xf32>
    %tanh3A = math.tanh %add3A_45 : vector<1024x64xf32>
    %mul3A_46 = vector.broadcast %convert_element_type3A_4 : vector<1024x1xf32> to vector<1024x64xf32>
    %mul3A_47 = arith.mulf %tanh3A, %mul3A_46 : vector<1024x64xf32>
    %reduce_sum3A = arith.constant dense<0.000000e+00> : vector<64xf32>
    %reduce_sum3A_48 = vector.multi_reduction <add>, %mul3A_47, %reduce_sum3A [0] : vector<1024x64xf32> to vector<64xf32>
    %broadcast_in_dim3A = vector.shape_cast %reduce_sum3A_48 : vector<64xf32> to vector<1x64xf32>
    %eq3A = arith.constant 0 : i32
    %eq3A_49 = arith.cmpi eq, %arg0, %eq3A : i32
    %convert_element_type3A_50 = arith.extui %eq3A_49 : i1 to i32
    %cond3A = arith.constant 0 : i32
    %cond3A_51 = arith.cmpi ne, %convert_element_type3A_50, %cond3A : i32
    scf.if %cond3A_51 {
      %swap3A_124 = arith.constant 0 : index
      %swap3A_125 = arith.constant 0 : index
      %swap3A_126 = vector.load %arg8[%swap3A_124, %swap3A_125] : memref<2x64xf32, #tpu.memory_space<vmem>>, vector<1x64xf32>
      tpu.vector_store %arg8[%swap3A_124, %swap3A_125], %broadcast_in_dim3A {strides = array<i32>} : memref<2x64xf32, #tpu.memory_space<vmem>>, vector<1x64xf32>,
    } else {
    }
    %gt3A = arith.constant 0 : i32
    %gt3A_52 = arith.cmpi sgt, %arg0, %gt3A : i32
    %convert_element_type3A_53 = arith.extui %gt3A_52 : i1 to i32
    %cond3A_54 = arith.constant 0 : i32
    %cond3A_55 = arith.cmpi ne, %convert_element_type3A_53, %cond3A_54 : i32
    scf.if %cond3A_55 {
      %get3A_124 = arith.constant 0 : index
      %get3A_125 = arith.constant 0 : index
      %get3A_126 = vector.load %arg8[%get3A_124, %get3A_125] : memref<2x64xf32, #tpu.memory_space<vmem>>, vector<1x64xf32>
      %add3A_127 = arith.addf %get3A_126, %broadcast_in_dim3A : vector<1x64xf32>
      %swap3A_128 = arith.constant 0 : index
      %swap3A_129 = arith.constant 0 : index
      %swap3A_130 = vector.load %arg8[%swap3A_128, %swap3A_129] : memref<2x64xf32, #tpu.memory_space<vmem>>, vector<1x64xf32>
      tpu.vector_store %arg8[%swap3A_128, %swap3A_129], %add3A_127 {strides = array<i32>} : memref<2x64xf32, #tpu.memory_space<vmem>>, vector<1x64xf32>,
    } else {
    }
    %get3A_56 = arith.constant 0 : index
    %get3A_57 = arith.constant 1 : index
    %get3A_58 = arith.constant 0 : index
    %get3A_59 = arith.constant 0 : index
    %get3A_60 = vector.load %arg1[%get3A_56, %get3A_57, %get3A_58, %get3A_59] : memref<2x2x1024x80xf32, #tpu.memory_space<vmem>>, vector<1x1x1024x64xf32>
    %get3A_61 = vector.shape_cast %get3A_60 : vector<1x1x1024x64xf32> to vector<1024x64xf32>
    %get3A_62 = arith.constant 1 : index
    %get3A_63 = arith.constant 1 : index
    %get3A_64 = arith.constant 0 : index
    %get3A_65 = arith.constant 0 : index
    %get3A_66 = vector.load %arg1[%get3A_62, %get3A_63, %get3A_64, %get3A_65] : memref<2x2x1024x80xf32, #tpu.memory_space<vmem>>, vector<1x1x1024x64xf32>
    %get3A_67 = vector.shape_cast %get3A_66 : vector<1x1x1024x64xf32> to vector<1024x64xf32>
    %add3A_68 = arith.addf %get3A_61, %get3A_67 : vector<1024x64xf32>
    %get3A_69 = arith.constant 0 : index
    %get3A_70 = arith.constant 1 : index
    %get3A_71 = arith.constant 0 : index
    %get3A_72 = arith.constant 64 : index
    %get3A_73 = vector.load %arg1[%get3A_69, %get3A_70, %get3A_71, %get3A_72] : memref<2x2x1024x80xf32, #tpu.memory_space<vmem>>, vector<1x1x1024x8xf32>
    %get3A_74 = vector.shape_cast %get3A_73 : vector<1x1x1024x8xf32> to vector<1024x8xf32>
    %get3A_75 = arith.constant 1 : index
    %get3A_76 = arith.constant 1 : index
    %get3A_77 = arith.constant 0 : index
    %get3A_78 = arith.constant 64 : index
    %get3A_79 = vector.load %arg1[%get3A_75, %get3A_76, %get3A_77, %get3A_78] : memref<2x2x1024x80xf32, #tpu.memory_space<vmem>>, vector<1x1x1024x8xf32>
    %get3A_80 = vector.shape_cast %get3A_79 : vector<1x1x1024x8xf32> to vector<1024x8xf32>
    %add3A_81 = arith.addf %get3A_74, %get3A_80 : vector<1024x8xf32>
    %tile3A_82 = tpu.concatenate %add3A_81, %add3A_81, %add3A_81, %add3A_81, %add3A_81, %add3A_81, %add3A_81, %add3A_81 in 1 : vector<1024x8xf32>, vector<1024x8xf32>, vector<1024x8xf32>, vector<1024x8xf32>, vector<1024x8xf32>, vector<1024x8xf32>, vector<1024x8xf32>, vector<1024x8xf32> -> vector<1024x64xf32>
    %add3A_83 = arith.constant 1.000000e-16 : f32
    %add3A_84 = vector.broadcast %add3A_83 : f32 to vector<1024x64xf32>
    %add3A_85 = arith.addf %tile3A_82, %add3A_84 : vector<1024x64xf32>
    %div3A_86 = arith.divf %add3A_68, %add3A_85 : vector<1024x64xf32>
    %max3A_87 = arith.constant 0.000000e+00 : f32
    %max3A_88 = vector.broadcast %max3A_87 : f32 to vector<1024x64xf32>
    %max3A_89 = arith.maximumf %div3A_86, %max3A_88 : vector<1024x64xf32>
    %swap3A_90 = arith.constant 0 : index
    %swap3A_91 = arith.constant 0 : index
    %swap3A_92 = vector.load %arg6[%swap3A_90, %swap3A_91] : memref<1024x64xf32, #tpu.memory_space<vmem>>, vector<1024x64xf32>
    tpu.vector_store %arg6[%swap3A_90, %swap3A_91], %max3A_89 {strides = array<i32>} : memref<1024x64xf32, #tpu.memory_space<vmem>>, vector<1024x64xf32>,
    %get3A_93 = arith.constant 0 : index
    %get3A_94 = arith.constant 0 : index
    %get3A_95 = vector.load %arg2[%get3A_93, %get3A_94] : memref<64x64xf32, #tpu.memory_space<vmem>>, vector<64x64xf32>
    %dot_general3A_96 = arith.constant dense<0.000000e+00> : vector<1024x64xf32>
    %dot_general3A_97 = tpu.matmul %max3A_89, %get3A_95, %dot_general3A_96 {dimension_numbers = #tpu.dot_dimension_numbers<[1], [0], [0], [1], [0, 0, 1, 1], [], []>, transpose_lhs_hint = false} : vector<1024x64xf32>, vector<64x64xf32>, vector<1024x64xf32> -> vector<1024x64xf32>
    %get3A_98 = arith.constant 0 : index
    %get3A_99 = arith.constant 0 : index
    %get3A_100 = vector.load %arg3[%get3A_98, %get3A_99] : memref<1x64xf32, #tpu.memory_space<vmem>>, vector<1x64xf32>
    %add3A_101 = vector.broadcast %get3A_100 : vector<1x64xf32> to vector<1024x64xf32>
    %add3A_102 = arith.addf %dot_general3A_97, %add3A_101 : vector<1024x64xf32>
    %tanh3A_103 = math.tanh %add3A_102 : vector<1024x64xf32>
    %mul3A_104 = vector.broadcast %convert_element_type3A_4 : vector<1024x1xf32> to vector<1024x64xf32>
    %mul3A_105 = arith.mulf %tanh3A_103, %mul3A_104 : vector<1024x64xf32>
    %reduce_sum3A_106 = arith.constant dense<0.000000e+00> : vector<64xf32>
    %reduce_sum3A_107 = vector.multi_reduction <add>, %mul3A_105, %reduce_sum3A_106 [0] : vector<1024x64xf32> to vector<64xf32>
    %broadcast_in_dim3A_108 = vector.shape_cast %reduce_sum3A_107 : vector<64xf32> to vector<1x64xf32>
    %eq3A_109 = arith.constant 0 : i32
    %eq3A_110 = arith.cmpi eq, %arg0, %eq3A_109 : i32
    %convert_element_type3A_111 = arith.extui %eq3A_110 : i1 to i32
    %cond3A_112 = arith.constant 0 : i32
    %cond3A_113 = arith.cmpi ne, %convert_element_type3A_111, %cond3A_112 : i32
    scf.if %cond3A_113 {
      %swap3A_124 = arith.constant 1 : index
      %swap3A_125 = arith.constant 0 : index
      %swap3A_126 = vector.load %arg8[%swap3A_124, %swap3A_125] : memref<2x64xf32, #tpu.memory_space<vmem>>, vector<1x64xf32>
      tpu.vector_store %arg8[%swap3A_124, %swap3A_125], %broadcast_in_dim3A_108 {strides = array<i32>} : memref<2x64xf32, #tpu.memory_space<vmem>>, vector<1x64xf32>,
    } else {
    }
    %gt3A_114 = arith.constant 0 : i32
    %gt3A_115 = arith.cmpi sgt, %arg0, %gt3A_114 : i32
    %convert_element_type3A_116 = arith.extui %gt3A_115 : i1 to i32
    %cond3A_117 = arith.constant 0 : i32
    %cond3A_118 = arith.cmpi ne, %convert_element_type3A_116, %cond3A_117 : i32
    scf.if %cond3A_118 {
      %get3A_124 = arith.constant 1 : index
      %get3A_125 = arith.constant 0 : index
      %get3A_126 = vector.load %arg8[%get3A_124, %get3A_125] : memref<2x64xf32, #tpu.memory_space<vmem>>, vector<1x64xf32>
      %add3A_127 = arith.addf %get3A_126, %broadcast_in_dim3A_108 : vector<1x64xf32>
      %swap3A_128 = arith.constant 1 : index
      %swap3A_129 = arith.constant 0 : index
      %swap3A_130 = vector.load %arg8[%swap3A_128, %swap3A_129] : memref<2x64xf32, #tpu.memory_space<vmem>>, vector<1x64xf32>
      tpu.vector_store %arg8[%swap3A_128, %swap3A_129], %add3A_127 {strides = array<i32>} : memref<2x64xf32, #tpu.memory_space<vmem>>, vector<1x64xf32>,
    } else {
    }
    %eq3A_119 = arith.constant 9 : i32
    %eq3A_120 = arith.cmpi eq, %arg0, %eq3A_119 : i32
    %convert_element_type3A_121 = arith.extui %eq3A_120 : i1 to i32
    %cond3A_122 = arith.constant 0 : i32
    %cond3A_123 = arith.cmpi ne, %convert_element_type3A_121, %cond3A_122 : i32
    scf.if %cond3A_123 {
      %get3A_124 = arith.constant 0 : index
      %get3A_125 = arith.constant 0 : index
      %get3A_126 = vector.load %arg8[%get3A_124, %get3A_125] : memref<2x64xf32, #tpu.memory_space<vmem>>, vector<2x64xf32>
      %get3A_127 = arith.constant 0 : index
      %get3A_128 = arith.constant 0 : index
      %get3A_129 = vector.load %arg4[%get3A_127, %get3A_128] : memref<1x64xf32, #tpu.memory_space<vmem>>, vector<1x64xf32>
      %mul3A_130 = vector.broadcast %get3A_129 : vector<1x64xf32> to vector<2x64xf32>
      %mul3A_131 = arith.mulf %get3A_126, %mul3A_130 : vector<2x64xf32>
      %reduce_sum3A_132 = arith.constant dense<0.000000e+00> : vector<2xf32>
      %reduce_sum3A_133 = vector.multi_reduction <add>, %mul3A_131, %reduce_sum3A_132 [1] : vector<2x64xf32> to vector<2xf32>
      %div3A_134 = arith.constant 1.000000e+04 : f32
      %div3A_135 = vector.broadcast %div3A_134 : f32 to vector<2xf32>
      %div3A_136 = arith.divf %reduce_sum3A_133, %div3A_135 : vector<2xf32>
      %reduce_max3A = vector.shape_cast %div3A_136 : vector<2xf32> to vector<1x2xf32>
      %reduce_max3A_137 = arith.constant dense<0xFF800000> : vector<1xf32>
      %reduce_max3A_138 = vector.multi_reduction <maximumf>, %reduce_max3A, %reduce_max3A_137 [1] : vector<1x2xf32> to vector<1xf32>
      %reduce_max3A_139 = vector.shape_cast %reduce_max3A_138 : vector<1xf32> to vector<1x1xf32>
      %reduce_max3A_140 = vector.extract %reduce_max3A_139[0, 0] : f32 from vector<1x1xf32>
      %sub3A = vector.broadcast %reduce_max3A_140 : f32 to vector<2xf32>
      %sub3A_141 = arith.subf %div3A_136, %sub3A : vector<2xf32>
      %exp3A = math.exp %sub3A_141 : vector<2xf32>
      %reduce_sum3A_142 = vector.shape_cast %exp3A : vector<2xf32> to vector<1x2xf32>
      %reduce_sum3A_143 = arith.constant dense<0.000000e+00> : vector<1xf32>
      %reduce_sum3A_144 = vector.multi_reduction <add>, %reduce_sum3A_142, %reduce_sum3A_143 [1] : vector<1x2xf32> to vector<1xf32>
      %reduce_sum3A_145 = vector.shape_cast %reduce_sum3A_144 : vector<1xf32> to vector<1x1xf32>
      %reduce_sum3A_146 = vector.extract %reduce_sum3A_145[0, 0] : f32 from vector<1x1xf32>
      %div3A_147 = vector.broadcast %reduce_sum3A_146 : f32 to vector<2xf32>
      %div3A_148 = arith.divf %exp3A, %div3A_147 : vector<2xf32>
      %reshape3A = vector.shape_cast %div3A_148 : vector<2xf32> to vector<1x2xf32>
      %swap3A_149 = arith.constant 0 : index
      %swap3A_150 = arith.constant 0 : index
      %swap3A_151 = vector.load %arg7[%swap3A_149, %swap3A_150] : memref<1x2xf32, #tpu.memory_space<vmem>>, vector<1x2xf32>
      tpu.vector_store %arg7[%swap3A_149, %swap3A_150], %reshape3A {strides = array<i32>} : memref<1x2xf32, #tpu.memory_space<vmem>>, vector<1x2xf32>,
    } else {
    }
    return
  }
  func.func @transform_0(%arg0: i32) -> (i32, i32, i32, i32) {
    %c0_i32 = arith.constant 0 : i32
    %c0_i32_0 = arith.constant 0 : i32
    %c0_i32_1 = arith.constant 0 : i32
    %c0_i32_2 = arith.constant 0 : i32
    return %c0_i32, %c0_i32_0, %arg0, %c0_i32_1 : i32, i32, i32, i32
  }
  func.func @transform_1(%arg0: i32) -> (i32, i32) {
    %c0_i32 = arith.constant 0 : i32
    %c0_i32_0 = arith.constant 0 : i32
    %c0_i32_1 = arith.constant 0 : i32
    return %c0_i32, %c0_i32_0 : i32, i32
  }
  func.func @transform_2(%arg0: i32) -> (i32, i32) {
    %c0_i32 = arith.constant 0 : i32
    %c0_i32_0 = arith.constant 0 : i32
    %c0_i32_1 = arith.constant 0 : i32
    return %c0_i32, %c0_i32_0 : i32, i32
  }
  func.func @transform_3(%arg0: i32) -> (i32, i32) {
    %c0_i32 = arith.constant 0 : i32
    %c0_i32_0 = arith.constant 0 : i32
    %c0_i32_1 = arith.constant 0 : i32
    return %c0_i32, %c0_i32_0 : i32, i32
  }
  func.func @transform_4(%arg0: i32) -> (i32, i32) {
    %c0_i32 = arith.constant 0 : i32
    %c0_i32_0 = arith.constant 0 : i32
    return %arg0, %c0_i32 : i32, i32
  }
  func.func @transform_5(%arg0: i32) -> (i32, i32) {
    %c0_i32 = arith.constant 0 : i32
    %c0_i32_0 = arith.constant 0 : i32
    return %arg0, %c0_i32 : i32, i32
  }
  func.func @transform_6(%arg0: i32) -> (i32, i32) {
    %c0_i32 = arith.constant 0 : i32
    %c0_i32_0 = arith.constant 0 : i32
    %c0_i32_1 = arith.constant 0 : i32
    return %c0_i32, %c0_i32_0 : i32, i32
  }
}

module attributes {stable_mosaic.version = 14 : i64} {
  func.func @_combine_tables_body(%arg0: i32, %arg1: memref<1024x64xf32, #tpu.memory_space<vmem>>, %arg2: memref<1024x64xf32, #tpu.memory_space<vmem>>, %arg3: memref<1x2xf32, #tpu.memory_space<vmem>>, %arg4: memref<64x192xf32, #tpu.memory_space<vmem>>, %arg5: memref<1x192xf32, #tpu.memory_space<vmem>>, %arg6: memref<1024x80xf32, #tpu.memory_space<vmem>>, %arg7: memref<1024x16xf32, #tpu.memory_space<vmem>>, %arg8: memref<1024x80xf32, #tpu.memory_space<vmem>>, %arg9: memref<1024x16xf32, #tpu.memory_space<vmem>>) attributes {dimension_semantics = [#tpu.dimension_semantics<arbitrary>], iteration_bounds = array<i64: 10>, scalar_prefetch = 0 : i64, scratch_operands = 0 : i64, tpu.core_type = #tpu.core_type<tc>, window_params = [{transform_indices = @transform_0, window_bounds = array<i64: 1024, 64>}, {transform_indices = @transform_1, window_bounds = array<i64: 1024, 64>}, {pipeline_mode = #tpu.pipeline_mode<synchronous>, transform_indices = @transform_2, window_bounds = array<i64: 1, 2>}, {pipeline_mode = #tpu.pipeline_mode<synchronous>, transform_indices = @transform_3, window_bounds = array<i64: 64, 192>}, {pipeline_mode = #tpu.pipeline_mode<synchronous>, transform_indices = @transform_4, window_bounds = array<i64: 1, 192>}, {transform_indices = @transform_5, window_bounds = array<i64: 1024, 80>}, {transform_indices = @transform_6, window_bounds = array<i64: 1024, 16>}, {transform_indices = @transform_7, window_bounds = array<i64: 1024, 80>}, {transform_indices = @transform_8, window_bounds = array<i64: 1024, 16>}]} {
    %get3A = arith.constant 0 : index
    %get3A_0 = arith.constant 0 : index
    %get3A_1 = vector.load %arg3[%get3A, %get3A_0] : memref<1x2xf32, #tpu.memory_space<vmem>>, vector<1x2xf32>
    %slice3A = vector.extract_strided_slice %get3A_1 {offsets = [0, 0], sizes = [1, 1], strides = [1, 1]} : vector<1x2xf32> to vector<1x1xf32>
    %get3A_2 = arith.constant 0 : index
    %get3A_3 = arith.constant 0 : index
    %get3A_4 = vector.load %arg1[%get3A_2, %get3A_3] : memref<1024x64xf32, #tpu.memory_space<vmem>>, vector<1024x64xf32>
    %mul3A = vector.broadcast %slice3A : vector<1x1xf32> to vector<1024x64xf32>
    %mul3A_5 = arith.mulf %mul3A, %get3A_4 : vector<1024x64xf32>
    %slice3A_6 = vector.extract_strided_slice %get3A_1 {offsets = [0, 1], sizes = [1, 1], strides = [1, 1]} : vector<1x2xf32> to vector<1x1xf32>
    %get3A_7 = arith.constant 0 : index
    %get3A_8 = arith.constant 0 : index
    %get3A_9 = vector.load %arg2[%get3A_7, %get3A_8] : memref<1024x64xf32, #tpu.memory_space<vmem>>, vector<1024x64xf32>
    %mul3A_10 = vector.broadcast %slice3A_6 : vector<1x1xf32> to vector<1024x64xf32>
    %mul3A_11 = arith.mulf %mul3A_10, %get3A_9 : vector<1024x64xf32>
    %add3A = arith.addf %mul3A_5, %mul3A_11 : vector<1024x64xf32>
    %max3A = arith.constant 0.000000e+00 : f32
    %max3A_12 = vector.broadcast %max3A : f32 to vector<1024x64xf32>
    %max3A_13 = arith.maximumf %add3A, %max3A_12 : vector<1024x64xf32>
    %get3A_14 = arith.constant 0 : index
    %get3A_15 = arith.constant 0 : index
    %get3A_16 = vector.load %arg4[%get3A_14, %get3A_15] : memref<64x192xf32, #tpu.memory_space<vmem>>, vector<64x192xf32>
    %dot_general3A = arith.constant dense<0.000000e+00> : vector<1024x192xf32>
    %dot_general3A_17 = tpu.matmul %max3A_13, %get3A_16, %dot_general3A {dimension_numbers = #tpu.dot_dimension_numbers<[1], [0], [0], [1], [0, 0, 1, 1], [], []>, transpose_lhs_hint = false} : vector<1024x64xf32>, vector<64x192xf32>, vector<1024x192xf32> -> vector<1024x192xf32>
    %get3A_18 = arith.constant 0 : index
    %get3A_19 = arith.constant 0 : index
    %get3A_20 = vector.load %arg5[%get3A_18, %get3A_19] : memref<1x192xf32, #tpu.memory_space<vmem>>, vector<1x192xf32>
    %add3A_21 = vector.broadcast %get3A_20 : vector<1x192xf32> to vector<1024x192xf32>
    %add3A_22 = arith.addf %dot_general3A_17, %add3A_21 : vector<1024x192xf32>
    %slice3A_23 = vector.extract_strided_slice %add3A_22 {offsets = [0, 0], sizes = [1024, 80], strides = [1, 1]} : vector<1024x192xf32> to vector<1024x80xf32>
    %swap3A = arith.constant 0 : index
    %swap3A_24 = arith.constant 0 : index
    %swap3A_25 = vector.load %arg6[%swap3A, %swap3A_24] : memref<1024x80xf32, #tpu.memory_space<vmem>>, vector<1024x80xf32>
    tpu.vector_store %arg6[%swap3A, %swap3A_24], %slice3A_23 {strides = array<i32>} : memref<1024x80xf32, #tpu.memory_space<vmem>>, vector<1024x80xf32>,
    %slice3A_26 = vector.extract_strided_slice %add3A_22 {offsets = [0, 80], sizes = [1024, 16], strides = [1, 1]} : vector<1024x192xf32> to vector<1024x16xf32>
    %swap3A_27 = arith.constant 0 : index
    %swap3A_28 = arith.constant 0 : index
    %swap3A_29 = vector.load %arg7[%swap3A_27, %swap3A_28] : memref<1024x16xf32, #tpu.memory_space<vmem>>, vector<1024x16xf32>
    tpu.vector_store %arg7[%swap3A_27, %swap3A_28], %slice3A_26 {strides = array<i32>} : memref<1024x16xf32, #tpu.memory_space<vmem>>, vector<1024x16xf32>,
    %slice3A_30 = vector.extract_strided_slice %add3A_22 {offsets = [0, 96], sizes = [1024, 80], strides = [1, 1]} : vector<1024x192xf32> to vector<1024x80xf32>
    %swap3A_31 = arith.constant 0 : index
    %swap3A_32 = arith.constant 0 : index
    %swap3A_33 = vector.load %arg8[%swap3A_31, %swap3A_32] : memref<1024x80xf32, #tpu.memory_space<vmem>>, vector<1024x80xf32>
    tpu.vector_store %arg8[%swap3A_31, %swap3A_32], %slice3A_30 {strides = array<i32>} : memref<1024x80xf32, #tpu.memory_space<vmem>>, vector<1024x80xf32>,
    %slice3A_34 = vector.extract_strided_slice %add3A_22 {offsets = [0, 176], sizes = [1024, 16], strides = [1, 1]} : vector<1024x192xf32> to vector<1024x16xf32>
    %swap3A_35 = arith.constant 0 : index
    %swap3A_36 = arith.constant 0 : index
    %swap3A_37 = vector.load %arg9[%swap3A_35, %swap3A_36] : memref<1024x16xf32, #tpu.memory_space<vmem>>, vector<1024x16xf32>
    tpu.vector_store %arg9[%swap3A_35, %swap3A_36], %slice3A_34 {strides = array<i32>} : memref<1024x16xf32, #tpu.memory_space<vmem>>, vector<1024x16xf32>,
    return
  }
  func.func @transform_0(%arg0: i32) -> (i32, i32) {
    %c0_i32 = arith.constant 0 : i32
    %c0_i32_0 = arith.constant 0 : i32
    return %arg0, %c0_i32 : i32, i32
  }
  func.func @transform_1(%arg0: i32) -> (i32, i32) {
    %c0_i32 = arith.constant 0 : i32
    %c0_i32_0 = arith.constant 0 : i32
    return %arg0, %c0_i32 : i32, i32
  }
  func.func @transform_2(%arg0: i32) -> (i32, i32) {
    %c0_i32 = arith.constant 0 : i32
    %c0_i32_0 = arith.constant 0 : i32
    %c0_i32_1 = arith.constant 0 : i32
    return %c0_i32, %c0_i32_0 : i32, i32
  }
  func.func @transform_3(%arg0: i32) -> (i32, i32) {
    %c0_i32 = arith.constant 0 : i32
    %c0_i32_0 = arith.constant 0 : i32
    %c0_i32_1 = arith.constant 0 : i32
    return %c0_i32, %c0_i32_0 : i32, i32
  }
  func.func @transform_4(%arg0: i32) -> (i32, i32) {
    %c0_i32 = arith.constant 0 : i32
    %c0_i32_0 = arith.constant 0 : i32
    %c0_i32_1 = arith.constant 0 : i32
    return %c0_i32, %c0_i32_0 : i32, i32
  }
  func.func @transform_5(%arg0: i32) -> (i32, i32) {
    %c0_i32 = arith.constant 0 : i32
    %c0_i32_0 = arith.constant 0 : i32
    return %arg0, %c0_i32 : i32, i32
  }
  func.func @transform_6(%arg0: i32) -> (i32, i32) {
    %c0_i32 = arith.constant 0 : i32
    %c0_i32_0 = arith.constant 0 : i32
    return %arg0, %c0_i32 : i32, i32
  }
  func.func @transform_7(%arg0: i32) -> (i32, i32) {
    %c0_i32 = arith.constant 0 : i32
    %c0_i32_0 = arith.constant 0 : i32
    return %arg0, %c0_i32 : i32, i32
  }
  func.func @transform_8(%arg0: i32) -> (i32, i32) {
    %c0_i32 = arith.constant 0 : i32
    %c0_i32_0 = arith.constant 0 : i32
    return %arg0, %c0_i32 : i32, i32
  }
}

module attributes {stable_mosaic.version = 14 : i64} {
  func.func @_final_body(%arg0: i32, %arg1: memref<1024x64xf32, #tpu.memory_space<vmem>>, %arg2: memref<1024x64xf32, #tpu.memory_space<vmem>>, %arg3: memref<1x2xf32, #tpu.memory_space<vmem>>, %arg4: memref<64x16xf32, #tpu.memory_space<vmem>>, %arg5: memref<1x16xf32, #tpu.memory_space<vmem>>, %arg6: memref<1024x16xf32, #tpu.memory_space<vmem>>) attributes {dimension_semantics = [#tpu.dimension_semantics<arbitrary>], iteration_bounds = array<i64: 10>, scalar_prefetch = 0 : i64, scratch_operands = 0 : i64, tpu.core_type = #tpu.core_type<tc>, window_params = [{transform_indices = @transform_0, window_bounds = array<i64: 1024, 64>}, {transform_indices = @transform_1, window_bounds = array<i64: 1024, 64>}, {pipeline_mode = #tpu.pipeline_mode<synchronous>, transform_indices = @transform_2, window_bounds = array<i64: 1, 2>}, {pipeline_mode = #tpu.pipeline_mode<synchronous>, transform_indices = @transform_3, window_bounds = array<i64: 64, 16>}, {pipeline_mode = #tpu.pipeline_mode<synchronous>, transform_indices = @transform_4, window_bounds = array<i64: 1, 16>}, {transform_indices = @transform_5, window_bounds = array<i64: 1024, 16>}]} {
    %get3A = arith.constant 0 : index
    %get3A_0 = arith.constant 0 : index
    %get3A_1 = vector.load %arg3[%get3A, %get3A_0] : memref<1x2xf32, #tpu.memory_space<vmem>>, vector<1x2xf32>
    %slice3A = vector.extract_strided_slice %get3A_1 {offsets = [0, 0], sizes = [1, 1], strides = [1, 1]} : vector<1x2xf32> to vector<1x1xf32>
    %get3A_2 = arith.constant 0 : index
    %get3A_3 = arith.constant 0 : index
    %get3A_4 = vector.load %arg1[%get3A_2, %get3A_3] : memref<1024x64xf32, #tpu.memory_space<vmem>>, vector<1024x64xf32>
    %mul3A = vector.broadcast %slice3A : vector<1x1xf32> to vector<1024x64xf32>
    %mul3A_5 = arith.mulf %mul3A, %get3A_4 : vector<1024x64xf32>
    %slice3A_6 = vector.extract_strided_slice %get3A_1 {offsets = [0, 1], sizes = [1, 1], strides = [1, 1]} : vector<1x2xf32> to vector<1x1xf32>
    %get3A_7 = arith.constant 0 : index
    %get3A_8 = arith.constant 0 : index
    %get3A_9 = vector.load %arg2[%get3A_7, %get3A_8] : memref<1024x64xf32, #tpu.memory_space<vmem>>, vector<1024x64xf32>
    %mul3A_10 = vector.broadcast %slice3A_6 : vector<1x1xf32> to vector<1024x64xf32>
    %mul3A_11 = arith.mulf %mul3A_10, %get3A_9 : vector<1024x64xf32>
    %add3A = arith.addf %mul3A_5, %mul3A_11 : vector<1024x64xf32>
    %max3A = arith.constant 0.000000e+00 : f32
    %max3A_12 = vector.broadcast %max3A : f32 to vector<1024x64xf32>
    %max3A_13 = arith.maximumf %add3A, %max3A_12 : vector<1024x64xf32>
    %get3A_14 = arith.constant 0 : index
    %get3A_15 = arith.constant 0 : index
    %get3A_16 = vector.load %arg4[%get3A_14, %get3A_15] : memref<64x16xf32, #tpu.memory_space<vmem>>, vector<64x16xf32>
    %dot_general3A = arith.constant dense<0.000000e+00> : vector<1024x16xf32>
    %dot_general3A_17 = tpu.matmul %max3A_13, %get3A_16, %dot_general3A {dimension_numbers = #tpu.dot_dimension_numbers<[1], [0], [0], [1], [0, 0, 1, 1], [], []>, transpose_lhs_hint = false} : vector<1024x64xf32>, vector<64x16xf32>, vector<1024x16xf32> -> vector<1024x16xf32>
    %get3A_18 = arith.constant 0 : index
    %get3A_19 = arith.constant 0 : index
    %get3A_20 = vector.load %arg5[%get3A_18, %get3A_19] : memref<1x16xf32, #tpu.memory_space<vmem>>, vector<1x16xf32>
    %add3A_21 = vector.broadcast %get3A_20 : vector<1x16xf32> to vector<1024x16xf32>
    %add3A_22 = arith.addf %dot_general3A_17, %add3A_21 : vector<1024x16xf32>
    %swap3A = arith.constant 0 : index
    %swap3A_23 = arith.constant 0 : index
    %swap3A_24 = vector.load %arg6[%swap3A, %swap3A_23] : memref<1024x16xf32, #tpu.memory_space<vmem>>, vector<1024x16xf32>
    tpu.vector_store %arg6[%swap3A, %swap3A_23], %add3A_22 {strides = array<i32>} : memref<1024x16xf32, #tpu.memory_space<vmem>>, vector<1024x16xf32>,
    return
  }
  func.func @transform_0(%arg0: i32) -> (i32, i32) {
    %c0_i32 = arith.constant 0 : i32
    %c0_i32_0 = arith.constant 0 : i32
    return %arg0, %c0_i32 : i32, i32
  }
  func.func @transform_1(%arg0: i32) -> (i32, i32) {
    %c0_i32 = arith.constant 0 : i32
    %c0_i32_0 = arith.constant 0 : i32
    return %arg0, %c0_i32 : i32, i32
  }
  func.func @transform_2(%arg0: i32) -> (i32, i32) {
    %c0_i32 = arith.constant 0 : i32
    %c0_i32_0 = arith.constant 0 : i32
    %c0_i32_1 = arith.constant 0 : i32
    return %c0_i32, %c0_i32_0 : i32, i32
  }
  func.func @transform_3(%arg0: i32) -> (i32, i32) {
    %c0_i32 = arith.constant 0 : i32
    %c0_i32_0 = arith.constant 0 : i32
    %c0_i32_1 = arith.constant 0 : i32
    return %c0_i32, %c0_i32_0 : i32, i32
  }
  func.func @transform_4(%arg0: i32) -> (i32, i32) {
    %c0_i32 = arith.constant 0 : i32
    %c0_i32_0 = arith.constant 0 : i32
    %c0_i32_1 = arith.constant 0 : i32
    return %c0_i32, %c0_i32_0 : i32, i32
  }
  func.func @transform_5(%arg0: i32) -> (i32, i32) {
    %c0_i32 = arith.constant 0 : i32
    %c0_i32_0 = arith.constant 0 : i32
    return %arg0, %c0_i32 : i32, i32
  }
}

</mosaic_0001>

<sc_bundles>
// kernel: kernel.12.cloned.1.call-start
scs
__scs_entry_jumppad:
0x0: {  	(pc) =	sbr.rel $0x88, $3  }
0x1: {  	(tag) =	ssettag $0x0;
	lr =	simm.s32 $0x1  }
0x2: {  	[smem:$0x3F8A] =	sst lr;
	_ =	strace $0xD0000000  }
0x3: {  	_ = 	snop  }
0x4: {  	_ = 	snop  }
0x5: {  	_ = 	snop  }
0x6: {  	_ = 	snop  }
0x7: {  	_ = 	snop  }
__scs_overlays_trampoline_lowered:
0x8: {  	[smem:$0x3F99] =	sst s0  }
0x9: {  	[smem:$0x3F9A] =	sst s1  }
0xa: {  	[smem:$0x3F9B] =	sst s2  }
0xb: {  	[smem:$0x3F9C] =	sst s3  }
0xc: {  	[smem:$0x3F9D] =	sst s4  }
0xd: {  	[smem:$0x3F9E] =	sst s5  }
0xe: {  	[smem:$0x3F9F] =	sst s6  }
0xf: {  	[smem:$0x3FA0] =	sst s7  }
0x10: {  	[smem:$0x3FA1] =	sst s8  }
0x11: {  	[smem:$0x3FA2] =	sst s9;
	s0 =	simm.s32 @!p0 $0x0  }
0x12: {  	s1 =	sld [smem:$0x3F88];
	s0 =	simm.s32 @p0 $0x1  }
0x13: {  	[smem:$0x3FA3] =	sst s0;
	s0 =	simm.s32 @!p1 $0x0  }
0x14: {  	s2 =	sld [smem:$0x3F87];
	s0 =	simm.s32 @p1 $0x1  }
0x15: {  	[smem:$0x3FA4] =	sst s0;
	s0 =	simm.s32 @!p2 $0x0  }
0x16: {  	s3 =	sld [smem:$0x3FDB];
	s0 =	simm.s32 @p2 $0x1  }
0x17: {  	s4 =	simm.s32 $0x1BF5;
	[smem:$0x3FA6] =	sst s0  }
0x18: {  	s0 =	sld [smem:$0x3F89];
	_ =	swait.ge [sflag:s4], $0x0  }
0x19: {  	s7 =	sld [smem:$0x3F8A]  }
0x1a: {  	s8 =	sadd.s32 $0xFFFFE003, lr  }
0x1b: {  	s9 =	sadd.s32 $0xFFFFFEF7, lr;
	s5 =	simm.s32 $0xFFFFFFFF;
	p2 =	slt.u32 s8, $0xFFFFF086  }
0x1c: {  	p1 =	slt.u32 s9, $0xF7A;
	s5 =	simm.s32 @!p2 $0x0  }
0x1d: {  	s5 =	simm.s32 @p1 $0x1;
	p0 =	seq.s32 s7, s2  }
0x1e: {  	s7 =	smul.u32 @!p0 $0xF7A, s2;
	p2 =	seq.s32 @!p0 s5, $0x0  }
0x1f: {  	s9 =	smul.u32 $0xF7A, s1;
	s8 =	simm.s32 @!p0 $0x1BF5;
	p2 =	por !p2, p0  }
0x20: {  	[sflag:s8] =	ssyncset.s32 @!p0 $0xFFFFF086;
	s6 =	sadd.s32 @!p0 s3, s7;
	s7 =	simm.s32 @!p0 $0x108  }
0x21: {  	s3 =	sadd.s32 s3, s9;
	s6 =	sadd.s32 @!p0 $0x88, s6;
	s7 =	simm.s32 @p2 $0x1082  }
0x22: {  	[simem:s7], [sflag:s8] =	dma.local @!p0 [hbm:s6], $0xF7A  }
0x23: {  	s9 =	sor.u32 $0xD0000000, s2;
	s6 =	simm.s32 $0x108;
	_ =	swait.ge @!p0 [sflag:s8], $0x0  }
0x24: {  	s3 =	sadd.s32 $0x88, s3;
	s6 =	simm.s32 @!p1 $0x1082;
	[sflag:s4] =	ssyncset.s32 $0xFFFFF086  }
0x25: {  	[simem:s6], [sflag:s4] =	dma.local [hbm:s3], $0xF7A  }
0x26: {  	[smem:$0x3F8A] =	sst s1;
	(tag) =	ssettag s2;
	_ =	strace s9  }
0x27: {  	s1 =	sld [smem:$0x3F9A]  }
0x28: {  	s2 =	sld [smem:$0x3F9B]  }
0x29: {  	s4 =	sld [smem:$0x3F9D]  }
0x2a: {  	p0 =	seq.s32 s5, $0x0;
	s5 =	sld [smem:$0x3F9E]  }
0x2b: {  	s6 =	sld [smem:$0x3F9F]  }
0x2c: {  	s7 =	sld [smem:$0x3FA0]  }
0x2d: {  	s3 =	simm.s32 $0x108;
	s8 =	sld [smem:$0x3FA1]  }
0x2e: {  	s3 =	simm.s32 @!p0 $0x1082;
	s9 =	sld [smem:$0x3FA2]  }
0x2f: {  	lr =	sadd.s32 s0, s3;
	s0 =	sld [smem:$0x3F99]  }
0x30: {  	s3 =	sld [smem:$0x3F9C]  }
0x31: {  	[smem:$0x3FA5] =	sst s10  }
0x32: {  	s10 =	sld [smem:$0x3FA3];
	_ =	sdelay $0x3  }
0x33: {  	p0 =	seq.s32 s10, $0x1;
	s10 =	sld [smem:$0x3FA5];
	_ =	sdelay $0x3  }
0x34: {  	[smem:$0x3FA5] =	sst s10  }
0x35: {  	s10 =	sld [smem:$0x3FA4];
	_ =	sdelay $0x3  }
0x36: {  	p1 =	seq.s32 s10, $0x1;
	s10 =	sld [smem:$0x3FA5];
	_ =	sdelay $0x3  }
0x37: {  	[smem:$0x3FA5] =	sst s10  }
0x38: {  	s10 =	sld [smem:$0x3FA6]  }
0x39: {  	_ = 	snop;
	(pc) =	sbr.ind lr, $3  }
0x3a: {  	_ = 	snop  }
0x3b: {  	_ = 	snop  }
0x3c: {  	p2 =	seq.s32 s10, $0x1;
	s10 =	sld [smem:$0x3FA5]  }
0x3d: {  	_ =	shalt  }
0x3e: {  	_ =	shalt  }
0x3f: {  	_ =	shalt  }
0x40: {  	_ =	shalt  }
0x41: {  	_ =	shalt  }
0x42: {  	_ =	shalt  }
0x43: {  	_ =	shalt  }
0x44: {  	_ =	shalt  }
0x45: {  	_ =	shalt  }
0x46: {  	_ =	shalt  }
0x47: {  	_ =	shalt  }
0x48: {  	_ =	shalt  }
0x49: {  	_ =	shalt  }
0x4a: {  	_ =	shalt  }
0x4b: {  	_ =	shalt  }
0x4c: {  	_ =	shalt  }
0x4d: {  	_ =	shalt  }
0x4e: {  	_ =	shalt  }
0x4f: {  	_ =	shalt  }
0x50: {  	_ =	shalt  }
0x51: {  	_ =	shalt  }
0x52: {  	_ =	shalt  }
0x53: {  	_ =	shalt  }
0x54: {  	_ =	shalt  }
0x55: {  	_ =	shalt  }
0x56: {  	_ =	shalt  }
0x57: {  	_ =	shalt  }
0x58: {  	_ =	shalt  }
0x59: {  	_ =	shalt  }
0x5a: {  	_ =	shalt  }
0x5b: {  	_ =	shalt  }
0x5c: {  	_ =	shalt  }
0x5d: {  	_ =	shalt  }
0x5e: {  	_ =	shalt  }
0x5f: {  	_ =	shalt  }
0x60: {  	_ =	shalt  }
0x61: {  	_ =	shalt  }
0x62: {  	_ =	shalt  }
0x63: {  	_ =	shalt  }
0x64: {  	_ =	shalt  }
0x65: {  	_ =	shalt  }
0x66: {  	_ =	shalt  }
0x67: {  	_ =	shalt  }
0x68: {  	_ =	shalt  }
0x69: {  	_ =	shalt  }
0x6a: {  	_ =	shalt  }
0x6b: {  	_ =	shalt  }
0x6c: {  	_ =	shalt  }
0x6d: {  	_ =	shalt  }
0x6e: {  	_ =	shalt  }
0x6f: {  	_ =	shalt  }
0x70: {  	_ =	shalt  }
0x71: {  	_ =	shalt  }
0x72: {  	_ =	shalt  }
0x73: {  	_ =	shalt  }
0x74: {  	_ =	shalt  }
0x75: {  	_ =	shalt  }
0x76: {  	_ =	shalt  }
0x77: {  	_ =	shalt  }
0x78: {  	_ =	shalt  }
0x79: {  	_ =	shalt  }
0x7a: {  	_ =	shalt  }
0x7b: {  	_ =	shalt  }
0x7c: {  	_ =	shalt  }
0x7d: {  	_ =	shalt  }
0x7e: {  	_ =	shalt  }
0x7f: {  	_ =	shalt  }
0x80: {  	_ =	shalt  }
0x81: {  	_ =	shalt  }
0x82: {  	_ =	shalt  }
0x83: {  	_ =	shalt  }
0x84: {  	_ =	shalt  }
0x85: {  	_ =	shalt  }
0x86: {  	_ =	shalt  }
0x87: {  	_ =	shalt  }
.Lfunc_end0:
.L_simem_size_0:
called_computation.1_lowered:
.L_overlay_start_0:
0x88: {  	s2 =	sld [smem:$0x3FD9]  }
0x89: {  	s3 =	sld [smem:$0x3FFE];
	_ =	sdelay $0x1  }
0x8a: {  	s1 =	srdreg.scid  }
0x8b: {  	s0 =	sand.u32 $0x1, s1  }
0x8c: {  	s16 =	sshll.u32 s0, $0xA;
	s2 =	sadd.s32 s3, s2  }
0x8d: {  	s2 =	sadd.s32 s2, s16  }
0x8e: {  	[smem:$0x3FB1] =	sst s2  }
0x8f: {  	_ = 	snop  }
0x90: {  	(tm) =	ssettm $0x1  }
0x91: {  	s17 =	sld [smem:$0x3FFB];
	_ =	sdelay $0x3  }
0x92: {  	_ =	strace s17  }
0x93: {  	s2 =	sld [smem:$0x3FFC];
	_ =	sdelay $0x3  }
0x94: {  	_ =	strace s2  }
0x95: {  	s2 =	sld [smem:$0x3FFD];
	_ =	sdelay $0x3  }
0x96: {  	_ =	strace s2  }
0x97: {  	_ =	strace $0x8FFFFFFF  }
0x98: {  	s18 =	sld [smem:$0x3FDB];
	_ =	sdelay $0x1  }
0x99: {  	s19 =	simm.s32 $_scs_section_size  }
0x9a: {  	s4 =	simm.s32 $_size__tile_overlayer_lowered;
	s5 =	simm.s32 $_tile_overlayer_lowered  }
0x9b: {  	s22 =	simm.s32 $0x1BFF;
	s21 =	sshll.u32 s5, $0x1;
	s2 =	sadd.s32 s19, s18  }
0x9c: {  	s6 =	simm.s32 $0x0;
	s20 =	sshll.u32 s4, $0x1;
	s4 =	sadd.s32 s21, s2  }
0x9d: {  	[timem:s6], [sflag:s22] =	dma.local [hbm:s4], s20  }
0x9e: {  	_ =	swait.ge [sflag:s22], s20  }
0x9f: {  	s3 =	ssub.s32 $0x0, s20;
	[sflag:s22] =	ssyncset.done $0x0  }
0xa0: {  	[sflag:s22] =	ssyncadd.s32 s3;
	_ =	sdelay $0x1  }
0xa1: {  	s23 =	simm.s32 $0x1B8B  }
0xa2: {  	_ =	swait.ge [sflag:s23], $0x1  }
0xa3: {  	[sflag:s23] =	ssyncset.done $0x0  }
0xa4: {  	s25 =	simm.s32 $0x1B8E;
	s24 =	sld [smem:$0x3FFE];
	[sflag:s23] =	ssyncadd.s32 $0xFFFFFFFF  }
0xa5: {  	s26 =	simm.s32 $execute0_lowered;
	[smem:$0x3FD2] =	sst s25  }
0xa6: {  	s4 =	sshll.u32 s26, $0x1;
	_ =	strace $0x80000049;
	[dreg:$0x1] =	wrdreg $0xFFFFFFFF  }
0xa7: {  	s28 =	simm.s32 $_size_execute0_lowered;
	s2 =	sadd.s32 s2, s4;
	[dreg:$0x0] =	wrdreg $0x0  }
0xa8: {  	s4 =	sshll.u32 s28, $0x1;
	[dreg:$0x2] =	wrdreg s2  }
0xa9: {  	[dreg:$0x3] =	wrdreg s4  }
0xaa: {  	[dreg:$0x4] =	wrdreg $0xC0  }
0xab: {  	_ =	task [dreg:s6], $0x5FFFF  }
0xac: {  	[dreg:$0x1] =	wrdreg $0xFFFFFFFF  }
0xad: {  	[dreg:$0x0] =	wrdreg $0x60  }
0xae: {  	[dreg:$0x2] =	wrdreg s24  }
0xaf: {  	[dreg:$0x3] =	wrdreg $0x0  }
0xb0: {  	[dreg:$0x4] =	wrdreg $0xC8000  }
0xb1: {  	[dreg:$0x5] =	wrdreg $0x9  }
0xb2: {  	_ =	task.clear_ibuf [dreg:s6], $0x6FFFF;
	_ =	strace $0x90000049  }
0xb3: {  	s29 =	simm.s32 $0x9;
	_ =	strace $0x8000004B  }
0xb4: {  	_ =	swait.ge [sflag:s29], $0x1  }
0xb5: {  	[sflag:s29] =	ssyncadd.s32 $0xFFFFFFFF  }
0xb6: {  	_ =	strace $0x9000004B  }
0xb7: {  	_ =	sfence  }
0xb8: {  	s30 =	sld [smem:$0x0];
	_ =	sdelay $0x2  }
0xb9: {  	s31 =	sshll.u32 s1, $0xD;
	s1 =	sshrl.u32 s1, $0x2  }
0xba: {  	s3 =	sand.u32 $0x4000, s31;
	s1 =	sadd.s32 s1, s30  }
0xbb: {  	s0 =	sor.u32 s3, s0;
	s1 =	sshll.u32 s1, $0x11  }
0xbc: {  	s0 =	sor.u32 s1, s0  }
0xbd: {  	s0 =	sadd.s32 $0x8F2B, s0  }
0xbe: {  	[sflag:s0] =	ssyncadd.remote.s32 $0x1  }
0xbf: {  	_ =	sfence.sel $0xFFFF  }
0xc0: {  	[dreg:$0x0] =	wrdreg $0xFFFFFFFF;
	(pc) =	sbr.abs _section_cstart, $3  }
0xc1: {  	[dreg:$0x1] =	wrdreg $0xFFFFFFFF  }
0xc2: {  	_ =	task.clear_ibuf [dreg:s6], $0x2FFFF;
	_ =	strace $0x9FFFFFFF  }
0xc3: {  	(tm) =	ssettm $0x7FFFFFFF  }
tec
execute0_lowered:
.L_overlay_start_1:
0x0: {  	(tag) =	ssettag $0x1  }
0x1: {  	s0 =	rddreg [dreg:$0x0]  }
0x2: {  	s1 =	rddreg [dreg:$0x1]  }
0x3: {  	s3 =	rddreg [dreg:$0x2]  }
0x4: {  	s4 =	simm.s32 $0x0;
	s2 =	srdreg.scid;
	s15 =	stileid.u32  }
0x5: {  	s31 =	simm.s32 $0x19300;
	[smem:$0x7FF] =	sst s4;
	s2 =	sand.u32 $0x1, s2  }
0x6: {  	s13 =	smul.u32 $0xC800, s15;
	s5 =	sadd.s32 $0x1B200, s0;
	s6 =	sadd.s32 $0x39200, s0  }
0x7: {  	s7 =	sadd.s32 $0x2200, s0;
	s8 =	sadd.s32 $0x34200, s0;
	s9 =	sadd.s32 $0x51E00, s0  }
0x8: {  	s10 =	sadd.s32 $0x3E200, s0;
	s15 =	smul.u32 $0x9E, s15;
	_ =	strace $0x8000004A  }
0x9: {  	s11 =	smul.u32 $0x190000, s2;
	s12 =	ssub.s32 $0x0, s2;
	s14 =	ssub.s32 $0x2, s2  }
0xa: {  	p0 =	seq.s32 s2, $0x0;
	s16 =	sshrl.u32 s14, $0x1;
	s12 =	sand.u32 $0x78, s12  }
0xb: {  	s18 =	sadd.s32 $0x2800, s13;
	s21 =	sadd.s32 $0x5000, s13;
	s28 =	sadd.s32 s13, s3  }
0xc: {  	s11 =	sadd.s32 s13, s11;
	s14 =	ssub.s32 s14, s16;
	s20 =	sadd.s32 s18, s1  }
0xd: {  	s22 =	sadd.s32 s21, s1;
	s11 =	sshrl.u32 s11, $0x3;
	[dreg:$0xb] =	wrdreg s20  }
0xe: {  	s19 =	smax.u32 s14, $0x1;
	[dreg:$0xd] =	wrdreg s22;
	s0 =	sadd.s32 s11, s0  }
0xf: {  	s11 =	sadd.s32 s15, s12;
	[dreg:$0xa] =	wrdreg s19;
	s17 =	sadd.s32 $0x65A00, s0  }
0x10: {  	s23 =	sshll.u32 s11, $0x5;
	s0 =	sadd.s32 $0x7EA00, s0;
	[dreg:$0x8] =	wrdreg s17  }
0x11: {  	s14 =	simm.s32 $0x80;
	s24 =	sadd.s32 s9, s23;
	[dreg:$0x9] =	wrdreg s0  }
0x12: {  	s12 =	simm.s32 $0x78;
	s2 =	sadd.s32 s10, s23;
	[dreg:$0x4] =	wrdreg s24  }
0x13: {  	s25 =	sor.u32 $0x20, s23;
	s0 =	sadd.s32 s18, s3;
	[dreg:$0x6] =	wrdreg s2  }
0x14: {  	s19 =	simm.s32 $0x3;
	s26 =	sadd.s32 s9, s25;
	[dreg:$0xc] =	wrdreg s0  }
0x15: {  	s12 =	simm.s32 @!p0 $0x26;
	s16 =	sadd.s32 s10, s25;
	[dreg:$0x5] =	wrdreg s26  }
0x16: {  	s23 =	sadd.s32 $0x7800, s13;
	s2 =	sadd.s32 s21, s3;
	[dreg:$0x7] =	wrdreg s16  }
0x17: {  	s17 =	simm.s32 $0x19100;
	s24 =	sadd.s32 s23, s1;
	[dreg:$0xe] =	wrdreg s2  }
0x18: {  	s18 =	simm.s32 $0x2;
	s0 =	sadd.s32 s23, s3;
	[dreg:$0xf] =	wrdreg s24  }
0x19: {  	s25 =	sadd.s32 $0xA000, s13;
	[dreg:$0x10] =	wrdreg s0;
	s26 =	sadd.s32 s13, s1  }
0x1a: {  	s29 =	sadd.s32 s25, s1;
	s30 =	sadd.s32 s25, s3;
	s0 =	simm.s32 $0x4  }
0x1b: {  	v0 =	vimm.f32 $0.0e+00;
	s2 =	simm.s32 $0x19000;
	s13 =	simm.s32 $0x1;
	s16 =	simm.s32 $0x1E300  }
.LBB2_1:
0x1c: {  	s20 =	simm.s32 $0x140;
	s15 =	simm.s32 $0x0  }
.LBB2_2:
0x1d: {  	p0 =	sne.s32 s20, $0x9EC0;
	[tilespmem:s15+$0x19340] =	vst v0;
	s21 =	smov.u32 s20;
	s20 =	sadd.s32 $0x140, s20  }
.Ltmp0:
0x1e: {  	[tilespmem:s15+$0x19330] =	vst v0;
	(pc) =	sbr.rel @p0 .LBB2_2-.Ltmp0, $4  }
0x1f: {  	[tilespmem:s15+$0x19320] =	vst v0  }
0x20: {  	[tilespmem:s15+$0x19300] =	vst v0  }
0x21: {  	[tilespmem:s15+$0x19310] =	vst v0  }
0x22: {  	s15 =	sshra.s32 s21, $0x2  }
0x23: {  	[tilespmem:s15+$0x19340] =	vst v0  }
0x24: {  	[tilespmem:s15+$0x19330] =	vst v0  }
0x25: {  	[tilespmem:s15+$0x19320] =	vst v0  }
0x26: {  	[tilespmem:s15+$0x19300] =	vst v0  }
0x27: {  	[tilespmem:s15+$0x19310] =	vst v0  }
0x28: {  	[spmem:s26] =	stream.linear.scatter [tilespmem:s31], [sflag:$0x4], $0x2800, $0x38;
	[tilespmem:$0x1F300] =	vst v63  }
0x29: {  	_ =	swait.ge [sflag:s0], $0x2800  }
0x2a: {  	[sflag:s0] =	ssyncset.done $0x0  }
0x2b: {  	[sflag:s0] =	ssyncadd.s32 $0xFFFFD800  }
0x2c: {  	[spmem:s28] =	stream.linear.scatter [tilespmem:s31], [sflag:$0x4], $0x2800, $0x38;
	[tilespmem:$0x1F300] =	vst v63  }
0x2d: {  	_ =	swait.ge [sflag:s0], $0x2800  }
0x2e: {  	[sflag:s0] =	ssyncset.done $0x0  }
0x2f: {  	s23 =	rddreg [dreg:$0xb];
	[sflag:s0] =	ssyncadd.s32 $0xFFFFD800  }
0x30: {  	[spmem:s23] =	stream.linear.scatter [tilespmem:s31], [sflag:$0x4], $0x2800, $0x38;
	[tilespmem:$0x1F300] =	vst v63  }
0x31: {  	_ =	swait.ge [sflag:s0], $0x2800  }
0x32: {  	[sflag:s0] =	ssyncset.done $0x0  }
0x33: {  	s24 =	rddreg [dreg:$0xc];
	[sflag:s0] =	ssyncadd.s32 $0xFFFFD800  }
0x34: {  	[spmem:s24] =	stream.linear.scatter [tilespmem:s31], [sflag:$0x4], $0x2800, $0x38;
	[tilespmem:$0x1F300] =	vst v63  }
0x35: {  	_ =	swait.ge [sflag:s0], $0x2800  }
0x36: {  	[sflag:s0] =	ssyncset.done $0x0  }
0x37: {  	s25 =	rddreg [dreg:$0xd];
	[sflag:s0] =	ssyncadd.s32 $0xFFFFD800  }
0x38: {  	[spmem:s25] =	stream.linear.scatter [tilespmem:s31], [sflag:$0x4], $0x2800, $0x38;
	[tilespmem:$0x1F300] =	vst v63  }
0x39: {  	_ =	swait.ge [sflag:s0], $0x2800  }
0x3a: {  	[sflag:s0] =	ssyncset.done $0x0  }
0x3b: {  	s20 =	rddreg [dreg:$0xe];
	[sflag:s0] =	ssyncadd.s32 $0xFFFFD800  }
0x3c: {  	[spmem:s20] =	stream.linear.scatter [tilespmem:s31], [sflag:$0x4], $0x2800, $0x38;
	[tilespmem:$0x1F300] =	vst v63  }
0x3d: {  	_ =	swait.ge [sflag:s0], $0x2800  }
0x3e: {  	[sflag:s0] =	ssyncset.done $0x0  }
0x3f: {  	s21 =	rddreg [dreg:$0xf];
	[sflag:s0] =	ssyncadd.s32 $0xFFFFD800  }
0x40: {  	[spmem:s21] =	stream.linear.scatter [tilespmem:s31], [sflag:$0x4], $0x2800, $0x38;
	[tilespmem:$0x1F300] =	vst v63  }
0x41: {  	_ =	swait.ge [sflag:s0], $0x2800  }
0x42: {  	[sflag:s0] =	ssyncset.done $0x0  }
0x43: {  	s22 =	rddreg [dreg:$0x10];
	[sflag:s0] =	ssyncadd.s32 $0xFFFFD800  }
0x44: {  	[spmem:s22] =	stream.linear.scatter [tilespmem:s31], [sflag:$0x4], $0x2800, $0x38;
	[tilespmem:$0x1F300] =	vst v63  }
0x45: {  	_ =	swait.ge [sflag:s0], $0x2800  }
0x46: {  	[sflag:s0] =	ssyncset.done $0x0  }
0x47: {  	[sflag:s0] =	ssyncadd.s32 $0xFFFFD800  }
0x48: {  	[spmem:s29] =	stream.linear.scatter [tilespmem:s31], [sflag:$0x4], $0x2800, $0x38;
	[tilespmem:$0x1F300] =	vst v63  }
0x49: {  	_ =	swait.ge [sflag:s0], $0x2800  }
0x4a: {  	[sflag:s0] =	ssyncset.done $0x0  }
0x4b: {  	[sflag:s0] =	ssyncadd.s32 $0xFFFFD800  }
0x4c: {  	[spmem:s30] =	stream.linear.scatter [tilespmem:s31], [sflag:$0x4], $0x2800, $0x38;
	[tilespmem:$0x1F300] =	vst v63  }
0x4d: {  	_ =	swait.ge [sflag:s0], $0x2800  }
0x4e: {  	[sflag:s0] =	ssyncset.done $0x0  }
0x4f: {  	[sflag:s0] =	ssyncadd.s32 $0xFFFFD800  }
0x50: {  	[bflag:$0x0] =	sbarrier.arrive $0xFFFF  }
0x51: {  	s20 =	simm.s32 $0x0;
	s23 =	rddreg [dreg:$0x4]  }
0x52: {  	[tilespmem:s2], [sflag:$0x1] =	stream.linear.gather [hbm4b:s23+s20], $0x100, $0x38;
	[tilespmem:$0x1F300] =	vst v63  }
0x53: {  	_ =	swait.ge [sflag:s13], $0x100  }
0x54: {  	[sflag:s13] =	ssyncset.done $0x0  }
0x55: {  	[sflag:s13] =	ssyncadd.s32 $0xFFFFFF00  }
0x56: {  	[tilespmem:s31], [sflag:$0x2] =	stream.indirect.gather [hbm4b:s5+s14], $0x50, s2, s14, $0xb8;
	[tilespmem:$0x1F300] =	vst v63  }
0x57: {  	s24 =	simm.s32 $0x19080  }
0x58: {  	[tilespmem:s16], [sflag:$0x2] =	stream.indirect.gather [hbm4b:s6+s14], $0x10, s24, s14, $0xb8;
	[tilespmem:$0x1F300] =	vst v63  }
0x59: {  	p0 =	por $0x0, $0x0;
	s25 =	rddreg [dreg:$0x5]  }
0x5a: {  	[tilespmem:s17], [sflag:$0x1] =	stream.linear.gather [hbm4b:s25+s20], $0x100, $0x38;
	[tilespmem:$0x1F300] =	vst v63  }
.LBB2_4:
0x5b: {  	_ =	swait.ge [sflag:s18], $0x2800  }
0x5c: {  	[sflag:s18] =	ssyncset.done $0x0  }
0x5d: {  	[sflag:s18] =	ssyncadd.s32 $0xFFFFD800  }
0x5e: {  	_ =	swait.ge [sflag:s18], $0x800  }
0x5f: {  	p2 =	seq.s32 s20, $0x0;
	s21 =	sadd.s32 $0x1, s20;
	[sflag:s18] =	ssyncset.done $0x0  }
0x60: {  	s15 =	simm.s32 @!p2 $0x3;
	p1 =	sge.u32 s21, s12;
	[sflag:s18] =	ssyncadd.s32 $0xFFFFF800  }
0x61: {  	s22 =	smulhi.u32 @!p1 $0xAAAAAAAB, s21;
	_ =	swait.ge @!p2 [sflag:s15], $0x2800  }
0x62: {  	[sflag:s15] =	ssyncset.done @!p2 $0x0  }
0x63: {  	[sflag:s15] =	ssyncadd.s32 @!p2 $0xFFFFD800;
	s15 =	sshrl.u32 @!p1 s22, $0x1  }
0x64: {  	s23 =	sand.u32 @!p1 $0x1, s21;
	s22 =	simm.s32 @!p1 $0x1;
	s15 =	smul.u32 @!p1 $0x3, s15  }
0x65: {  	s24 =	smul.u32 @!p1 $0xA000, s23;
	_ =	swait.ge @!p1 [sflag:s22], $0x100  }
0x66: {  	[sflag:s22] =	ssyncset.done @!p1 $0x0;
	s15 =	ssub.s32 @!p1 s21, s15  }
0x67: {  	[sflag:s22] =	ssyncadd.s32 @!p1 $0xFFFFFF00;
	s22 =	sshrl.u32 @!p1 s24, $0x2;
	s15 =	sshll.u32 @!p1 s15, $0x8  }
0x68: {  	s25 =	simm.s32 @!p1 $0x80;
	s22 =	sadd.s32 @!p1 $0x19300, s22;
	s24 =	sor.u32 @!p1 $0x19000, s15  }
0x69: {  	[tilespmem:s22], [sflag:$0x2] =	stream.indirect.gather @!p1 [hbm4b:s5+s25], $0x50, s24, s25, $0xb8;
	[tilespmem:$0x1F300] =	vst v63  }
0x6a: {  	s22 =	sshll.u32 @!p1 s23, $0xB  }
0x6b: {  	s15 =	sor.u32 @!p1 $0x19080, s15;
	s22 =	sor.u32 @!p1 $0x1E300, s22  }
0x6c: {  	[tilespmem:s22], [sflag:$0x2] =	stream.indirect.gather @!p1 [hbm4b:s6+s25], $0x10, s15, s25, $0xb8;
	[tilespmem:$0x1F300] =	vst v63  }
0x6d: {  	s15 =	sadd.s32 $0x2, s20  }
0x6e: {  	p1 =	sge.u32 s15, s12  }
0x6f: {  	s22 =	simm.s32 $0x1;
	s23 =	smulhi.u32 @!p1 $0xAAAAAAAB, s15  }
0x70: {  	s22 =	simm.s32 @!p0 $0x0  }
0x71: {  	s24 =	smul.u32 $0xA000, s22;
	s23 =	sshrl.u32 @!p1 s23, $0x1  }
0x72: {  	s23 =	smul.u32 @!p1 $0x3, s23  }
0x73: {  	s25 =	sshll.u32 s22, $0xB;
	s22 =	sadd.s32 @!p1 s11, s15  }
0x74: {  	s24 =	sshrl.u32 s24, $0x2;
	s15 =	ssub.s32 @!p1 s15, s23;
	s23 =	sshll.u32 @!p1 s22, $0x5  }
0x75: {  	s22 =	sadd.s32 $0x193A0, s24;
	s15 =	sshll.u32 @!p1 s15, $0x8;
	s23 =	sand.u32 @!p1 $0x1FFFFFE0, s23  }
0x76: {  	s24 =	simm.s32 @!p1 $0x0;
	s15 =	sor.u32 @!p1 $0x19000, s15;
	s23 =	sadd.s32 @!p1 s9, s23  }
0x77: {  	[tilespmem:s15], [sflag:$0x1] =	stream.linear.gather @!p1 [hbm4b:s23+s24], $0x100, $0x38;
	[tilespmem:$0x1F300] =	vst v63  }
0x78: {  	s23 =	sor.u32 $0x1E320, s25;
	v1 =	vld [tilespmem:s22+$0x90]  }
0x79: {  	v2 =	vld [tilespmem:s23+$0x10];
	_ =	sdelay $0x3  }
0x7a: {  	v5 =	vld [tilespmem:s23+$0xFFFFFFE0]  }
0x7b: {  	v7 =	vld [tilespmem:s22+$0xFFFFFFF0];
	v3 =	vadd.f32 v2, v1  }
0x7c: {  	v8 =	vld [tilespmem:s23+$0xFFFFFFF0]  }
0x7d: {  	v9 =	vld [tilespmem:s22+$0x40];
	v4 =	vmul.f32 $2.000000030e-01, v3  }
0x7e: {  	v10 =	vld [tilespmem:s23+$0x0]  }
0x7f: {  	v12 =	vld [tilespmem:s22+$0xFFFFFFA0];
	v4 =	vmax.f32 v3, v4  }
0x80: {  	v11 =	vmul.f32 $1.442695020e+00, v4  }
0x81: {  	v6 =	vld [tilespmem:s22+$0xFFFFFFB0]  }
0x82: {  	v14 =	vld [tilespmem:s22+$0xFFFFFFD0];
	v8 =	vadd.f32 v8, v7;
	(erf) = vpow2.f32 v11  }
0x83: {  	v13 =	vld [tilespmem:s22+$0x10]  }
0x84: {  	v17 =	vld [tilespmem:s22+$0x80];
	v10 =	vadd.f32 v10, v9;
	v5 =	vadd.f32 v5, v12;
	v15 =	vmul.f32 $2.000000030e-01, v8  }
0x85: {  	v16 =	vld [tilespmem:s22+$0x30]  }
0x86: {  	v1 =	vld [tilespmem:s22+$0xFFFFFF60];
	v12 =	vmul.f32 $2.000000030e-01, v10;
	v8 =	vmax.f32 v8, v15;
	v15 =	vmul.f32 $2.000000030e-01, v5  }
0x87: {  	v2 =	vld [tilespmem:s22+$0xFFFFFF70];
	v8 =	vmul.f32 $1.442695020e+00, v8  }
0x88: {  	v7 =	vld [tilespmem:s22+$0xFFFFFFE0];
	v12 =	vmax.f32 v10, v12;
	v5 =	vmax.f32 v5, v15  }
0x89: {  	v9 =	vld [tilespmem:s22+$0x0];
	v15 =	vmul.f32 $1.442695020e+00, v12;
	(erf) = vpow2.f32 v8  }
0x8a: {  	v3 =	vld [tilespmem:s22+$0xFFFFFF80];
	v18 =	vmul.f32 $1.442695020e+00, v5  }
0x8b: {  	v10 =	vld [tilespmem:s22+$0x20];
	v5 =	vpop (erf);
	(erf) = vpow2.f32 v15  }
0x8c: {  	s25 =	sand.u32 $0x1, s20;
	v4 =	vld [tilespmem:s22+$0xFFFFFF90];
	(erf) = vpow2.f32 v18  }
0x8d: {  	s15 =	smul.u32 $0xA000, s25;
	v12 =	vld [tilespmem:s22+$0x50]  }
0x8e: {  	v11 =	vld [tilespmem:s22+$0xFFFFFFC0]  }
0x8f: {  	s15 =	sshrl.u32 s15, $0x2;
	v8 =	vld [tilespmem:s22+$0x60]  }
0x90: {  	s25 =	simm.s32 $0x0;
	s24 =	sadd.s32 $0x19300, s15;
	s15 =	sadd.s32 $0x140, s22;
	v15 =	vld [tilespmem:s22+$0x70];
	[tilespmem:s22+$0x90] =	vst v5;
	v17 =	vmul.f32 v17, v5  }
.LBB2_5:
0x91: {  	v18 =	vld [tilespmem:s15+$0x90];
	s23 =	sadd.s32 $0x40, s23  }
0x92: {  	s25 =	sadd.s32 $0x4, s25;
	v19 =	vld [tilespmem:s23+$0x10];
	[tilespmem:s22+$0x80] =	vst v17;
	v17 =	vpop (erf)  }
0x93: {  	p1 =	slt.u32 s25, $0x7C;
	v20 =	vld [tilespmem:s23+$0xFFFFFFE0];
	[tilespmem:s22+$0xFFFFFFF0] =	vst v17;
	v6 =	vmul.f32 v17, v6;
	v11 =	vmul.f32 v17, v11  }
0x94: {  	v14 =	vmul.f32 v14, v17;
	v7 =	vmul.f32 v7, v17;
	v21 =	vld [tilespmem:s15+$0xFFFFFFF0];
	v17 =	vpop (erf)  }
0x95: {  	v22 =	vld [tilespmem:s23+$0xFFFFFFF0];
	[tilespmem:s22+$0xFFFFFFB0] =	vst v6;
	v9 =	vmul.f32 v17, v9;
	v13 =	vmul.f32 v17, v13;
	v23 =	vpop (erf)  }
0x96: {  	v6 =	vld [tilespmem:s15+$0x40];
	v1 =	vmul.f32 v23, v1;
	v2 =	vmul.f32 v23, v2;
	[tilespmem:s22+$0xFFFFFFC0] =	vst v11  }
0x97: {  	v3 =	vmul.f32 v3, v23;
	v4 =	vmul.f32 v4, v23;
	v11 =	vld [tilespmem:s23+$0x0];
	v18 =	vadd.f32 v19, v18;
	[tilespmem:s22+$0xFFFFFFD0] =	vst v14  }
0x98: {  	v10 =	vmul.f32 v10, v17;
	v16 =	vmul.f32 v16, v17;
	v14 =	vld [tilespmem:s15+$0xFFFFFFA0];
	[tilespmem:s22+$0xFFFFFF60] =	vst v1  }
0x99: {  	v12 =	vmul.f32 v5, v12;
	v1 =	vld [tilespmem:s15+$0xFFFFFF60];
	v19 =	vmul.f32 $2.000000030e-01, v18;
	[tilespmem:s22+$0xFFFFFF70] =	vst v2  }
0x9a: {  	v8 =	vmul.f32 v5, v8;
	v5 =	vmul.f32 v15, v5;
	v2 =	vld [tilespmem:s15+$0xFFFFFF70];
	v21 =	vadd.f32 v22, v21;
	[tilespmem:s22+$0xFFFFFF80] =	vst v3  }
0x9b: {  	v3 =	vld [tilespmem:s15+$0xFFFFFF80];
	v15 =	vmax.f32 v18, v19;
	[tilespmem:s22+$0xFFFFFF90] =	vst v4  }
0x9c: {  	v4 =	vld [tilespmem:s15+$0xFFFFFF90];
	v18 =	vmul.f32 $2.000000030e-01, v21;
	v19 =	vadd.f32 v11, v6;
	v15 =	vmul.f32 $1.442695020e+00, v15;
	[tilespmem:s22+$0xFFFFFFE0] =	vst v7  }
0x9d: {  	v20 =	vadd.f32 v20, v14;
	v6 =	vld [tilespmem:s15+$0xFFFFFFB0];
	[tilespmem:s22+$0x0] =	vst v9  }
0x9e: {  	v7 =	vmax.f32 v21, v18;
	v11 =	vld [tilespmem:s15+$0xFFFFFFC0];
	v9 =	vmul.f32 $2.000000030e-01, v19;
	(erf) = vpow2.f32 v15;
	[tilespmem:s22+$0x10] =	vst v13  }
0x9f: {  	v13 =	vmul.f32 $2.000000030e-01, v20;
	v15 =	vmul.f32 $1.442695020e+00, v7;
	v14 =	vld [tilespmem:s15+$0xFFFFFFD0];
	[tilespmem:s22+$0x20] =	vst v10  }
0xa0: {  	v7 =	vld [tilespmem:s15+$0xFFFFFFE0];
	v9 =	vmax.f32 v19, v9;
	[tilespmem:s22+$0x30] =	vst v16  }
0xa1: {  	v10 =	vmax.f32 v20, v13;
	v16 =	vmul.f32 $1.442695020e+00, v9;
	v9 =	vld [tilespmem:s15+$0x0];
	(erf) = vpow2.f32 v15;
	[tilespmem:s22+$0x50] =	vst v12  }
0xa2: {  	v12 =	vmul.f32 $1.442695020e+00, v10;
	v13 =	vld [tilespmem:s15+$0x10];
	[tilespmem:s22+$0x60] =	vst v8  }
0xa3: {  	v18 =	vld [tilespmem:s15+$0x80];
	(erf) = vpow2.f32 v16;
	[tilespmem:s22+$0x70] =	vst v5  }
.Ltmp1:
0xa4: {  	v10 =	vld [tilespmem:s15+$0x20];
	(erf) = vpow2.f32 v12;
	[tilespmem:s22+$0xFFFFFFA0] =	vst v23;
	(pc) =	sbr.rel @p1 .LBB2_5-.Ltmp1, $4  }
0xa5: {  	v16 =	vld [tilespmem:s15+$0x30];
	[tilespmem:s22+$0x40] =	vst v17;
	s22 =	smov.u32 s15  }
0xa6: {  	v12 =	vld [tilespmem:s15+$0x50]  }
0xa7: {  	v8 =	vld [tilespmem:s15+$0x60];
	v5 =	vpop (erf)  }
0xa8: {  	s15 =	sadd.s32 $0x140, s15;
	[tilespmem:s22+$0x90] =	vst v5;
	v15 =	vld [tilespmem:s22+$0x70];
	v17 =	vmul.f32 v18, v5  }
0xa9: {  	_ = 	snop  }
0xaa: {  	v18 =	vpop (erf)  }
0xab: {  	[tilespmem:s22+$0x80] =	vst v17;
	v6 =	vmul.f32 v18, v6  }
0xac: {  	[tilespmem:s22+$0xFFFFFFF0] =	vst v18;
	v11 =	vmul.f32 v18, v11  }
0xad: {  	v14 =	vmul.f32 v14, v18;
	[tilespmem:s22+$0xFFFFFFB0] =	vst v6  }
0xae: {  	v62 =	vpop (erf);
	[tilespmem:s22+$0xFFFFFFC0] =	vst v11  }
0xaf: {  	v63 =	vpop (erf);
	[tilespmem:s22+$0xFFFFFFD0] =	vst v14  }
0xb0: {  	[tilespmem:s22+$0x40] =	vst v62;
	v1 =	vmul.f32 v63, v1  }
0xb1: {  	v2 =	vmul.f32 v63, v2;
	[tilespmem:s22+$0xFFFFFFA0] =	vst v63  }
0xb2: {  	v3 =	vmul.f32 v3, v63;
	[tilespmem:s22+$0xFFFFFF60] =	vst v1  }
0xb3: {  	v1 =	vmul.f32 v4, v63;
	[tilespmem:s22+$0xFFFFFF70] =	vst v2  }
0xb4: {  	v2 =	vmul.f32 v7, v18;
	[tilespmem:s22+$0xFFFFFF80] =	vst v3  }
0xb5: {  	v3 =	vmul.f32 v62, v9;
	[tilespmem:s22+$0xFFFFFF90] =	vst v1  }
0xb6: {  	s15 =	smulhi.u32 $0xAAAAAAAB, s20;
	v1 =	vmul.f32 v62, v13;
	[tilespmem:s22+$0xFFFFFFE0] =	vst v2  }
0xb7: {  	v2 =	vmul.f32 v10, v62;
	[tilespmem:s22+$0x0] =	vst v3  }
0xb8: {  	s15 =	sshrl.u32 s15, $0x1;
	v3 =	vmul.f32 v16, v62;
	[tilespmem:s22+$0x10] =	vst v1  }
0xb9: {  	p1 =	sne.s32 s21, s12;
	s15 =	smul.u32 $0x3, s15;
	v1 =	vmul.f32 v5, v12;
	[tilespmem:s22+$0x20] =	vst v2  }
.Ltmp2:
0xba: {  	v2 =	vmul.f32 v5, v8;
	[tilespmem:s22+$0x30] =	vst v3;
	(pc) =	sbr.rel @p1 .LBB2_4-.Ltmp2, $4  }
0xbb: {  	s15 =	ssub.s32 s20, s15;
	v3 =	vmul.f32 v15, v5;
	[tilespmem:s22+$0x50] =	vst v1  }
0xbc: {  	s15 =	sshll.u32 s15, $0x8;
	[tilespmem:s22+$0x60] =	vst v2  }
0xbd: {  	p0 =	por !p0, !p0;
	s20 =	smov.u32 s21;
	s15 =	sor.u32 $0x19080, s15;
	[tilespmem:s22+$0x70] =	vst v3  }
0xbe: {  	[spmem:s1] =	stream.indirect.scatter.add.f32 [tilespmem:s24], [sflag:$0x3], $0x50, s15, s14, $0xb8;
	[tilespmem:$0x1F300] =	vst v63  }
0xbf: {  	_ =	swait.ge [sflag:s19], $0x2800  }
0xc0: {  	[sflag:s19] =	ssyncset.done $0x0  }
0xc1: {  	s20 =	simm.s32 $0x0;
	s15 =	rddreg [dreg:$0x6];
	[sflag:s19] =	ssyncadd.s32 $0xFFFFD800  }
0xc2: {  	[tilespmem:s2], [sflag:$0x1] =	stream.linear.gather [hbm4b:s15+s20], $0x100, $0x38;
	[tilespmem:$0x1F300] =	vst v63  }
0xc3: {  	_ =	swait.ge [sflag:s13], $0x100  }
0xc4: {  	[sflag:s13] =	ssyncset.done $0x0  }
0xc5: {  	[sflag:s13] =	ssyncadd.s32 $0xFFFFFF00  }
0xc6: {  	[tilespmem:s31], [sflag:$0x2] =	stream.indirect.gather [hbm4b:s7+s14], $0x50, s2, s14, $0xb8;
	[tilespmem:$0x1F300] =	vst v63  }
0xc7: {  	s24 =	simm.s32 $0x19080  }
0xc8: {  	[tilespmem:s16], [sflag:$0x2] =	stream.indirect.gather [hbm4b:s8+s14], $0x10, s24, s14, $0xb8;
	[tilespmem:$0x1F300] =	vst v63  }
0xc9: {  	p0 =	por $0x0, $0x0;
	s25 =	rddreg [dreg:$0x7]  }
0xca: {  	[tilespmem:s17], [sflag:$0x1] =	stream.linear.gather [hbm4b:s25+s20], $0x100, $0x38;
	[tilespmem:$0x1F300] =	vst v63  }
.LBB2_8:
0xcb: {  	_ =	swait.ge [sflag:s18], $0x2800  }
0xcc: {  	[sflag:s18] =	ssyncset.done $0x0  }
0xcd: {  	[sflag:s18] =	ssyncadd.s32 $0xFFFFD800  }
0xce: {  	_ =	swait.ge [sflag:s18], $0x800  }
0xcf: {  	p2 =	seq.s32 s20, $0x0;
	s21 =	sadd.s32 $0x1, s20;
	[sflag:s18] =	ssyncset.done $0x0  }
0xd0: {  	s15 =	simm.s32 @!p2 $0x3;
	p1 =	sge.u32 s21, s12;
	[sflag:s18] =	ssyncadd.s32 $0xFFFFF800  }
0xd1: {  	s22 =	smulhi.u32 @!p1 $0xAAAAAAAB, s21;
	_ =	swait.ge @!p2 [sflag:s15], $0x2800  }
0xd2: {  	[sflag:s15] =	ssyncset.done @!p2 $0x0  }
0xd3: {  	[sflag:s15] =	ssyncadd.s32 @!p2 $0xFFFFD800;
	s15 =	sshrl.u32 @!p1 s22, $0x1  }
0xd4: {  	s23 =	sand.u32 @!p1 $0x1, s21;
	s22 =	simm.s32 @!p1 $0x1;
	s15 =	smul.u32 @!p1 $0x3, s15  }
0xd5: {  	s24 =	smul.u32 @!p1 $0xA000, s23;
	_ =	swait.ge @!p1 [sflag:s22], $0x100  }
0xd6: {  	[sflag:s22] =	ssyncset.done @!p1 $0x0;
	s15 =	ssub.s32 @!p1 s21, s15  }
0xd7: {  	[sflag:s22] =	ssyncadd.s32 @!p1 $0xFFFFFF00;
	s22 =	sshrl.u32 @!p1 s24, $0x2;
	s15 =	sshll.u32 @!p1 s15, $0x8  }
0xd8: {  	s25 =	simm.s32 @!p1 $0x80;
	s22 =	sadd.s32 @!p1 $0x19300, s22;
	s24 =	sor.u32 @!p1 $0x19000, s15  }
0xd9: {  	[tilespmem:s22], [sflag:$0x2] =	stream.indirect.gather @!p1 [hbm4b:s7+s25], $0x50, s24, s25, $0xb8;
	[tilespmem:$0x1F300] =	vst v63  }
0xda: {  	s22 =	sshll.u32 @!p1 s23, $0xB  }
0xdb: {  	s15 =	sor.u32 @!p1 $0x19080, s15;
	s22 =	sor.u32 @!p1 $0x1E300, s22  }
0xdc: {  	[tilespmem:s22], [sflag:$0x2] =	stream.indirect.gather @!p1 [hbm4b:s8+s25], $0x10, s15, s25, $0xb8;
	[tilespmem:$0x1F300] =	vst v63  }
0xdd: {  	s15 =	sadd.s32 $0x2, s20  }
0xde: {  	p1 =	sge.u32 s15, s12  }
0xdf: {  	s22 =	simm.s32 $0x1;
	s23 =	smulhi.u32 @!p1 $0xAAAAAAAB, s15  }
0xe0: {  	s22 =	simm.s32 @!p0 $0x0  }
0xe1: {  	s24 =	smul.u32 $0xA000, s22;
	s23 =	sshrl.u32 @!p1 s23, $0x1  }
0xe2: {  	s23 =	smul.u32 @!p1 $0x3, s23  }
0xe3: {  	s25 =	sshll.u32 s22, $0xB;
	s22 =	sadd.s32 @!p1 s11, s15  }
0xe4: {  	s24 =	sshrl.u32 s24, $0x2;
	s15 =	ssub.s32 @!p1 s15, s23;
	s23 =	sshll.u32 @!p1 s22, $0x5  }
0xe5: {  	s22 =	sadd.s32 $0x193A0, s24;
	s15 =	sshll.u32 @!p1 s15, $0x8;
	s23 =	sand.u32 @!p1 $0x1FFFFFE0, s23  }
0xe6: {  	s24 =	simm.s32 @!p1 $0x0;
	s15 =	sor.u32 @!p1 $0x19000, s15;
	s23 =	sadd.s32 @!p1 s10, s23  }
0xe7: {  	[tilespmem:s15], [sflag:$0x1] =	stream.linear.gather @!p1 [hbm4b:s23+s24], $0x100, $0x38;
	[tilespmem:$0x1F300] =	vst v63  }
0xe8: {  	s23 =	sor.u32 $0x1E320, s25;
	v1 =	vld [tilespmem:s22+$0x90]  }
0xe9: {  	v2 =	vld [tilespmem:s23+$0x10];
	_ =	sdelay $0x3  }
0xea: {  	v5 =	vld [tilespmem:s23+$0xFFFFFFE0]  }
0xeb: {  	v7 =	vld [tilespmem:s22+$0xFFFFFFF0];
	v3 =	vadd.f32 v2, v1  }
0xec: {  	v8 =	vld [tilespmem:s23+$0xFFFFFFF0]  }
0xed: {  	v9 =	vld [tilespmem:s22+$0x40];
	v4 =	vmul.f32 $2.000000030e-01, v3  }
0xee: {  	v10 =	vld [tilespmem:s23+$0x0]  }
0xef: {  	v12 =	vld [tilespmem:s22+$0xFFFFFFA0];
	v4 =	vmax.f32 v3, v4  }
0xf0: {  	v11 =	vmul.f32 $1.442695020e+00, v4  }
0xf1: {  	v6 =	vld [tilespmem:s22+$0xFFFFFFB0]  }
0xf2: {  	v14 =	vld [tilespmem:s22+$0xFFFFFFD0];
	v8 =	vadd.f32 v8, v7;
	(erf) = vpow2.f32 v11  }
0xf3: {  	v13 =	vld [tilespmem:s22+$0x10]  }
0xf4: {  	v17 =	vld [tilespmem:s22+$0x80];
	v10 =	vadd.f32 v10, v9;
	v5 =	vadd.f32 v5, v12;
	v15 =	vmul.f32 $2.000000030e-01, v8  }
0xf5: {  	v16 =	vld [tilespmem:s22+$0x30]  }
0xf6: {  	v1 =	vld [tilespmem:s22+$0xFFFFFF60];
	v12 =	vmul.f32 $2.000000030e-01, v10;
	v8 =	vmax.f32 v8, v15;
	v15 =	vmul.f32 $2.000000030e-01, v5  }
0xf7: {  	v2 =	vld [tilespmem:s22+$0xFFFFFF70];
	v8 =	vmul.f32 $1.442695020e+00, v8  }
0xf8: {  	v7 =	vld [tilespmem:s22+$0xFFFFFFE0];
	v12 =	vmax.f32 v10, v12;
	v5 =	vmax.f32 v5, v15  }
0xf9: {  	v9 =	vld [tilespmem:s22+$0x0];
	v15 =	vmul.f32 $1.442695020e+00, v12;
	(erf) = vpow2.f32 v8  }
0xfa: {  	v3 =	vld [tilespmem:s22+$0xFFFFFF80];
	v18 =	vmul.f32 $1.442695020e+00, v5  }
0xfb: {  	v10 =	vld [tilespmem:s22+$0x20];
	v5 =	vpop (erf);
	(erf) = vpow2.f32 v15  }
0xfc: {  	s25 =	sand.u32 $0x1, s20;
	v4 =	vld [tilespmem:s22+$0xFFFFFF90];
	(erf) = vpow2.f32 v18  }
0xfd: {  	s15 =	smul.u32 $0xA000, s25;
	v12 =	vld [tilespmem:s22+$0x50]  }
0xfe: {  	v11 =	vld [tilespmem:s22+$0xFFFFFFC0]  }
0xff: {  	s15 =	sshrl.u32 s15, $0x2;
	v8 =	vld [tilespmem:s22+$0x60]  }
0x100: {  	s25 =	simm.s32 $0x0;
	s24 =	sadd.s32 $0x19300, s15;
	s15 =	sadd.s32 $0x140, s22;
	v15 =	vld [tilespmem:s22+$0x70];
	[tilespmem:s22+$0x90] =	vst v5;
	v17 =	vmul.f32 v17, v5  }
.LBB2_9:
0x101: {  	v18 =	vld [tilespmem:s15+$0x90];
	s23 =	sadd.s32 $0x40, s23  }
0x102: {  	s25 =	sadd.s32 $0x4, s25;
	v19 =	vld [tilespmem:s23+$0x10];
	[tilespmem:s22+$0x80] =	vst v17;
	v17 =	vpop (erf)  }
0x103: {  	p1 =	slt.u32 s25, $0x7C;
	v20 =	vld [tilespmem:s23+$0xFFFFFFE0];
	[tilespmem:s22+$0xFFFFFFF0] =	vst v17;
	v6 =	vmul.f32 v17, v6;
	v11 =	vmul.f32 v17, v11  }
0x104: {  	v14 =	vmul.f32 v14, v17;
	v7 =	vmul.f32 v7, v17;
	v21 =	vld [tilespmem:s15+$0xFFFFFFF0];
	v17 =	vpop (erf)  }
0x105: {  	v22 =	vld [tilespmem:s23+$0xFFFFFFF0];
	[tilespmem:s22+$0xFFFFFFB0] =	vst v6;
	v9 =	vmul.f32 v17, v9;
	v13 =	vmul.f32 v17, v13;
	v23 =	vpop (erf)  }
0x106: {  	v6 =	vld [tilespmem:s15+$0x40];
	v1 =	vmul.f32 v23, v1;
	v2 =	vmul.f32 v23, v2;
	[tilespmem:s22+$0xFFFFFFC0] =	vst v11  }
0x107: {  	v3 =	vmul.f32 v3, v23;
	v4 =	vmul.f32 v4, v23;
	v11 =	vld [tilespmem:s23+$0x0];
	v18 =	vadd.f32 v19, v18;
	[tilespmem:s22+$0xFFFFFFD0] =	vst v14  }
0x108: {  	v10 =	vmul.f32 v10, v17;
	v16 =	vmul.f32 v16, v17;
	v14 =	vld [tilespmem:s15+$0xFFFFFFA0];
	[tilespmem:s22+$0xFFFFFF60] =	vst v1  }
0x109: {  	v12 =	vmul.f32 v5, v12;
	v1 =	vld [tilespmem:s15+$0xFFFFFF60];
	v19 =	vmul.f32 $2.000000030e-01, v18;
	[tilespmem:s22+$0xFFFFFF70] =	vst v2  }
0x10a: {  	v8 =	vmul.f32 v5, v8;
	v5 =	vmul.f32 v15, v5;
	v2 =	vld [tilespmem:s15+$0xFFFFFF70];
	v21 =	vadd.f32 v22, v21;
	[tilespmem:s22+$0xFFFFFF80] =	vst v3  }
0x10b: {  	v3 =	vld [tilespmem:s15+$0xFFFFFF80];
	v15 =	vmax.f32 v18, v19;
	[tilespmem:s22+$0xFFFFFF90] =	vst v4  }
0x10c: {  	v4 =	vld [tilespmem:s15+$0xFFFFFF90];
	v18 =	vmul.f32 $2.000000030e-01, v21;
	v19 =	vadd.f32 v11, v6;
	v15 =	vmul.f32 $1.442695020e+00, v15;
	[tilespmem:s22+$0xFFFFFFE0] =	vst v7  }
0x10d: {  	v20 =	vadd.f32 v20, v14;
	v6 =	vld [tilespmem:s15+$0xFFFFFFB0];
	[tilespmem:s22+$0x0] =	vst v9  }
0x10e: {  	v7 =	vmax.f32 v21, v18;
	v11 =	vld [tilespmem:s15+$0xFFFFFFC0];
	v9 =	vmul.f32 $2.000000030e-01, v19;
	(erf) = vpow2.f32 v15;
	[tilespmem:s22+$0x10] =	vst v13  }
0x10f: {  	v13 =	vmul.f32 $2.000000030e-01, v20;
	v15 =	vmul.f32 $1.442695020e+00, v7;
	v14 =	vld [tilespmem:s15+$0xFFFFFFD0];
	[tilespmem:s22+$0x20] =	vst v10  }
0x110: {  	v7 =	vld [tilespmem:s15+$0xFFFFFFE0];
	v9 =	vmax.f32 v19, v9;
	[tilespmem:s22+$0x30] =	vst v16  }
0x111: {  	v10 =	vmax.f32 v20, v13;
	v16 =	vmul.f32 $1.442695020e+00, v9;
	v9 =	vld [tilespmem:s15+$0x0];
	(erf) = vpow2.f32 v15;
	[tilespmem:s22+$0x50] =	vst v12  }
0x112: {  	v12 =	vmul.f32 $1.442695020e+00, v10;
	v13 =	vld [tilespmem:s15+$0x10];
	[tilespmem:s22+$0x60] =	vst v8  }
0x113: {  	v18 =	vld [tilespmem:s15+$0x80];
	(erf) = vpow2.f32 v16;
	[tilespmem:s22+$0x70] =	vst v5  }
.Ltmp3:
0x114: {  	v10 =	vld [tilespmem:s15+$0x20];
	(erf) = vpow2.f32 v12;
	[tilespmem:s22+$0xFFFFFFA0] =	vst v23;
	(pc) =	sbr.rel @p1 .LBB2_9-.Ltmp3, $4  }
0x115: {  	v16 =	vld [tilespmem:s15+$0x30];
	[tilespmem:s22+$0x40] =	vst v17;
	s22 =	smov.u32 s15  }
0x116: {  	v12 =	vld [tilespmem:s15+$0x50]  }
0x117: {  	v8 =	vld [tilespmem:s15+$0x60];
	v5 =	vpop (erf)  }
0x118: {  	s15 =	sadd.s32 $0x140, s15;
	[tilespmem:s22+$0x90] =	vst v5;
	v15 =	vld [tilespmem:s22+$0x70];
	v17 =	vmul.f32 v18, v5  }
0x119: {  	_ = 	snop  }
0x11a: {  	v18 =	vpop (erf)  }
0x11b: {  	[tilespmem:s22+$0x80] =	vst v17;
	v6 =	vmul.f32 v18, v6  }
0x11c: {  	[tilespmem:s22+$0xFFFFFFF0] =	vst v18;
	v11 =	vmul.f32 v18, v11  }
0x11d: {  	v14 =	vmul.f32 v14, v18;
	[tilespmem:s22+$0xFFFFFFB0] =	vst v6  }
0x11e: {  	v62 =	vpop (erf);
	[tilespmem:s22+$0xFFFFFFC0] =	vst v11  }
0x11f: {  	v63 =	vpop (erf);
	[tilespmem:s22+$0xFFFFFFD0] =	vst v14  }
0x120: {  	[tilespmem:s22+$0x40] =	vst v62;
	v1 =	vmul.f32 v63, v1  }
0x121: {  	v2 =	vmul.f32 v63, v2;
	[tilespmem:s22+$0xFFFFFFA0] =	vst v63  }
0x122: {  	v3 =	vmul.f32 v3, v63;
	[tilespmem:s22+$0xFFFFFF60] =	vst v1  }
0x123: {  	v1 =	vmul.f32 v4, v63;
	[tilespmem:s22+$0xFFFFFF70] =	vst v2  }
0x124: {  	v2 =	vmul.f32 v7, v18;
	[tilespmem:s22+$0xFFFFFF80] =	vst v3  }
0x125: {  	v3 =	vmul.f32 v62, v9;
	[tilespmem:s22+$0xFFFFFF90] =	vst v1  }
0x126: {  	s15 =	smulhi.u32 $0xAAAAAAAB, s20;
	v1 =	vmul.f32 v62, v13;
	[tilespmem:s22+$0xFFFFFFE0] =	vst v2  }
0x127: {  	v2 =	vmul.f32 v10, v62;
	[tilespmem:s22+$0x0] =	vst v3  }
0x128: {  	s15 =	sshrl.u32 s15, $0x1;
	v3 =	vmul.f32 v16, v62;
	[tilespmem:s22+$0x10] =	vst v1  }
0x129: {  	p1 =	sne.s32 s21, s12;
	s15 =	smul.u32 $0x3, s15;
	v1 =	vmul.f32 v5, v12;
	[tilespmem:s22+$0x20] =	vst v2  }
.Ltmp4:
0x12a: {  	v2 =	vmul.f32 v5, v8;
	[tilespmem:s22+$0x30] =	vst v3;
	(pc) =	sbr.rel @p1 .LBB2_8-.Ltmp4, $4  }
0x12b: {  	s15 =	ssub.s32 s20, s15;
	v3 =	vmul.f32 v15, v5;
	[tilespmem:s22+$0x50] =	vst v1  }
0x12c: {  	s15 =	sshll.u32 s15, $0x8;
	[tilespmem:s22+$0x60] =	vst v2  }
0x12d: {  	p0 =	por !p0, !p0;
	s20 =	smov.u32 s21;
	s15 =	sor.u32 $0x19080, s15;
	[tilespmem:s22+$0x70] =	vst v3  }
0x12e: {  	[spmem:s3] =	stream.indirect.scatter.add.f32 [tilespmem:s24], [sflag:$0x3], $0x50, s15, s14, $0xb8;
	[tilespmem:$0x1F300] =	vst v63  }
0x12f: {  	_ =	swait.ge [sflag:s19], $0x2800  }
0x130: {  	[sflag:s19] =	ssyncset.done $0x0  }
0x131: {  	s15 =	stileid.u32;
	[sflag:s19] =	ssyncadd.s32 $0xFFFFD800  }
0x132: {  	s15 =	sshll.u32 s15, $0x6;
	[bflag:$0x0] =	sbarrier.arrive $0xFFFF  }
0x133: {  	s20 =	sshrl.u32 s26, $0x3;
	s15 =	sor.u32 $0x1C04, s15;
	s21 =	rddreg [dreg:$0x8]  }
0x134: {  	[hbm:s21], [sflag:s15] =	dma.local [spmem:s20], $0x1900  }
0x135: {  	_ =	swait.ge [sflag:s0], $0x1900  }
0x136: {  	[sflag:s0] =	ssyncset.done $0x0  }
0x137: {  	s23 =	sshrl.u32 s28, $0x3;
	s24 =	rddreg [dreg:$0x9];
	[sflag:s0] =	ssyncadd.s32 $0xFFFFE700  }
0x138: {  	[hbm:s24], [sflag:s15] =	dma.local [spmem:s23], $0x1900  }
0x139: {  	_ =	swait.ge [sflag:s0], $0x1900  }
0x13a: {  	s4 =	sadd.s32 $0x1, s4;
	s25 =	rddreg [dreg:$0xa]  }
0x13b: {  	p0 =	sne.s32 s4, s25  }
.Ltmp5:
0x13c: {  	_ = 	snop;
	(pc) =	sbr.rel @p0 .LBB2_1-.Ltmp5, $3  }
0x13d: {  	_ =	sdelay $0x1  }
0x13e: {  	[sflag:s0] =	ssyncset.done $0x0  }
0x13f: {  	[sflag:s0] =	ssyncadd.s32 $0xFFFFE700  }
0x140: {  	_ =	sfence.sel $0x180000  }
0x141: {  	[bflag:$0x0] =	sbarrier.arrive $0xFFFF  }
0x142: {  	_ =	strace $0x9000004A  }
0x143: {  	s0 =	stileid.u32;
	[bflag:$0x2] =	sbarrier.arrive $0xFFFF  }
0x144: {  	p0 =	sne.s32 s0, $0x0;
	s0 =	rddreg [dreg:$0x3]  }
0x145: {  	s0 =	sadd.s32 @!p0 $0x100000, s0  }
0x146: {  	[sflag:s0] =	ssyncadd.tile.s32 @!p0 $0x1;
	_ =	shalt  }
.Lfunc_end2:
_tile_overlayer_lowered:
.L_overlay_start_2:
0x147: {  	(tag) =	ssettag $0x2  }
0x148: {  	s0 =	rddreg [dreg:$0x0];
	s2 =	stileid.u32  }
0x149: {  	s1 =	rddreg [dreg:$0x1];
	p0 =	sne.s32 s2, $0x0  }
0x14a: {  	s3 =	rddreg [dreg:$0x2];
	[bflag:$0x3] =	sbarrier.arrive $0xFFFF;
	s2 =	simm.s32 @!p0 $0x1C04  }
0x14b: {  	[timem:s3], [sflag:s2] =	dma.local @!p0 [hbm:s0], s1  }
0x14c: {  	s0 =	simm.s32 @!p0 $0x4  }
0x14d: {  	_ =	swait.ge @!p0 [sflag:s0], s1  }
0x14e: {  	s1 =	ssub.s32 @!p0 $0x0, s1;
	[sflag:s0] =	ssyncset.done @!p0 $0x0  }
0x14f: {  	[sflag:s0] =	ssyncadd.s32 @!p0 s1  }
0x150: {  	[bflag:$0x3] =	sbarrier.arrive $0xFFFF  }
0x151: {  	_ =	shalt  }

// kernel: kernel.9.cloned.1.call-start
scs
__scs_entry_jumppad:
0x0: {  	(pc) =	sbr.rel $0x88, $3  }
0x1: {  	(tag) =	ssettag $0x0;
	lr =	simm.s32 $0x1  }
0x2: {  	[smem:$0x3F8A] =	sst lr;
	_ =	strace $0xD0000000  }
0x3: {  	_ = 	snop  }
0x4: {  	_ = 	snop  }
0x5: {  	_ = 	snop  }
0x6: {  	_ = 	snop  }
0x7: {  	_ = 	snop  }
__scs_overlays_trampoline_lowered:
0x8: {  	[smem:$0x3F99] =	sst s0  }
0x9: {  	[smem:$0x3F9A] =	sst s1  }
0xa: {  	[smem:$0x3F9B] =	sst s2  }
0xb: {  	[smem:$0x3F9C] =	sst s3  }
0xc: {  	[smem:$0x3F9D] =	sst s4  }
0xd: {  	[smem:$0x3F9E] =	sst s5  }
0xe: {  	[smem:$0x3F9F] =	sst s6  }
0xf: {  	[smem:$0x3FA0] =	sst s7  }
0x10: {  	[smem:$0x3FA1] =	sst s8  }
0x11: {  	[smem:$0x3FA2] =	sst s9;
	s0 =	simm.s32 @!p0 $0x0  }
0x12: {  	s1 =	sld [smem:$0x3F88];
	s0 =	simm.s32 @p0 $0x1  }
0x13: {  	[smem:$0x3FA3] =	sst s0;
	s0 =	simm.s32 @!p1 $0x0  }
0x14: {  	s2 =	sld [smem:$0x3F87];
	s0 =	simm.s32 @p1 $0x1  }
0x15: {  	[smem:$0x3FA4] =	sst s0;
	s0 =	simm.s32 @!p2 $0x0  }
0x16: {  	s3 =	sld [smem:$0x3FDB];
	s0 =	simm.s32 @p2 $0x1  }
0x17: {  	s4 =	simm.s32 $0x1BF5;
	[smem:$0x3FA6] =	sst s0  }
0x18: {  	s0 =	sld [smem:$0x3F89];
	_ =	swait.ge [sflag:s4], $0x0  }
0x19: {  	s7 =	sld [smem:$0x3F8A]  }
0x1a: {  	s8 =	sadd.s32 $0xFFFFE003, lr  }
0x1b: {  	s9 =	sadd.s32 $0xFFFFFEF7, lr;
	s5 =	simm.s32 $0xFFFFFFFF;
	p2 =	slt.u32 s8, $0xFFFFF086  }
0x1c: {  	p1 =	slt.u32 s9, $0xF7A;
	s5 =	simm.s32 @!p2 $0x0  }
0x1d: {  	s5 =	simm.s32 @p1 $0x1;
	p0 =	seq.s32 s7, s2  }
0x1e: {  	s7 =	smul.u32 @!p0 $0xF7A, s2;
	p2 =	seq.s32 @!p0 s5, $0x0  }
0x1f: {  	s9 =	smul.u32 $0xF7A, s1;
	s8 =	simm.s32 @!p0 $0x1BF5;
	p2 =	por !p2, p0  }
0x20: {  	[sflag:s8] =	ssyncset.s32 @!p0 $0xFFFFF086;
	s6 =	sadd.s32 @!p0 s3, s7;
	s7 =	simm.s32 @!p0 $0x108  }
0x21: {  	s3 =	sadd.s32 s3, s9;
	s6 =	sadd.s32 @!p0 $0x88, s6;
	s7 =	simm.s32 @p2 $0x1082  }
0x22: {  	[simem:s7], [sflag:s8] =	dma.local @!p0 [hbm:s6], $0xF7A  }
0x23: {  	s9 =	sor.u32 $0xD0000000, s2;
	s6 =	simm.s32 $0x108;
	_ =	swait.ge @!p0 [sflag:s8], $0x0  }
0x24: {  	s3 =	sadd.s32 $0x88, s3;
	s6 =	simm.s32 @!p1 $0x1082;
	[sflag:s4] =	ssyncset.s32 $0xFFFFF086  }
0x25: {  	[simem:s6], [sflag:s4] =	dma.local [hbm:s3], $0xF7A  }
0x26: {  	[smem:$0x3F8A] =	sst s1;
	(tag) =	ssettag s2;
	_ =	strace s9  }
0x27: {  	s1 =	sld [smem:$0x3F9A]  }
0x28: {  	s2 =	sld [smem:$0x3F9B]  }
0x29: {  	s4 =	sld [smem:$0x3F9D]  }
0x2a: {  	p0 =	seq.s32 s5, $0x0;
	s5 =	sld [smem:$0x3F9E]  }
0x2b: {  	s6 =	sld [smem:$0x3F9F]  }
0x2c: {  	s7 =	sld [smem:$0x3FA0]  }
0x2d: {  	s3 =	simm.s32 $0x108;
	s8 =	sld [smem:$0x3FA1]  }
0x2e: {  	s3 =	simm.s32 @!p0 $0x1082;
	s9 =	sld [smem:$0x3FA2]  }
0x2f: {  	lr =	sadd.s32 s0, s3;
	s0 =	sld [smem:$0x3F99]  }
0x30: {  	s3 =	sld [smem:$0x3F9C]  }
0x31: {  	[smem:$0x3FA5] =	sst s10  }
0x32: {  	s10 =	sld [smem:$0x3FA3];
	_ =	sdelay $0x3  }
0x33: {  	p0 =	seq.s32 s10, $0x1;
	s10 =	sld [smem:$0x3FA5];
	_ =	sdelay $0x3  }
0x34: {  	[smem:$0x3FA5] =	sst s10  }
0x35: {  	s10 =	sld [smem:$0x3FA4];
	_ =	sdelay $0x3  }
0x36: {  	p1 =	seq.s32 s10, $0x1;
	s10 =	sld [smem:$0x3FA5];
	_ =	sdelay $0x3  }
0x37: {  	[smem:$0x3FA5] =	sst s10  }
0x38: {  	s10 =	sld [smem:$0x3FA6]  }
0x39: {  	_ = 	snop;
	(pc) =	sbr.ind lr, $3  }
0x3a: {  	_ = 	snop  }
0x3b: {  	_ = 	snop  }
0x3c: {  	p2 =	seq.s32 s10, $0x1;
	s10 =	sld [smem:$0x3FA5]  }
0x3d: {  	_ =	shalt  }
0x3e: {  	_ =	shalt  }
0x3f: {  	_ =	shalt  }
0x40: {  	_ =	shalt  }
0x41: {  	_ =	shalt  }
0x42: {  	_ =	shalt  }
0x43: {  	_ =	shalt  }
0x44: {  	_ =	shalt  }
0x45: {  	_ =	shalt  }
0x46: {  	_ =	shalt  }
0x47: {  	_ =	shalt  }
0x48: {  	_ =	shalt  }
0x49: {  	_ =	shalt  }
0x4a: {  	_ =	shalt  }
0x4b: {  	_ =	shalt  }
0x4c: {  	_ =	shalt  }
0x4d: {  	_ =	shalt  }
0x4e: {  	_ =	shalt  }
0x4f: {  	_ =	shalt  }
0x50: {  	_ =	shalt  }
0x51: {  	_ =	shalt  }
0x52: {  	_ =	shalt  }
0x53: {  	_ =	shalt  }
0x54: {  	_ =	shalt  }
0x55: {  	_ =	shalt  }
0x56: {  	_ =	shalt  }
0x57: {  	_ =	shalt  }
0x58: {  	_ =	shalt  }
0x59: {  	_ =	shalt  }
0x5a: {  	_ =	shalt  }
0x5b: {  	_ =	shalt  }
0x5c: {  	_ =	shalt  }
0x5d: {  	_ =	shalt  }
0x5e: {  	_ =	shalt  }
0x5f: {  	_ =	shalt  }
0x60: {  	_ =	shalt  }
0x61: {  	_ =	shalt  }
0x62: {  	_ =	shalt  }
0x63: {  	_ =	shalt  }
0x64: {  	_ =	shalt  }
0x65: {  	_ =	shalt  }
0x66: {  	_ =	shalt  }
0x67: {  	_ =	shalt  }
0x68: {  	_ =	shalt  }
0x69: {  	_ =	shalt  }
0x6a: {  	_ =	shalt  }
0x6b: {  	_ =	shalt  }
0x6c: {  	_ =	shalt  }
0x6d: {  	_ =	shalt  }
0x6e: {  	_ =	shalt  }
0x6f: {  	_ =	shalt  }
0x70: {  	_ =	shalt  }
0x71: {  	_ =	shalt  }
0x72: {  	_ =	shalt  }
0x73: {  	_ =	shalt  }
0x74: {  	_ =	shalt  }
0x75: {  	_ =	shalt  }
0x76: {  	_ =	shalt  }
0x77: {  	_ =	shalt  }
0x78: {  	_ =	shalt  }
0x79: {  	_ =	shalt  }
0x7a: {  	_ =	shalt  }
0x7b: {  	_ =	shalt  }
0x7c: {  	_ =	shalt  }
0x7d: {  	_ =	shalt  }
0x7e: {  	_ =	shalt  }
0x7f: {  	_ =	shalt  }
0x80: {  	_ =	shalt  }
0x81: {  	_ =	shalt  }
0x82: {  	_ =	shalt  }
0x83: {  	_ =	shalt  }
0x84: {  	_ =	shalt  }
0x85: {  	_ =	shalt  }
0x86: {  	_ =	shalt  }
0x87: {  	_ =	shalt  }
.Lfunc_end0:
.L_simem_size_0:
called_computation_lowered:
.L_overlay_start_0:
0x88: {  	s2 =	sld [smem:$0x3FD9]  }
0x89: {  	s3 =	sld [smem:$0x3FFE];
	_ =	sdelay $0x1  }
0x8a: {  	s1 =	srdreg.scid  }
0x8b: {  	s0 =	sand.u32 $0x1, s1  }
0x8c: {  	s16 =	sshll.u32 s0, $0xA;
	s2 =	sadd.s32 s3, s2  }
0x8d: {  	s2 =	sadd.s32 s2, s16  }
0x8e: {  	[smem:$0x3FB1] =	sst s2  }
0x8f: {  	_ = 	snop  }
0x90: {  	(tm) =	ssettm $0x1  }
0x91: {  	s17 =	sld [smem:$0x3FFB];
	_ =	sdelay $0x3  }
0x92: {  	_ =	strace s17  }
0x93: {  	s2 =	sld [smem:$0x3FFC];
	_ =	sdelay $0x3  }
0x94: {  	_ =	strace s2  }
0x95: {  	s2 =	sld [smem:$0x3FFD];
	_ =	sdelay $0x3  }
0x96: {  	_ =	strace s2  }
0x97: {  	_ =	strace $0x8FFFFFFF  }
0x98: {  	s18 =	sld [smem:$0x3FDB];
	_ =	sdelay $0x1  }
0x99: {  	s19 =	simm.s32 $_scs_section_size  }
0x9a: {  	s4 =	simm.s32 $_size__tile_overlayer_lowered;
	s5 =	simm.s32 $_tile_overlayer_lowered  }
0x9b: {  	s22 =	simm.s32 $0x1BFF;
	s21 =	sshll.u32 s5, $0x1;
	s2 =	sadd.s32 s19, s18  }
0x9c: {  	s6 =	simm.s32 $0x0;
	s20 =	sshll.u32 s4, $0x1;
	s4 =	sadd.s32 s21, s2  }
0x9d: {  	[timem:s6], [sflag:s22] =	dma.local [hbm:s4], s20  }
0x9e: {  	_ =	swait.ge [sflag:s22], s20  }
0x9f: {  	s3 =	ssub.s32 $0x0, s20;
	[sflag:s22] =	ssyncset.done $0x0  }
0xa0: {  	[sflag:s22] =	ssyncadd.s32 s3;
	_ =	sdelay $0x1  }
0xa1: {  	s23 =	simm.s32 $0x1B8B  }
0xa2: {  	_ =	swait.ge [sflag:s23], $0x1  }
0xa3: {  	[sflag:s23] =	ssyncset.done $0x0  }
0xa4: {  	s25 =	simm.s32 $0x1B8E;
	s24 =	sld [smem:$0x3FFE];
	[sflag:s23] =	ssyncadd.s32 $0xFFFFFFFF  }
0xa5: {  	s26 =	simm.s32 $execute0_lowered;
	[smem:$0x3FD2] =	sst s25  }
0xa6: {  	s4 =	sshll.u32 s26, $0x1;
	_ =	strace $0x80000046;
	[dreg:$0x1] =	wrdreg $0xFFFFFFFF  }
0xa7: {  	s28 =	simm.s32 $_size_execute0_lowered;
	s2 =	sadd.s32 s2, s4;
	[dreg:$0x0] =	wrdreg $0x0  }
0xa8: {  	s4 =	sshll.u32 s28, $0x1;
	[dreg:$0x2] =	wrdreg s2  }
0xa9: {  	[dreg:$0x3] =	wrdreg s4  }
0xaa: {  	[dreg:$0x4] =	wrdreg $0xC0  }
0xab: {  	_ =	task [dreg:s6], $0x5FFFF  }
0xac: {  	[dreg:$0x1] =	wrdreg $0xFFFFFFFF  }
0xad: {  	[dreg:$0x0] =	wrdreg $0x60  }
0xae: {  	[dreg:$0x2] =	wrdreg s24  }
0xaf: {  	[dreg:$0x3] =	wrdreg $0x0  }
0xb0: {  	[dreg:$0x4] =	wrdreg $0xC8000  }
0xb1: {  	[dreg:$0x5] =	wrdreg $0x9  }
0xb2: {  	_ =	task.clear_ibuf [dreg:s6], $0x6FFFF;
	_ =	strace $0x90000046  }
0xb3: {  	s29 =	simm.s32 $0x9;
	_ =	strace $0x80000048  }
0xb4: {  	_ =	swait.ge [sflag:s29], $0x1  }
0xb5: {  	[sflag:s29] =	ssyncadd.s32 $0xFFFFFFFF  }
0xb6: {  	_ =	strace $0x90000048  }
0xb7: {  	_ =	sfence  }
0xb8: {  	s30 =	sld [smem:$0x0];
	_ =	sdelay $0x2  }
0xb9: {  	s31 =	sshll.u32 s1, $0xD;
	s1 =	sshrl.u32 s1, $0x2  }
0xba: {  	s3 =	sand.u32 $0x4000, s31;
	s1 =	sadd.s32 s1, s30  }
0xbb: {  	s0 =	sor.u32 s3, s0;
	s1 =	sshll.u32 s1, $0x11  }
0xbc: {  	s0 =	sor.u32 s1, s0  }
0xbd: {  	s0 =	sadd.s32 $0x8F2B, s0  }
0xbe: {  	[sflag:s0] =	ssyncadd.remote.s32 $0x1  }
0xbf: {  	_ =	sfence.sel $0xFFFF  }
0xc0: {  	[dreg:$0x0] =	wrdreg $0xFFFFFFFF;
	(pc) =	sbr.abs _section_cstart, $3  }
0xc1: {  	[dreg:$0x1] =	wrdreg $0xFFFFFFFF  }
0xc2: {  	_ =	task.clear_ibuf [dreg:s6], $0x2FFFF;
	_ =	strace $0x9FFFFFFF  }
0xc3: {  	(tm) =	ssettm $0x7FFFFFFF  }
tec
execute0_lowered:
.L_overlay_start_1:
0x0: {  	(tag) =	ssettag $0x1  }
0x1: {  	s0 =	rddreg [dreg:$0x0]  }
0x2: {  	s1 =	rddreg [dreg:$0x1]  }
0x3: {  	s3 =	rddreg [dreg:$0x2]  }
0x4: {  	s4 =	simm.s32 $0x0;
	s2 =	srdreg.scid;
	s15 =	stileid.u32  }
0x5: {  	s31 =	simm.s32 $0x19300;
	[smem:$0x7FF] =	sst s4;
	s2 =	sand.u32 $0x1, s2  }
0x6: {  	s13 =	smul.u32 $0xC800, s15;
	s5 =	sadd.s32 $0x1B200, s0;
	s6 =	sadd.s32 $0x39200, s0  }
0x7: {  	s7 =	sadd.s32 $0x2200, s0;
	s8 =	sadd.s32 $0x34200, s0;
	s9 =	sadd.s32 $0x51E00, s0  }
0x8: {  	s10 =	sadd.s32 $0x3E200, s0;
	s15 =	smul.u32 $0x9E, s15;
	_ =	strace $0x80000047  }
0x9: {  	s11 =	smul.u32 $0x190000, s2;
	s12 =	ssub.s32 $0x0, s2;
	s14 =	ssub.s32 $0x2, s2  }
0xa: {  	p0 =	seq.s32 s2, $0x0;
	s16 =	sshrl.u32 s14, $0x1;
	s12 =	sand.u32 $0x78, s12  }
0xb: {  	s18 =	sadd.s32 $0x2800, s13;
	s21 =	sadd.s32 $0x5000, s13;
	s28 =	sadd.s32 s13, s3  }
0xc: {  	s11 =	sadd.s32 s13, s11;
	s14 =	ssub.s32 s14, s16;
	s20 =	sadd.s32 s18, s1  }
0xd: {  	s22 =	sadd.s32 s21, s1;
	s11 =	sshrl.u32 s11, $0x3;
	[dreg:$0xb] =	wrdreg s20  }
0xe: {  	s19 =	smax.u32 s14, $0x1;
	[dreg:$0xd] =	wrdreg s22;
	s0 =	sadd.s32 s11, s0  }
0xf: {  	s11 =	sadd.s32 s15, s12;
	[dreg:$0xa] =	wrdreg s19;
	s17 =	sadd.s32 $0x65A00, s0  }
0x10: {  	s23 =	sshll.u32 s11, $0x5;
	s0 =	sadd.s32 $0x7EA00, s0;
	[dreg:$0x8] =	wrdreg s17  }
0x11: {  	s14 =	simm.s32 $0x80;
	s24 =	sadd.s32 s9, s23;
	[dreg:$0x9] =	wrdreg s0  }
0x12: {  	s12 =	simm.s32 $0x78;
	s2 =	sadd.s32 s10, s23;
	[dreg:$0x4] =	wrdreg s24  }
0x13: {  	s25 =	sor.u32 $0x20, s23;
	s0 =	sadd.s32 s18, s3;
	[dreg:$0x6] =	wrdreg s2  }
0x14: {  	s19 =	simm.s32 $0x3;
	s26 =	sadd.s32 s9, s25;
	[dreg:$0xc] =	wrdreg s0  }
0x15: {  	s12 =	simm.s32 @!p0 $0x26;
	s16 =	sadd.s32 s10, s25;
	[dreg:$0x5] =	wrdreg s26  }
0x16: {  	s23 =	sadd.s32 $0x7800, s13;
	s2 =	sadd.s32 s21, s3;
	[dreg:$0x7] =	wrdreg s16  }
0x17: {  	s17 =	simm.s32 $0x19100;
	s24 =	sadd.s32 s23, s1;
	[dreg:$0xe] =	wrdreg s2  }
0x18: {  	s18 =	simm.s32 $0x2;
	s0 =	sadd.s32 s23, s3;
	[dreg:$0xf] =	wrdreg s24  }
0x19: {  	s25 =	sadd.s32 $0xA000, s13;
	[dreg:$0x10] =	wrdreg s0;
	s26 =	sadd.s32 s13, s1  }
0x1a: {  	s29 =	sadd.s32 s25, s1;
	s30 =	sadd.s32 s25, s3;
	s0 =	simm.s32 $0x4  }
0x1b: {  	v0 =	vimm.f32 $0.0e+00;
	s2 =	simm.s32 $0x19000;
	s13 =	simm.s32 $0x1;
	s16 =	simm.s32 $0x1E300  }
.LBB2_1:
0x1c: {  	s20 =	simm.s32 $0x140;
	s15 =	simm.s32 $0x0  }
.LBB2_2:
0x1d: {  	p0 =	sne.s32 s20, $0x9EC0;
	[tilespmem:s15+$0x19340] =	vst v0;
	s21 =	smov.u32 s20;
	s20 =	sadd.s32 $0x140, s20  }
.Ltmp0:
0x1e: {  	[tilespmem:s15+$0x19330] =	vst v0;
	(pc) =	sbr.rel @p0 .LBB2_2-.Ltmp0, $4  }
0x1f: {  	[tilespmem:s15+$0x19320] =	vst v0  }
0x20: {  	[tilespmem:s15+$0x19300] =	vst v0  }
0x21: {  	[tilespmem:s15+$0x19310] =	vst v0  }
0x22: {  	s15 =	sshra.s32 s21, $0x2  }
0x23: {  	[tilespmem:s15+$0x19340] =	vst v0  }
0x24: {  	[tilespmem:s15+$0x19330] =	vst v0  }
0x25: {  	[tilespmem:s15+$0x19320] =	vst v0  }
0x26: {  	[tilespmem:s15+$0x19300] =	vst v0  }
0x27: {  	[tilespmem:s15+$0x19310] =	vst v0  }
0x28: {  	[spmem:s26] =	stream.linear.scatter [tilespmem:s31], [sflag:$0x4], $0x2800, $0x38;
	[tilespmem:$0x1F300] =	vst v63  }
0x29: {  	_ =	swait.ge [sflag:s0], $0x2800  }
0x2a: {  	[sflag:s0] =	ssyncset.done $0x0  }
0x2b: {  	[sflag:s0] =	ssyncadd.s32 $0xFFFFD800  }
0x2c: {  	[spmem:s28] =	stream.linear.scatter [tilespmem:s31], [sflag:$0x4], $0x2800, $0x38;
	[tilespmem:$0x1F300] =	vst v63  }
0x2d: {  	_ =	swait.ge [sflag:s0], $0x2800  }
0x2e: {  	[sflag:s0] =	ssyncset.done $0x0  }
0x2f: {  	s23 =	rddreg [dreg:$0xb];
	[sflag:s0] =	ssyncadd.s32 $0xFFFFD800  }
0x30: {  	[spmem:s23] =	stream.linear.scatter [tilespmem:s31], [sflag:$0x4], $0x2800, $0x38;
	[tilespmem:$0x1F300] =	vst v63  }
0x31: {  	_ =	swait.ge [sflag:s0], $0x2800  }
0x32: {  	[sflag:s0] =	ssyncset.done $0x0  }
0x33: {  	s24 =	rddreg [dreg:$0xc];
	[sflag:s0] =	ssyncadd.s32 $0xFFFFD800  }
0x34: {  	[spmem:s24] =	stream.linear.scatter [tilespmem:s31], [sflag:$0x4], $0x2800, $0x38;
	[tilespmem:$0x1F300] =	vst v63  }
0x35: {  	_ =	swait.ge [sflag:s0], $0x2800  }
0x36: {  	[sflag:s0] =	ssyncset.done $0x0  }
0x37: {  	s25 =	rddreg [dreg:$0xd];
	[sflag:s0] =	ssyncadd.s32 $0xFFFFD800  }
0x38: {  	[spmem:s25] =	stream.linear.scatter [tilespmem:s31], [sflag:$0x4], $0x2800, $0x38;
	[tilespmem:$0x1F300] =	vst v63  }
0x39: {  	_ =	swait.ge [sflag:s0], $0x2800  }
0x3a: {  	[sflag:s0] =	ssyncset.done $0x0  }
0x3b: {  	s20 =	rddreg [dreg:$0xe];
	[sflag:s0] =	ssyncadd.s32 $0xFFFFD800  }
0x3c: {  	[spmem:s20] =	stream.linear.scatter [tilespmem:s31], [sflag:$0x4], $0x2800, $0x38;
	[tilespmem:$0x1F300] =	vst v63  }
0x3d: {  	_ =	swait.ge [sflag:s0], $0x2800  }
0x3e: {  	[sflag:s0] =	ssyncset.done $0x0  }
0x3f: {  	s21 =	rddreg [dreg:$0xf];
	[sflag:s0] =	ssyncadd.s32 $0xFFFFD800  }
0x40: {  	[spmem:s21] =	stream.linear.scatter [tilespmem:s31], [sflag:$0x4], $0x2800, $0x38;
	[tilespmem:$0x1F300] =	vst v63  }
0x41: {  	_ =	swait.ge [sflag:s0], $0x2800  }
0x42: {  	[sflag:s0] =	ssyncset.done $0x0  }
0x43: {  	s22 =	rddreg [dreg:$0x10];
	[sflag:s0] =	ssyncadd.s32 $0xFFFFD800  }
0x44: {  	[spmem:s22] =	stream.linear.scatter [tilespmem:s31], [sflag:$0x4], $0x2800, $0x38;
	[tilespmem:$0x1F300] =	vst v63  }
0x45: {  	_ =	swait.ge [sflag:s0], $0x2800  }
0x46: {  	[sflag:s0] =	ssyncset.done $0x0  }
0x47: {  	[sflag:s0] =	ssyncadd.s32 $0xFFFFD800  }
0x48: {  	[spmem:s29] =	stream.linear.scatter [tilespmem:s31], [sflag:$0x4], $0x2800, $0x38;
	[tilespmem:$0x1F300] =	vst v63  }
0x49: {  	_ =	swait.ge [sflag:s0], $0x2800  }
0x4a: {  	[sflag:s0] =	ssyncset.done $0x0  }
0x4b: {  	[sflag:s0] =	ssyncadd.s32 $0xFFFFD800  }
0x4c: {  	[spmem:s30] =	stream.linear.scatter [tilespmem:s31], [sflag:$0x4], $0x2800, $0x38;
	[tilespmem:$0x1F300] =	vst v63  }
0x4d: {  	_ =	swait.ge [sflag:s0], $0x2800  }
0x4e: {  	[sflag:s0] =	ssyncset.done $0x0  }
0x4f: {  	[sflag:s0] =	ssyncadd.s32 $0xFFFFD800  }
0x50: {  	[bflag:$0x0] =	sbarrier.arrive $0xFFFF  }
0x51: {  	s20 =	simm.s32 $0x0;
	s23 =	rddreg [dreg:$0x4]  }
0x52: {  	[tilespmem:s2], [sflag:$0x1] =	stream.linear.gather [hbm4b:s23+s20], $0x100, $0x38;
	[tilespmem:$0x1F300] =	vst v63  }
0x53: {  	_ =	swait.ge [sflag:s13], $0x100  }
0x54: {  	[sflag:s13] =	ssyncset.done $0x0  }
0x55: {  	[sflag:s13] =	ssyncadd.s32 $0xFFFFFF00  }
0x56: {  	[tilespmem:s31], [sflag:$0x2] =	stream.indirect.gather [hbm4b:s5+s14], $0x50, s2, s14, $0xb8;
	[tilespmem:$0x1F300] =	vst v63  }
0x57: {  	s24 =	simm.s32 $0x19080  }
0x58: {  	[tilespmem:s16], [sflag:$0x2] =	stream.indirect.gather [hbm4b:s6+s14], $0x10, s24, s14, $0xb8;
	[tilespmem:$0x1F300] =	vst v63  }
0x59: {  	p0 =	por $0x0, $0x0;
	s25 =	rddreg [dreg:$0x5]  }
0x5a: {  	[tilespmem:s17], [sflag:$0x1] =	stream.linear.gather [hbm4b:s25+s20], $0x100, $0x38;
	[tilespmem:$0x1F300] =	vst v63  }
.LBB2_4:
0x5b: {  	_ =	swait.ge [sflag:s18], $0x2800  }
0x5c: {  	[sflag:s18] =	ssyncset.done $0x0  }
0x5d: {  	[sflag:s18] =	ssyncadd.s32 $0xFFFFD800  }
0x5e: {  	_ =	swait.ge [sflag:s18], $0x800  }
0x5f: {  	p2 =	seq.s32 s20, $0x0;
	s21 =	sadd.s32 $0x1, s20;
	[sflag:s18] =	ssyncset.done $0x0  }
0x60: {  	s15 =	simm.s32 @!p2 $0x3;
	p1 =	sge.u32 s21, s12;
	[sflag:s18] =	ssyncadd.s32 $0xFFFFF800  }
0x61: {  	s22 =	smulhi.u32 @!p1 $0xAAAAAAAB, s21;
	_ =	swait.ge @!p2 [sflag:s15], $0x2800  }
0x62: {  	[sflag:s15] =	ssyncset.done @!p2 $0x0  }
0x63: {  	[sflag:s15] =	ssyncadd.s32 @!p2 $0xFFFFD800;
	s15 =	sshrl.u32 @!p1 s22, $0x1  }
0x64: {  	s23 =	sand.u32 @!p1 $0x1, s21;
	s22 =	simm.s32 @!p1 $0x1;
	s15 =	smul.u32 @!p1 $0x3, s15  }
0x65: {  	s24 =	smul.u32 @!p1 $0xA000, s23;
	_ =	swait.ge @!p1 [sflag:s22], $0x100  }
0x66: {  	[sflag:s22] =	ssyncset.done @!p1 $0x0;
	s15 =	ssub.s32 @!p1 s21, s15  }
0x67: {  	[sflag:s22] =	ssyncadd.s32 @!p1 $0xFFFFFF00;
	s22 =	sshrl.u32 @!p1 s24, $0x2;
	s15 =	sshll.u32 @!p1 s15, $0x8  }
0x68: {  	s25 =	simm.s32 @!p1 $0x80;
	s22 =	sadd.s32 @!p1 $0x19300, s22;
	s24 =	sor.u32 @!p1 $0x19000, s15  }
0x69: {  	[tilespmem:s22], [sflag:$0x2] =	stream.indirect.gather @!p1 [hbm4b:s5+s25], $0x50, s24, s25, $0xb8;
	[tilespmem:$0x1F300] =	vst v63  }
0x6a: {  	s22 =	sshll.u32 @!p1 s23, $0xB  }
0x6b: {  	s15 =	sor.u32 @!p1 $0x19080, s15;
	s22 =	sor.u32 @!p1 $0x1E300, s22  }
0x6c: {  	[tilespmem:s22], [sflag:$0x2] =	stream.indirect.gather @!p1 [hbm4b:s6+s25], $0x10, s15, s25, $0xb8;
	[tilespmem:$0x1F300] =	vst v63  }
0x6d: {  	s15 =	sadd.s32 $0x2, s20  }
0x6e: {  	p1 =	sge.u32 s15, s12  }
0x6f: {  	s22 =	simm.s32 $0x1;
	s23 =	smulhi.u32 @!p1 $0xAAAAAAAB, s15  }
0x70: {  	s22 =	simm.s32 @!p0 $0x0  }
0x71: {  	s24 =	smul.u32 $0xA000, s22;
	s23 =	sshrl.u32 @!p1 s23, $0x1  }
0x72: {  	s23 =	smul.u32 @!p1 $0x3, s23  }
0x73: {  	s25 =	sshll.u32 s22, $0xB;
	s22 =	sadd.s32 @!p1 s11, s15  }
0x74: {  	s24 =	sshrl.u32 s24, $0x2;
	s15 =	ssub.s32 @!p1 s15, s23;
	s23 =	sshll.u32 @!p1 s22, $0x5  }
0x75: {  	s22 =	sadd.s32 $0x193A0, s24;
	s15 =	sshll.u32 @!p1 s15, $0x8;
	s23 =	sand.u32 @!p1 $0x1FFFFFE0, s23  }
0x76: {  	s24 =	simm.s32 @!p1 $0x0;
	s15 =	sor.u32 @!p1 $0x19000, s15;
	s23 =	sadd.s32 @!p1 s9, s23  }
0x77: {  	[tilespmem:s15], [sflag:$0x1] =	stream.linear.gather @!p1 [hbm4b:s23+s24], $0x100, $0x38;
	[tilespmem:$0x1F300] =	vst v63  }
0x78: {  	s23 =	sor.u32 $0x1E320, s25;
	v1 =	vld [tilespmem:s22+$0x90]  }
0x79: {  	v2 =	vld [tilespmem:s23+$0x10];
	_ =	sdelay $0x3  }
0x7a: {  	v5 =	vld [tilespmem:s23+$0xFFFFFFE0]  }
0x7b: {  	v7 =	vld [tilespmem:s22+$0xFFFFFFF0];
	v3 =	vadd.f32 v2, v1  }
0x7c: {  	v8 =	vld [tilespmem:s23+$0xFFFFFFF0]  }
0x7d: {  	v9 =	vld [tilespmem:s22+$0x40];
	v4 =	vmul.f32 $2.000000030e-01, v3  }
0x7e: {  	v10 =	vld [tilespmem:s23+$0x0]  }
0x7f: {  	v12 =	vld [tilespmem:s22+$0xFFFFFFA0];
	v4 =	vmax.f32 v3, v4  }
0x80: {  	v11 =	vmul.f32 $1.442695020e+00, v4  }
0x81: {  	v6 =	vld [tilespmem:s22+$0xFFFFFFB0]  }
0x82: {  	v14 =	vld [tilespmem:s22+$0xFFFFFFD0];
	v8 =	vadd.f32 v8, v7;
	(erf) = vpow2.f32 v11  }
0x83: {  	v13 =	vld [tilespmem:s22+$0x10]  }
0x84: {  	v17 =	vld [tilespmem:s22+$0x80];
	v10 =	vadd.f32 v10, v9;
	v5 =	vadd.f32 v5, v12;
	v15 =	vmul.f32 $2.000000030e-01, v8  }
0x85: {  	v16 =	vld [tilespmem:s22+$0x30]  }
0x86: {  	v1 =	vld [tilespmem:s22+$0xFFFFFF60];
	v12 =	vmul.f32 $2.000000030e-01, v10;
	v8 =	vmax.f32 v8, v15;
	v15 =	vmul.f32 $2.000000030e-01, v5  }
0x87: {  	v2 =	vld [tilespmem:s22+$0xFFFFFF70];
	v8 =	vmul.f32 $1.442695020e+00, v8  }
0x88: {  	v7 =	vld [tilespmem:s22+$0xFFFFFFE0];
	v12 =	vmax.f32 v10, v12;
	v5 =	vmax.f32 v5, v15  }
0x89: {  	v9 =	vld [tilespmem:s22+$0x0];
	v15 =	vmul.f32 $1.442695020e+00, v12;
	(erf) = vpow2.f32 v8  }
0x8a: {  	v3 =	vld [tilespmem:s22+$0xFFFFFF80];
	v18 =	vmul.f32 $1.442695020e+00, v5  }
0x8b: {  	v10 =	vld [tilespmem:s22+$0x20];
	v5 =	vpop (erf);
	(erf) = vpow2.f32 v15  }
0x8c: {  	s25 =	sand.u32 $0x1, s20;
	v4 =	vld [tilespmem:s22+$0xFFFFFF90];
	(erf) = vpow2.f32 v18  }
0x8d: {  	s15 =	smul.u32 $0xA000, s25;
	v12 =	vld [tilespmem:s22+$0x50]  }
0x8e: {  	v11 =	vld [tilespmem:s22+$0xFFFFFFC0]  }
0x8f: {  	s15 =	sshrl.u32 s15, $0x2;
	v8 =	vld [tilespmem:s22+$0x60]  }
0x90: {  	s25 =	simm.s32 $0x0;
	s24 =	sadd.s32 $0x19300, s15;
	s15 =	sadd.s32 $0x140, s22;
	v15 =	vld [tilespmem:s22+$0x70];
	[tilespmem:s22+$0x90] =	vst v5;
	v17 =	vmul.f32 v17, v5  }
.LBB2_5:
0x91: {  	v18 =	vld [tilespmem:s15+$0x90];
	s23 =	sadd.s32 $0x40, s23  }
0x92: {  	s25 =	sadd.s32 $0x4, s25;
	v19 =	vld [tilespmem:s23+$0x10];
	[tilespmem:s22+$0x80] =	vst v17;
	v17 =	vpop (erf)  }
0x93: {  	p1 =	slt.u32 s25, $0x7C;
	v20 =	vld [tilespmem:s23+$0xFFFFFFE0];
	[tilespmem:s22+$0xFFFFFFF0] =	vst v17;
	v6 =	vmul.f32 v17, v6;
	v11 =	vmul.f32 v17, v11  }
0x94: {  	v14 =	vmul.f32 v14, v17;
	v7 =	vmul.f32 v7, v17;
	v21 =	vld [tilespmem:s15+$0xFFFFFFF0];
	v17 =	vpop (erf)  }
0x95: {  	v22 =	vld [tilespmem:s23+$0xFFFFFFF0];
	[tilespmem:s22+$0xFFFFFFB0] =	vst v6;
	v9 =	vmul.f32 v17, v9;
	v13 =	vmul.f32 v17, v13;
	v23 =	vpop (erf)  }
0x96: {  	v6 =	vld [tilespmem:s15+$0x40];
	v1 =	vmul.f32 v23, v1;
	v2 =	vmul.f32 v23, v2;
	[tilespmem:s22+$0xFFFFFFC0] =	vst v11  }
0x97: {  	v3 =	vmul.f32 v3, v23;
	v4 =	vmul.f32 v4, v23;
	v11 =	vld [tilespmem:s23+$0x0];
	v18 =	vadd.f32 v19, v18;
	[tilespmem:s22+$0xFFFFFFD0] =	vst v14  }
0x98: {  	v10 =	vmul.f32 v10, v17;
	v16 =	vmul.f32 v16, v17;
	v14 =	vld [tilespmem:s15+$0xFFFFFFA0];
	[tilespmem:s22+$0xFFFFFF60] =	vst v1  }
0x99: {  	v12 =	vmul.f32 v5, v12;
	v1 =	vld [tilespmem:s15+$0xFFFFFF60];
	v19 =	vmul.f32 $2.000000030e-01, v18;
	[tilespmem:s22+$0xFFFFFF70] =	vst v2  }
0x9a: {  	v8 =	vmul.f32 v5, v8;
	v5 =	vmul.f32 v15, v5;
	v2 =	vld [tilespmem:s15+$0xFFFFFF70];
	v21 =	vadd.f32 v22, v21;
	[tilespmem:s22+$0xFFFFFF80] =	vst v3  }
0x9b: {  	v3 =	vld [tilespmem:s15+$0xFFFFFF80];
	v15 =	vmax.f32 v18, v19;
	[tilespmem:s22+$0xFFFFFF90] =	vst v4  }
0x9c: {  	v4 =	vld [tilespmem:s15+$0xFFFFFF90];
	v18 =	vmul.f32 $2.000000030e-01, v21;
	v19 =	vadd.f32 v11, v6;
	v15 =	vmul.f32 $1.442695020e+00, v15;
	[tilespmem:s22+$0xFFFFFFE0] =	vst v7  }
0x9d: {  	v20 =	vadd.f32 v20, v14;
	v6 =	vld [tilespmem:s15+$0xFFFFFFB0];
	[tilespmem:s22+$0x0] =	vst v9  }
0x9e: {  	v7 =	vmax.f32 v21, v18;
	v11 =	vld [tilespmem:s15+$0xFFFFFFC0];
	v9 =	vmul.f32 $2.000000030e-01, v19;
	(erf) = vpow2.f32 v15;
	[tilespmem:s22+$0x10] =	vst v13  }
0x9f: {  	v13 =	vmul.f32 $2.000000030e-01, v20;
	v15 =	vmul.f32 $1.442695020e+00, v7;
	v14 =	vld [tilespmem:s15+$0xFFFFFFD0];
	[tilespmem:s22+$0x20] =	vst v10  }
0xa0: {  	v7 =	vld [tilespmem:s15+$0xFFFFFFE0];
	v9 =	vmax.f32 v19, v9;
	[tilespmem:s22+$0x30] =	vst v16  }
0xa1: {  	v10 =	vmax.f32 v20, v13;
	v16 =	vmul.f32 $1.442695020e+00, v9;
	v9 =	vld [tilespmem:s15+$0x0];
	(erf) = vpow2.f32 v15;
	[tilespmem:s22+$0x50] =	vst v12  }
0xa2: {  	v12 =	vmul.f32 $1.442695020e+00, v10;
	v13 =	vld [tilespmem:s15+$0x10];
	[tilespmem:s22+$0x60] =	vst v8  }
0xa3: {  	v18 =	vld [tilespmem:s15+$0x80];
	(erf) = vpow2.f32 v16;
	[tilespmem:s22+$0x70] =	vst v5  }
.Ltmp1:
0xa4: {  	v10 =	vld [tilespmem:s15+$0x20];
	(erf) = vpow2.f32 v12;
	[tilespmem:s22+$0xFFFFFFA0] =	vst v23;
	(pc) =	sbr.rel @p1 .LBB2_5-.Ltmp1, $4  }
0xa5: {  	v16 =	vld [tilespmem:s15+$0x30];
	[tilespmem:s22+$0x40] =	vst v17;
	s22 =	smov.u32 s15  }
0xa6: {  	v12 =	vld [tilespmem:s15+$0x50]  }
0xa7: {  	v8 =	vld [tilespmem:s15+$0x60];
	v5 =	vpop (erf)  }
0xa8: {  	s15 =	sadd.s32 $0x140, s15;
	[tilespmem:s22+$0x90] =	vst v5;
	v15 =	vld [tilespmem:s22+$0x70];
	v17 =	vmul.f32 v18, v5  }
0xa9: {  	_ = 	snop  }
0xaa: {  	v18 =	vpop (erf)  }
0xab: {  	[tilespmem:s22+$0x80] =	vst v17;
	v6 =	vmul.f32 v18, v6  }
0xac: {  	[tilespmem:s22+$0xFFFFFFF0] =	vst v18;
	v11 =	vmul.f32 v18, v11  }
0xad: {  	v14 =	vmul.f32 v14, v18;
	[tilespmem:s22+$0xFFFFFFB0] =	vst v6  }
0xae: {  	v62 =	vpop (erf);
	[tilespmem:s22+$0xFFFFFFC0] =	vst v11  }
0xaf: {  	v63 =	vpop (erf);
	[tilespmem:s22+$0xFFFFFFD0] =	vst v14  }
0xb0: {  	[tilespmem:s22+$0x40] =	vst v62;
	v1 =	vmul.f32 v63, v1  }
0xb1: {  	v2 =	vmul.f32 v63, v2;
	[tilespmem:s22+$0xFFFFFFA0] =	vst v63  }
0xb2: {  	v3 =	vmul.f32 v3, v63;
	[tilespmem:s22+$0xFFFFFF60] =	vst v1  }
0xb3: {  	v1 =	vmul.f32 v4, v63;
	[tilespmem:s22+$0xFFFFFF70] =	vst v2  }
0xb4: {  	v2 =	vmul.f32 v7, v18;
	[tilespmem:s22+$0xFFFFFF80] =	vst v3  }
0xb5: {  	v3 =	vmul.f32 v62, v9;
	[tilespmem:s22+$0xFFFFFF90] =	vst v1  }
0xb6: {  	s15 =	smulhi.u32 $0xAAAAAAAB, s20;
	v1 =	vmul.f32 v62, v13;
	[tilespmem:s22+$0xFFFFFFE0] =	vst v2  }
0xb7: {  	v2 =	vmul.f32 v10, v62;
	[tilespmem:s22+$0x0] =	vst v3  }
0xb8: {  	s15 =	sshrl.u32 s15, $0x1;
	v3 =	vmul.f32 v16, v62;
	[tilespmem:s22+$0x10] =	vst v1  }
0xb9: {  	p1 =	sne.s32 s21, s12;
	s15 =	smul.u32 $0x3, s15;
	v1 =	vmul.f32 v5, v12;
	[tilespmem:s22+$0x20] =	vst v2  }
.Ltmp2:
0xba: {  	v2 =	vmul.f32 v5, v8;
	[tilespmem:s22+$0x30] =	vst v3;
	(pc) =	sbr.rel @p1 .LBB2_4-.Ltmp2, $4  }
0xbb: {  	s15 =	ssub.s32 s20, s15;
	v3 =	vmul.f32 v15, v5;
	[tilespmem:s22+$0x50] =	vst v1  }
0xbc: {  	s15 =	sshll.u32 s15, $0x8;
	[tilespmem:s22+$0x60] =	vst v2  }
0xbd: {  	p0 =	por !p0, !p0;
	s20 =	smov.u32 s21;
	s15 =	sor.u32 $0x19080, s15;
	[tilespmem:s22+$0x70] =	vst v3  }
0xbe: {  	[spmem:s1] =	stream.indirect.scatter.add.f32 [tilespmem:s24], [sflag:$0x3], $0x50, s15, s14, $0xb8;
	[tilespmem:$0x1F300] =	vst v63  }
0xbf: {  	_ =	swait.ge [sflag:s19], $0x2800  }
0xc0: {  	[sflag:s19] =	ssyncset.done $0x0  }
0xc1: {  	s20 =	simm.s32 $0x0;
	s15 =	rddreg [dreg:$0x6];
	[sflag:s19] =	ssyncadd.s32 $0xFFFFD800  }
0xc2: {  	[tilespmem:s2], [sflag:$0x1] =	stream.linear.gather [hbm4b:s15+s20], $0x100, $0x38;
	[tilespmem:$0x1F300] =	vst v63  }
0xc3: {  	_ =	swait.ge [sflag:s13], $0x100  }
0xc4: {  	[sflag:s13] =	ssyncset.done $0x0  }
0xc5: {  	[sflag:s13] =	ssyncadd.s32 $0xFFFFFF00  }
0xc6: {  	[tilespmem:s31], [sflag:$0x2] =	stream.indirect.gather [hbm4b:s7+s14], $0x50, s2, s14, $0xb8;
	[tilespmem:$0x1F300] =	vst v63  }
0xc7: {  	s24 =	simm.s32 $0x19080  }
0xc8: {  	[tilespmem:s16], [sflag:$0x2] =	stream.indirect.gather [hbm4b:s8+s14], $0x10, s24, s14, $0xb8;
	[tilespmem:$0x1F300] =	vst v63  }
0xc9: {  	p0 =	por $0x0, $0x0;
	s25 =	rddreg [dreg:$0x7]  }
0xca: {  	[tilespmem:s17], [sflag:$0x1] =	stream.linear.gather [hbm4b:s25+s20], $0x100, $0x38;
	[tilespmem:$0x1F300] =	vst v63  }
.LBB2_8:
0xcb: {  	_ =	swait.ge [sflag:s18], $0x2800  }
0xcc: {  	[sflag:s18] =	ssyncset.done $0x0  }
0xcd: {  	[sflag:s18] =	ssyncadd.s32 $0xFFFFD800  }
0xce: {  	_ =	swait.ge [sflag:s18], $0x800  }
0xcf: {  	p2 =	seq.s32 s20, $0x0;
	s21 =	sadd.s32 $0x1, s20;
	[sflag:s18] =	ssyncset.done $0x0  }
0xd0: {  	s15 =	simm.s32 @!p2 $0x3;
	p1 =	sge.u32 s21, s12;
	[sflag:s18] =	ssyncadd.s32 $0xFFFFF800  }
0xd1: {  	s22 =	smulhi.u32 @!p1 $0xAAAAAAAB, s21;
	_ =	swait.ge @!p2 [sflag:s15], $0x2800  }
0xd2: {  	[sflag:s15] =	ssyncset.done @!p2 $0x0  }
0xd3: {  	[sflag:s15] =	ssyncadd.s32 @!p2 $0xFFFFD800;
	s15 =	sshrl.u32 @!p1 s22, $0x1  }
0xd4: {  	s23 =	sand.u32 @!p1 $0x1, s21;
	s22 =	simm.s32 @!p1 $0x1;
	s15 =	smul.u32 @!p1 $0x3, s15  }
0xd5: {  	s24 =	smul.u32 @!p1 $0xA000, s23;
	_ =	swait.ge @!p1 [sflag:s22], $0x100  }
0xd6: {  	[sflag:s22] =	ssyncset.done @!p1 $0x0;
	s15 =	ssub.s32 @!p1 s21, s15  }
0xd7: {  	[sflag:s22] =	ssyncadd.s32 @!p1 $0xFFFFFF00;
	s22 =	sshrl.u32 @!p1 s24, $0x2;
	s15 =	sshll.u32 @!p1 s15, $0x8  }
0xd8: {  	s25 =	simm.s32 @!p1 $0x80;
	s22 =	sadd.s32 @!p1 $0x19300, s22;
	s24 =	sor.u32 @!p1 $0x19000, s15  }
0xd9: {  	[tilespmem:s22], [sflag:$0x2] =	stream.indirect.gather @!p1 [hbm4b:s7+s25], $0x50, s24, s25, $0xb8;
	[tilespmem:$0x1F300] =	vst v63  }
0xda: {  	s22 =	sshll.u32 @!p1 s23, $0xB  }
0xdb: {  	s15 =	sor.u32 @!p1 $0x19080, s15;
	s22 =	sor.u32 @!p1 $0x1E300, s22  }
0xdc: {  	[tilespmem:s22], [sflag:$0x2] =	stream.indirect.gather @!p1 [hbm4b:s8+s25], $0x10, s15, s25, $0xb8;
	[tilespmem:$0x1F300] =	vst v63  }
0xdd: {  	s15 =	sadd.s32 $0x2, s20  }
0xde: {  	p1 =	sge.u32 s15, s12  }
0xdf: {  	s22 =	simm.s32 $0x1;
	s23 =	smulhi.u32 @!p1 $0xAAAAAAAB, s15  }
0xe0: {  	s22 =	simm.s32 @!p0 $0x0  }
0xe1: {  	s24 =	smul.u32 $0xA000, s22;
	s23 =	sshrl.u32 @!p1 s23, $0x1  }
0xe2: {  	s23 =	smul.u32 @!p1 $0x3, s23  }
0xe3: {  	s25 =	sshll.u32 s22, $0xB;
	s22 =	sadd.s32 @!p1 s11, s15  }
0xe4: {  	s24 =	sshrl.u32 s24, $0x2;
	s15 =	ssub.s32 @!p1 s15, s23;
	s23 =	sshll.u32 @!p1 s22, $0x5  }
0xe5: {  	s22 =	sadd.s32 $0x193A0, s24;
	s15 =	sshll.u32 @!p1 s15, $0x8;
	s23 =	sand.u32 @!p1 $0x1FFFFFE0, s23  }
0xe6: {  	s24 =	simm.s32 @!p1 $0x0;
	s15 =	sor.u32 @!p1 $0x19000, s15;
	s23 =	sadd.s32 @!p1 s10, s23  }
0xe7: {  	[tilespmem:s15], [sflag:$0x1] =	stream.linear.gather @!p1 [hbm4b:s23+s24], $0x100, $0x38;
	[tilespmem:$0x1F300] =	vst v63  }
0xe8: {  	s23 =	sor.u32 $0x1E320, s25;
	v1 =	vld [tilespmem:s22+$0x90]  }
0xe9: {  	v2 =	vld [tilespmem:s23+$0x10];
	_ =	sdelay $0x3  }
0xea: {  	v5 =	vld [tilespmem:s23+$0xFFFFFFE0]  }
0xeb: {  	v7 =	vld [tilespmem:s22+$0xFFFFFFF0];
	v3 =	vadd.f32 v2, v1  }
0xec: {  	v8 =	vld [tilespmem:s23+$0xFFFFFFF0]  }
0xed: {  	v9 =	vld [tilespmem:s22+$0x40];
	v4 =	vmul.f32 $2.000000030e-01, v3  }
0xee: {  	v10 =	vld [tilespmem:s23+$0x0]  }
0xef: {  	v12 =	vld [tilespmem:s22+$0xFFFFFFA0];
	v4 =	vmax.f32 v3, v4  }
0xf0: {  	v11 =	vmul.f32 $1.442695020e+00, v4  }
0xf1: {  	v6 =	vld [tilespmem:s22+$0xFFFFFFB0]  }
0xf2: {  	v14 =	vld [tilespmem:s22+$0xFFFFFFD0];
	v8 =	vadd.f32 v8, v7;
	(erf) = vpow2.f32 v11  }
0xf3: {  	v13 =	vld [tilespmem:s22+$0x10]  }
0xf4: {  	v17 =	vld [tilespmem:s22+$0x80];
	v10 =	vadd.f32 v10, v9;
	v5 =	vadd.f32 v5, v12;
	v15 =	vmul.f32 $2.000000030e-01, v8  }
0xf5: {  	v16 =	vld [tilespmem:s22+$0x30]  }
0xf6: {  	v1 =	vld [tilespmem:s22+$0xFFFFFF60];
	v12 =	vmul.f32 $2.000000030e-01, v10;
	v8 =	vmax.f32 v8, v15;
	v15 =	vmul.f32 $2.000000030e-01, v5  }
0xf7: {  	v2 =	vld [tilespmem:s22+$0xFFFFFF70];
	v8 =	vmul.f32 $1.442695020e+00, v8  }
0xf8: {  	v7 =	vld [tilespmem:s22+$0xFFFFFFE0];
	v12 =	vmax.f32 v10, v12;
	v5 =	vmax.f32 v5, v15  }
0xf9: {  	v9 =	vld [tilespmem:s22+$0x0];
	v15 =	vmul.f32 $1.442695020e+00, v12;
	(erf) = vpow2.f32 v8  }
0xfa: {  	v3 =	vld [tilespmem:s22+$0xFFFFFF80];
	v18 =	vmul.f32 $1.442695020e+00, v5  }
0xfb: {  	v10 =	vld [tilespmem:s22+$0x20];
	v5 =	vpop (erf);
	(erf) = vpow2.f32 v15  }
0xfc: {  	s25 =	sand.u32 $0x1, s20;
	v4 =	vld [tilespmem:s22+$0xFFFFFF90];
	(erf) = vpow2.f32 v18  }
0xfd: {  	s15 =	smul.u32 $0xA000, s25;
	v12 =	vld [tilespmem:s22+$0x50]  }
0xfe: {  	v11 =	vld [tilespmem:s22+$0xFFFFFFC0]  }
0xff: {  	s15 =	sshrl.u32 s15, $0x2;
	v8 =	vld [tilespmem:s22+$0x60]  }
0x100: {  	s25 =	simm.s32 $0x0;
	s24 =	sadd.s32 $0x19300, s15;
	s15 =	sadd.s32 $0x140, s22;
	v15 =	vld [tilespmem:s22+$0x70];
	[tilespmem:s22+$0x90] =	vst v5;
	v17 =	vmul.f32 v17, v5  }
.LBB2_9:
0x101: {  	v18 =	vld [tilespmem:s15+$0x90];
	s23 =	sadd.s32 $0x40, s23  }
0x102: {  	s25 =	sadd.s32 $0x4, s25;
	v19 =	vld [tilespmem:s23+$0x10];
	[tilespmem:s22+$0x80] =	vst v17;
	v17 =	vpop (erf)  }
0x103: {  	p1 =	slt.u32 s25, $0x7C;
	v20 =	vld [tilespmem:s23+$0xFFFFFFE0];
	[tilespmem:s22+$0xFFFFFFF0] =	vst v17;
	v6 =	vmul.f32 v17, v6;
	v11 =	vmul.f32 v17, v11  }
0x104: {  	v14 =	vmul.f32 v14, v17;
	v7 =	vmul.f32 v7, v17;
	v21 =	vld [tilespmem:s15+$0xFFFFFFF0];
	v17 =	vpop (erf)  }
0x105: {  	v22 =	vld [tilespmem:s23+$0xFFFFFFF0];
	[tilespmem:s22+$0xFFFFFFB0] =	vst v6;
	v9 =	vmul.f32 v17, v9;
	v13 =	vmul.f32 v17, v13;
	v23 =	vpop (erf)  }
0x106: {  	v6 =	vld [tilespmem:s15+$0x40];
	v1 =	vmul.f32 v23, v1;
	v2 =	vmul.f32 v23, v2;
	[tilespmem:s22+$0xFFFFFFC0] =	vst v11  }
0x107: {  	v3 =	vmul.f32 v3, v23;
	v4 =	vmul.f32 v4, v23;
	v11 =	vld [tilespmem:s23+$0x0];
	v18 =	vadd.f32 v19, v18;
	[tilespmem:s22+$0xFFFFFFD0] =	vst v14  }
0x108: {  	v10 =	vmul.f32 v10, v17;
	v16 =	vmul.f32 v16, v17;
	v14 =	vld [tilespmem:s15+$0xFFFFFFA0];
	[tilespmem:s22+$0xFFFFFF60] =	vst v1  }
0x109: {  	v12 =	vmul.f32 v5, v12;
	v1 =	vld [tilespmem:s15+$0xFFFFFF60];
	v19 =	vmul.f32 $2.000000030e-01, v18;
	[tilespmem:s22+$0xFFFFFF70] =	vst v2  }
0x10a: {  	v8 =	vmul.f32 v5, v8;
	v5 =	vmul.f32 v15, v5;
	v2 =	vld [tilespmem:s15+$0xFFFFFF70];
	v21 =	vadd.f32 v22, v21;
	[tilespmem:s22+$0xFFFFFF80] =	vst v3  }
0x10b: {  	v3 =	vld [tilespmem:s15+$0xFFFFFF80];
	v15 =	vmax.f32 v18, v19;
	[tilespmem:s22+$0xFFFFFF90] =	vst v4  }
0x10c: {  	v4 =	vld [tilespmem:s15+$0xFFFFFF90];
	v18 =	vmul.f32 $2.000000030e-01, v21;
	v19 =	vadd.f32 v11, v6;
	v15 =	vmul.f32 $1.442695020e+00, v15;
	[tilespmem:s22+$0xFFFFFFE0] =	vst v7  }
0x10d: {  	v20 =	vadd.f32 v20, v14;
	v6 =	vld [tilespmem:s15+$0xFFFFFFB0];
	[tilespmem:s22+$0x0] =	vst v9  }
0x10e: {  	v7 =	vmax.f32 v21, v18;
	v11 =	vld [tilespmem:s15+$0xFFFFFFC0];
	v9 =	vmul.f32 $2.000000030e-01, v19;
	(erf) = vpow2.f32 v15;
	[tilespmem:s22+$0x10] =	vst v13  }
0x10f: {  	v13 =	vmul.f32 $2.000000030e-01, v20;
	v15 =	vmul.f32 $1.442695020e+00, v7;
	v14 =	vld [tilespmem:s15+$0xFFFFFFD0];
	[tilespmem:s22+$0x20] =	vst v10  }
0x110: {  	v7 =	vld [tilespmem:s15+$0xFFFFFFE0];
	v9 =	vmax.f32 v19, v9;
	[tilespmem:s22+$0x30] =	vst v16  }
0x111: {  	v10 =	vmax.f32 v20, v13;
	v16 =	vmul.f32 $1.442695020e+00, v9;
	v9 =	vld [tilespmem:s15+$0x0];
	(erf) = vpow2.f32 v15;
	[tilespmem:s22+$0x50] =	vst v12  }
0x112: {  	v12 =	vmul.f32 $1.442695020e+00, v10;
	v13 =	vld [tilespmem:s15+$0x10];
	[tilespmem:s22+$0x60] =	vst v8  }
0x113: {  	v18 =	vld [tilespmem:s15+$0x80];
	(erf) = vpow2.f32 v16;
	[tilespmem:s22+$0x70] =	vst v5  }
.Ltmp3:
0x114: {  	v10 =	vld [tilespmem:s15+$0x20];
	(erf) = vpow2.f32 v12;
	[tilespmem:s22+$0xFFFFFFA0] =	vst v23;
	(pc) =	sbr.rel @p1 .LBB2_9-.Ltmp3, $4  }
0x115: {  	v16 =	vld [tilespmem:s15+$0x30];
	[tilespmem:s22+$0x40] =	vst v17;
	s22 =	smov.u32 s15  }
0x116: {  	v12 =	vld [tilespmem:s15+$0x50]  }
0x117: {  	v8 =	vld [tilespmem:s15+$0x60];
	v5 =	vpop (erf)  }
0x118: {  	s15 =	sadd.s32 $0x140, s15;
	[tilespmem:s22+$0x90] =	vst v5;
	v15 =	vld [tilespmem:s22+$0x70];
	v17 =	vmul.f32 v18, v5  }
0x119: {  	_ = 	snop  }
0x11a: {  	v18 =	vpop (erf)  }
0x11b: {  	[tilespmem:s22+$0x80] =	vst v17;
	v6 =	vmul.f32 v18, v6  }
0x11c: {  	[tilespmem:s22+$0xFFFFFFF0] =	vst v18;
	v11 =	vmul.f32 v18, v11  }
0x11d: {  	v14 =	vmul.f32 v14, v18;
	[tilespmem:s22+$0xFFFFFFB0] =	vst v6  }
0x11e: {  	v62 =	vpop (erf);
	[tilespmem:s22+$0xFFFFFFC0] =	vst v11  }
0x11f: {  	v63 =	vpop (erf);
	[tilespmem:s22+$0xFFFFFFD0] =	vst v14  }
0x120: {  	[tilespmem:s22+$0x40] =	vst v62;
	v1 =	vmul.f32 v63, v1  }
0x121: {  	v2 =	vmul.f32 v63, v2;
	[tilespmem:s22+$0xFFFFFFA0] =	vst v63  }
0x122: {  	v3 =	vmul.f32 v3, v63;
	[tilespmem:s22+$0xFFFFFF60] =	vst v1  }
0x123: {  	v1 =	vmul.f32 v4, v63;
	[tilespmem:s22+$0xFFFFFF70] =	vst v2  }
0x124: {  	v2 =	vmul.f32 v7, v18;
	[tilespmem:s22+$0xFFFFFF80] =	vst v3  }
0x125: {  	v3 =	vmul.f32 v62, v9;
	[tilespmem:s22+$0xFFFFFF90] =	vst v1  }
0x126: {  	s15 =	smulhi.u32 $0xAAAAAAAB, s20;
	v1 =	vmul.f32 v62, v13;
	[tilespmem:s22+$0xFFFFFFE0] =	vst v2  }
0x127: {  	v2 =	vmul.f32 v10, v62;
	[tilespmem:s22+$0x0] =	vst v3  }
0x128: {  	s15 =	sshrl.u32 s15, $0x1;
	v3 =	vmul.f32 v16, v62;
	[tilespmem:s22+$0x10] =	vst v1  }
0x129: {  	p1 =	sne.s32 s21, s12;
	s15 =	smul.u32 $0x3, s15;
	v1 =	vmul.f32 v5, v12;
	[tilespmem:s22+$0x20] =	vst v2  }
.Ltmp4:
0x12a: {  	v2 =	vmul.f32 v5, v8;
	[tilespmem:s22+$0x30] =	vst v3;
	(pc) =	sbr.rel @p1 .LBB2_8-.Ltmp4, $4  }
0x12b: {  	s15 =	ssub.s32 s20, s15;
	v3 =	vmul.f32 v15, v5;
	[tilespmem:s22+$0x50] =	vst v1  }
0x12c: {  	s15 =	sshll.u32 s15, $0x8;
	[tilespmem:s22+$0x60] =	vst v2  }
0x12d: {  	p0 =	por !p0, !p0;
	s20 =	smov.u32 s21;
	s15 =	sor.u32 $0x19080, s15;
	[tilespmem:s22+$0x70] =	vst v3  }
0x12e: {  	[spmem:s3] =	stream.indirect.scatter.add.f32 [tilespmem:s24], [sflag:$0x3], $0x50, s15, s14, $0xb8;
	[tilespmem:$0x1F300] =	vst v63  }
0x12f: {  	_ =	swait.ge [sflag:s19], $0x2800  }
0x130: {  	[sflag:s19] =	ssyncset.done $0x0  }
0x131: {  	s15 =	stileid.u32;
	[sflag:s19] =	ssyncadd.s32 $0xFFFFD800  }
0x132: {  	s15 =	sshll.u32 s15, $0x6;
	[bflag:$0x0] =	sbarrier.arrive $0xFFFF  }
0x133: {  	s20 =	sshrl.u32 s26, $0x3;
	s15 =	sor.u32 $0x1C04, s15;
	s21 =	rddreg [dreg:$0x8]  }
0x134: {  	[hbm:s21], [sflag:s15] =	dma.local [spmem:s20], $0x1900  }
0x135: {  	_ =	swait.ge [sflag:s0], $0x1900  }
0x136: {  	[sflag:s0] =	ssyncset.done $0x0  }
0x137: {  	s23 =	sshrl.u32 s28, $0x3;
	s24 =	rddreg [dreg:$0x9];
	[sflag:s0] =	ssyncadd.s32 $0xFFFFE700  }
0x138: {  	[hbm:s24], [sflag:s15] =	dma.local [spmem:s23], $0x1900  }
0x139: {  	_ =	swait.ge [sflag:s0], $0x1900  }
0x13a: {  	s4 =	sadd.s32 $0x1, s4;
	s25 =	rddreg [dreg:$0xa]  }
0x13b: {  	p0 =	sne.s32 s4, s25  }
.Ltmp5:
0x13c: {  	_ = 	snop;
	(pc) =	sbr.rel @p0 .LBB2_1-.Ltmp5, $3  }
0x13d: {  	_ =	sdelay $0x1  }
0x13e: {  	[sflag:s0] =	ssyncset.done $0x0  }
0x13f: {  	[sflag:s0] =	ssyncadd.s32 $0xFFFFE700  }
0x140: {  	_ =	sfence.sel $0x180000  }
0x141: {  	[bflag:$0x0] =	sbarrier.arrive $0xFFFF  }
0x142: {  	_ =	strace $0x90000047  }
0x143: {  	s0 =	stileid.u32;
	[bflag:$0x2] =	sbarrier.arrive $0xFFFF  }
0x144: {  	p0 =	sne.s32 s0, $0x0;
	s0 =	rddreg [dreg:$0x3]  }
0x145: {  	s0 =	sadd.s32 @!p0 $0x100000, s0  }
0x146: {  	[sflag:s0] =	ssyncadd.tile.s32 @!p0 $0x1;
	_ =	shalt  }
.Lfunc_end2:
_tile_overlayer_lowered:
.L_overlay_start_2:
0x147: {  	(tag) =	ssettag $0x2  }
0x148: {  	s0 =	rddreg [dreg:$0x0];
	s2 =	stileid.u32  }
0x149: {  	s1 =	rddreg [dreg:$0x1];
	p0 =	sne.s32 s2, $0x0  }
0x14a: {  	s3 =	rddreg [dreg:$0x2];
	[bflag:$0x3] =	sbarrier.arrive $0xFFFF;
	s2 =	simm.s32 @!p0 $0x1C04  }
0x14b: {  	[timem:s3], [sflag:s2] =	dma.local @!p0 [hbm:s0], s1  }
0x14c: {  	s0 =	simm.s32 @!p0 $0x4  }
0x14d: {  	_ =	swait.ge @!p0 [sflag:s0], s1  }
0x14e: {  	s1 =	ssub.s32 @!p0 $0x0, s1;
	[sflag:s0] =	ssyncset.done @!p0 $0x0  }
0x14f: {  	[sflag:s0] =	ssyncadd.s32 @!p0 s1  }
0x150: {  	[bflag:$0x3] =	sbarrier.arrive $0xFFFF  }
0x151: {  	_ =	shalt  }

</sc_bundles>
